<compile_context>
chip_gen: v7x
topology: tpu7x:2x2x1
jax: 0.10.2.dev20260603
libtpu: 0.0.44.dev20260713+nightly
codegen_flags: <defaults>
</compile_context>

<pallas_src>
import functools

import jax
import jax.numpy as jnp
from jax import lax
from jax.experimental import pallas as pl
from jax.experimental.pallas import tpu as pltpu
from jax.experimental.pallas import tpu_sc as plsc

E = 64
BK = 1024
B = 4096
NTOT = 6 * B
K_TIME = 168
K_CAT = 400
CHUNK = 128
NBUF = 4
BP = 2000
NCH = 4
CB = NTOT // NCH
CBLK = CB // BK


def _pack_tables(user_time_W, user_cat_W, POI_time_W, POI_cat_W):
    a = jnp.concatenate([user_time_W, user_cat_W], axis=1)
    b = jnp.concatenate([POI_time_W, POI_cat_W], axis=1)
    abits = lax.bitcast_convert_type(a, jnp.int32) + 0x8000
    bbits = lax.bitcast_convert_type(b, jnp.int32) + 0x8000
    hi = jnp.bitwise_and(abits, -65536)
    lo = lax.shift_right_logical(bbits, 16)
    return jnp.bitwise_or(hi, lo)


def _sc_gather(all4, idx_all, base_row, n_rows):
    info = plsc.get_sparse_core_info()
    nw = info.num_cores * info.num_subcores
    bpw = n_rows // nw
    nchunk = bpw // CHUNK
    mesh = plsc.VectorSubcoreMesh(core_axis_name="c", subcore_axis_name="s")
    scratch = [pltpu.VMEM((CHUNK,), jnp.int32) for _ in range(NBUF)]
    scratch += [pltpu.VMEM((NBUF, CHUNK, 2 * E), jnp.int32),
                pltpu.SemaphoreType.DMA]

    @functools.partial(
        pl.kernel, mesh=mesh,
        out_type=jax.ShapeDtypeStruct((n_rows, 2 * E), jnp.int32),
        scratch_types=scratch)
    def gk(tab, idx, out, *sc):
        idxv = sc[:NBUF]
        rows = sc[NBUF]
        sem = sc[NBUF + 1]
        wid = lax.axis_index("s") * info.num_cores + lax.axis_index("c")
        base = wid * bpw
        descs = [None] * nchunk

        def writeout(k):
            pltpu.sync_copy(rows.at[k % NBUF],
                            out.at[pl.ds(base + k * CHUNK, CHUNK)])

        for k in range(nchunk):
            if k >= NBUF:
                descs[k - NBUF].wait()
                writeout(k - NBUF)
            pltpu.sync_copy(
                idx.at[pl.ds(base_row + base + k * CHUNK, CHUNK)],
                idxv[k % NBUF])
            descs[k] = pltpu.async_copy(tab.at[idxv[k % NBUF]],
                                        rows.at[k % NBUF], sem)
        for k in range(nchunk - NBUF, nchunk):
            descs[k].wait()
            writeout(k)

    return gk(all4, idx_all)


def _log_sigmoid(x):
    return -(jnp.maximum(-x, 0.0) + jnp.log(1.0 + jnp.exp(-jnp.abs(x))))


def _tc_score_chunk(c, tcol, ccol, g, WtT, WcT, trtT, trcT, rep, tile):
    bps = B // BK
    has_pos = c == 0

    def body(t_ref, c_ref, gua_ref, gub_ref, gpa_ref, gpb_ref,
             wtT_ref, wcT_ref, trtT_ref, trcT_ref, rep_ref, tile_ref,
             *out_refs):
        jl = pl.program_id(0)
        jg = c * CBLK + jl
        if has_pos:
            pos_ref, neg_ref = out_refs
        else:
            (neg_ref,) = out_refs

        def score(u, p, wT, trT, idx, K):
            prep = jnp.dot(p, rep_ref[...], preferred_element_type=jnp.float32)
            u2 = jnp.concatenate([u, u], axis=1)
            v = jnp.concatenate(
                [(prep[:, k * 128:(k + 1) * 128] * u2).astype(jnp.bfloat16)
                 for k in range(E * E // 128)], axis=1)
            cdims = (((1,), (1,)), ((), ()))
            y = lax.dot_general(v, wT, cdims,
                                preferred_element_type=jnp.float32)
            y = y + jnp.dot(p, trT, preferred_element_type=jnp.float32)
            oh = (lax.broadcasted_iota(jnp.int32, (BK, K), 1) == idx)
            return jnp.sum(jnp.where(oh, y, 0.0), axis=1, keepdims=True)

        def unpack_user(x):
            return lax.bitcast_convert_type(
                jnp.bitwise_and(x, -65536), jnp.float32).astype(jnp.bfloat16)

        def unpack_poi(x):
            return lax.bitcast_convert_type(
                lax.shift_left(x, 16), jnp.float32).astype(jnp.bfloat16)

        ut = unpack_user(gua_ref[:, :E])
        uc = unpack_user(gub_ref[:, E:])
        pt = unpack_poi(gpa_ref[:, :E])
        pc = unpack_poi(gpb_ref[:, E:])
        s_t = score(ut, pt, wtT_ref[...], trtT_ref[...], t_ref[...], K_TIME)
        s_c = score(uc, pc, wcT_ref[...], trcT_ref[...], c_ref[...], K_CAT)
        set_id = jg // bps

        @pl.when(jl == 0)
        def _():
            neg_ref[...] = jnp.zeros_like(neg_ref)

        if has_pos:
            @pl.when(set_id == 0)
            def _():
                pos_ref[...] = -(_log_sigmoid(s_t) + _log_sigmoid(s_c))

        @pl.when(set_id > 0)
        def _():
            part = jnp.sum(_log_sigmoid(-s_t) + _log_sigmoid(-s_c))
            rr = lax.broadcasted_iota(jnp.int32, (8, 128), 0)
            cc = lax.broadcasted_iota(jnp.int32, (8, 128), 1)
            m = (rr == (set_id - 1)) & (cc == 0)
            neg_ref[...] = neg_ref[...] + jnp.where(m, -part, 0.0)

    const = lambda j: (0, 0)
    srow = lambda j: (c * CBLK + j, 0)
    out_specs = [pl.BlockSpec((8, 128), const)]
    out_shape = [jax.ShapeDtypeStruct((8, 128), jnp.float32)]
    if has_pos:
        out_specs = [pl.BlockSpec((BK, 1), lambda j: (jnp.minimum(j, bps - 1), 0))] + out_specs
        out_shape = [jax.ShapeDtypeStruct((B, 1), jnp.float32)] + out_shape
    return pl.pallas_call(
        body,
        grid=(CBLK,),
        in_specs=[
            pl.BlockSpec((BK, 1), srow),
            pl.BlockSpec((BK, 1), srow),
            pl.BlockSpec((BK, 2 * E), lambda j: (j, 0)),
            pl.BlockSpec((BK, 2 * E), lambda j: (j + CBLK, 0)),
            pl.BlockSpec((BK, 2 * E), lambda j: (j + 2 * CBLK, 0)),
            pl.BlockSpec((BK, 2 * E), lambda j: (j + 3 * CBLK, 0)),
            pl.BlockSpec((K_TIME, E * E), const),
            pl.BlockSpec((K_CAT, E * E), const),
            pl.BlockSpec((E, K_TIME), const),
            pl.BlockSpec((E, K_CAT), const),
            pl.BlockSpec((E, E * E), const),
            pl.BlockSpec((E, E * E), const),
        ],
        out_specs=out_specs,
        out_shape=out_shape,
    )(tcol, ccol, g, g, g, g, WtT, WcT, trtT, trcT, rep, tile)


def kernel(user_time_W, user_cat_W, POI_time_W, POI_cat_W, time_tr_W,
           time_proj_W, cat_tr_W, cat_proj_W, pos_u, pos_t, pos_p, pos_c,
           neg_u, neg_t, neg_p, neg_u2, neg_c, neg_p2, NS):
    i32 = jnp.int32
    iu_t = jnp.concatenate([pos_u, neg_u.reshape(-1)]).astype(i32)
    iu_c = jnp.concatenate([pos_u, neg_u2.reshape(-1)]).astype(i32)
    ip_t = jnp.concatenate([pos_p, neg_p.reshape(-1)]).astype(i32)
    ip_c = jnp.concatenate([pos_p, neg_p2.reshape(-1)]).astype(i32)
    idx_all = jnp.stack([iu_t, iu_c, ip_t, ip_c]).reshape(
        4, NCH, CB).transpose(1, 0, 2).reshape(-1)
    tcol = jnp.concatenate([pos_t, neg_t.reshape(-1)]).astype(i32).reshape(-1, 1)
    ccol = jnp.concatenate([pos_c, neg_c.reshape(-1)]).astype(i32).reshape(-1, 1)

    all4 = _pack_tables(user_time_W, user_cat_W, POI_time_W, POI_cat_W)
    gs = [_sc_gather(all4, idx_all, c * 4 * CB, 4 * CB) for c in range(NCH)]

    bf16 = jnp.bfloat16
    WtT = time_proj_W.astype(bf16)
    WcT = cat_proj_W.astype(bf16)
    trtT = time_tr_W.T.astype(bf16)
    trcT = cat_tr_W.T.astype(bf16)
    jj = jnp.arange(E * E)
    rr = jnp.arange(E)
    rep = (jj[None, :] // E == rr[:, None]).astype(bf16)
    tile = (jj[None, :] % E == rr[:, None]).astype(bf16)

    neg2d = None
    pos2d = None
    for c in range(NCH):
        outs = _tc_score_chunk(c, tcol, ccol, gs[c], WtT, WcT, trtT, trcT,
                               rep, tile)
        if c == 0:
            pos2d, nn = outs
            neg2d = nn
        else:
            (nn,) = outs
            neg2d = neg2d + nn
    pos = pos2d.reshape(-1)
    neg = neg2d[:neg_u.shape[0], 0]
    return (pos, neg)

# --- scband reference (transcript-rebuilt; emitter-appended) ---
"""Pipeline reference for scband-anes-82377472737489 (READ-ONLY COPY).

The authoritative reference and input builder live on the scoring server;
editing this copy changes nothing except your own understanding.
"""

import jax, jax.numpy as jnp
import numpy as np

E = 64   # embedding_size
R = 64   # time/cat embedding size (must equal E for dims to match in original code)
USERS = 100000
POIS = 100000
TIMES = 168
CATS = 400
B = 4096
NS_CONST = 5


def _xavier(key, shape):
    a = float(np.sqrt(6.0 / (shape[0] + shape[1])))
    return jax.random.uniform(key, shape, minval=-a, maxval=a, dtype=jnp.float32)


def _l2norm_rows(w):
    n = jnp.linalg.norm(w, axis=1, keepdims=True)
    return w / jnp.clip(n, 1e-12)


def setup_inputs(seed: int = 0) -> dict:
    key = jax.random.key(seed)
    ks = [jax.random.fold_in(key, i) for i in range(32)]
    user_time_W = _l2norm_rows(_xavier(ks[0], (USERS, E)))
    user_cat_W = _l2norm_rows(_xavier(ks[1], (USERS, E)))
    POI_time_W = _l2norm_rows(_xavier(ks[2], (POIS, E)))
    POI_cat_W = _l2norm_rows(_xavier(ks[3], (POIS, E)))
    time_tr_W = _l2norm_rows(_xavier(ks[4], (TIMES, R)))
    time_proj_W = _l2norm_rows(_xavier(ks[5], (TIMES, R * E)))
    cat_tr_W = _l2norm_rows(_xavier(ks[6], (CATS, R)))
    cat_proj_W = _l2norm_rows(_xavier(ks[7], (CATS, R * E)))
    inp = {
        'user_time_W': user_time_W, 'user_cat_W': user_cat_W,
        'POI_time_W': POI_time_W, 'POI_cat_W': POI_cat_W,
        'time_tr_W': time_tr_W, 'time_proj_W': time_proj_W,
        'cat_tr_W': cat_tr_W, 'cat_proj_W': cat_proj_W,
        'pos_u': jax.random.randint(ks[8], (B,), 0, USERS, dtype=jnp.int64 if jax.config.jax_enable_x64 else jnp.int32),
        'pos_t': jax.random.randint(ks[9], (B,), 0, TIMES),
        'pos_p': jax.random.randint(ks[10], (B,), 0, POIS),
        'pos_c': jax.random.randint(ks[11], (B,), 0, CATS),
        'neg_u': jax.random.randint(ks[12], (NS_CONST, B), 0, USERS),
        'neg_t': jax.random.randint(ks[13], (NS_CONST, B), 0, TIMES),
        'neg_p': jax.random.randint(ks[14], (NS_CONST, B), 0, POIS),
        'neg_u2': jax.random.randint(ks[15], (NS_CONST, B), 0, USERS),
        'neg_c': jax.random.randint(ks[16], (NS_CONST, B), 0, CATS),
        'neg_p2': jax.random.randint(ks[17], (NS_CONST, B), 0, POIS),
        'NS': NS_CONST,
    }
    return inp


def _projection_transR(original, proj_matrix, e, r):
    # original: [B, e], proj_matrix: [B, r*e] -> [B, r]
    o = original.reshape(-1, e, 1)
    p = proj_matrix.reshape(-1, r, e)
    return jnp.matmul(p, o).reshape(-1, r)


def reference(user_time_W, user_cat_W, POI_time_W, POI_cat_W, time_tr_W, time_proj_W, cat_tr_W, cat_proj_W, pos_u, pos_t, pos_p, pos_c, neg_u, neg_t, neg_p, neg_u2, neg_c, neg_p2, NS):
    LS = jax.nn.log_sigmoid
    pos_u_time = user_time_W[pos_u]
    pos_t_tr = time_tr_W[pos_t]
    pos_t_proj = time_proj_W[pos_t]
    pos_p_time = POI_time_W[pos_p]
    pos_time_score = (_projection_transR(pos_u_time, pos_t_proj, E, R) + pos_t_tr) * pos_p_time
    pos_u_cat = user_cat_W[pos_u]
    pos_c_tr = cat_tr_W[pos_c]
    pos_c_proj = cat_proj_W[pos_c]
    pos_p_cat = POI_cat_W[pos_p]
    pos_cat_score = (_projection_transR(pos_u_cat, pos_c_proj, E, R) + pos_c_tr) * pos_p_cat
    negs = []
    for i in range(neg_u.shape[0]):
        neg_u_time = user_time_W[neg_u[i]]
        neg_t_tr = time_tr_W[neg_t[i]]
        neg_t_proj = time_proj_W[neg_t[i]]
        neg_p_time = POI_time_W[neg_p[i]]
        neg_time_score = (_projection_transR(neg_u_time, neg_t_proj, E, R) + neg_t_tr) * neg_p_time
        neg_u_cat = user_cat_W[neg_u2[i]]
        neg_c_tr = cat_tr_W[neg_c[i]]
        neg_c_proj = cat_proj_W[neg_c[i]]
        neg_p_cat = POI_cat_W[neg_p2[i]]
        neg_cat_score = (_projection_transR(neg_u_cat, neg_c_proj, E, R) + neg_c_tr) * neg_p_cat
        p_error = LS(jnp.sum(-1.0 * neg_time_score, 1)) + LS(jnp.sum(-1.0 * neg_cat_score, 1))
        negs.append(jnp.sum(p_error).reshape(-1))
    neg = jnp.concatenate(negs)
    pos = LS(jnp.sum(pos_time_score, 1)) + LS(jnp.sum(pos_cat_score, 1))
    pos = -1.0 * pos
    neg = -1.0 * neg
    ns_zero = jnp.asarray(NS, dtype=pos.dtype) * 0.0
    pos = pos + ns_zero
    neg = neg + ns_zero
    return (pos, neg)

if __name__ == "__main__":
    import jax
    _d = setup_inputs()
    print(jax.jit(kernel)(*tuple(_d.values())))

</pallas_src>

<mosaic_0001>
#map = affine_map<(d0, d1) -> (0, 0)>
#map1 = affine_map<(d0, d1) -> (0)>
module attributes {stable_mosaic.version = 14 : i64} {
  func.func @gk(%arg0: i32, %arg1: i32, %arg2: memref<100000x128xi32, #tpu.memory_space<hbm>>, %arg3: memref<98304xi32, #tpu.memory_space<hbm>>, %arg4: memref<24576x128xi32, #tpu.memory_space<hbm>>, %arg5: memref<128xi32, #tpu.memory_space<vmem>>, %arg6: memref<128xi32, #tpu.memory_space<vmem>>, %arg7: memref<128xi32, #tpu.memory_space<vmem>>, %arg8: memref<128xi32, #tpu.memory_space<vmem>>, %arg9: memref<4x128x128xi32, #tpu.memory_space<vmem>>, %arg10: memref<!tpu.dma_semaphore, #tpu.memory_space<semaphore_mem>>) attributes {dimension_semantics = [#tpu.dimension_semantics<core_parallel>, #tpu.dimension_semantics<subcore_parallel>], iteration_bounds = array<i64: 2, 16>, scalar_prefetch = 0 : i64, scratch_operands = 6 : i64, tpu.core_type = #tpu.core_type<sc_vector_subcore>, window_params = [{transform_indices = #map}, {transform_indices = #map1}, {transform_indices = #map}]} {
    %mul3A = arith.constant 2 : i32
    %mul3A_0 = arith.muli %arg1, %mul3A : i32
    %add3A = arith.addi %mul3A_0, %arg0 : i32
    %mul3A_1 = arith.constant 768 : i32
    %mul3A_2 = arith.muli %add3A, %mul3A_1 : i32
    %add3A_3 = arith.constant 24576 : i32
    %add3A_4 = arith.addi %add3A_3, %mul3A_2 : i32
    %add3A_5 = arith.constant 0 : i32
    %add3A_6 = arith.addi %add3A_4, %add3A_5 : i32
    "tpu.region"() ({
      %run_scoped3A_138 = tpu.sem_alloc : memref<!tpu.dma_semaphore, #tpu.memory_space<semaphore_mem>>
      %dma_start3A_139 = tpu.memref_slice %arg3[%add3A_6] : memref<98304xi32, #tpu.memory_space<hbm>> -> memref<128xi32, #tpu.memory_space<hbm>>
      %dma_start3A_140 = tpu.memref_slice %arg3[%add3A_6] : memref<98304xi32, #tpu.memory_space<hbm>> -> memref<128xi32, #tpu.memory_space<hbm>>
      tpu.enqueue_dma source(%dma_start3A_140 : memref<128xi32, #tpu.memory_space<hbm>>) target(%arg5 : memref<128xi32, #tpu.memory_space<vmem>>) target_semaphore(%run_scoped3A_138 : memref<!tpu.dma_semaphore, #tpu.memory_space<semaphore_mem>>)
      %dma_wait3A_141 = tpu.memref_slice %arg3[%add3A_6] : memref<98304xi32, #tpu.memory_space<hbm>> -> memref<128xi32, #tpu.memory_space<hbm>>
      %dma_wait3A_142 = tpu.memref_slice %arg3[%add3A_6] : memref<98304xi32, #tpu.memory_space<hbm>> -> memref<128xi32, #tpu.memory_space<hbm>>
      tpu.wait_dma2 semaphore(%run_scoped3A_138 : memref<!tpu.dma_semaphore, #tpu.memory_space<semaphore_mem>>) src(%dma_wait3A_142 : memref<128xi32, #tpu.memory_space<hbm>>) dst(%arg5 : memref<128xi32, #tpu.memory_space<vmem>>)
      tpu.yield
    }) : () -> ()
    %dma_start3A = arith.constant 0 : i32
    %dma_start3A_7 = arith.constant 0 : i32
    %dma_start3A_8 = arith.constant 0 : i32
    %dma_start3A_9 = tpu.memref_slice %arg9[%dma_start3A, %dma_start3A_7, %dma_start3A_8] : memref<4x128x128xi32, #tpu.memory_space<vmem>> -> memref<1x128x128xi32, #tpu.memory_space<vmem>>
    %dma_start3A_10 = tpu.memref_squeeze %dma_start3A_9 : memref<1x128x128xi32, #tpu.memory_space<vmem>> -> memref<128x128xi32, #tpu.memory_space<vmem>>
    %dma_start3A_11 = arith.constant 0 : i32
    %dma_start3A_12 = arith.constant 0 : i32
    %dma_start3A_13 = tpu.memref_slice %arg2[%dma_start3A_11, %dma_start3A_12] : memref<100000x128xi32, #tpu.memory_space<hbm>> -> memref<100000x128xi32, #tpu.memory_space<hbm>>
    tpu.enqueue_indirect_dma source(%dma_start3A_13 : memref<100000x128xi32, #tpu.memory_space<hbm>>) target(%dma_start3A_10 : memref<128x128xi32, #tpu.memory_space<vmem>>) offsets(%arg5 : memref<128xi32, #tpu.memory_space<vmem>>) semaphore(%arg10 : memref<!tpu.dma_semaphore, #tpu.memory_space<semaphore_mem>>)
    %add3A_14 = arith.constant 24576 : i32
    %add3A_15 = arith.addi %add3A_14, %mul3A_2 : i32
    %add3A_16 = arith.constant 128 : i32
    %add3A_17 = arith.addi %add3A_15, %add3A_16 : i32
    "tpu.region"() ({
      %run_scoped3A_138 = tpu.sem_alloc : memref<!tpu.dma_semaphore, #tpu.memory_space<semaphore_mem>>
      %dma_start3A_139 = tpu.memref_slice %arg3[%add3A_17] : memref<98304xi32, #tpu.memory_space<hbm>> -> memref<128xi32, #tpu.memory_space<hbm>>
      %dma_start3A_140 = tpu.memref_slice %arg3[%add3A_17] : memref<98304xi32, #tpu.memory_space<hbm>> -> memref<128xi32, #tpu.memory_space<hbm>>
      tpu.enqueue_dma source(%dma_start3A_140 : memref<128xi32, #tpu.memory_space<hbm>>) target(%arg6 : memref<128xi32, #tpu.memory_space<vmem>>) target_semaphore(%run_scoped3A_138 : memref<!tpu.dma_semaphore, #tpu.memory_space<semaphore_mem>>)
      %dma_wait3A_141 = tpu.memref_slice %arg3[%add3A_17] : memref<98304xi32, #tpu.memory_space<hbm>> -> memref<128xi32, #tpu.memory_space<hbm>>
      %dma_wait3A_142 = tpu.memref_slice %arg3[%add3A_17] : memref<98304xi32, #tpu.memory_space<hbm>> -> memref<128xi32, #tpu.memory_space<hbm>>
      tpu.wait_dma2 semaphore(%run_scoped3A_138 : memref<!tpu.dma_semaphore, #tpu.memory_space<semaphore_mem>>) src(%dma_wait3A_142 : memref<128xi32, #tpu.memory_space<hbm>>) dst(%arg6 : memref<128xi32, #tpu.memory_space<vmem>>)
      tpu.yield
    }) : () -> ()
    %dma_start3A_18 = arith.constant 1 : i32
    %dma_start3A_19 = arith.constant 0 : i32
    %dma_start3A_20 = arith.constant 0 : i32
    %dma_start3A_21 = tpu.memref_slice %arg9[%dma_start3A_18, %dma_start3A_19, %dma_start3A_20] : memref<4x128x128xi32, #tpu.memory_space<vmem>> -> memref<1x128x128xi32, #tpu.memory_space<vmem>>
    %dma_start3A_22 = tpu.memref_squeeze %dma_start3A_21 : memref<1x128x128xi32, #tpu.memory_space<vmem>> -> memref<128x128xi32, #tpu.memory_space<vmem>>
    %dma_start3A_23 = arith.constant 0 : i32
    %dma_start3A_24 = arith.constant 0 : i32
    %dma_start3A_25 = tpu.memref_slice %arg2[%dma_start3A_23, %dma_start3A_24] : memref<100000x128xi32, #tpu.memory_space<hbm>> -> memref<100000x128xi32, #tpu.memory_space<hbm>>
    tpu.enqueue_indirect_dma source(%dma_start3A_25 : memref<100000x128xi32, #tpu.memory_space<hbm>>) target(%dma_start3A_22 : memref<128x128xi32, #tpu.memory_space<vmem>>) offsets(%arg6 : memref<128xi32, #tpu.memory_space<vmem>>) semaphore(%arg10 : memref<!tpu.dma_semaphore, #tpu.memory_space<semaphore_mem>>)
    %add3A_26 = arith.constant 24576 : i32
    %add3A_27 = arith.addi %add3A_26, %mul3A_2 : i32
    %add3A_28 = arith.constant 256 : i32
    %add3A_29 = arith.addi %add3A_27, %add3A_28 : i32
    "tpu.region"() ({
      %run_scoped3A_138 = tpu.sem_alloc : memref<!tpu.dma_semaphore, #tpu.memory_space<semaphore_mem>>
      %dma_start3A_139 = tpu.memref_slice %arg3[%add3A_29] : memref<98304xi32, #tpu.memory_space<hbm>> -> memref<128xi32, #tpu.memory_space<hbm>>
      %dma_start3A_140 = tpu.memref_slice %arg3[%add3A_29] : memref<98304xi32, #tpu.memory_space<hbm>> -> memref<128xi32, #tpu.memory_space<hbm>>
      tpu.enqueue_dma source(%dma_start3A_140 : memref<128xi32, #tpu.memory_space<hbm>>) target(%arg7 : memref<128xi32, #tpu.memory_space<vmem>>) target_semaphore(%run_scoped3A_138 : memref<!tpu.dma_semaphore, #tpu.memory_space<semaphore_mem>>)
      %dma_wait3A_141 = tpu.memref_slice %arg3[%add3A_29] : memref<98304xi32, #tpu.memory_space<hbm>> -> memref<128xi32, #tpu.memory_space<hbm>>
      %dma_wait3A_142 = tpu.memref_slice %arg3[%add3A_29] : memref<98304xi32, #tpu.memory_space<hbm>> -> memref<128xi32, #tpu.memory_space<hbm>>
      tpu.wait_dma2 semaphore(%run_scoped3A_138 : memref<!tpu.dma_semaphore, #tpu.memory_space<semaphore_mem>>) src(%dma_wait3A_142 : memref<128xi32, #tpu.memory_space<hbm>>) dst(%arg7 : memref<128xi32, #tpu.memory_space<vmem>>)
      tpu.yield
    }) : () -> ()
    %dma_start3A_30 = arith.constant 2 : i32
    %dma_start3A_31 = arith.constant 0 : i32
    %dma_start3A_32 = arith.constant 0 : i32
    %dma_start3A_33 = tpu.memref_slice %arg9[%dma_start3A_30, %dma_start3A_31, %dma_start3A_32] : memref<4x128x128xi32, #tpu.memory_space<vmem>> -> memref<1x128x128xi32, #tpu.memory_space<vmem>>
    %dma_start3A_34 = tpu.memref_squeeze %dma_start3A_33 : memref<1x128x128xi32, #tpu.memory_space<vmem>> -> memref<128x128xi32, #tpu.memory_space<vmem>>
    %dma_start3A_35 = arith.constant 0 : i32
    %dma_start3A_36 = arith.constant 0 : i32
    %dma_start3A_37 = tpu.memref_slice %arg2[%dma_start3A_35, %dma_start3A_36] : memref<100000x128xi32, #tpu.memory_space<hbm>> -> memref<100000x128xi32, #tpu.memory_space<hbm>>
    tpu.enqueue_indirect_dma source(%dma_start3A_37 : memref<100000x128xi32, #tpu.memory_space<hbm>>) target(%dma_start3A_34 : memref<128x128xi32, #tpu.memory_space<vmem>>) offsets(%arg7 : memref<128xi32, #tpu.memory_space<vmem>>) semaphore(%arg10 : memref<!tpu.dma_semaphore, #tpu.memory_space<semaphore_mem>>)
    %add3A_38 = arith.constant 24576 : i32
    %add3A_39 = arith.addi %add3A_38, %mul3A_2 : i32
    %add3A_40 = arith.constant 384 : i32
    %add3A_41 = arith.addi %add3A_39, %add3A_40 : i32
    "tpu.region"() ({
      %run_scoped3A_138 = tpu.sem_alloc : memref<!tpu.dma_semaphore, #tpu.memory_space<semaphore_mem>>
      %dma_start3A_139 = tpu.memref_slice %arg3[%add3A_41] : memref<98304xi32, #tpu.memory_space<hbm>> -> memref<128xi32, #tpu.memory_space<hbm>>
      %dma_start3A_140 = tpu.memref_slice %arg3[%add3A_41] : memref<98304xi32, #tpu.memory_space<hbm>> -> memref<128xi32, #tpu.memory_space<hbm>>
      tpu.enqueue_dma source(%dma_start3A_140 : memref<128xi32, #tpu.memory_space<hbm>>) target(%arg8 : memref<128xi32, #tpu.memory_space<vmem>>) target_semaphore(%run_scoped3A_138 : memref<!tpu.dma_semaphore, #tpu.memory_space<semaphore_mem>>)
      %dma_wait3A_141 = tpu.memref_slice %arg3[%add3A_41] : memref<98304xi32, #tpu.memory_space<hbm>> -> memref<128xi32, #tpu.memory_space<hbm>>
      %dma_wait3A_142 = tpu.memref_slice %arg3[%add3A_41] : memref<98304xi32, #tpu.memory_space<hbm>> -> memref<128xi32, #tpu.memory_space<hbm>>
      tpu.wait_dma2 semaphore(%run_scoped3A_138 : memref<!tpu.dma_semaphore, #tpu.memory_space<semaphore_mem>>) src(%dma_wait3A_142 : memref<128xi32, #tpu.memory_space<hbm>>) dst(%arg8 : memref<128xi32, #tpu.memory_space<vmem>>)
      tpu.yield
    }) : () -> ()
    %dma_start3A_42 = arith.constant 3 : i32
    %dma_start3A_43 = arith.constant 0 : i32
    %dma_start3A_44 = arith.constant 0 : i32
    %dma_start3A_45 = tpu.memref_slice %arg9[%dma_start3A_42, %dma_start3A_43, %dma_start3A_44] : memref<4x128x128xi32, #tpu.memory_space<vmem>> -> memref<1x128x128xi32, #tpu.memory_space<vmem>>
    %dma_start3A_46 = tpu.memref_squeeze %dma_start3A_45 : memref<1x128x128xi32, #tpu.memory_space<vmem>> -> memref<128x128xi32, #tpu.memory_space<vmem>>
    %dma_start3A_47 = arith.constant 0 : i32
    %dma_start3A_48 = arith.constant 0 : i32
    %dma_start3A_49 = tpu.memref_slice %arg2[%dma_start3A_47, %dma_start3A_48] : memref<100000x128xi32, #tpu.memory_space<hbm>> -> memref<100000x128xi32, #tpu.memory_space<hbm>>
    tpu.enqueue_indirect_dma source(%dma_start3A_49 : memref<100000x128xi32, #tpu.memory_space<hbm>>) target(%dma_start3A_46 : memref<128x128xi32, #tpu.memory_space<vmem>>) offsets(%arg8 : memref<128xi32, #tpu.memory_space<vmem>>) semaphore(%arg10 : memref<!tpu.dma_semaphore, #tpu.memory_space<semaphore_mem>>)
    %dma_wait3A = arith.constant 0 : i32
    %dma_wait3A_50 = arith.constant 0 : i32
    %dma_wait3A_51 = arith.constant 0 : i32
    %dma_wait3A_52 = tpu.memref_slice %arg9[%dma_wait3A, %dma_wait3A_50, %dma_wait3A_51] : memref<4x128x128xi32, #tpu.memory_space<vmem>> -> memref<1x128x128xi32, #tpu.memory_space<vmem>>
    %dma_wait3A_53 = tpu.memref_squeeze %dma_wait3A_52 : memref<1x128x128xi32, #tpu.memory_space<vmem>> -> memref<128x128xi32, #tpu.memory_space<vmem>>
    %dma_wait3A_54 = arith.constant 0 : i32
    %dma_wait3A_55 = arith.constant 0 : i32
    %dma_wait3A_56 = tpu.memref_slice %arg2[%dma_wait3A_54, %dma_wait3A_55] : memref<100000x128xi32, #tpu.memory_space<hbm>> -> memref<100000x128xi32, #tpu.memory_space<hbm>>
    tpu.wait_indirect_dma semaphore(%arg10 : memref<!tpu.dma_semaphore, #tpu.memory_space<semaphore_mem>>) src(%dma_wait3A_56 : memref<100000x128xi32, #tpu.memory_space<hbm>>) dst(%dma_wait3A_53 : memref<128x128xi32, #tpu.memory_space<vmem>>)
    %add3A_57 = arith.constant 0 : i32
    %add3A_58 = arith.addi %mul3A_2, %add3A_57 : i32
    %run_scoped3A = arith.constant 0 : i32
    "tpu.region"() ({
      %run_scoped3A_138 = tpu.sem_alloc : memref<!tpu.dma_semaphore, #tpu.memory_space<semaphore_mem>>
      %dma_start3A_139 = arith.constant 0 : i32
      %dma_start3A_140 = arith.constant 0 : i32
      %dma_start3A_141 = tpu.memref_slice %arg9[%run_scoped3A, %dma_start3A_139, %dma_start3A_140] : memref<4x128x128xi32, #tpu.memory_space<vmem>> -> memref<1x128x128xi32, #tpu.memory_space<vmem>>
      %dma_start3A_142 = tpu.memref_squeeze %dma_start3A_141 : memref<1x128x128xi32, #tpu.memory_space<vmem>> -> memref<128x128xi32, #tpu.memory_space<vmem>>
      %dma_start3A_143 = arith.constant 0 : i32
      %dma_start3A_144 = tpu.memref_slice %arg4[%add3A_58, %dma_start3A_143] : memref<24576x128xi32, #tpu.memory_space<hbm>> -> memref<128x128xi32, #tpu.memory_space<hbm>>
      %dma_start3A_145 = arith.constant 0 : i32
      %dma_start3A_146 = tpu.memref_slice %arg4[%add3A_58, %dma_start3A_145] : memref<24576x128xi32, #tpu.memory_space<hbm>> -> memref<128x128xi32, #tpu.memory_space<hbm>>
      %dma_start3A_147 = arith.constant 0 : i32
      %dma_start3A_148 = arith.constant 0 : i32
      %dma_start3A_149 = tpu.memref_slice %arg9[%run_scoped3A, %dma_start3A_147, %dma_start3A_148] : memref<4x128x128xi32, #tpu.memory_space<vmem>> -> memref<1x128x128xi32, #tpu.memory_space<vmem>>
      %dma_start3A_150 = tpu.memref_squeeze %dma_start3A_149 : memref<1x128x128xi32, #tpu.memory_space<vmem>> -> memref<128x128xi32, #tpu.memory_space<vmem>>
      tpu.enqueue_dma source(%dma_start3A_150 : memref<128x128xi32, #tpu.memory_space<vmem>>) target(%dma_start3A_146 : memref<128x128xi32, #tpu.memory_space<hbm>>) target_semaphore(%run_scoped3A_138 : memref<!tpu.dma_semaphore, #tpu.memory_space<semaphore_mem>>)
      %dma_wait3A_151 = arith.constant 0 : i32
      %dma_wait3A_152 = arith.constant 0 : i32
      %dma_wait3A_153 = tpu.memref_slice %arg9[%run_scoped3A, %dma_wait3A_151, %dma_wait3A_152] : memref<4x128x128xi32, #tpu.memory_space<vmem>> -> memref<1x128x128xi32, #tpu.memory_space<vmem>>
      %dma_wait3A_154 = tpu.memref_squeeze %dma_wait3A_153 : memref<1x128x128xi32, #tpu.memory_space<vmem>> -> memref<128x128xi32, #tpu.memory_space<vmem>>
      %dma_wait3A_155 = arith.constant 0 : i32
      %dma_wait3A_156 = tpu.memref_slice %arg4[%add3A_58, %dma_wait3A_155] : memref<24576x128xi32, #tpu.memory_space<hbm>> -> memref<128x128xi32, #tpu.memory_space<hbm>>
      %dma_wait3A_157 = arith.constant 0 : i32
      %dma_wait3A_158 = tpu.memref_slice %arg4[%add3A_58, %dma_wait3A_157] : memref<24576x128xi32, #tpu.memory_space<hbm>> -> memref<128x128xi32, #tpu.memory_space<hbm>>
      %dma_wait3A_159 = arith.constant 0 : i32
      %dma_wait3A_160 = arith.constant 0 : i32
      %dma_wait3A_161 = tpu.memref_slice %arg9[%run_scoped3A, %dma_wait3A_159, %dma_wait3A_160] : memref<4x128x128xi32, #tpu.memory_space<vmem>> -> memref<1x128x128xi32, #tpu.memory_space<vmem>>
      %dma_wait3A_162 = tpu.memref_squeeze %dma_wait3A_161 : memref<1x128x128xi32, #tpu.memory_space<vmem>> -> memref<128x128xi32, #tpu.memory_space<vmem>>
      tpu.wait_dma2 semaphore(%run_scoped3A_138 : memref<!tpu.dma_semaphore, #tpu.memory_space<semaphore_mem>>) src(%dma_wait3A_162 : memref<128x128xi32, #tpu.memory_space<vmem>>) dst(%dma_wait3A_158 : memref<128x128xi32, #tpu.memory_space<hbm>>)
      tpu.yield
    }) : () -> ()
    %add3A_59 = arith.constant 24576 : i32
    %add3A_60 = arith.addi %add3A_59, %mul3A_2 : i32
    %add3A_61 = arith.constant 512 : i32
    %add3A_62 = arith.addi %add3A_60, %add3A_61 : i32
    "tpu.region"() ({
      %run_scoped3A_138 = tpu.sem_alloc : memref<!tpu.dma_semaphore, #tpu.memory_space<semaphore_mem>>
      %dma_start3A_139 = tpu.memref_slice %arg3[%add3A_62] : memref<98304xi32, #tpu.memory_space<hbm>> -> memref<128xi32, #tpu.memory_space<hbm>>
      %dma_start3A_140 = tpu.memref_slice %arg3[%add3A_62] : memref<98304xi32, #tpu.memory_space<hbm>> -> memref<128xi32, #tpu.memory_space<hbm>>
      tpu.enqueue_dma source(%dma_start3A_140 : memref<128xi32, #tpu.memory_space<hbm>>) target(%arg5 : memref<128xi32, #tpu.memory_space<vmem>>) target_semaphore(%run_scoped3A_138 : memref<!tpu.dma_semaphore, #tpu.memory_space<semaphore_mem>>)
      %dma_wait3A_141 = tpu.memref_slice %arg3[%add3A_62] : memref<98304xi32, #tpu.memory_space<hbm>> -> memref<128xi32, #tpu.memory_space<hbm>>
      %dma_wait3A_142 = tpu.memref_slice %arg3[%add3A_62] : memref<98304xi32, #tpu.memory_space<hbm>> -> memref<128xi32, #tpu.memory_space<hbm>>
      tpu.wait_dma2 semaphore(%run_scoped3A_138 : memref<!tpu.dma_semaphore, #tpu.memory_space<semaphore_mem>>) src(%dma_wait3A_142 : memref<128xi32, #tpu.memory_space<hbm>>) dst(%arg5 : memref<128xi32, #tpu.memory_space<vmem>>)
      tpu.yield
    }) : () -> ()
    %dma_start3A_63 = arith.constant 0 : i32
    %dma_start3A_64 = arith.constant 0 : i32
    %dma_start3A_65 = arith.constant 0 : i32
    %dma_start3A_66 = tpu.memref_slice %arg9[%dma_start3A_63, %dma_start3A_64, %dma_start3A_65] : memref<4x128x128xi32, #tpu.memory_space<vmem>> -> memref<1x128x128xi32, #tpu.memory_space<vmem>>
    %dma_start3A_67 = tpu.memref_squeeze %dma_start3A_66 : memref<1x128x128xi32, #tpu.memory_space<vmem>> -> memref<128x128xi32, #tpu.memory_space<vmem>>
    %dma_start3A_68 = arith.constant 0 : i32
    %dma_start3A_69 = arith.constant 0 : i32
    %dma_start3A_70 = tpu.memref_slice %arg2[%dma_start3A_68, %dma_start3A_69] : memref<100000x128xi32, #tpu.memory_space<hbm>> -> memref<100000x128xi32, #tpu.memory_space<hbm>>
    tpu.enqueue_indirect_dma source(%dma_start3A_70 : memref<100000x128xi32, #tpu.memory_space<hbm>>) target(%dma_start3A_67 : memref<128x128xi32, #tpu.memory_space<vmem>>) offsets(%arg5 : memref<128xi32, #tpu.memory_space<vmem>>) semaphore(%arg10 : memref<!tpu.dma_semaphore, #tpu.memory_space<semaphore_mem>>)
    %dma_wait3A_71 = arith.constant 1 : i32
    %dma_wait3A_72 = arith.constant 0 : i32
    %dma_wait3A_73 = arith.constant 0 : i32
    %dma_wait3A_74 = tpu.memref_slice %arg9[%dma_wait3A_71, %dma_wait3A_72, %dma_wait3A_73] : memref<4x128x128xi32, #tpu.memory_space<vmem>> -> memref<1x128x128xi32, #tpu.memory_space<vmem>>
    %dma_wait3A_75 = tpu.memref_squeeze %dma_wait3A_74 : memref<1x128x128xi32, #tpu.memory_space<vmem>> -> memref<128x128xi32, #tpu.memory_space<vmem>>
    %dma_wait3A_76 = arith.constant 0 : i32
    %dma_wait3A_77 = arith.constant 0 : i32
    %dma_wait3A_78 = tpu.memref_slice %arg2[%dma_wait3A_76, %dma_wait3A_77] : memref<100000x128xi32, #tpu.memory_space<hbm>> -> memref<100000x128xi32, #tpu.memory_space<hbm>>
    tpu.wait_indirect_dma semaphore(%arg10 : memref<!tpu.dma_semaphore, #tpu.memory_space<semaphore_mem>>) src(%dma_wait3A_78 : memref<100000x128xi32, #tpu.memory_space<hbm>>) dst(%dma_wait3A_75 : memref<128x128xi32, #tpu.memory_space<vmem>>)
    %add3A_79 = arith.constant 128 : i32
    %add3A_80 = arith.addi %mul3A_2, %add3A_79 : i32
    %run_scoped3A_81 = arith.constant 1 : i32
    "tpu.region"() ({
      %run_scoped3A_138 = tpu.sem_alloc : memref<!tpu.dma_semaphore, #tpu.memory_space<semaphore_mem>>
      %dma_start3A_139 = arith.constant 0 : i32
      %dma_start3A_140 = arith.constant 0 : i32
      %dma_start3A_141 = tpu.memref_slice %arg9[%run_scoped3A_81, %dma_start3A_139, %dma_start3A_140] : memref<4x128x128xi32, #tpu.memory_space<vmem>> -> memref<1x128x128xi32, #tpu.memory_space<vmem>>
      %dma_start3A_142 = tpu.memref_squeeze %dma_start3A_141 : memref<1x128x128xi32, #tpu.memory_space<vmem>> -> memref<128x128xi32, #tpu.memory_space<vmem>>
      %dma_start3A_143 = arith.constant 0 : i32
      %dma_start3A_144 = tpu.memref_slice %arg4[%add3A_80, %dma_start3A_143] : memref<24576x128xi32, #tpu.memory_space<hbm>> -> memref<128x128xi32, #tpu.memory_space<hbm>>
      %dma_start3A_145 = arith.constant 0 : i32
      %dma_start3A_146 = tpu.memref_slice %arg4[%add3A_80, %dma_start3A_145] : memref<24576x128xi32, #tpu.memory_space<hbm>> -> memref<128x128xi32, #tpu.memory_space<hbm>>
      %dma_start3A_147 = arith.constant 0 : i32
      %dma_start3A_148 = arith.constant 0 : i32
      %dma_start3A_149 = tpu.memref_slice %arg9[%run_scoped3A_81, %dma_start3A_147, %dma_start3A_148] : memref<4x128x128xi32, #tpu.memory_space<vmem>> -> memref<1x128x128xi32, #tpu.memory_space<vmem>>
      %dma_start3A_150 = tpu.memref_squeeze %dma_start3A_149 : memref<1x128x128xi32, #tpu.memory_space<vmem>> -> memref<128x128xi32, #tpu.memory_space<vmem>>
      tpu.enqueue_dma source(%dma_start3A_150 : memref<128x128xi32, #tpu.memory_space<vmem>>) target(%dma_start3A_146 : memref<128x128xi32, #tpu.memory_space<hbm>>) target_semaphore(%run_scoped3A_138 : memref<!tpu.dma_semaphore, #tpu.memory_space<semaphore_mem>>)
      %dma_wait3A_151 = arith.constant 0 : i32
      %dma_wait3A_152 = arith.constant 0 : i32
      %dma_wait3A_153 = tpu.memref_slice %arg9[%run_scoped3A_81, %dma_wait3A_151, %dma_wait3A_152] : memref<4x128x128xi32, #tpu.memory_space<vmem>> -> memref<1x128x128xi32, #tpu.memory_space<vmem>>
      %dma_wait3A_154 = tpu.memref_squeeze %dma_wait3A_153 : memref<1x128x128xi32, #tpu.memory_space<vmem>> -> memref<128x128xi32, #tpu.memory_space<vmem>>
      %dma_wait3A_155 = arith.constant 0 : i32
      %dma_wait3A_156 = tpu.memref_slice %arg4[%add3A_80, %dma_wait3A_155] : memref<24576x128xi32, #tpu.memory_space<hbm>> -> memref<128x128xi32, #tpu.memory_space<hbm>>
      %dma_wait3A_157 = arith.constant 0 : i32
      %dma_wait3A_158 = tpu.memref_slice %arg4[%add3A_80, %dma_wait3A_157] : memref<24576x128xi32, #tpu.memory_space<hbm>> -> memref<128x128xi32, #tpu.memory_space<hbm>>
      %dma_wait3A_159 = arith.constant 0 : i32
      %dma_wait3A_160 = arith.constant 0 : i32
      %dma_wait3A_161 = tpu.memref_slice %arg9[%run_scoped3A_81, %dma_wait3A_159, %dma_wait3A_160] : memref<4x128x128xi32, #tpu.memory_space<vmem>> -> memref<1x128x128xi32, #tpu.memory_space<vmem>>
      %dma_wait3A_162 = tpu.memref_squeeze %dma_wait3A_161 : memref<1x128x128xi32, #tpu.memory_space<vmem>> -> memref<128x128xi32, #tpu.memory_space<vmem>>
      tpu.wait_dma2 semaphore(%run_scoped3A_138 : memref<!tpu.dma_semaphore, #tpu.memory_space<semaphore_mem>>) src(%dma_wait3A_162 : memref<128x128xi32, #tpu.memory_space<vmem>>) dst(%dma_wait3A_158 : memref<128x128xi32, #tpu.memory_space<hbm>>)
      tpu.yield
    }) : () -> ()
    %add3A_82 = arith.constant 24576 : i32
    %add3A_83 = arith.addi %add3A_82, %mul3A_2 : i32
    %add3A_84 = arith.constant 640 : i32
    %add3A_85 = arith.addi %add3A_83, %add3A_84 : i32
    "tpu.region"() ({
      %run_scoped3A_138 = tpu.sem_alloc : memref<!tpu.dma_semaphore, #tpu.memory_space<semaphore_mem>>
      %dma_start3A_139 = tpu.memref_slice %arg3[%add3A_85] : memref<98304xi32, #tpu.memory_space<hbm>> -> memref<128xi32, #tpu.memory_space<hbm>>
      %dma_start3A_140 = tpu.memref_slice %arg3[%add3A_85] : memref<98304xi32, #tpu.memory_space<hbm>> -> memref<128xi32, #tpu.memory_space<hbm>>
      tpu.enqueue_dma source(%dma_start3A_140 : memref<128xi32, #tpu.memory_space<hbm>>) target(%arg6 : memref<128xi32, #tpu.memory_space<vmem>>) target_semaphore(%run_scoped3A_138 : memref<!tpu.dma_semaphore, #tpu.memory_space<semaphore_mem>>)
      %dma_wait3A_141 = tpu.memref_slice %arg3[%add3A_85] : memref<98304xi32, #tpu.memory_space<hbm>> -> memref<128xi32, #tpu.memory_space<hbm>>
      %dma_wait3A_142 = tpu.memref_slice %arg3[%add3A_85] : memref<98304xi32, #tpu.memory_space<hbm>> -> memref<128xi32, #tpu.memory_space<hbm>>
      tpu.wait_dma2 semaphore(%run_scoped3A_138 : memref<!tpu.dma_semaphore, #tpu.memory_space<semaphore_mem>>) src(%dma_wait3A_142 : memref<128xi32, #tpu.memory_space<hbm>>) dst(%arg6 : memref<128xi32, #tpu.memory_space<vmem>>)
      tpu.yield
    }) : () -> ()
    %dma_start3A_86 = arith.constant 1 : i32
    %dma_start3A_87 = arith.constant 0 : i32
    %dma_start3A_88 = arith.constant 0 : i32
    %dma_start3A_89 = tpu.memref_slice %arg9[%dma_start3A_86, %dma_start3A_87, %dma_start3A_88] : memref<4x128x128xi32, #tpu.memory_space<vmem>> -> memref<1x128x128xi32, #tpu.memory_space<vmem>>
    %dma_start3A_90 = tpu.memref_squeeze %dma_start3A_89 : memref<1x128x128xi32, #tpu.memory_space<vmem>> -> memref<128x128xi32, #tpu.memory_space<vmem>>
    %dma_start3A_91 = arith.constant 0 : i32
    %dma_start3A_92 = arith.constant 0 : i32
    %dma_start3A_93 = tpu.memref_slice %arg2[%dma_start3A_91, %dma_start3A_92] : memref<100000x128xi32, #tpu.memory_space<hbm>> -> memref<100000x128xi32, #tpu.memory_space<hbm>>
    tpu.enqueue_indirect_dma source(%dma_start3A_93 : memref<100000x128xi32, #tpu.memory_space<hbm>>) target(%dma_start3A_90 : memref<128x128xi32, #tpu.memory_space<vmem>>) offsets(%arg6 : memref<128xi32, #tpu.memory_space<vmem>>) semaphore(%arg10 : memref<!tpu.dma_semaphore, #tpu.memory_space<semaphore_mem>>)
    %dma_wait3A_94 = arith.constant 2 : i32
    %dma_wait3A_95 = arith.constant 0 : i32
    %dma_wait3A_96 = arith.constant 0 : i32
    %dma_wait3A_97 = tpu.memref_slice %arg9[%dma_wait3A_94, %dma_wait3A_95, %dma_wait3A_96] : memref<4x128x128xi32, #tpu.memory_space<vmem>> -> memref<1x128x128xi32, #tpu.memory_space<vmem>>
    %dma_wait3A_98 = tpu.memref_squeeze %dma_wait3A_97 : memref<1x128x128xi32, #tpu.memory_space<vmem>> -> memref<128x128xi32, #tpu.memory_space<vmem>>
    %dma_wait3A_99 = arith.constant 0 : i32
    %dma_wait3A_100 = arith.constant 0 : i32
    %dma_wait3A_101 = tpu.memref_slice %arg2[%dma_wait3A_99, %dma_wait3A_100] : memref<100000x128xi32, #tpu.memory_space<hbm>> -> memref<100000x128xi32, #tpu.memory_space<hbm>>
    tpu.wait_indirect_dma semaphore(%arg10 : memref<!tpu.dma_semaphore, #tpu.memory_space<semaphore_mem>>) src(%dma_wait3A_101 : memref<100000x128xi32, #tpu.memory_space<hbm>>) dst(%dma_wait3A_98 : memref<128x128xi32, #tpu.memory_space<vmem>>)
    %add3A_102 = arith.constant 256 : i32
    %add3A_103 = arith.addi %mul3A_2, %add3A_102 : i32
    %run_scoped3A_104 = arith.constant 2 : i32
    "tpu.region"() ({
      %run_scoped3A_138 = tpu.sem_alloc : memref<!tpu.dma_semaphore, #tpu.memory_space<semaphore_mem>>
      %dma_start3A_139 = arith.constant 0 : i32
      %dma_start3A_140 = arith.constant 0 : i32
      %dma_start3A_141 = tpu.memref_slice %arg9[%run_scoped3A_104, %dma_start3A_139, %dma_start3A_140] : memref<4x128x128xi32, #tpu.memory_space<vmem>> -> memref<1x128x128xi32, #tpu.memory_space<vmem>>
      %dma_start3A_142 = tpu.memref_squeeze %dma_start3A_141 : memref<1x128x128xi32, #tpu.memory_space<vmem>> -> memref<128x128xi32, #tpu.memory_space<vmem>>
      %dma_start3A_143 = arith.constant 0 : i32
      %dma_start3A_144 = tpu.memref_slice %arg4[%add3A_103, %dma_start3A_143] : memref<24576x128xi32, #tpu.memory_space<hbm>> -> memref<128x128xi32, #tpu.memory_space<hbm>>
      %dma_start3A_145 = arith.constant 0 : i32
      %dma_start3A_146 = tpu.memref_slice %arg4[%add3A_103, %dma_start3A_145] : memref<24576x128xi32, #tpu.memory_space<hbm>> -> memref<128x128xi32, #tpu.memory_space<hbm>>
      %dma_start3A_147 = arith.constant 0 : i32
      %dma_start3A_148 = arith.constant 0 : i32
      %dma_start3A_149 = tpu.memref_slice %arg9[%run_scoped3A_104, %dma_start3A_147, %dma_start3A_148] : memref<4x128x128xi32, #tpu.memory_space<vmem>> -> memref<1x128x128xi32, #tpu.memory_space<vmem>>
      %dma_start3A_150 = tpu.memref_squeeze %dma_start3A_149 : memref<1x128x128xi32, #tpu.memory_space<vmem>> -> memref<128x128xi32, #tpu.memory_space<vmem>>
      tpu.enqueue_dma source(%dma_start3A_150 : memref<128x128xi32, #tpu.memory_space<vmem>>) target(%dma_start3A_146 : memref<128x128xi32, #tpu.memory_space<hbm>>) target_semaphore(%run_scoped3A_138 : memref<!tpu.dma_semaphore, #tpu.memory_space<semaphore_mem>>)
      %dma_wait3A_151 = arith.constant 0 : i32
      %dma_wait3A_152 = arith.constant 0 : i32
      %dma_wait3A_153 = tpu.memref_slice %arg9[%run_scoped3A_104, %dma_wait3A_151, %dma_wait3A_152] : memref<4x128x128xi32, #tpu.memory_space<vmem>> -> memref<1x128x128xi32, #tpu.memory_space<vmem>>
      %dma_wait3A_154 = tpu.memref_squeeze %dma_wait3A_153 : memref<1x128x128xi32, #tpu.memory_space<vmem>> -> memref<128x128xi32, #tpu.memory_space<vmem>>
      %dma_wait3A_155 = arith.constant 0 : i32
      %dma_wait3A_156 = tpu.memref_slice %arg4[%add3A_103, %dma_wait3A_155] : memref<24576x128xi32, #tpu.memory_space<hbm>> -> memref<128x128xi32, #tpu.memory_space<hbm>>
      %dma_wait3A_157 = arith.constant 0 : i32
      %dma_wait3A_158 = tpu.memref_slice %arg4[%add3A_103, %dma_wait3A_157] : memref<24576x128xi32, #tpu.memory_space<hbm>> -> memref<128x128xi32, #tpu.memory_space<hbm>>
      %dma_wait3A_159 = arith.constant 0 : i32
      %dma_wait3A_160 = arith.constant 0 : i32
      %dma_wait3A_161 = tpu.memref_slice %arg9[%run_scoped3A_104, %dma_wait3A_159, %dma_wait3A_160] : memref<4x128x128xi32, #tpu.memory_space<vmem>> -> memref<1x128x128xi32, #tpu.memory_space<vmem>>
      %dma_wait3A_162 = tpu.memref_squeeze %dma_wait3A_161 : memref<1x128x128xi32, #tpu.memory_space<vmem>> -> memref<128x128xi32, #tpu.memory_space<vmem>>
      tpu.wait_dma2 semaphore(%run_scoped3A_138 : memref<!tpu.dma_semaphore, #tpu.memory_space<semaphore_mem>>) src(%dma_wait3A_162 : memref<128x128xi32, #tpu.memory_space<vmem>>) dst(%dma_wait3A_158 : memref<128x128xi32, #tpu.memory_space<hbm>>)
      tpu.yield
    }) : () -> ()
    %dma_wait3A_105 = arith.constant 3 : i32
    %dma_wait3A_106 = arith.constant 0 : i32
    %dma_wait3A_107 = arith.constant 0 : i32
    %dma_wait3A_108 = tpu.memref_slice %arg9[%dma_wait3A_105, %dma_wait3A_106, %dma_wait3A_107] : memref<4x128x128xi32, #tpu.memory_space<vmem>> -> memref<1x128x128xi32, #tpu.memory_space<vmem>>
    %dma_wait3A_109 = tpu.memref_squeeze %dma_wait3A_108 : memref<1x128x128xi32, #tpu.memory_space<vmem>> -> memref<128x128xi32, #tpu.memory_space<vmem>>
    %dma_wait3A_110 = arith.constant 0 : i32
    %dma_wait3A_111 = arith.constant 0 : i32
    %dma_wait3A_112 = tpu.memref_slice %arg2[%dma_wait3A_110, %dma_wait3A_111] : memref<100000x128xi32, #tpu.memory_space<hbm>> -> memref<100000x128xi32, #tpu.memory_space<hbm>>
    tpu.wait_indirect_dma semaphore(%arg10 : memref<!tpu.dma_semaphore, #tpu.memory_space<semaphore_mem>>) src(%dma_wait3A_112 : memref<100000x128xi32, #tpu.memory_space<hbm>>) dst(%dma_wait3A_109 : memref<128x128xi32, #tpu.memory_space<vmem>>)
    %add3A_113 = arith.constant 384 : i32
    %add3A_114 = arith.addi %mul3A_2, %add3A_113 : i32
    %run_scoped3A_115 = arith.constant 3 : i32
    "tpu.region"() ({
      %run_scoped3A_138 = tpu.sem_alloc : memref<!tpu.dma_semaphore, #tpu.memory_space<semaphore_mem>>
      %dma_start3A_139 = arith.constant 0 : i32
      %dma_start3A_140 = arith.constant 0 : i32
      %dma_start3A_141 = tpu.memref_slice %arg9[%run_scoped3A_115, %dma_start3A_139, %dma_start3A_140] : memref<4x128x128xi32, #tpu.memory_space<vmem>> -> memref<1x128x128xi32, #tpu.memory_space<vmem>>
      %dma_start3A_142 = tpu.memref_squeeze %dma_start3A_141 : memref<1x128x128xi32, #tpu.memory_space<vmem>> -> memref<128x128xi32, #tpu.memory_space<vmem>>
      %dma_start3A_143 = arith.constant 0 : i32
      %dma_start3A_144 = tpu.memref_slice %arg4[%add3A_114, %dma_start3A_143] : memref<24576x128xi32, #tpu.memory_space<hbm>> -> memref<128x128xi32, #tpu.memory_space<hbm>>
      %dma_start3A_145 = arith.constant 0 : i32
      %dma_start3A_146 = tpu.memref_slice %arg4[%add3A_114, %dma_start3A_145] : memref<24576x128xi32, #tpu.memory_space<hbm>> -> memref<128x128xi32, #tpu.memory_space<hbm>>
      %dma_start3A_147 = arith.constant 0 : i32
      %dma_start3A_148 = arith.constant 0 : i32
      %dma_start3A_149 = tpu.memref_slice %arg9[%run_scoped3A_115, %dma_start3A_147, %dma_start3A_148] : memref<4x128x128xi32, #tpu.memory_space<vmem>> -> memref<1x128x128xi32, #tpu.memory_space<vmem>>
      %dma_start3A_150 = tpu.memref_squeeze %dma_start3A_149 : memref<1x128x128xi32, #tpu.memory_space<vmem>> -> memref<128x128xi32, #tpu.memory_space<vmem>>
      tpu.enqueue_dma source(%dma_start3A_150 : memref<128x128xi32, #tpu.memory_space<vmem>>) target(%dma_start3A_146 : memref<128x128xi32, #tpu.memory_space<hbm>>) target_semaphore(%run_scoped3A_138 : memref<!tpu.dma_semaphore, #tpu.memory_space<semaphore_mem>>)
      %dma_wait3A_151 = arith.constant 0 : i32
      %dma_wait3A_152 = arith.constant 0 : i32
      %dma_wait3A_153 = tpu.memref_slice %arg9[%run_scoped3A_115, %dma_wait3A_151, %dma_wait3A_152] : memref<4x128x128xi32, #tpu.memory_space<vmem>> -> memref<1x128x128xi32, #tpu.memory_space<vmem>>
      %dma_wait3A_154 = tpu.memref_squeeze %dma_wait3A_153 : memref<1x128x128xi32, #tpu.memory_space<vmem>> -> memref<128x128xi32, #tpu.memory_space<vmem>>
      %dma_wait3A_155 = arith.constant 0 : i32
      %dma_wait3A_156 = tpu.memref_slice %arg4[%add3A_114, %dma_wait3A_155] : memref<24576x128xi32, #tpu.memory_space<hbm>> -> memref<128x128xi32, #tpu.memory_space<hbm>>
      %dma_wait3A_157 = arith.constant 0 : i32
      %dma_wait3A_158 = tpu.memref_slice %arg4[%add3A_114, %dma_wait3A_157] : memref<24576x128xi32, #tpu.memory_space<hbm>> -> memref<128x128xi32, #tpu.memory_space<hbm>>
      %dma_wait3A_159 = arith.constant 0 : i32
      %dma_wait3A_160 = arith.constant 0 : i32
      %dma_wait3A_161 = tpu.memref_slice %arg9[%run_scoped3A_115, %dma_wait3A_159, %dma_wait3A_160] : memref<4x128x128xi32, #tpu.memory_space<vmem>> -> memref<1x128x128xi32, #tpu.memory_space<vmem>>
      %dma_wait3A_162 = tpu.memref_squeeze %dma_wait3A_161 : memref<1x128x128xi32, #tpu.memory_space<vmem>> -> memref<128x128xi32, #tpu.memory_space<vmem>>
      tpu.wait_dma2 semaphore(%run_scoped3A_138 : memref<!tpu.dma_semaphore, #tpu.memory_space<semaphore_mem>>) src(%dma_wait3A_162 : memref<128x128xi32, #tpu.memory_space<vmem>>) dst(%dma_wait3A_158 : memref<128x128xi32, #tpu.memory_space<hbm>>)
      tpu.yield
    }) : () -> ()
    %dma_wait3A_116 = arith.constant 0 : i32
    %dma_wait3A_117 = arith.constant 0 : i32
    %dma_wait3A_118 = arith.constant 0 : i32
    %dma_wait3A_119 = tpu.memref_slice %arg9[%dma_wait3A_116, %dma_wait3A_117, %dma_wait3A_118] : memref<4x128x128xi32, #tpu.memory_space<vmem>> -> memref<1x128x128xi32, #tpu.memory_space<vmem>>
    %dma_wait3A_120 = tpu.memref_squeeze %dma_wait3A_119 : memref<1x128x128xi32, #tpu.memory_space<vmem>> -> memref<128x128xi32, #tpu.memory_space<vmem>>
    %dma_wait3A_121 = arith.constant 0 : i32
    %dma_wait3A_122 = arith.constant 0 : i32
    %dma_wait3A_123 = tpu.memref_slice %arg2[%dma_wait3A_121, %dma_wait3A_122] : memref<100000x128xi32, #tpu.memory_space<hbm>> -> memref<100000x128xi32, #tpu.memory_space<hbm>>
    tpu.wait_indirect_dma semaphore(%arg10 : memref<!tpu.dma_semaphore, #tpu.memory_space<semaphore_mem>>) src(%dma_wait3A_123 : memref<100000x128xi32, #tpu.memory_space<hbm>>) dst(%dma_wait3A_120 : memref<128x128xi32, #tpu.memory_space<vmem>>)
    %add3A_124 = arith.constant 512 : i32
    %add3A_125 = arith.addi %mul3A_2, %add3A_124 : i32
    %run_scoped3A_126 = arith.constant 0 : i32
    "tpu.region"() ({
      %run_scoped3A_138 = tpu.sem_alloc : memref<!tpu.dma_semaphore, #tpu.memory_space<semaphore_mem>>
      %dma_start3A_139 = arith.constant 0 : i32
      %dma_start3A_140 = arith.constant 0 : i32
      %dma_start3A_141 = tpu.memref_slice %arg9[%run_scoped3A_126, %dma_start3A_139, %dma_start3A_140] : memref<4x128x128xi32, #tpu.memory_space<vmem>> -> memref<1x128x128xi32, #tpu.memory_space<vmem>>
      %dma_start3A_142 = tpu.memref_squeeze %dma_start3A_141 : memref<1x128x128xi32, #tpu.memory_space<vmem>> -> memref<128x128xi32, #tpu.memory_space<vmem>>
      %dma_start3A_143 = arith.constant 0 : i32
      %dma_start3A_144 = tpu.memref_slice %arg4[%add3A_125, %dma_start3A_143] : memref<24576x128xi32, #tpu.memory_space<hbm>> -> memref<128x128xi32, #tpu.memory_space<hbm>>
      %dma_start3A_145 = arith.constant 0 : i32
      %dma_start3A_146 = tpu.memref_slice %arg4[%add3A_125, %dma_start3A_145] : memref<24576x128xi32, #tpu.memory_space<hbm>> -> memref<128x128xi32, #tpu.memory_space<hbm>>
      %dma_start3A_147 = arith.constant 0 : i32
      %dma_start3A_148 = arith.constant 0 : i32
      %dma_start3A_149 = tpu.memref_slice %arg9[%run_scoped3A_126, %dma_start3A_147, %dma_start3A_148] : memref<4x128x128xi32, #tpu.memory_space<vmem>> -> memref<1x128x128xi32, #tpu.memory_space<vmem>>
      %dma_start3A_150 = tpu.memref_squeeze %dma_start3A_149 : memref<1x128x128xi32, #tpu.memory_space<vmem>> -> memref<128x128xi32, #tpu.memory_space<vmem>>
      tpu.enqueue_dma source(%dma_start3A_150 : memref<128x128xi32, #tpu.memory_space<vmem>>) target(%dma_start3A_146 : memref<128x128xi32, #tpu.memory_space<hbm>>) target_semaphore(%run_scoped3A_138 : memref<!tpu.dma_semaphore, #tpu.memory_space<semaphore_mem>>)
      %dma_wait3A_151 = arith.constant 0 : i32
      %dma_wait3A_152 = arith.constant 0 : i32
      %dma_wait3A_153 = tpu.memref_slice %arg9[%run_scoped3A_126, %dma_wait3A_151, %dma_wait3A_152] : memref<4x128x128xi32, #tpu.memory_space<vmem>> -> memref<1x128x128xi32, #tpu.memory_space<vmem>>
      %dma_wait3A_154 = tpu.memref_squeeze %dma_wait3A_153 : memref<1x128x128xi32, #tpu.memory_space<vmem>> -> memref<128x128xi32, #tpu.memory_space<vmem>>
      %dma_wait3A_155 = arith.constant 0 : i32
      %dma_wait3A_156 = tpu.memref_slice %arg4[%add3A_125, %dma_wait3A_155] : memref<24576x128xi32, #tpu.memory_space<hbm>> -> memref<128x128xi32, #tpu.memory_space<hbm>>
      %dma_wait3A_157 = arith.constant 0 : i32
      %dma_wait3A_158 = tpu.memref_slice %arg4[%add3A_125, %dma_wait3A_157] : memref<24576x128xi32, #tpu.memory_space<hbm>> -> memref<128x128xi32, #tpu.memory_space<hbm>>
      %dma_wait3A_159 = arith.constant 0 : i32
      %dma_wait3A_160 = arith.constant 0 : i32
      %dma_wait3A_161 = tpu.memref_slice %arg9[%run_scoped3A_126, %dma_wait3A_159, %dma_wait3A_160] : memref<4x128x128xi32, #tpu.memory_space<vmem>> -> memref<1x128x128xi32, #tpu.memory_space<vmem>>
      %dma_wait3A_162 = tpu.memref_squeeze %dma_wait3A_161 : memref<1x128x128xi32, #tpu.memory_space<vmem>> -> memref<128x128xi32, #tpu.memory_space<vmem>>
      tpu.wait_dma2 semaphore(%run_scoped3A_138 : memref<!tpu.dma_semaphore, #tpu.memory_space<semaphore_mem>>) src(%dma_wait3A_162 : memref<128x128xi32, #tpu.memory_space<vmem>>) dst(%dma_wait3A_158 : memref<128x128xi32, #tpu.memory_space<hbm>>)
      tpu.yield
    }) : () -> ()
    %dma_wait3A_127 = arith.constant 1 : i32
    %dma_wait3A_128 = arith.constant 0 : i32
    %dma_wait3A_129 = arith.constant 0 : i32
    %dma_wait3A_130 = tpu.memref_slice %arg9[%dma_wait3A_127, %dma_wait3A_128, %dma_wait3A_129] : memref<4x128x128xi32, #tpu.memory_space<vmem>> -> memref<1x128x128xi32, #tpu.memory_space<vmem>>
    %dma_wait3A_131 = tpu.memref_squeeze %dma_wait3A_130 : memref<1x128x128xi32, #tpu.memory_space<vmem>> -> memref<128x128xi32, #tpu.memory_space<vmem>>
    %dma_wait3A_132 = arith.constant 0 : i32
    %dma_wait3A_133 = arith.constant 0 : i32
    %dma_wait3A_134 = tpu.memref_slice %arg2[%dma_wait3A_132, %dma_wait3A_133] : memref<100000x128xi32, #tpu.memory_space<hbm>> -> memref<100000x128xi32, #tpu.memory_space<hbm>>
    tpu.wait_indirect_dma semaphore(%arg10 : memref<!tpu.dma_semaphore, #tpu.memory_space<semaphore_mem>>) src(%dma_wait3A_134 : memref<100000x128xi32, #tpu.memory_space<hbm>>) dst(%dma_wait3A_131 : memref<128x128xi32, #tpu.memory_space<vmem>>)
    %add3A_135 = arith.constant 640 : i32
    %add3A_136 = arith.addi %mul3A_2, %add3A_135 : i32
    %run_scoped3A_137 = arith.constant 1 : i32
    "tpu.region"() ({
      %run_scoped3A_138 = tpu.sem_alloc : memref<!tpu.dma_semaphore, #tpu.memory_space<semaphore_mem>>
      %dma_start3A_139 = arith.constant 0 : i32
      %dma_start3A_140 = arith.constant 0 : i32
      %dma_start3A_141 = tpu.memref_slice %arg9[%run_scoped3A_137, %dma_start3A_139, %dma_start3A_140] : memref<4x128x128xi32, #tpu.memory_space<vmem>> -> memref<1x128x128xi32, #tpu.memory_space<vmem>>
      %dma_start3A_142 = tpu.memref_squeeze %dma_start3A_141 : memref<1x128x128xi32, #tpu.memory_space<vmem>> -> memref<128x128xi32, #tpu.memory_space<vmem>>
      %dma_start3A_143 = arith.constant 0 : i32
      %dma_start3A_144 = tpu.memref_slice %arg4[%add3A_136, %dma_start3A_143] : memref<24576x128xi32, #tpu.memory_space<hbm>> -> memref<128x128xi32, #tpu.memory_space<hbm>>
      %dma_start3A_145 = arith.constant 0 : i32
      %dma_start3A_146 = tpu.memref_slice %arg4[%add3A_136, %dma_start3A_145] : memref<24576x128xi32, #tpu.memory_space<hbm>> -> memref<128x128xi32, #tpu.memory_space<hbm>>
      %dma_start3A_147 = arith.constant 0 : i32
      %dma_start3A_148 = arith.constant 0 : i32
      %dma_start3A_149 = tpu.memref_slice %arg9[%run_scoped3A_137, %dma_start3A_147, %dma_start3A_148] : memref<4x128x128xi32, #tpu.memory_space<vmem>> -> memref<1x128x128xi32, #tpu.memory_space<vmem>>
      %dma_start3A_150 = tpu.memref_squeeze %dma_start3A_149 : memref<1x128x128xi32, #tpu.memory_space<vmem>> -> memref<128x128xi32, #tpu.memory_space<vmem>>
      tpu.enqueue_dma source(%dma_start3A_150 : memref<128x128xi32, #tpu.memory_space<vmem>>) target(%dma_start3A_146 : memref<128x128xi32, #tpu.memory_space<hbm>>) target_semaphore(%run_scoped3A_138 : memref<!tpu.dma_semaphore, #tpu.memory_space<semaphore_mem>>)
      %dma_wait3A_151 = arith.constant 0 : i32
      %dma_wait3A_152 = arith.constant 0 : i32
      %dma_wait3A_153 = tpu.memref_slice %arg9[%run_scoped3A_137, %dma_wait3A_151, %dma_wait3A_152] : memref<4x128x128xi32, #tpu.memory_space<vmem>> -> memref<1x128x128xi32, #tpu.memory_space<vmem>>
      %dma_wait3A_154 = tpu.memref_squeeze %dma_wait3A_153 : memref<1x128x128xi32, #tpu.memory_space<vmem>> -> memref<128x128xi32, #tpu.memory_space<vmem>>
      %dma_wait3A_155 = arith.constant 0 : i32
      %dma_wait3A_156 = tpu.memref_slice %arg4[%add3A_136, %dma_wait3A_155] : memref<24576x128xi32, #tpu.memory_space<hbm>> -> memref<128x128xi32, #tpu.memory_space<hbm>>
      %dma_wait3A_157 = arith.constant 0 : i32
      %dma_wait3A_158 = tpu.memref_slice %arg4[%add3A_136, %dma_wait3A_157] : memref<24576x128xi32, #tpu.memory_space<hbm>> -> memref<128x128xi32, #tpu.memory_space<hbm>>
      %dma_wait3A_159 = arith.constant 0 : i32
      %dma_wait3A_160 = arith.constant 0 : i32
      %dma_wait3A_161 = tpu.memref_slice %arg9[%run_scoped3A_137, %dma_wait3A_159, %dma_wait3A_160] : memref<4x128x128xi32, #tpu.memory_space<vmem>> -> memref<1x128x128xi32, #tpu.memory_space<vmem>>
      %dma_wait3A_162 = tpu.memref_squeeze %dma_wait3A_161 : memref<1x128x128xi32, #tpu.memory_space<vmem>> -> memref<128x128xi32, #tpu.memory_space<vmem>>
      tpu.wait_dma2 semaphore(%run_scoped3A_138 : memref<!tpu.dma_semaphore, #tpu.memory_space<semaphore_mem>>) src(%dma_wait3A_162 : memref<128x128xi32, #tpu.memory_space<vmem>>) dst(%dma_wait3A_158 : memref<128x128xi32, #tpu.memory_space<hbm>>)
      tpu.yield
    }) : () -> ()
    return
  }
}

#map = affine_map<(d0, d1) -> (0, 0)>
#map1 = affine_map<(d0, d1) -> (0)>
module attributes {stable_mosaic.version = 14 : i64} {
  func.func @gk(%arg0: i32, %arg1: i32, %arg2: memref<100000x128xi32, #tpu.memory_space<hbm>>, %arg3: memref<98304xi32, #tpu.memory_space<hbm>>, %arg4: memref<24576x128xi32, #tpu.memory_space<hbm>>, %arg5: memref<128xi32, #tpu.memory_space<vmem>>, %arg6: memref<128xi32, #tpu.memory_space<vmem>>, %arg7: memref<128xi32, #tpu.memory_space<vmem>>, %arg8: memref<128xi32, #tpu.memory_space<vmem>>, %arg9: memref<4x128x128xi32, #tpu.memory_space<vmem>>, %arg10: memref<!tpu.dma_semaphore, #tpu.memory_space<semaphore_mem>>) attributes {dimension_semantics = [#tpu.dimension_semantics<core_parallel>, #tpu.dimension_semantics<subcore_parallel>], iteration_bounds = array<i64: 2, 16>, scalar_prefetch = 0 : i64, scratch_operands = 6 : i64, tpu.core_type = #tpu.core_type<sc_vector_subcore>, window_params = [{transform_indices = #map}, {transform_indices = #map1}, {transform_indices = #map}]} {
    %mul3A = arith.constant 2 : i32
    %mul3A_0 = arith.muli %arg1, %mul3A : i32
    %add3A = arith.addi %mul3A_0, %arg0 : i32
    %mul3A_1 = arith.constant 768 : i32
    %mul3A_2 = arith.muli %add3A, %mul3A_1 : i32
    %add3A_3 = arith.constant 0 : i32
    %add3A_4 = arith.addi %add3A_3, %mul3A_2 : i32
    %add3A_5 = arith.constant 0 : i32
    %add3A_6 = arith.addi %add3A_4, %add3A_5 : i32
    "tpu.region"() ({
      %run_scoped3A_138 = tpu.sem_alloc : memref<!tpu.dma_semaphore, #tpu.memory_space<semaphore_mem>>
      %dma_start3A_139 = tpu.memref_slice %arg3[%add3A_6] : memref<98304xi32, #tpu.memory_space<hbm>> -> memref<128xi32, #tpu.memory_space<hbm>>
      %dma_start3A_140 = tpu.memref_slice %arg3[%add3A_6] : memref<98304xi32, #tpu.memory_space<hbm>> -> memref<128xi32, #tpu.memory_space<hbm>>
      tpu.enqueue_dma source(%dma_start3A_140 : memref<128xi32, #tpu.memory_space<hbm>>) target(%arg5 : memref<128xi32, #tpu.memory_space<vmem>>) target_semaphore(%run_scoped3A_138 : memref<!tpu.dma_semaphore, #tpu.memory_space<semaphore_mem>>)
      %dma_wait3A_141 = tpu.memref_slice %arg3[%add3A_6] : memref<98304xi32, #tpu.memory_space<hbm>> -> memref<128xi32, #tpu.memory_space<hbm>>
      %dma_wait3A_142 = tpu.memref_slice %arg3[%add3A_6] : memref<98304xi32, #tpu.memory_space<hbm>> -> memref<128xi32, #tpu.memory_space<hbm>>
      tpu.wait_dma2 semaphore(%run_scoped3A_138 : memref<!tpu.dma_semaphore, #tpu.memory_space<semaphore_mem>>) src(%dma_wait3A_142 : memref<128xi32, #tpu.memory_space<hbm>>) dst(%arg5 : memref<128xi32, #tpu.memory_space<vmem>>)
      tpu.yield
    }) : () -> ()
    %dma_start3A = arith.constant 0 : i32
    %dma_start3A_7 = arith.constant 0 : i32
    %dma_start3A_8 = arith.constant 0 : i32
    %dma_start3A_9 = tpu.memref_slice %arg9[%dma_start3A, %dma_start3A_7, %dma_start3A_8] : memref<4x128x128xi32, #tpu.memory_space<vmem>> -> memref<1x128x128xi32, #tpu.memory_space<vmem>>
    %dma_start3A_10 = tpu.memref_squeeze %dma_start3A_9 : memref<1x128x128xi32, #tpu.memory_space<vmem>> -> memref<128x128xi32, #tpu.memory_space<vmem>>
    %dma_start3A_11 = arith.constant 0 : i32
    %dma_start3A_12 = arith.constant 0 : i32
    %dma_start3A_13 = tpu.memref_slice %arg2[%dma_start3A_11, %dma_start3A_12] : memref<100000x128xi32, #tpu.memory_space<hbm>> -> memref<100000x128xi32, #tpu.memory_space<hbm>>
    tpu.enqueue_indirect_dma source(%dma_start3A_13 : memref<100000x128xi32, #tpu.memory_space<hbm>>) target(%dma_start3A_10 : memref<128x128xi32, #tpu.memory_space<vmem>>) offsets(%arg5 : memref<128xi32, #tpu.memory_space<vmem>>) semaphore(%arg10 : memref<!tpu.dma_semaphore, #tpu.memory_space<semaphore_mem>>)
    %add3A_14 = arith.constant 0 : i32
    %add3A_15 = arith.addi %add3A_14, %mul3A_2 : i32
    %add3A_16 = arith.constant 128 : i32
    %add3A_17 = arith.addi %add3A_15, %add3A_16 : i32
    "tpu.region"() ({
      %run_scoped3A_138 = tpu.sem_alloc : memref<!tpu.dma_semaphore, #tpu.memory_space<semaphore_mem>>
      %dma_start3A_139 = tpu.memref_slice %arg3[%add3A_17] : memref<98304xi32, #tpu.memory_space<hbm>> -> memref<128xi32, #tpu.memory_space<hbm>>
      %dma_start3A_140 = tpu.memref_slice %arg3[%add3A_17] : memref<98304xi32, #tpu.memory_space<hbm>> -> memref<128xi32, #tpu.memory_space<hbm>>
      tpu.enqueue_dma source(%dma_start3A_140 : memref<128xi32, #tpu.memory_space<hbm>>) target(%arg6 : memref<128xi32, #tpu.memory_space<vmem>>) target_semaphore(%run_scoped3A_138 : memref<!tpu.dma_semaphore, #tpu.memory_space<semaphore_mem>>)
      %dma_wait3A_141 = tpu.memref_slice %arg3[%add3A_17] : memref<98304xi32, #tpu.memory_space<hbm>> -> memref<128xi32, #tpu.memory_space<hbm>>
      %dma_wait3A_142 = tpu.memref_slice %arg3[%add3A_17] : memref<98304xi32, #tpu.memory_space<hbm>> -> memref<128xi32, #tpu.memory_space<hbm>>
      tpu.wait_dma2 semaphore(%run_scoped3A_138 : memref<!tpu.dma_semaphore, #tpu.memory_space<semaphore_mem>>) src(%dma_wait3A_142 : memref<128xi32, #tpu.memory_space<hbm>>) dst(%arg6 : memref<128xi32, #tpu.memory_space<vmem>>)
      tpu.yield
    }) : () -> ()
    %dma_start3A_18 = arith.constant 1 : i32
    %dma_start3A_19 = arith.constant 0 : i32
    %dma_start3A_20 = arith.constant 0 : i32
    %dma_start3A_21 = tpu.memref_slice %arg9[%dma_start3A_18, %dma_start3A_19, %dma_start3A_20] : memref<4x128x128xi32, #tpu.memory_space<vmem>> -> memref<1x128x128xi32, #tpu.memory_space<vmem>>
    %dma_start3A_22 = tpu.memref_squeeze %dma_start3A_21 : memref<1x128x128xi32, #tpu.memory_space<vmem>> -> memref<128x128xi32, #tpu.memory_space<vmem>>
    %dma_start3A_23 = arith.constant 0 : i32
    %dma_start3A_24 = arith.constant 0 : i32
    %dma_start3A_25 = tpu.memref_slice %arg2[%dma_start3A_23, %dma_start3A_24] : memref<100000x128xi32, #tpu.memory_space<hbm>> -> memref<100000x128xi32, #tpu.memory_space<hbm>>
    tpu.enqueue_indirect_dma source(%dma_start3A_25 : memref<100000x128xi32, #tpu.memory_space<hbm>>) target(%dma_start3A_22 : memref<128x128xi32, #tpu.memory_space<vmem>>) offsets(%arg6 : memref<128xi32, #tpu.memory_space<vmem>>) semaphore(%arg10 : memref<!tpu.dma_semaphore, #tpu.memory_space<semaphore_mem>>)
    %add3A_26 = arith.constant 0 : i32
    %add3A_27 = arith.addi %add3A_26, %mul3A_2 : i32
    %add3A_28 = arith.constant 256 : i32
    %add3A_29 = arith.addi %add3A_27, %add3A_28 : i32
    "tpu.region"() ({
      %run_scoped3A_138 = tpu.sem_alloc : memref<!tpu.dma_semaphore, #tpu.memory_space<semaphore_mem>>
      %dma_start3A_139 = tpu.memref_slice %arg3[%add3A_29] : memref<98304xi32, #tpu.memory_space<hbm>> -> memref<128xi32, #tpu.memory_space<hbm>>
      %dma_start3A_140 = tpu.memref_slice %arg3[%add3A_29] : memref<98304xi32, #tpu.memory_space<hbm>> -> memref<128xi32, #tpu.memory_space<hbm>>
      tpu.enqueue_dma source(%dma_start3A_140 : memref<128xi32, #tpu.memory_space<hbm>>) target(%arg7 : memref<128xi32, #tpu.memory_space<vmem>>) target_semaphore(%run_scoped3A_138 : memref<!tpu.dma_semaphore, #tpu.memory_space<semaphore_mem>>)
      %dma_wait3A_141 = tpu.memref_slice %arg3[%add3A_29] : memref<98304xi32, #tpu.memory_space<hbm>> -> memref<128xi32, #tpu.memory_space<hbm>>
      %dma_wait3A_142 = tpu.memref_slice %arg3[%add3A_29] : memref<98304xi32, #tpu.memory_space<hbm>> -> memref<128xi32, #tpu.memory_space<hbm>>
      tpu.wait_dma2 semaphore(%run_scoped3A_138 : memref<!tpu.dma_semaphore, #tpu.memory_space<semaphore_mem>>) src(%dma_wait3A_142 : memref<128xi32, #tpu.memory_space<hbm>>) dst(%arg7 : memref<128xi32, #tpu.memory_space<vmem>>)
      tpu.yield
    }) : () -> ()
    %dma_start3A_30 = arith.constant 2 : i32
    %dma_start3A_31 = arith.constant 0 : i32
    %dma_start3A_32 = arith.constant 0 : i32
    %dma_start3A_33 = tpu.memref_slice %arg9[%dma_start3A_30, %dma_start3A_31, %dma_start3A_32] : memref<4x128x128xi32, #tpu.memory_space<vmem>> -> memref<1x128x128xi32, #tpu.memory_space<vmem>>
    %dma_start3A_34 = tpu.memref_squeeze %dma_start3A_33 : memref<1x128x128xi32, #tpu.memory_space<vmem>> -> memref<128x128xi32, #tpu.memory_space<vmem>>
    %dma_start3A_35 = arith.constant 0 : i32
    %dma_start3A_36 = arith.constant 0 : i32
    %dma_start3A_37 = tpu.memref_slice %arg2[%dma_start3A_35, %dma_start3A_36] : memref<100000x128xi32, #tpu.memory_space<hbm>> -> memref<100000x128xi32, #tpu.memory_space<hbm>>
    tpu.enqueue_indirect_dma source(%dma_start3A_37 : memref<100000x128xi32, #tpu.memory_space<hbm>>) target(%dma_start3A_34 : memref<128x128xi32, #tpu.memory_space<vmem>>) offsets(%arg7 : memref<128xi32, #tpu.memory_space<vmem>>) semaphore(%arg10 : memref<!tpu.dma_semaphore, #tpu.memory_space<semaphore_mem>>)
    %add3A_38 = arith.constant 0 : i32
    %add3A_39 = arith.addi %add3A_38, %mul3A_2 : i32
    %add3A_40 = arith.constant 384 : i32
    %add3A_41 = arith.addi %add3A_39, %add3A_40 : i32
    "tpu.region"() ({
      %run_scoped3A_138 = tpu.sem_alloc : memref<!tpu.dma_semaphore, #tpu.memory_space<semaphore_mem>>
      %dma_start3A_139 = tpu.memref_slice %arg3[%add3A_41] : memref<98304xi32, #tpu.memory_space<hbm>> -> memref<128xi32, #tpu.memory_space<hbm>>
      %dma_start3A_140 = tpu.memref_slice %arg3[%add3A_41] : memref<98304xi32, #tpu.memory_space<hbm>> -> memref<128xi32, #tpu.memory_space<hbm>>
      tpu.enqueue_dma source(%dma_start3A_140 : memref<128xi32, #tpu.memory_space<hbm>>) target(%arg8 : memref<128xi32, #tpu.memory_space<vmem>>) target_semaphore(%run_scoped3A_138 : memref<!tpu.dma_semaphore, #tpu.memory_space<semaphore_mem>>)
      %dma_wait3A_141 = tpu.memref_slice %arg3[%add3A_41] : memref<98304xi32, #tpu.memory_space<hbm>> -> memref<128xi32, #tpu.memory_space<hbm>>
      %dma_wait3A_142 = tpu.memref_slice %arg3[%add3A_41] : memref<98304xi32, #tpu.memory_space<hbm>> -> memref<128xi32, #tpu.memory_space<hbm>>
      tpu.wait_dma2 semaphore(%run_scoped3A_138 : memref<!tpu.dma_semaphore, #tpu.memory_space<semaphore_mem>>) src(%dma_wait3A_142 : memref<128xi32, #tpu.memory_space<hbm>>) dst(%arg8 : memref<128xi32, #tpu.memory_space<vmem>>)
      tpu.yield
    }) : () -> ()
    %dma_start3A_42 = arith.constant 3 : i32
    %dma_start3A_43 = arith.constant 0 : i32
    %dma_start3A_44 = arith.constant 0 : i32
    %dma_start3A_45 = tpu.memref_slice %arg9[%dma_start3A_42, %dma_start3A_43, %dma_start3A_44] : memref<4x128x128xi32, #tpu.memory_space<vmem>> -> memref<1x128x128xi32, #tpu.memory_space<vmem>>
    %dma_start3A_46 = tpu.memref_squeeze %dma_start3A_45 : memref<1x128x128xi32, #tpu.memory_space<vmem>> -> memref<128x128xi32, #tpu.memory_space<vmem>>
    %dma_start3A_47 = arith.constant 0 : i32
    %dma_start3A_48 = arith.constant 0 : i32
    %dma_start3A_49 = tpu.memref_slice %arg2[%dma_start3A_47, %dma_start3A_48] : memref<100000x128xi32, #tpu.memory_space<hbm>> -> memref<100000x128xi32, #tpu.memory_space<hbm>>
    tpu.enqueue_indirect_dma source(%dma_start3A_49 : memref<100000x128xi32, #tpu.memory_space<hbm>>) target(%dma_start3A_46 : memref<128x128xi32, #tpu.memory_space<vmem>>) offsets(%arg8 : memref<128xi32, #tpu.memory_space<vmem>>) semaphore(%arg10 : memref<!tpu.dma_semaphore, #tpu.memory_space<semaphore_mem>>)
    %dma_wait3A = arith.constant 0 : i32
    %dma_wait3A_50 = arith.constant 0 : i32
    %dma_wait3A_51 = arith.constant 0 : i32
    %dma_wait3A_52 = tpu.memref_slice %arg9[%dma_wait3A, %dma_wait3A_50, %dma_wait3A_51] : memref<4x128x128xi32, #tpu.memory_space<vmem>> -> memref<1x128x128xi32, #tpu.memory_space<vmem>>
    %dma_wait3A_53 = tpu.memref_squeeze %dma_wait3A_52 : memref<1x128x128xi32, #tpu.memory_space<vmem>> -> memref<128x128xi32, #tpu.memory_space<vmem>>
    %dma_wait3A_54 = arith.constant 0 : i32
    %dma_wait3A_55 = arith.constant 0 : i32
    %dma_wait3A_56 = tpu.memref_slice %arg2[%dma_wait3A_54, %dma_wait3A_55] : memref<100000x128xi32, #tpu.memory_space<hbm>> -> memref<100000x128xi32, #tpu.memory_space<hbm>>
    tpu.wait_indirect_dma semaphore(%arg10 : memref<!tpu.dma_semaphore, #tpu.memory_space<semaphore_mem>>) src(%dma_wait3A_56 : memref<100000x128xi32, #tpu.memory_space<hbm>>) dst(%dma_wait3A_53 : memref<128x128xi32, #tpu.memory_space<vmem>>)
    %add3A_57 = arith.constant 0 : i32
    %add3A_58 = arith.addi %mul3A_2, %add3A_57 : i32
    %run_scoped3A = arith.constant 0 : i32
    "tpu.region"() ({
      %run_scoped3A_138 = tpu.sem_alloc : memref<!tpu.dma_semaphore, #tpu.memory_space<semaphore_mem>>
      %dma_start3A_139 = arith.constant 0 : i32
      %dma_start3A_140 = arith.constant 0 : i32
      %dma_start3A_141 = tpu.memref_slice %arg9[%run_scoped3A, %dma_start3A_139, %dma_start3A_140] : memref<4x128x128xi32, #tpu.memory_space<vmem>> -> memref<1x128x128xi32, #tpu.memory_space<vmem>>
      %dma_start3A_142 = tpu.memref_squeeze %dma_start3A_141 : memref<1x128x128xi32, #tpu.memory_space<vmem>> -> memref<128x128xi32, #tpu.memory_space<vmem>>
      %dma_start3A_143 = arith.constant 0 : i32
      %dma_start3A_144 = tpu.memref_slice %arg4[%add3A_58, %dma_start3A_143] : memref<24576x128xi32, #tpu.memory_space<hbm>> -> memref<128x128xi32, #tpu.memory_space<hbm>>
      %dma_start3A_145 = arith.constant 0 : i32
      %dma_start3A_146 = tpu.memref_slice %arg4[%add3A_58, %dma_start3A_145] : memref<24576x128xi32, #tpu.memory_space<hbm>> -> memref<128x128xi32, #tpu.memory_space<hbm>>
      %dma_start3A_147 = arith.constant 0 : i32
      %dma_start3A_148 = arith.constant 0 : i32
      %dma_start3A_149 = tpu.memref_slice %arg9[%run_scoped3A, %dma_start3A_147, %dma_start3A_148] : memref<4x128x128xi32, #tpu.memory_space<vmem>> -> memref<1x128x128xi32, #tpu.memory_space<vmem>>
      %dma_start3A_150 = tpu.memref_squeeze %dma_start3A_149 : memref<1x128x128xi32, #tpu.memory_space<vmem>> -> memref<128x128xi32, #tpu.memory_space<vmem>>
      tpu.enqueue_dma source(%dma_start3A_150 : memref<128x128xi32, #tpu.memory_space<vmem>>) target(%dma_start3A_146 : memref<128x128xi32, #tpu.memory_space<hbm>>) target_semaphore(%run_scoped3A_138 : memref<!tpu.dma_semaphore, #tpu.memory_space<semaphore_mem>>)
      %dma_wait3A_151 = arith.constant 0 : i32
      %dma_wait3A_152 = arith.constant 0 : i32
      %dma_wait3A_153 = tpu.memref_slice %arg9[%run_scoped3A, %dma_wait3A_151, %dma_wait3A_152] : memref<4x128x128xi32, #tpu.memory_space<vmem>> -> memref<1x128x128xi32, #tpu.memory_space<vmem>>
      %dma_wait3A_154 = tpu.memref_squeeze %dma_wait3A_153 : memref<1x128x128xi32, #tpu.memory_space<vmem>> -> memref<128x128xi32, #tpu.memory_space<vmem>>
      %dma_wait3A_155 = arith.constant 0 : i32
      %dma_wait3A_156 = tpu.memref_slice %arg4[%add3A_58, %dma_wait3A_155] : memref<24576x128xi32, #tpu.memory_space<hbm>> -> memref<128x128xi32, #tpu.memory_space<hbm>>
      %dma_wait3A_157 = arith.constant 0 : i32
      %dma_wait3A_158 = tpu.memref_slice %arg4[%add3A_58, %dma_wait3A_157] : memref<24576x128xi32, #tpu.memory_space<hbm>> -> memref<128x128xi32, #tpu.memory_space<hbm>>
      %dma_wait3A_159 = arith.constant 0 : i32
      %dma_wait3A_160 = arith.constant 0 : i32
      %dma_wait3A_161 = tpu.memref_slice %arg9[%run_scoped3A, %dma_wait3A_159, %dma_wait3A_160] : memref<4x128x128xi32, #tpu.memory_space<vmem>> -> memref<1x128x128xi32, #tpu.memory_space<vmem>>
      %dma_wait3A_162 = tpu.memref_squeeze %dma_wait3A_161 : memref<1x128x128xi32, #tpu.memory_space<vmem>> -> memref<128x128xi32, #tpu.memory_space<vmem>>
      tpu.wait_dma2 semaphore(%run_scoped3A_138 : memref<!tpu.dma_semaphore, #tpu.memory_space<semaphore_mem>>) src(%dma_wait3A_162 : memref<128x128xi32, #tpu.memory_space<vmem>>) dst(%dma_wait3A_158 : memref<128x128xi32, #tpu.memory_space<hbm>>)
      tpu.yield
    }) : () -> ()
    %add3A_59 = arith.constant 0 : i32
    %add3A_60 = arith.addi %add3A_59, %mul3A_2 : i32
    %add3A_61 = arith.constant 512 : i32
    %add3A_62 = arith.addi %add3A_60, %add3A_61 : i32
    "tpu.region"() ({
      %run_scoped3A_138 = tpu.sem_alloc : memref<!tpu.dma_semaphore, #tpu.memory_space<semaphore_mem>>
      %dma_start3A_139 = tpu.memref_slice %arg3[%add3A_62] : memref<98304xi32, #tpu.memory_space<hbm>> -> memref<128xi32, #tpu.memory_space<hbm>>
      %dma_start3A_140 = tpu.memref_slice %arg3[%add3A_62] : memref<98304xi32, #tpu.memory_space<hbm>> -> memref<128xi32, #tpu.memory_space<hbm>>
      tpu.enqueue_dma source(%dma_start3A_140 : memref<128xi32, #tpu.memory_space<hbm>>) target(%arg5 : memref<128xi32, #tpu.memory_space<vmem>>) target_semaphore(%run_scoped3A_138 : memref<!tpu.dma_semaphore, #tpu.memory_space<semaphore_mem>>)
      %dma_wait3A_141 = tpu.memref_slice %arg3[%add3A_62] : memref<98304xi32, #tpu.memory_space<hbm>> -> memref<128xi32, #tpu.memory_space<hbm>>
      %dma_wait3A_142 = tpu.memref_slice %arg3[%add3A_62] : memref<98304xi32, #tpu.memory_space<hbm>> -> memref<128xi32, #tpu.memory_space<hbm>>
      tpu.wait_dma2 semaphore(%run_scoped3A_138 : memref<!tpu.dma_semaphore, #tpu.memory_space<semaphore_mem>>) src(%dma_wait3A_142 : memref<128xi32, #tpu.memory_space<hbm>>) dst(%arg5 : memref<128xi32, #tpu.memory_space<vmem>>)
      tpu.yield
    }) : () -> ()
    %dma_start3A_63 = arith.constant 0 : i32
    %dma_start3A_64 = arith.constant 0 : i32
    %dma_start3A_65 = arith.constant 0 : i32
    %dma_start3A_66 = tpu.memref_slice %arg9[%dma_start3A_63, %dma_start3A_64, %dma_start3A_65] : memref<4x128x128xi32, #tpu.memory_space<vmem>> -> memref<1x128x128xi32, #tpu.memory_space<vmem>>
    %dma_start3A_67 = tpu.memref_squeeze %dma_start3A_66 : memref<1x128x128xi32, #tpu.memory_space<vmem>> -> memref<128x128xi32, #tpu.memory_space<vmem>>
    %dma_start3A_68 = arith.constant 0 : i32
    %dma_start3A_69 = arith.constant 0 : i32
    %dma_start3A_70 = tpu.memref_slice %arg2[%dma_start3A_68, %dma_start3A_69] : memref<100000x128xi32, #tpu.memory_space<hbm>> -> memref<100000x128xi32, #tpu.memory_space<hbm>>
    tpu.enqueue_indirect_dma source(%dma_start3A_70 : memref<100000x128xi32, #tpu.memory_space<hbm>>) target(%dma_start3A_67 : memref<128x128xi32, #tpu.memory_space<vmem>>) offsets(%arg5 : memref<128xi32, #tpu.memory_space<vmem>>) semaphore(%arg10 : memref<!tpu.dma_semaphore, #tpu.memory_space<semaphore_mem>>)
    %dma_wait3A_71 = arith.constant 1 : i32
    %dma_wait3A_72 = arith.constant 0 : i32
    %dma_wait3A_73 = arith.constant 0 : i32
    %dma_wait3A_74 = tpu.memref_slice %arg9[%dma_wait3A_71, %dma_wait3A_72, %dma_wait3A_73] : memref<4x128x128xi32, #tpu.memory_space<vmem>> -> memref<1x128x128xi32, #tpu.memory_space<vmem>>
    %dma_wait3A_75 = tpu.memref_squeeze %dma_wait3A_74 : memref<1x128x128xi32, #tpu.memory_space<vmem>> -> memref<128x128xi32, #tpu.memory_space<vmem>>
    %dma_wait3A_76 = arith.constant 0 : i32
    %dma_wait3A_77 = arith.constant 0 : i32
    %dma_wait3A_78 = tpu.memref_slice %arg2[%dma_wait3A_76, %dma_wait3A_77] : memref<100000x128xi32, #tpu.memory_space<hbm>> -> memref<100000x128xi32, #tpu.memory_space<hbm>>
    tpu.wait_indirect_dma semaphore(%arg10 : memref<!tpu.dma_semaphore, #tpu.memory_space<semaphore_mem>>) src(%dma_wait3A_78 : memref<100000x128xi32, #tpu.memory_space<hbm>>) dst(%dma_wait3A_75 : memref<128x128xi32, #tpu.memory_space<vmem>>)
    %add3A_79 = arith.constant 128 : i32
    %add3A_80 = arith.addi %mul3A_2, %add3A_79 : i32
    %run_scoped3A_81 = arith.constant 1 : i32
    "tpu.region"() ({
      %run_scoped3A_138 = tpu.sem_alloc : memref<!tpu.dma_semaphore, #tpu.memory_space<semaphore_mem>>
      %dma_start3A_139 = arith.constant 0 : i32
      %dma_start3A_140 = arith.constant 0 : i32
      %dma_start3A_141 = tpu.memref_slice %arg9[%run_scoped3A_81, %dma_start3A_139, %dma_start3A_140] : memref<4x128x128xi32, #tpu.memory_space<vmem>> -> memref<1x128x128xi32, #tpu.memory_space<vmem>>
      %dma_start3A_142 = tpu.memref_squeeze %dma_start3A_141 : memref<1x128x128xi32, #tpu.memory_space<vmem>> -> memref<128x128xi32, #tpu.memory_space<vmem>>
      %dma_start3A_143 = arith.constant 0 : i32
      %dma_start3A_144 = tpu.memref_slice %arg4[%add3A_80, %dma_start3A_143] : memref<24576x128xi32, #tpu.memory_space<hbm>> -> memref<128x128xi32, #tpu.memory_space<hbm>>
      %dma_start3A_145 = arith.constant 0 : i32
      %dma_start3A_146 = tpu.memref_slice %arg4[%add3A_80, %dma_start3A_145] : memref<24576x128xi32, #tpu.memory_space<hbm>> -> memref<128x128xi32, #tpu.memory_space<hbm>>
      %dma_start3A_147 = arith.constant 0 : i32
      %dma_start3A_148 = arith.constant 0 : i32
      %dma_start3A_149 = tpu.memref_slice %arg9[%run_scoped3A_81, %dma_start3A_147, %dma_start3A_148] : memref<4x128x128xi32, #tpu.memory_space<vmem>> -> memref<1x128x128xi32, #tpu.memory_space<vmem>>
      %dma_start3A_150 = tpu.memref_squeeze %dma_start3A_149 : memref<1x128x128xi32, #tpu.memory_space<vmem>> -> memref<128x128xi32, #tpu.memory_space<vmem>>
      tpu.enqueue_dma source(%dma_start3A_150 : memref<128x128xi32, #tpu.memory_space<vmem>>) target(%dma_start3A_146 : memref<128x128xi32, #tpu.memory_space<hbm>>) target_semaphore(%run_scoped3A_138 : memref<!tpu.dma_semaphore, #tpu.memory_space<semaphore_mem>>)
      %dma_wait3A_151 = arith.constant 0 : i32
      %dma_wait3A_152 = arith.constant 0 : i32
      %dma_wait3A_153 = tpu.memref_slice %arg9[%run_scoped3A_81, %dma_wait3A_151, %dma_wait3A_152] : memref<4x128x128xi32, #tpu.memory_space<vmem>> -> memref<1x128x128xi32, #tpu.memory_space<vmem>>
      %dma_wait3A_154 = tpu.memref_squeeze %dma_wait3A_153 : memref<1x128x128xi32, #tpu.memory_space<vmem>> -> memref<128x128xi32, #tpu.memory_space<vmem>>
      %dma_wait3A_155 = arith.constant 0 : i32
      %dma_wait3A_156 = tpu.memref_slice %arg4[%add3A_80, %dma_wait3A_155] : memref<24576x128xi32, #tpu.memory_space<hbm>> -> memref<128x128xi32, #tpu.memory_space<hbm>>
      %dma_wait3A_157 = arith.constant 0 : i32
      %dma_wait3A_158 = tpu.memref_slice %arg4[%add3A_80, %dma_wait3A_157] : memref<24576x128xi32, #tpu.memory_space<hbm>> -> memref<128x128xi32, #tpu.memory_space<hbm>>
      %dma_wait3A_159 = arith.constant 0 : i32
      %dma_wait3A_160 = arith.constant 0 : i32
      %dma_wait3A_161 = tpu.memref_slice %arg9[%run_scoped3A_81, %dma_wait3A_159, %dma_wait3A_160] : memref<4x128x128xi32, #tpu.memory_space<vmem>> -> memref<1x128x128xi32, #tpu.memory_space<vmem>>
      %dma_wait3A_162 = tpu.memref_squeeze %dma_wait3A_161 : memref<1x128x128xi32, #tpu.memory_space<vmem>> -> memref<128x128xi32, #tpu.memory_space<vmem>>
      tpu.wait_dma2 semaphore(%run_scoped3A_138 : memref<!tpu.dma_semaphore, #tpu.memory_space<semaphore_mem>>) src(%dma_wait3A_162 : memref<128x128xi32, #tpu.memory_space<vmem>>) dst(%dma_wait3A_158 : memref<128x128xi32, #tpu.memory_space<hbm>>)
      tpu.yield
    }) : () -> ()
    %add3A_82 = arith.constant 0 : i32
    %add3A_83 = arith.addi %add3A_82, %mul3A_2 : i32
    %add3A_84 = arith.constant 640 : i32
    %add3A_85 = arith.addi %add3A_83, %add3A_84 : i32
    "tpu.region"() ({
      %run_scoped3A_138 = tpu.sem_alloc : memref<!tpu.dma_semaphore, #tpu.memory_space<semaphore_mem>>
      %dma_start3A_139 = tpu.memref_slice %arg3[%add3A_85] : memref<98304xi32, #tpu.memory_space<hbm>> -> memref<128xi32, #tpu.memory_space<hbm>>
      %dma_start3A_140 = tpu.memref_slice %arg3[%add3A_85] : memref<98304xi32, #tpu.memory_space<hbm>> -> memref<128xi32, #tpu.memory_space<hbm>>
      tpu.enqueue_dma source(%dma_start3A_140 : memref<128xi32, #tpu.memory_space<hbm>>) target(%arg6 : memref<128xi32, #tpu.memory_space<vmem>>) target_semaphore(%run_scoped3A_138 : memref<!tpu.dma_semaphore, #tpu.memory_space<semaphore_mem>>)
      %dma_wait3A_141 = tpu.memref_slice %arg3[%add3A_85] : memref<98304xi32, #tpu.memory_space<hbm>> -> memref<128xi32, #tpu.memory_space<hbm>>
      %dma_wait3A_142 = tpu.memref_slice %arg3[%add3A_85] : memref<98304xi32, #tpu.memory_space<hbm>> -> memref<128xi32, #tpu.memory_space<hbm>>
      tpu.wait_dma2 semaphore(%run_scoped3A_138 : memref<!tpu.dma_semaphore, #tpu.memory_space<semaphore_mem>>) src(%dma_wait3A_142 : memref<128xi32, #tpu.memory_space<hbm>>) dst(%arg6 : memref<128xi32, #tpu.memory_space<vmem>>)
      tpu.yield
    }) : () -> ()
    %dma_start3A_86 = arith.constant 1 : i32
    %dma_start3A_87 = arith.constant 0 : i32
    %dma_start3A_88 = arith.constant 0 : i32
    %dma_start3A_89 = tpu.memref_slice %arg9[%dma_start3A_86, %dma_start3A_87, %dma_start3A_88] : memref<4x128x128xi32, #tpu.memory_space<vmem>> -> memref<1x128x128xi32, #tpu.memory_space<vmem>>
    %dma_start3A_90 = tpu.memref_squeeze %dma_start3A_89 : memref<1x128x128xi32, #tpu.memory_space<vmem>> -> memref<128x128xi32, #tpu.memory_space<vmem>>
    %dma_start3A_91 = arith.constant 0 : i32
    %dma_start3A_92 = arith.constant 0 : i32
    %dma_start3A_93 = tpu.memref_slice %arg2[%dma_start3A_91, %dma_start3A_92] : memref<100000x128xi32, #tpu.memory_space<hbm>> -> memref<100000x128xi32, #tpu.memory_space<hbm>>
    tpu.enqueue_indirect_dma source(%dma_start3A_93 : memref<100000x128xi32, #tpu.memory_space<hbm>>) target(%dma_start3A_90 : memref<128x128xi32, #tpu.memory_space<vmem>>) offsets(%arg6 : memref<128xi32, #tpu.memory_space<vmem>>) semaphore(%arg10 : memref<!tpu.dma_semaphore, #tpu.memory_space<semaphore_mem>>)
    %dma_wait3A_94 = arith.constant 2 : i32
    %dma_wait3A_95 = arith.constant 0 : i32
    %dma_wait3A_96 = arith.constant 0 : i32
    %dma_wait3A_97 = tpu.memref_slice %arg9[%dma_wait3A_94, %dma_wait3A_95, %dma_wait3A_96] : memref<4x128x128xi32, #tpu.memory_space<vmem>> -> memref<1x128x128xi32, #tpu.memory_space<vmem>>
    %dma_wait3A_98 = tpu.memref_squeeze %dma_wait3A_97 : memref<1x128x128xi32, #tpu.memory_space<vmem>> -> memref<128x128xi32, #tpu.memory_space<vmem>>
    %dma_wait3A_99 = arith.constant 0 : i32
    %dma_wait3A_100 = arith.constant 0 : i32
    %dma_wait3A_101 = tpu.memref_slice %arg2[%dma_wait3A_99, %dma_wait3A_100] : memref<100000x128xi32, #tpu.memory_space<hbm>> -> memref<100000x128xi32, #tpu.memory_space<hbm>>
    tpu.wait_indirect_dma semaphore(%arg10 : memref<!tpu.dma_semaphore, #tpu.memory_space<semaphore_mem>>) src(%dma_wait3A_101 : memref<100000x128xi32, #tpu.memory_space<hbm>>) dst(%dma_wait3A_98 : memref<128x128xi32, #tpu.memory_space<vmem>>)
    %add3A_102 = arith.constant 256 : i32
    %add3A_103 = arith.addi %mul3A_2, %add3A_102 : i32
    %run_scoped3A_104 = arith.constant 2 : i32
    "tpu.region"() ({
      %run_scoped3A_138 = tpu.sem_alloc : memref<!tpu.dma_semaphore, #tpu.memory_space<semaphore_mem>>
      %dma_start3A_139 = arith.constant 0 : i32
      %dma_start3A_140 = arith.constant 0 : i32
      %dma_start3A_141 = tpu.memref_slice %arg9[%run_scoped3A_104, %dma_start3A_139, %dma_start3A_140] : memref<4x128x128xi32, #tpu.memory_space<vmem>> -> memref<1x128x128xi32, #tpu.memory_space<vmem>>
      %dma_start3A_142 = tpu.memref_squeeze %dma_start3A_141 : memref<1x128x128xi32, #tpu.memory_space<vmem>> -> memref<128x128xi32, #tpu.memory_space<vmem>>
      %dma_start3A_143 = arith.constant 0 : i32
      %dma_start3A_144 = tpu.memref_slice %arg4[%add3A_103, %dma_start3A_143] : memref<24576x128xi32, #tpu.memory_space<hbm>> -> memref<128x128xi32, #tpu.memory_space<hbm>>
      %dma_start3A_145 = arith.constant 0 : i32
      %dma_start3A_146 = tpu.memref_slice %arg4[%add3A_103, %dma_start3A_145] : memref<24576x128xi32, #tpu.memory_space<hbm>> -> memref<128x128xi32, #tpu.memory_space<hbm>>
      %dma_start3A_147 = arith.constant 0 : i32
      %dma_start3A_148 = arith.constant 0 : i32
      %dma_start3A_149 = tpu.memref_slice %arg9[%run_scoped3A_104, %dma_start3A_147, %dma_start3A_148] : memref<4x128x128xi32, #tpu.memory_space<vmem>> -> memref<1x128x128xi32, #tpu.memory_space<vmem>>
      %dma_start3A_150 = tpu.memref_squeeze %dma_start3A_149 : memref<1x128x128xi32, #tpu.memory_space<vmem>> -> memref<128x128xi32, #tpu.memory_space<vmem>>
      tpu.enqueue_dma source(%dma_start3A_150 : memref<128x128xi32, #tpu.memory_space<vmem>>) target(%dma_start3A_146 : memref<128x128xi32, #tpu.memory_space<hbm>>) target_semaphore(%run_scoped3A_138 : memref<!tpu.dma_semaphore, #tpu.memory_space<semaphore_mem>>)
      %dma_wait3A_151 = arith.constant 0 : i32
      %dma_wait3A_152 = arith.constant 0 : i32
      %dma_wait3A_153 = tpu.memref_slice %arg9[%run_scoped3A_104, %dma_wait3A_151, %dma_wait3A_152] : memref<4x128x128xi32, #tpu.memory_space<vmem>> -> memref<1x128x128xi32, #tpu.memory_space<vmem>>
      %dma_wait3A_154 = tpu.memref_squeeze %dma_wait3A_153 : memref<1x128x128xi32, #tpu.memory_space<vmem>> -> memref<128x128xi32, #tpu.memory_space<vmem>>
      %dma_wait3A_155 = arith.constant 0 : i32
      %dma_wait3A_156 = tpu.memref_slice %arg4[%add3A_103, %dma_wait3A_155] : memref<24576x128xi32, #tpu.memory_space<hbm>> -> memref<128x128xi32, #tpu.memory_space<hbm>>
      %dma_wait3A_157 = arith.constant 0 : i32
      %dma_wait3A_158 = tpu.memref_slice %arg4[%add3A_103, %dma_wait3A_157] : memref<24576x128xi32, #tpu.memory_space<hbm>> -> memref<128x128xi32, #tpu.memory_space<hbm>>
      %dma_wait3A_159 = arith.constant 0 : i32
      %dma_wait3A_160 = arith.constant 0 : i32
      %dma_wait3A_161 = tpu.memref_slice %arg9[%run_scoped3A_104, %dma_wait3A_159, %dma_wait3A_160] : memref<4x128x128xi32, #tpu.memory_space<vmem>> -> memref<1x128x128xi32, #tpu.memory_space<vmem>>
      %dma_wait3A_162 = tpu.memref_squeeze %dma_wait3A_161 : memref<1x128x128xi32, #tpu.memory_space<vmem>> -> memref<128x128xi32, #tpu.memory_space<vmem>>
      tpu.wait_dma2 semaphore(%run_scoped3A_138 : memref<!tpu.dma_semaphore, #tpu.memory_space<semaphore_mem>>) src(%dma_wait3A_162 : memref<128x128xi32, #tpu.memory_space<vmem>>) dst(%dma_wait3A_158 : memref<128x128xi32, #tpu.memory_space<hbm>>)
      tpu.yield
    }) : () -> ()
    %dma_wait3A_105 = arith.constant 3 : i32
    %dma_wait3A_106 = arith.constant 0 : i32
    %dma_wait3A_107 = arith.constant 0 : i32
    %dma_wait3A_108 = tpu.memref_slice %arg9[%dma_wait3A_105, %dma_wait3A_106, %dma_wait3A_107] : memref<4x128x128xi32, #tpu.memory_space<vmem>> -> memref<1x128x128xi32, #tpu.memory_space<vmem>>
    %dma_wait3A_109 = tpu.memref_squeeze %dma_wait3A_108 : memref<1x128x128xi32, #tpu.memory_space<vmem>> -> memref<128x128xi32, #tpu.memory_space<vmem>>
    %dma_wait3A_110 = arith.constant 0 : i32
    %dma_wait3A_111 = arith.constant 0 : i32
    %dma_wait3A_112 = tpu.memref_slice %arg2[%dma_wait3A_110, %dma_wait3A_111] : memref<100000x128xi32, #tpu.memory_space<hbm>> -> memref<100000x128xi32, #tpu.memory_space<hbm>>
    tpu.wait_indirect_dma semaphore(%arg10 : memref<!tpu.dma_semaphore, #tpu.memory_space<semaphore_mem>>) src(%dma_wait3A_112 : memref<100000x128xi32, #tpu.memory_space<hbm>>) dst(%dma_wait3A_109 : memref<128x128xi32, #tpu.memory_space<vmem>>)
    %add3A_113 = arith.constant 384 : i32
    %add3A_114 = arith.addi %mul3A_2, %add3A_113 : i32
    %run_scoped3A_115 = arith.constant 3 : i32
    "tpu.region"() ({
      %run_scoped3A_138 = tpu.sem_alloc : memref<!tpu.dma_semaphore, #tpu.memory_space<semaphore_mem>>
      %dma_start3A_139 = arith.constant 0 : i32
      %dma_start3A_140 = arith.constant 0 : i32
      %dma_start3A_141 = tpu.memref_slice %arg9[%run_scoped3A_115, %dma_start3A_139, %dma_start3A_140] : memref<4x128x128xi32, #tpu.memory_space<vmem>> -> memref<1x128x128xi32, #tpu.memory_space<vmem>>
      %dma_start3A_142 = tpu.memref_squeeze %dma_start3A_141 : memref<1x128x128xi32, #tpu.memory_space<vmem>> -> memref<128x128xi32, #tpu.memory_space<vmem>>
      %dma_start3A_143 = arith.constant 0 : i32
      %dma_start3A_144 = tpu.memref_slice %arg4[%add3A_114, %dma_start3A_143] : memref<24576x128xi32, #tpu.memory_space<hbm>> -> memref<128x128xi32, #tpu.memory_space<hbm>>
      %dma_start3A_145 = arith.constant 0 : i32
      %dma_start3A_146 = tpu.memref_slice %arg4[%add3A_114, %dma_start3A_145] : memref<24576x128xi32, #tpu.memory_space<hbm>> -> memref<128x128xi32, #tpu.memory_space<hbm>>
      %dma_start3A_147 = arith.constant 0 : i32
      %dma_start3A_148 = arith.constant 0 : i32
      %dma_start3A_149 = tpu.memref_slice %arg9[%run_scoped3A_115, %dma_start3A_147, %dma_start3A_148] : memref<4x128x128xi32, #tpu.memory_space<vmem>> -> memref<1x128x128xi32, #tpu.memory_space<vmem>>
      %dma_start3A_150 = tpu.memref_squeeze %dma_start3A_149 : memref<1x128x128xi32, #tpu.memory_space<vmem>> -> memref<128x128xi32, #tpu.memory_space<vmem>>
      tpu.enqueue_dma source(%dma_start3A_150 : memref<128x128xi32, #tpu.memory_space<vmem>>) target(%dma_start3A_146 : memref<128x128xi32, #tpu.memory_space<hbm>>) target_semaphore(%run_scoped3A_138 : memref<!tpu.dma_semaphore, #tpu.memory_space<semaphore_mem>>)
      %dma_wait3A_151 = arith.constant 0 : i32
      %dma_wait3A_152 = arith.constant 0 : i32
      %dma_wait3A_153 = tpu.memref_slice %arg9[%run_scoped3A_115, %dma_wait3A_151, %dma_wait3A_152] : memref<4x128x128xi32, #tpu.memory_space<vmem>> -> memref<1x128x128xi32, #tpu.memory_space<vmem>>
      %dma_wait3A_154 = tpu.memref_squeeze %dma_wait3A_153 : memref<1x128x128xi32, #tpu.memory_space<vmem>> -> memref<128x128xi32, #tpu.memory_space<vmem>>
      %dma_wait3A_155 = arith.constant 0 : i32
      %dma_wait3A_156 = tpu.memref_slice %arg4[%add3A_114, %dma_wait3A_155] : memref<24576x128xi32, #tpu.memory_space<hbm>> -> memref<128x128xi32, #tpu.memory_space<hbm>>
      %dma_wait3A_157 = arith.constant 0 : i32
      %dma_wait3A_158 = tpu.memref_slice %arg4[%add3A_114, %dma_wait3A_157] : memref<24576x128xi32, #tpu.memory_space<hbm>> -> memref<128x128xi32, #tpu.memory_space<hbm>>
      %dma_wait3A_159 = arith.constant 0 : i32
      %dma_wait3A_160 = arith.constant 0 : i32
      %dma_wait3A_161 = tpu.memref_slice %arg9[%run_scoped3A_115, %dma_wait3A_159, %dma_wait3A_160] : memref<4x128x128xi32, #tpu.memory_space<vmem>> -> memref<1x128x128xi32, #tpu.memory_space<vmem>>
      %dma_wait3A_162 = tpu.memref_squeeze %dma_wait3A_161 : memref<1x128x128xi32, #tpu.memory_space<vmem>> -> memref<128x128xi32, #tpu.memory_space<vmem>>
      tpu.wait_dma2 semaphore(%run_scoped3A_138 : memref<!tpu.dma_semaphore, #tpu.memory_space<semaphore_mem>>) src(%dma_wait3A_162 : memref<128x128xi32, #tpu.memory_space<vmem>>) dst(%dma_wait3A_158 : memref<128x128xi32, #tpu.memory_space<hbm>>)
      tpu.yield
    }) : () -> ()
    %dma_wait3A_116 = arith.constant 0 : i32
    %dma_wait3A_117 = arith.constant 0 : i32
    %dma_wait3A_118 = arith.constant 0 : i32
    %dma_wait3A_119 = tpu.memref_slice %arg9[%dma_wait3A_116, %dma_wait3A_117, %dma_wait3A_118] : memref<4x128x128xi32, #tpu.memory_space<vmem>> -> memref<1x128x128xi32, #tpu.memory_space<vmem>>
    %dma_wait3A_120 = tpu.memref_squeeze %dma_wait3A_119 : memref<1x128x128xi32, #tpu.memory_space<vmem>> -> memref<128x128xi32, #tpu.memory_space<vmem>>
    %dma_wait3A_121 = arith.constant 0 : i32
    %dma_wait3A_122 = arith.constant 0 : i32
    %dma_wait3A_123 = tpu.memref_slice %arg2[%dma_wait3A_121, %dma_wait3A_122] : memref<100000x128xi32, #tpu.memory_space<hbm>> -> memref<100000x128xi32, #tpu.memory_space<hbm>>
    tpu.wait_indirect_dma semaphore(%arg10 : memref<!tpu.dma_semaphore, #tpu.memory_space<semaphore_mem>>) src(%dma_wait3A_123 : memref<100000x128xi32, #tpu.memory_space<hbm>>) dst(%dma_wait3A_120 : memref<128x128xi32, #tpu.memory_space<vmem>>)
    %add3A_124 = arith.constant 512 : i32
    %add3A_125 = arith.addi %mul3A_2, %add3A_124 : i32
    %run_scoped3A_126 = arith.constant 0 : i32
    "tpu.region"() ({
      %run_scoped3A_138 = tpu.sem_alloc : memref<!tpu.dma_semaphore, #tpu.memory_space<semaphore_mem>>
      %dma_start3A_139 = arith.constant 0 : i32
      %dma_start3A_140 = arith.constant 0 : i32
      %dma_start3A_141 = tpu.memref_slice %arg9[%run_scoped3A_126, %dma_start3A_139, %dma_start3A_140] : memref<4x128x128xi32, #tpu.memory_space<vmem>> -> memref<1x128x128xi32, #tpu.memory_space<vmem>>
      %dma_start3A_142 = tpu.memref_squeeze %dma_start3A_141 : memref<1x128x128xi32, #tpu.memory_space<vmem>> -> memref<128x128xi32, #tpu.memory_space<vmem>>
      %dma_start3A_143 = arith.constant 0 : i32
      %dma_start3A_144 = tpu.memref_slice %arg4[%add3A_125, %dma_start3A_143] : memref<24576x128xi32, #tpu.memory_space<hbm>> -> memref<128x128xi32, #tpu.memory_space<hbm>>
      %dma_start3A_145 = arith.constant 0 : i32
      %dma_start3A_146 = tpu.memref_slice %arg4[%add3A_125, %dma_start3A_145] : memref<24576x128xi32, #tpu.memory_space<hbm>> -> memref<128x128xi32, #tpu.memory_space<hbm>>
      %dma_start3A_147 = arith.constant 0 : i32
      %dma_start3A_148 = arith.constant 0 : i32
      %dma_start3A_149 = tpu.memref_slice %arg9[%run_scoped3A_126, %dma_start3A_147, %dma_start3A_148] : memref<4x128x128xi32, #tpu.memory_space<vmem>> -> memref<1x128x128xi32, #tpu.memory_space<vmem>>
      %dma_start3A_150 = tpu.memref_squeeze %dma_start3A_149 : memref<1x128x128xi32, #tpu.memory_space<vmem>> -> memref<128x128xi32, #tpu.memory_space<vmem>>
      tpu.enqueue_dma source(%dma_start3A_150 : memref<128x128xi32, #tpu.memory_space<vmem>>) target(%dma_start3A_146 : memref<128x128xi32, #tpu.memory_space<hbm>>) target_semaphore(%run_scoped3A_138 : memref<!tpu.dma_semaphore, #tpu.memory_space<semaphore_mem>>)
      %dma_wait3A_151 = arith.constant 0 : i32
      %dma_wait3A_152 = arith.constant 0 : i32
      %dma_wait3A_153 = tpu.memref_slice %arg9[%run_scoped3A_126, %dma_wait3A_151, %dma_wait3A_152] : memref<4x128x128xi32, #tpu.memory_space<vmem>> -> memref<1x128x128xi32, #tpu.memory_space<vmem>>
      %dma_wait3A_154 = tpu.memref_squeeze %dma_wait3A_153 : memref<1x128x128xi32, #tpu.memory_space<vmem>> -> memref<128x128xi32, #tpu.memory_space<vmem>>
      %dma_wait3A_155 = arith.constant 0 : i32
      %dma_wait3A_156 = tpu.memref_slice %arg4[%add3A_125, %dma_wait3A_155] : memref<24576x128xi32, #tpu.memory_space<hbm>> -> memref<128x128xi32, #tpu.memory_space<hbm>>
      %dma_wait3A_157 = arith.constant 0 : i32
      %dma_wait3A_158 = tpu.memref_slice %arg4[%add3A_125, %dma_wait3A_157] : memref<24576x128xi32, #tpu.memory_space<hbm>> -> memref<128x128xi32, #tpu.memory_space<hbm>>
      %dma_wait3A_159 = arith.constant 0 : i32
      %dma_wait3A_160 = arith.constant 0 : i32
      %dma_wait3A_161 = tpu.memref_slice %arg9[%run_scoped3A_126, %dma_wait3A_159, %dma_wait3A_160] : memref<4x128x128xi32, #tpu.memory_space<vmem>> -> memref<1x128x128xi32, #tpu.memory_space<vmem>>
      %dma_wait3A_162 = tpu.memref_squeeze %dma_wait3A_161 : memref<1x128x128xi32, #tpu.memory_space<vmem>> -> memref<128x128xi32, #tpu.memory_space<vmem>>
      tpu.wait_dma2 semaphore(%run_scoped3A_138 : memref<!tpu.dma_semaphore, #tpu.memory_space<semaphore_mem>>) src(%dma_wait3A_162 : memref<128x128xi32, #tpu.memory_space<vmem>>) dst(%dma_wait3A_158 : memref<128x128xi32, #tpu.memory_space<hbm>>)
      tpu.yield
    }) : () -> ()
    %dma_wait3A_127 = arith.constant 1 : i32
    %dma_wait3A_128 = arith.constant 0 : i32
    %dma_wait3A_129 = arith.constant 0 : i32
    %dma_wait3A_130 = tpu.memref_slice %arg9[%dma_wait3A_127, %dma_wait3A_128, %dma_wait3A_129] : memref<4x128x128xi32, #tpu.memory_space<vmem>> -> memref<1x128x128xi32, #tpu.memory_space<vmem>>
    %dma_wait3A_131 = tpu.memref_squeeze %dma_wait3A_130 : memref<1x128x128xi32, #tpu.memory_space<vmem>> -> memref<128x128xi32, #tpu.memory_space<vmem>>
    %dma_wait3A_132 = arith.constant 0 : i32
    %dma_wait3A_133 = arith.constant 0 : i32
    %dma_wait3A_134 = tpu.memref_slice %arg2[%dma_wait3A_132, %dma_wait3A_133] : memref<100000x128xi32, #tpu.memory_space<hbm>> -> memref<100000x128xi32, #tpu.memory_space<hbm>>
    tpu.wait_indirect_dma semaphore(%arg10 : memref<!tpu.dma_semaphore, #tpu.memory_space<semaphore_mem>>) src(%dma_wait3A_134 : memref<100000x128xi32, #tpu.memory_space<hbm>>) dst(%dma_wait3A_131 : memref<128x128xi32, #tpu.memory_space<vmem>>)
    %add3A_135 = arith.constant 640 : i32
    %add3A_136 = arith.addi %mul3A_2, %add3A_135 : i32
    %run_scoped3A_137 = arith.constant 1 : i32
    "tpu.region"() ({
      %run_scoped3A_138 = tpu.sem_alloc : memref<!tpu.dma_semaphore, #tpu.memory_space<semaphore_mem>>
      %dma_start3A_139 = arith.constant 0 : i32
      %dma_start3A_140 = arith.constant 0 : i32
      %dma_start3A_141 = tpu.memref_slice %arg9[%run_scoped3A_137, %dma_start3A_139, %dma_start3A_140] : memref<4x128x128xi32, #tpu.memory_space<vmem>> -> memref<1x128x128xi32, #tpu.memory_space<vmem>>
      %dma_start3A_142 = tpu.memref_squeeze %dma_start3A_141 : memref<1x128x128xi32, #tpu.memory_space<vmem>> -> memref<128x128xi32, #tpu.memory_space<vmem>>
      %dma_start3A_143 = arith.constant 0 : i32
      %dma_start3A_144 = tpu.memref_slice %arg4[%add3A_136, %dma_start3A_143] : memref<24576x128xi32, #tpu.memory_space<hbm>> -> memref<128x128xi32, #tpu.memory_space<hbm>>
      %dma_start3A_145 = arith.constant 0 : i32
      %dma_start3A_146 = tpu.memref_slice %arg4[%add3A_136, %dma_start3A_145] : memref<24576x128xi32, #tpu.memory_space<hbm>> -> memref<128x128xi32, #tpu.memory_space<hbm>>
      %dma_start3A_147 = arith.constant 0 : i32
      %dma_start3A_148 = arith.constant 0 : i32
      %dma_start3A_149 = tpu.memref_slice %arg9[%run_scoped3A_137, %dma_start3A_147, %dma_start3A_148] : memref<4x128x128xi32, #tpu.memory_space<vmem>> -> memref<1x128x128xi32, #tpu.memory_space<vmem>>
      %dma_start3A_150 = tpu.memref_squeeze %dma_start3A_149 : memref<1x128x128xi32, #tpu.memory_space<vmem>> -> memref<128x128xi32, #tpu.memory_space<vmem>>
      tpu.enqueue_dma source(%dma_start3A_150 : memref<128x128xi32, #tpu.memory_space<vmem>>) target(%dma_start3A_146 : memref<128x128xi32, #tpu.memory_space<hbm>>) target_semaphore(%run_scoped3A_138 : memref<!tpu.dma_semaphore, #tpu.memory_space<semaphore_mem>>)
      %dma_wait3A_151 = arith.constant 0 : i32
      %dma_wait3A_152 = arith.constant 0 : i32
      %dma_wait3A_153 = tpu.memref_slice %arg9[%run_scoped3A_137, %dma_wait3A_151, %dma_wait3A_152] : memref<4x128x128xi32, #tpu.memory_space<vmem>> -> memref<1x128x128xi32, #tpu.memory_space<vmem>>
      %dma_wait3A_154 = tpu.memref_squeeze %dma_wait3A_153 : memref<1x128x128xi32, #tpu.memory_space<vmem>> -> memref<128x128xi32, #tpu.memory_space<vmem>>
      %dma_wait3A_155 = arith.constant 0 : i32
      %dma_wait3A_156 = tpu.memref_slice %arg4[%add3A_136, %dma_wait3A_155] : memref<24576x128xi32, #tpu.memory_space<hbm>> -> memref<128x128xi32, #tpu.memory_space<hbm>>
      %dma_wait3A_157 = arith.constant 0 : i32
      %dma_wait3A_158 = tpu.memref_slice %arg4[%add3A_136, %dma_wait3A_157] : memref<24576x128xi32, #tpu.memory_space<hbm>> -> memref<128x128xi32, #tpu.memory_space<hbm>>
      %dma_wait3A_159 = arith.constant 0 : i32
      %dma_wait3A_160 = arith.constant 0 : i32
      %dma_wait3A_161 = tpu.memref_slice %arg9[%run_scoped3A_137, %dma_wait3A_159, %dma_wait3A_160] : memref<4x128x128xi32, #tpu.memory_space<vmem>> -> memref<1x128x128xi32, #tpu.memory_space<vmem>>
      %dma_wait3A_162 = tpu.memref_squeeze %dma_wait3A_161 : memref<1x128x128xi32, #tpu.memory_space<vmem>> -> memref<128x128xi32, #tpu.memory_space<vmem>>
      tpu.wait_dma2 semaphore(%run_scoped3A_138 : memref<!tpu.dma_semaphore, #tpu.memory_space<semaphore_mem>>) src(%dma_wait3A_162 : memref<128x128xi32, #tpu.memory_space<vmem>>) dst(%dma_wait3A_158 : memref<128x128xi32, #tpu.memory_space<hbm>>)
      tpu.yield
    }) : () -> ()
    return
  }
}

#map = affine_map<(d0, d1) -> (0, 0)>
#map1 = affine_map<(d0, d1) -> (0)>
module attributes {stable_mosaic.version = 14 : i64} {
  func.func @gk(%arg0: i32, %arg1: i32, %arg2: memref<100000x128xi32, #tpu.memory_space<hbm>>, %arg3: memref<98304xi32, #tpu.memory_space<hbm>>, %arg4: memref<24576x128xi32, #tpu.memory_space<hbm>>, %arg5: memref<128xi32, #tpu.memory_space<vmem>>, %arg6: memref<128xi32, #tpu.memory_space<vmem>>, %arg7: memref<128xi32, #tpu.memory_space<vmem>>, %arg8: memref<128xi32, #tpu.memory_space<vmem>>, %arg9: memref<4x128x128xi32, #tpu.memory_space<vmem>>, %arg10: memref<!tpu.dma_semaphore, #tpu.memory_space<semaphore_mem>>) attributes {dimension_semantics = [#tpu.dimension_semantics<core_parallel>, #tpu.dimension_semantics<subcore_parallel>], iteration_bounds = array<i64: 2, 16>, scalar_prefetch = 0 : i64, scratch_operands = 6 : i64, tpu.core_type = #tpu.core_type<sc_vector_subcore>, window_params = [{transform_indices = #map}, {transform_indices = #map1}, {transform_indices = #map}]} {
    %mul3A = arith.constant 2 : i32
    %mul3A_0 = arith.muli %arg1, %mul3A : i32
    %add3A = arith.addi %mul3A_0, %arg0 : i32
    %mul3A_1 = arith.constant 768 : i32
    %mul3A_2 = arith.muli %add3A, %mul3A_1 : i32
    %add3A_3 = arith.constant 73728 : i32
    %add3A_4 = arith.addi %add3A_3, %mul3A_2 : i32
    %add3A_5 = arith.constant 0 : i32
    %add3A_6 = arith.addi %add3A_4, %add3A_5 : i32
    "tpu.region"() ({
      %run_scoped3A_138 = tpu.sem_alloc : memref<!tpu.dma_semaphore, #tpu.memory_space<semaphore_mem>>
      %dma_start3A_139 = tpu.memref_slice %arg3[%add3A_6] : memref<98304xi32, #tpu.memory_space<hbm>> -> memref<128xi32, #tpu.memory_space<hbm>>
      %dma_start3A_140 = tpu.memref_slice %arg3[%add3A_6] : memref<98304xi32, #tpu.memory_space<hbm>> -> memref<128xi32, #tpu.memory_space<hbm>>
      tpu.enqueue_dma source(%dma_start3A_140 : memref<128xi32, #tpu.memory_space<hbm>>) target(%arg5 : memref<128xi32, #tpu.memory_space<vmem>>) target_semaphore(%run_scoped3A_138 : memref<!tpu.dma_semaphore, #tpu.memory_space<semaphore_mem>>)
      %dma_wait3A_141 = tpu.memref_slice %arg3[%add3A_6] : memref<98304xi32, #tpu.memory_space<hbm>> -> memref<128xi32, #tpu.memory_space<hbm>>
      %dma_wait3A_142 = tpu.memref_slice %arg3[%add3A_6] : memref<98304xi32, #tpu.memory_space<hbm>> -> memref<128xi32, #tpu.memory_space<hbm>>
      tpu.wait_dma2 semaphore(%run_scoped3A_138 : memref<!tpu.dma_semaphore, #tpu.memory_space<semaphore_mem>>) src(%dma_wait3A_142 : memref<128xi32, #tpu.memory_space<hbm>>) dst(%arg5 : memref<128xi32, #tpu.memory_space<vmem>>)
      tpu.yield
    }) : () -> ()
    %dma_start3A = arith.constant 0 : i32
    %dma_start3A_7 = arith.constant 0 : i32
    %dma_start3A_8 = arith.constant 0 : i32
    %dma_start3A_9 = tpu.memref_slice %arg9[%dma_start3A, %dma_start3A_7, %dma_start3A_8] : memref<4x128x128xi32, #tpu.memory_space<vmem>> -> memref<1x128x128xi32, #tpu.memory_space<vmem>>
    %dma_start3A_10 = tpu.memref_squeeze %dma_start3A_9 : memref<1x128x128xi32, #tpu.memory_space<vmem>> -> memref<128x128xi32, #tpu.memory_space<vmem>>
    %dma_start3A_11 = arith.constant 0 : i32
    %dma_start3A_12 = arith.constant 0 : i32
    %dma_start3A_13 = tpu.memref_slice %arg2[%dma_start3A_11, %dma_start3A_12] : memref<100000x128xi32, #tpu.memory_space<hbm>> -> memref<100000x128xi32, #tpu.memory_space<hbm>>
    tpu.enqueue_indirect_dma source(%dma_start3A_13 : memref<100000x128xi32, #tpu.memory_space<hbm>>) target(%dma_start3A_10 : memref<128x128xi32, #tpu.memory_space<vmem>>) offsets(%arg5 : memref<128xi32, #tpu.memory_space<vmem>>) semaphore(%arg10 : memref<!tpu.dma_semaphore, #tpu.memory_space<semaphore_mem>>)
    %add3A_14 = arith.constant 73728 : i32
    %add3A_15 = arith.addi %add3A_14, %mul3A_2 : i32
    %add3A_16 = arith.constant 128 : i32
    %add3A_17 = arith.addi %add3A_15, %add3A_16 : i32
    "tpu.region"() ({
      %run_scoped3A_138 = tpu.sem_alloc : memref<!tpu.dma_semaphore, #tpu.memory_space<semaphore_mem>>
      %dma_start3A_139 = tpu.memref_slice %arg3[%add3A_17] : memref<98304xi32, #tpu.memory_space<hbm>> -> memref<128xi32, #tpu.memory_space<hbm>>
      %dma_start3A_140 = tpu.memref_slice %arg3[%add3A_17] : memref<98304xi32, #tpu.memory_space<hbm>> -> memref<128xi32, #tpu.memory_space<hbm>>
      tpu.enqueue_dma source(%dma_start3A_140 : memref<128xi32, #tpu.memory_space<hbm>>) target(%arg6 : memref<128xi32, #tpu.memory_space<vmem>>) target_semaphore(%run_scoped3A_138 : memref<!tpu.dma_semaphore, #tpu.memory_space<semaphore_mem>>)
      %dma_wait3A_141 = tpu.memref_slice %arg3[%add3A_17] : memref<98304xi32, #tpu.memory_space<hbm>> -> memref<128xi32, #tpu.memory_space<hbm>>
      %dma_wait3A_142 = tpu.memref_slice %arg3[%add3A_17] : memref<98304xi32, #tpu.memory_space<hbm>> -> memref<128xi32, #tpu.memory_space<hbm>>
      tpu.wait_dma2 semaphore(%run_scoped3A_138 : memref<!tpu.dma_semaphore, #tpu.memory_space<semaphore_mem>>) src(%dma_wait3A_142 : memref<128xi32, #tpu.memory_space<hbm>>) dst(%arg6 : memref<128xi32, #tpu.memory_space<vmem>>)
      tpu.yield
    }) : () -> ()
    %dma_start3A_18 = arith.constant 1 : i32
    %dma_start3A_19 = arith.constant 0 : i32
    %dma_start3A_20 = arith.constant 0 : i32
    %dma_start3A_21 = tpu.memref_slice %arg9[%dma_start3A_18, %dma_start3A_19, %dma_start3A_20] : memref<4x128x128xi32, #tpu.memory_space<vmem>> -> memref<1x128x128xi32, #tpu.memory_space<vmem>>
    %dma_start3A_22 = tpu.memref_squeeze %dma_start3A_21 : memref<1x128x128xi32, #tpu.memory_space<vmem>> -> memref<128x128xi32, #tpu.memory_space<vmem>>
    %dma_start3A_23 = arith.constant 0 : i32
    %dma_start3A_24 = arith.constant 0 : i32
    %dma_start3A_25 = tpu.memref_slice %arg2[%dma_start3A_23, %dma_start3A_24] : memref<100000x128xi32, #tpu.memory_space<hbm>> -> memref<100000x128xi32, #tpu.memory_space<hbm>>
    tpu.enqueue_indirect_dma source(%dma_start3A_25 : memref<100000x128xi32, #tpu.memory_space<hbm>>) target(%dma_start3A_22 : memref<128x128xi32, #tpu.memory_space<vmem>>) offsets(%arg6 : memref<128xi32, #tpu.memory_space<vmem>>) semaphore(%arg10 : memref<!tpu.dma_semaphore, #tpu.memory_space<semaphore_mem>>)
    %add3A_26 = arith.constant 73728 : i32
    %add3A_27 = arith.addi %add3A_26, %mul3A_2 : i32
    %add3A_28 = arith.constant 256 : i32
    %add3A_29 = arith.addi %add3A_27, %add3A_28 : i32
    "tpu.region"() ({
      %run_scoped3A_138 = tpu.sem_alloc : memref<!tpu.dma_semaphore, #tpu.memory_space<semaphore_mem>>
      %dma_start3A_139 = tpu.memref_slice %arg3[%add3A_29] : memref<98304xi32, #tpu.memory_space<hbm>> -> memref<128xi32, #tpu.memory_space<hbm>>
      %dma_start3A_140 = tpu.memref_slice %arg3[%add3A_29] : memref<98304xi32, #tpu.memory_space<hbm>> -> memref<128xi32, #tpu.memory_space<hbm>>
      tpu.enqueue_dma source(%dma_start3A_140 : memref<128xi32, #tpu.memory_space<hbm>>) target(%arg7 : memref<128xi32, #tpu.memory_space<vmem>>) target_semaphore(%run_scoped3A_138 : memref<!tpu.dma_semaphore, #tpu.memory_space<semaphore_mem>>)
      %dma_wait3A_141 = tpu.memref_slice %arg3[%add3A_29] : memref<98304xi32, #tpu.memory_space<hbm>> -> memref<128xi32, #tpu.memory_space<hbm>>
      %dma_wait3A_142 = tpu.memref_slice %arg3[%add3A_29] : memref<98304xi32, #tpu.memory_space<hbm>> -> memref<128xi32, #tpu.memory_space<hbm>>
      tpu.wait_dma2 semaphore(%run_scoped3A_138 : memref<!tpu.dma_semaphore, #tpu.memory_space<semaphore_mem>>) src(%dma_wait3A_142 : memref<128xi32, #tpu.memory_space<hbm>>) dst(%arg7 : memref<128xi32, #tpu.memory_space<vmem>>)
      tpu.yield
    }) : () -> ()
    %dma_start3A_30 = arith.constant 2 : i32
    %dma_start3A_31 = arith.constant 0 : i32
    %dma_start3A_32 = arith.constant 0 : i32
    %dma_start3A_33 = tpu.memref_slice %arg9[%dma_start3A_30, %dma_start3A_31, %dma_start3A_32] : memref<4x128x128xi32, #tpu.memory_space<vmem>> -> memref<1x128x128xi32, #tpu.memory_space<vmem>>
    %dma_start3A_34 = tpu.memref_squeeze %dma_start3A_33 : memref<1x128x128xi32, #tpu.memory_space<vmem>> -> memref<128x128xi32, #tpu.memory_space<vmem>>
    %dma_start3A_35 = arith.constant 0 : i32
    %dma_start3A_36 = arith.constant 0 : i32
    %dma_start3A_37 = tpu.memref_slice %arg2[%dma_start3A_35, %dma_start3A_36] : memref<100000x128xi32, #tpu.memory_space<hbm>> -> memref<100000x128xi32, #tpu.memory_space<hbm>>
    tpu.enqueue_indirect_dma source(%dma_start3A_37 : memref<100000x128xi32, #tpu.memory_space<hbm>>) target(%dma_start3A_34 : memref<128x128xi32, #tpu.memory_space<vmem>>) offsets(%arg7 : memref<128xi32, #tpu.memory_space<vmem>>) semaphore(%arg10 : memref<!tpu.dma_semaphore, #tpu.memory_space<semaphore_mem>>)
    %add3A_38 = arith.constant 73728 : i32
    %add3A_39 = arith.addi %add3A_38, %mul3A_2 : i32
    %add3A_40 = arith.constant 384 : i32
    %add3A_41 = arith.addi %add3A_39, %add3A_40 : i32
    "tpu.region"() ({
      %run_scoped3A_138 = tpu.sem_alloc : memref<!tpu.dma_semaphore, #tpu.memory_space<semaphore_mem>>
      %dma_start3A_139 = tpu.memref_slice %arg3[%add3A_41] : memref<98304xi32, #tpu.memory_space<hbm>> -> memref<128xi32, #tpu.memory_space<hbm>>
      %dma_start3A_140 = tpu.memref_slice %arg3[%add3A_41] : memref<98304xi32, #tpu.memory_space<hbm>> -> memref<128xi32, #tpu.memory_space<hbm>>
      tpu.enqueue_dma source(%dma_start3A_140 : memref<128xi32, #tpu.memory_space<hbm>>) target(%arg8 : memref<128xi32, #tpu.memory_space<vmem>>) target_semaphore(%run_scoped3A_138 : memref<!tpu.dma_semaphore, #tpu.memory_space<semaphore_mem>>)
      %dma_wait3A_141 = tpu.memref_slice %arg3[%add3A_41] : memref<98304xi32, #tpu.memory_space<hbm>> -> memref<128xi32, #tpu.memory_space<hbm>>
      %dma_wait3A_142 = tpu.memref_slice %arg3[%add3A_41] : memref<98304xi32, #tpu.memory_space<hbm>> -> memref<128xi32, #tpu.memory_space<hbm>>
      tpu.wait_dma2 semaphore(%run_scoped3A_138 : memref<!tpu.dma_semaphore, #tpu.memory_space<semaphore_mem>>) src(%dma_wait3A_142 : memref<128xi32, #tpu.memory_space<hbm>>) dst(%arg8 : memref<128xi32, #tpu.memory_space<vmem>>)
      tpu.yield
    }) : () -> ()
    %dma_start3A_42 = arith.constant 3 : i32
    %dma_start3A_43 = arith.constant 0 : i32
    %dma_start3A_44 = arith.constant 0 : i32
    %dma_start3A_45 = tpu.memref_slice %arg9[%dma_start3A_42, %dma_start3A_43, %dma_start3A_44] : memref<4x128x128xi32, #tpu.memory_space<vmem>> -> memref<1x128x128xi32, #tpu.memory_space<vmem>>
    %dma_start3A_46 = tpu.memref_squeeze %dma_start3A_45 : memref<1x128x128xi32, #tpu.memory_space<vmem>> -> memref<128x128xi32, #tpu.memory_space<vmem>>
    %dma_start3A_47 = arith.constant 0 : i32
    %dma_start3A_48 = arith.constant 0 : i32
    %dma_start3A_49 = tpu.memref_slice %arg2[%dma_start3A_47, %dma_start3A_48] : memref<100000x128xi32, #tpu.memory_space<hbm>> -> memref<100000x128xi32, #tpu.memory_space<hbm>>
    tpu.enqueue_indirect_dma source(%dma_start3A_49 : memref<100000x128xi32, #tpu.memory_space<hbm>>) target(%dma_start3A_46 : memref<128x128xi32, #tpu.memory_space<vmem>>) offsets(%arg8 : memref<128xi32, #tpu.memory_space<vmem>>) semaphore(%arg10 : memref<!tpu.dma_semaphore, #tpu.memory_space<semaphore_mem>>)
    %dma_wait3A = arith.constant 0 : i32
    %dma_wait3A_50 = arith.constant 0 : i32
    %dma_wait3A_51 = arith.constant 0 : i32
    %dma_wait3A_52 = tpu.memref_slice %arg9[%dma_wait3A, %dma_wait3A_50, %dma_wait3A_51] : memref<4x128x128xi32, #tpu.memory_space<vmem>> -> memref<1x128x128xi32, #tpu.memory_space<vmem>>
    %dma_wait3A_53 = tpu.memref_squeeze %dma_wait3A_52 : memref<1x128x128xi32, #tpu.memory_space<vmem>> -> memref<128x128xi32, #tpu.memory_space<vmem>>
    %dma_wait3A_54 = arith.constant 0 : i32
    %dma_wait3A_55 = arith.constant 0 : i32
    %dma_wait3A_56 = tpu.memref_slice %arg2[%dma_wait3A_54, %dma_wait3A_55] : memref<100000x128xi32, #tpu.memory_space<hbm>> -> memref<100000x128xi32, #tpu.memory_space<hbm>>
    tpu.wait_indirect_dma semaphore(%arg10 : memref<!tpu.dma_semaphore, #tpu.memory_space<semaphore_mem>>) src(%dma_wait3A_56 : memref<100000x128xi32, #tpu.memory_space<hbm>>) dst(%dma_wait3A_53 : memref<128x128xi32, #tpu.memory_space<vmem>>)
    %add3A_57 = arith.constant 0 : i32
    %add3A_58 = arith.addi %mul3A_2, %add3A_57 : i32
    %run_scoped3A = arith.constant 0 : i32
    "tpu.region"() ({
      %run_scoped3A_138 = tpu.sem_alloc : memref<!tpu.dma_semaphore, #tpu.memory_space<semaphore_mem>>
      %dma_start3A_139 = arith.constant 0 : i32
      %dma_start3A_140 = arith.constant 0 : i32
      %dma_start3A_141 = tpu.memref_slice %arg9[%run_scoped3A, %dma_start3A_139, %dma_start3A_140] : memref<4x128x128xi32, #tpu.memory_space<vmem>> -> memref<1x128x128xi32, #tpu.memory_space<vmem>>
      %dma_start3A_142 = tpu.memref_squeeze %dma_start3A_141 : memref<1x128x128xi32, #tpu.memory_space<vmem>> -> memref<128x128xi32, #tpu.memory_space<vmem>>
      %dma_start3A_143 = arith.constant 0 : i32
      %dma_start3A_144 = tpu.memref_slice %arg4[%add3A_58, %dma_start3A_143] : memref<24576x128xi32, #tpu.memory_space<hbm>> -> memref<128x128xi32, #tpu.memory_space<hbm>>
      %dma_start3A_145 = arith.constant 0 : i32
      %dma_start3A_146 = tpu.memref_slice %arg4[%add3A_58, %dma_start3A_145] : memref<24576x128xi32, #tpu.memory_space<hbm>> -> memref<128x128xi32, #tpu.memory_space<hbm>>
      %dma_start3A_147 = arith.constant 0 : i32
      %dma_start3A_148 = arith.constant 0 : i32
      %dma_start3A_149 = tpu.memref_slice %arg9[%run_scoped3A, %dma_start3A_147, %dma_start3A_148] : memref<4x128x128xi32, #tpu.memory_space<vmem>> -> memref<1x128x128xi32, #tpu.memory_space<vmem>>
      %dma_start3A_150 = tpu.memref_squeeze %dma_start3A_149 : memref<1x128x128xi32, #tpu.memory_space<vmem>> -> memref<128x128xi32, #tpu.memory_space<vmem>>
      tpu.enqueue_dma source(%dma_start3A_150 : memref<128x128xi32, #tpu.memory_space<vmem>>) target(%dma_start3A_146 : memref<128x128xi32, #tpu.memory_space<hbm>>) target_semaphore(%run_scoped3A_138 : memref<!tpu.dma_semaphore, #tpu.memory_space<semaphore_mem>>)
      %dma_wait3A_151 = arith.constant 0 : i32
      %dma_wait3A_152 = arith.constant 0 : i32
      %dma_wait3A_153 = tpu.memref_slice %arg9[%run_scoped3A, %dma_wait3A_151, %dma_wait3A_152] : memref<4x128x128xi32, #tpu.memory_space<vmem>> -> memref<1x128x128xi32, #tpu.memory_space<vmem>>
      %dma_wait3A_154 = tpu.memref_squeeze %dma_wait3A_153 : memref<1x128x128xi32, #tpu.memory_space<vmem>> -> memref<128x128xi32, #tpu.memory_space<vmem>>
      %dma_wait3A_155 = arith.constant 0 : i32
      %dma_wait3A_156 = tpu.memref_slice %arg4[%add3A_58, %dma_wait3A_155] : memref<24576x128xi32, #tpu.memory_space<hbm>> -> memref<128x128xi32, #tpu.memory_space<hbm>>
      %dma_wait3A_157 = arith.constant 0 : i32
      %dma_wait3A_158 = tpu.memref_slice %arg4[%add3A_58, %dma_wait3A_157] : memref<24576x128xi32, #tpu.memory_space<hbm>> -> memref<128x128xi32, #tpu.memory_space<hbm>>
      %dma_wait3A_159 = arith.constant 0 : i32
      %dma_wait3A_160 = arith.constant 0 : i32
      %dma_wait3A_161 = tpu.memref_slice %arg9[%run_scoped3A, %dma_wait3A_159, %dma_wait3A_160] : memref<4x128x128xi32, #tpu.memory_space<vmem>> -> memref<1x128x128xi32, #tpu.memory_space<vmem>>
      %dma_wait3A_162 = tpu.memref_squeeze %dma_wait3A_161 : memref<1x128x128xi32, #tpu.memory_space<vmem>> -> memref<128x128xi32, #tpu.memory_space<vmem>>
      tpu.wait_dma2 semaphore(%run_scoped3A_138 : memref<!tpu.dma_semaphore, #tpu.memory_space<semaphore_mem>>) src(%dma_wait3A_162 : memref<128x128xi32, #tpu.memory_space<vmem>>) dst(%dma_wait3A_158 : memref<128x128xi32, #tpu.memory_space<hbm>>)
      tpu.yield
    }) : () -> ()
    %add3A_59 = arith.constant 73728 : i32
    %add3A_60 = arith.addi %add3A_59, %mul3A_2 : i32
    %add3A_61 = arith.constant 512 : i32
    %add3A_62 = arith.addi %add3A_60, %add3A_61 : i32
    "tpu.region"() ({
      %run_scoped3A_138 = tpu.sem_alloc : memref<!tpu.dma_semaphore, #tpu.memory_space<semaphore_mem>>
      %dma_start3A_139 = tpu.memref_slice %arg3[%add3A_62] : memref<98304xi32, #tpu.memory_space<hbm>> -> memref<128xi32, #tpu.memory_space<hbm>>
      %dma_start3A_140 = tpu.memref_slice %arg3[%add3A_62] : memref<98304xi32, #tpu.memory_space<hbm>> -> memref<128xi32, #tpu.memory_space<hbm>>
      tpu.enqueue_dma source(%dma_start3A_140 : memref<128xi32, #tpu.memory_space<hbm>>) target(%arg5 : memref<128xi32, #tpu.memory_space<vmem>>) target_semaphore(%run_scoped3A_138 : memref<!tpu.dma_semaphore, #tpu.memory_space<semaphore_mem>>)
      %dma_wait3A_141 = tpu.memref_slice %arg3[%add3A_62] : memref<98304xi32, #tpu.memory_space<hbm>> -> memref<128xi32, #tpu.memory_space<hbm>>
      %dma_wait3A_142 = tpu.memref_slice %arg3[%add3A_62] : memref<98304xi32, #tpu.memory_space<hbm>> -> memref<128xi32, #tpu.memory_space<hbm>>
      tpu.wait_dma2 semaphore(%run_scoped3A_138 : memref<!tpu.dma_semaphore, #tpu.memory_space<semaphore_mem>>) src(%dma_wait3A_142 : memref<128xi32, #tpu.memory_space<hbm>>) dst(%arg5 : memref<128xi32, #tpu.memory_space<vmem>>)
      tpu.yield
    }) : () -> ()
    %dma_start3A_63 = arith.constant 0 : i32
    %dma_start3A_64 = arith.constant 0 : i32
    %dma_start3A_65 = arith.constant 0 : i32
    %dma_start3A_66 = tpu.memref_slice %arg9[%dma_start3A_63, %dma_start3A_64, %dma_start3A_65] : memref<4x128x128xi32, #tpu.memory_space<vmem>> -> memref<1x128x128xi32, #tpu.memory_space<vmem>>
    %dma_start3A_67 = tpu.memref_squeeze %dma_start3A_66 : memref<1x128x128xi32, #tpu.memory_space<vmem>> -> memref<128x128xi32, #tpu.memory_space<vmem>>
    %dma_start3A_68 = arith.constant 0 : i32
    %dma_start3A_69 = arith.constant 0 : i32
    %dma_start3A_70 = tpu.memref_slice %arg2[%dma_start3A_68, %dma_start3A_69] : memref<100000x128xi32, #tpu.memory_space<hbm>> -> memref<100000x128xi32, #tpu.memory_space<hbm>>
    tpu.enqueue_indirect_dma source(%dma_start3A_70 : memref<100000x128xi32, #tpu.memory_space<hbm>>) target(%dma_start3A_67 : memref<128x128xi32, #tpu.memory_space<vmem>>) offsets(%arg5 : memref<128xi32, #tpu.memory_space<vmem>>) semaphore(%arg10 : memref<!tpu.dma_semaphore, #tpu.memory_space<semaphore_mem>>)
    %dma_wait3A_71 = arith.constant 1 : i32
    %dma_wait3A_72 = arith.constant 0 : i32
    %dma_wait3A_73 = arith.constant 0 : i32
    %dma_wait3A_74 = tpu.memref_slice %arg9[%dma_wait3A_71, %dma_wait3A_72, %dma_wait3A_73] : memref<4x128x128xi32, #tpu.memory_space<vmem>> -> memref<1x128x128xi32, #tpu.memory_space<vmem>>
    %dma_wait3A_75 = tpu.memref_squeeze %dma_wait3A_74 : memref<1x128x128xi32, #tpu.memory_space<vmem>> -> memref<128x128xi32, #tpu.memory_space<vmem>>
    %dma_wait3A_76 = arith.constant 0 : i32
    %dma_wait3A_77 = arith.constant 0 : i32
    %dma_wait3A_78 = tpu.memref_slice %arg2[%dma_wait3A_76, %dma_wait3A_77] : memref<100000x128xi32, #tpu.memory_space<hbm>> -> memref<100000x128xi32, #tpu.memory_space<hbm>>
    tpu.wait_indirect_dma semaphore(%arg10 : memref<!tpu.dma_semaphore, #tpu.memory_space<semaphore_mem>>) src(%dma_wait3A_78 : memref<100000x128xi32, #tpu.memory_space<hbm>>) dst(%dma_wait3A_75 : memref<128x128xi32, #tpu.memory_space<vmem>>)
    %add3A_79 = arith.constant 128 : i32
    %add3A_80 = arith.addi %mul3A_2, %add3A_79 : i32
    %run_scoped3A_81 = arith.constant 1 : i32
    "tpu.region"() ({
      %run_scoped3A_138 = tpu.sem_alloc : memref<!tpu.dma_semaphore, #tpu.memory_space<semaphore_mem>>
      %dma_start3A_139 = arith.constant 0 : i32
      %dma_start3A_140 = arith.constant 0 : i32
      %dma_start3A_141 = tpu.memref_slice %arg9[%run_scoped3A_81, %dma_start3A_139, %dma_start3A_140] : memref<4x128x128xi32, #tpu.memory_space<vmem>> -> memref<1x128x128xi32, #tpu.memory_space<vmem>>
      %dma_start3A_142 = tpu.memref_squeeze %dma_start3A_141 : memref<1x128x128xi32, #tpu.memory_space<vmem>> -> memref<128x128xi32, #tpu.memory_space<vmem>>
      %dma_start3A_143 = arith.constant 0 : i32
      %dma_start3A_144 = tpu.memref_slice %arg4[%add3A_80, %dma_start3A_143] : memref<24576x128xi32, #tpu.memory_space<hbm>> -> memref<128x128xi32, #tpu.memory_space<hbm>>
      %dma_start3A_145 = arith.constant 0 : i32
      %dma_start3A_146 = tpu.memref_slice %arg4[%add3A_80, %dma_start3A_145] : memref<24576x128xi32, #tpu.memory_space<hbm>> -> memref<128x128xi32, #tpu.memory_space<hbm>>
      %dma_start3A_147 = arith.constant 0 : i32
      %dma_start3A_148 = arith.constant 0 : i32
      %dma_start3A_149 = tpu.memref_slice %arg9[%run_scoped3A_81, %dma_start3A_147, %dma_start3A_148] : memref<4x128x128xi32, #tpu.memory_space<vmem>> -> memref<1x128x128xi32, #tpu.memory_space<vmem>>
      %dma_start3A_150 = tpu.memref_squeeze %dma_start3A_149 : memref<1x128x128xi32, #tpu.memory_space<vmem>> -> memref<128x128xi32, #tpu.memory_space<vmem>>
      tpu.enqueue_dma source(%dma_start3A_150 : memref<128x128xi32, #tpu.memory_space<vmem>>) target(%dma_start3A_146 : memref<128x128xi32, #tpu.memory_space<hbm>>) target_semaphore(%run_scoped3A_138 : memref<!tpu.dma_semaphore, #tpu.memory_space<semaphore_mem>>)
      %dma_wait3A_151 = arith.constant 0 : i32
      %dma_wait3A_152 = arith.constant 0 : i32
      %dma_wait3A_153 = tpu.memref_slice %arg9[%run_scoped3A_81, %dma_wait3A_151, %dma_wait3A_152] : memref<4x128x128xi32, #tpu.memory_space<vmem>> -> memref<1x128x128xi32, #tpu.memory_space<vmem>>
      %dma_wait3A_154 = tpu.memref_squeeze %dma_wait3A_153 : memref<1x128x128xi32, #tpu.memory_space<vmem>> -> memref<128x128xi32, #tpu.memory_space<vmem>>
      %dma_wait3A_155 = arith.constant 0 : i32
      %dma_wait3A_156 = tpu.memref_slice %arg4[%add3A_80, %dma_wait3A_155] : memref<24576x128xi32, #tpu.memory_space<hbm>> -> memref<128x128xi32, #tpu.memory_space<hbm>>
      %dma_wait3A_157 = arith.constant 0 : i32
      %dma_wait3A_158 = tpu.memref_slice %arg4[%add3A_80, %dma_wait3A_157] : memref<24576x128xi32, #tpu.memory_space<hbm>> -> memref<128x128xi32, #tpu.memory_space<hbm>>
      %dma_wait3A_159 = arith.constant 0 : i32
      %dma_wait3A_160 = arith.constant 0 : i32
      %dma_wait3A_161 = tpu.memref_slice %arg9[%run_scoped3A_81, %dma_wait3A_159, %dma_wait3A_160] : memref<4x128x128xi32, #tpu.memory_space<vmem>> -> memref<1x128x128xi32, #tpu.memory_space<vmem>>
      %dma_wait3A_162 = tpu.memref_squeeze %dma_wait3A_161 : memref<1x128x128xi32, #tpu.memory_space<vmem>> -> memref<128x128xi32, #tpu.memory_space<vmem>>
      tpu.wait_dma2 semaphore(%run_scoped3A_138 : memref<!tpu.dma_semaphore, #tpu.memory_space<semaphore_mem>>) src(%dma_wait3A_162 : memref<128x128xi32, #tpu.memory_space<vmem>>) dst(%dma_wait3A_158 : memref<128x128xi32, #tpu.memory_space<hbm>>)
      tpu.yield
    }) : () -> ()
    %add3A_82 = arith.constant 73728 : i32
    %add3A_83 = arith.addi %add3A_82, %mul3A_2 : i32
    %add3A_84 = arith.constant 640 : i32
    %add3A_85 = arith.addi %add3A_83, %add3A_84 : i32
    "tpu.region"() ({
      %run_scoped3A_138 = tpu.sem_alloc : memref<!tpu.dma_semaphore, #tpu.memory_space<semaphore_mem>>
      %dma_start3A_139 = tpu.memref_slice %arg3[%add3A_85] : memref<98304xi32, #tpu.memory_space<hbm>> -> memref<128xi32, #tpu.memory_space<hbm>>
      %dma_start3A_140 = tpu.memref_slice %arg3[%add3A_85] : memref<98304xi32, #tpu.memory_space<hbm>> -> memref<128xi32, #tpu.memory_space<hbm>>
      tpu.enqueue_dma source(%dma_start3A_140 : memref<128xi32, #tpu.memory_space<hbm>>) target(%arg6 : memref<128xi32, #tpu.memory_space<vmem>>) target_semaphore(%run_scoped3A_138 : memref<!tpu.dma_semaphore, #tpu.memory_space<semaphore_mem>>)
      %dma_wait3A_141 = tpu.memref_slice %arg3[%add3A_85] : memref<98304xi32, #tpu.memory_space<hbm>> -> memref<128xi32, #tpu.memory_space<hbm>>
      %dma_wait3A_142 = tpu.memref_slice %arg3[%add3A_85] : memref<98304xi32, #tpu.memory_space<hbm>> -> memref<128xi32, #tpu.memory_space<hbm>>
      tpu.wait_dma2 semaphore(%run_scoped3A_138 : memref<!tpu.dma_semaphore, #tpu.memory_space<semaphore_mem>>) src(%dma_wait3A_142 : memref<128xi32, #tpu.memory_space<hbm>>) dst(%arg6 : memref<128xi32, #tpu.memory_space<vmem>>)
      tpu.yield
    }) : () -> ()
    %dma_start3A_86 = arith.constant 1 : i32
    %dma_start3A_87 = arith.constant 0 : i32
    %dma_start3A_88 = arith.constant 0 : i32
    %dma_start3A_89 = tpu.memref_slice %arg9[%dma_start3A_86, %dma_start3A_87, %dma_start3A_88] : memref<4x128x128xi32, #tpu.memory_space<vmem>> -> memref<1x128x128xi32, #tpu.memory_space<vmem>>
    %dma_start3A_90 = tpu.memref_squeeze %dma_start3A_89 : memref<1x128x128xi32, #tpu.memory_space<vmem>> -> memref<128x128xi32, #tpu.memory_space<vmem>>
    %dma_start3A_91 = arith.constant 0 : i32
    %dma_start3A_92 = arith.constant 0 : i32
    %dma_start3A_93 = tpu.memref_slice %arg2[%dma_start3A_91, %dma_start3A_92] : memref<100000x128xi32, #tpu.memory_space<hbm>> -> memref<100000x128xi32, #tpu.memory_space<hbm>>
    tpu.enqueue_indirect_dma source(%dma_start3A_93 : memref<100000x128xi32, #tpu.memory_space<hbm>>) target(%dma_start3A_90 : memref<128x128xi32, #tpu.memory_space<vmem>>) offsets(%arg6 : memref<128xi32, #tpu.memory_space<vmem>>) semaphore(%arg10 : memref<!tpu.dma_semaphore, #tpu.memory_space<semaphore_mem>>)
    %dma_wait3A_94 = arith.constant 2 : i32
    %dma_wait3A_95 = arith.constant 0 : i32
    %dma_wait3A_96 = arith.constant 0 : i32
    %dma_wait3A_97 = tpu.memref_slice %arg9[%dma_wait3A_94, %dma_wait3A_95, %dma_wait3A_96] : memref<4x128x128xi32, #tpu.memory_space<vmem>> -> memref<1x128x128xi32, #tpu.memory_space<vmem>>
    %dma_wait3A_98 = tpu.memref_squeeze %dma_wait3A_97 : memref<1x128x128xi32, #tpu.memory_space<vmem>> -> memref<128x128xi32, #tpu.memory_space<vmem>>
    %dma_wait3A_99 = arith.constant 0 : i32
    %dma_wait3A_100 = arith.constant 0 : i32
    %dma_wait3A_101 = tpu.memref_slice %arg2[%dma_wait3A_99, %dma_wait3A_100] : memref<100000x128xi32, #tpu.memory_space<hbm>> -> memref<100000x128xi32, #tpu.memory_space<hbm>>
    tpu.wait_indirect_dma semaphore(%arg10 : memref<!tpu.dma_semaphore, #tpu.memory_space<semaphore_mem>>) src(%dma_wait3A_101 : memref<100000x128xi32, #tpu.memory_space<hbm>>) dst(%dma_wait3A_98 : memref<128x128xi32, #tpu.memory_space<vmem>>)
    %add3A_102 = arith.constant 256 : i32
    %add3A_103 = arith.addi %mul3A_2, %add3A_102 : i32
    %run_scoped3A_104 = arith.constant 2 : i32
    "tpu.region"() ({
      %run_scoped3A_138 = tpu.sem_alloc : memref<!tpu.dma_semaphore, #tpu.memory_space<semaphore_mem>>
      %dma_start3A_139 = arith.constant 0 : i32
      %dma_start3A_140 = arith.constant 0 : i32
      %dma_start3A_141 = tpu.memref_slice %arg9[%run_scoped3A_104, %dma_start3A_139, %dma_start3A_140] : memref<4x128x128xi32, #tpu.memory_space<vmem>> -> memref<1x128x128xi32, #tpu.memory_space<vmem>>
      %dma_start3A_142 = tpu.memref_squeeze %dma_start3A_141 : memref<1x128x128xi32, #tpu.memory_space<vmem>> -> memref<128x128xi32, #tpu.memory_space<vmem>>
      %dma_start3A_143 = arith.constant 0 : i32
      %dma_start3A_144 = tpu.memref_slice %arg4[%add3A_103, %dma_start3A_143] : memref<24576x128xi32, #tpu.memory_space<hbm>> -> memref<128x128xi32, #tpu.memory_space<hbm>>
      %dma_start3A_145 = arith.constant 0 : i32
      %dma_start3A_146 = tpu.memref_slice %arg4[%add3A_103, %dma_start3A_145] : memref<24576x128xi32, #tpu.memory_space<hbm>> -> memref<128x128xi32, #tpu.memory_space<hbm>>
      %dma_start3A_147 = arith.constant 0 : i32
      %dma_start3A_148 = arith.constant 0 : i32
      %dma_start3A_149 = tpu.memref_slice %arg9[%run_scoped3A_104, %dma_start3A_147, %dma_start3A_148] : memref<4x128x128xi32, #tpu.memory_space<vmem>> -> memref<1x128x128xi32, #tpu.memory_space<vmem>>
      %dma_start3A_150 = tpu.memref_squeeze %dma_start3A_149 : memref<1x128x128xi32, #tpu.memory_space<vmem>> -> memref<128x128xi32, #tpu.memory_space<vmem>>
      tpu.enqueue_dma source(%dma_start3A_150 : memref<128x128xi32, #tpu.memory_space<vmem>>) target(%dma_start3A_146 : memref<128x128xi32, #tpu.memory_space<hbm>>) target_semaphore(%run_scoped3A_138 : memref<!tpu.dma_semaphore, #tpu.memory_space<semaphore_mem>>)
      %dma_wait3A_151 = arith.constant 0 : i32
      %dma_wait3A_152 = arith.constant 0 : i32
      %dma_wait3A_153 = tpu.memref_slice %arg9[%run_scoped3A_104, %dma_wait3A_151, %dma_wait3A_152] : memref<4x128x128xi32, #tpu.memory_space<vmem>> -> memref<1x128x128xi32, #tpu.memory_space<vmem>>
      %dma_wait3A_154 = tpu.memref_squeeze %dma_wait3A_153 : memref<1x128x128xi32, #tpu.memory_space<vmem>> -> memref<128x128xi32, #tpu.memory_space<vmem>>
      %dma_wait3A_155 = arith.constant 0 : i32
      %dma_wait3A_156 = tpu.memref_slice %arg4[%add3A_103, %dma_wait3A_155] : memref<24576x128xi32, #tpu.memory_space<hbm>> -> memref<128x128xi32, #tpu.memory_space<hbm>>
      %dma_wait3A_157 = arith.constant 0 : i32
      %dma_wait3A_158 = tpu.memref_slice %arg4[%add3A_103, %dma_wait3A_157] : memref<24576x128xi32, #tpu.memory_space<hbm>> -> memref<128x128xi32, #tpu.memory_space<hbm>>
      %dma_wait3A_159 = arith.constant 0 : i32
      %dma_wait3A_160 = arith.constant 0 : i32
      %dma_wait3A_161 = tpu.memref_slice %arg9[%run_scoped3A_104, %dma_wait3A_159, %dma_wait3A_160] : memref<4x128x128xi32, #tpu.memory_space<vmem>> -> memref<1x128x128xi32, #tpu.memory_space<vmem>>
      %dma_wait3A_162 = tpu.memref_squeeze %dma_wait3A_161 : memref<1x128x128xi32, #tpu.memory_space<vmem>> -> memref<128x128xi32, #tpu.memory_space<vmem>>
      tpu.wait_dma2 semaphore(%run_scoped3A_138 : memref<!tpu.dma_semaphore, #tpu.memory_space<semaphore_mem>>) src(%dma_wait3A_162 : memref<128x128xi32, #tpu.memory_space<vmem>>) dst(%dma_wait3A_158 : memref<128x128xi32, #tpu.memory_space<hbm>>)
      tpu.yield
    }) : () -> ()
    %dma_wait3A_105 = arith.constant 3 : i32
    %dma_wait3A_106 = arith.constant 0 : i32
    %dma_wait3A_107 = arith.constant 0 : i32
    %dma_wait3A_108 = tpu.memref_slice %arg9[%dma_wait3A_105, %dma_wait3A_106, %dma_wait3A_107] : memref<4x128x128xi32, #tpu.memory_space<vmem>> -> memref<1x128x128xi32, #tpu.memory_space<vmem>>
    %dma_wait3A_109 = tpu.memref_squeeze %dma_wait3A_108 : memref<1x128x128xi32, #tpu.memory_space<vmem>> -> memref<128x128xi32, #tpu.memory_space<vmem>>
    %dma_wait3A_110 = arith.constant 0 : i32
    %dma_wait3A_111 = arith.constant 0 : i32
    %dma_wait3A_112 = tpu.memref_slice %arg2[%dma_wait3A_110, %dma_wait3A_111] : memref<100000x128xi32, #tpu.memory_space<hbm>> -> memref<100000x128xi32, #tpu.memory_space<hbm>>
    tpu.wait_indirect_dma semaphore(%arg10 : memref<!tpu.dma_semaphore, #tpu.memory_space<semaphore_mem>>) src(%dma_wait3A_112 : memref<100000x128xi32, #tpu.memory_space<hbm>>) dst(%dma_wait3A_109 : memref<128x128xi32, #tpu.memory_space<vmem>>)
    %add3A_113 = arith.constant 384 : i32
    %add3A_114 = arith.addi %mul3A_2, %add3A_113 : i32
    %run_scoped3A_115 = arith.constant 3 : i32
    "tpu.region"() ({
      %run_scoped3A_138 = tpu.sem_alloc : memref<!tpu.dma_semaphore, #tpu.memory_space<semaphore_mem>>
      %dma_start3A_139 = arith.constant 0 : i32
      %dma_start3A_140 = arith.constant 0 : i32
      %dma_start3A_141 = tpu.memref_slice %arg9[%run_scoped3A_115, %dma_start3A_139, %dma_start3A_140] : memref<4x128x128xi32, #tpu.memory_space<vmem>> -> memref<1x128x128xi32, #tpu.memory_space<vmem>>
      %dma_start3A_142 = tpu.memref_squeeze %dma_start3A_141 : memref<1x128x128xi32, #tpu.memory_space<vmem>> -> memref<128x128xi32, #tpu.memory_space<vmem>>
      %dma_start3A_143 = arith.constant 0 : i32
      %dma_start3A_144 = tpu.memref_slice %arg4[%add3A_114, %dma_start3A_143] : memref<24576x128xi32, #tpu.memory_space<hbm>> -> memref<128x128xi32, #tpu.memory_space<hbm>>
      %dma_start3A_145 = arith.constant 0 : i32
      %dma_start3A_146 = tpu.memref_slice %arg4[%add3A_114, %dma_start3A_145] : memref<24576x128xi32, #tpu.memory_space<hbm>> -> memref<128x128xi32, #tpu.memory_space<hbm>>
      %dma_start3A_147 = arith.constant 0 : i32
      %dma_start3A_148 = arith.constant 0 : i32
      %dma_start3A_149 = tpu.memref_slice %arg9[%run_scoped3A_115, %dma_start3A_147, %dma_start3A_148] : memref<4x128x128xi32, #tpu.memory_space<vmem>> -> memref<1x128x128xi32, #tpu.memory_space<vmem>>
      %dma_start3A_150 = tpu.memref_squeeze %dma_start3A_149 : memref<1x128x128xi32, #tpu.memory_space<vmem>> -> memref<128x128xi32, #tpu.memory_space<vmem>>
      tpu.enqueue_dma source(%dma_start3A_150 : memref<128x128xi32, #tpu.memory_space<vmem>>) target(%dma_start3A_146 : memref<128x128xi32, #tpu.memory_space<hbm>>) target_semaphore(%run_scoped3A_138 : memref<!tpu.dma_semaphore, #tpu.memory_space<semaphore_mem>>)
      %dma_wait3A_151 = arith.constant 0 : i32
      %dma_wait3A_152 = arith.constant 0 : i32
      %dma_wait3A_153 = tpu.memref_slice %arg9[%run_scoped3A_115, %dma_wait3A_151, %dma_wait3A_152] : memref<4x128x128xi32, #tpu.memory_space<vmem>> -> memref<1x128x128xi32, #tpu.memory_space<vmem>>
      %dma_wait3A_154 = tpu.memref_squeeze %dma_wait3A_153 : memref<1x128x128xi32, #tpu.memory_space<vmem>> -> memref<128x128xi32, #tpu.memory_space<vmem>>
      %dma_wait3A_155 = arith.constant 0 : i32
      %dma_wait3A_156 = tpu.memref_slice %arg4[%add3A_114, %dma_wait3A_155] : memref<24576x128xi32, #tpu.memory_space<hbm>> -> memref<128x128xi32, #tpu.memory_space<hbm>>
      %dma_wait3A_157 = arith.constant 0 : i32
      %dma_wait3A_158 = tpu.memref_slice %arg4[%add3A_114, %dma_wait3A_157] : memref<24576x128xi32, #tpu.memory_space<hbm>> -> memref<128x128xi32, #tpu.memory_space<hbm>>
      %dma_wait3A_159 = arith.constant 0 : i32
      %dma_wait3A_160 = arith.constant 0 : i32
      %dma_wait3A_161 = tpu.memref_slice %arg9[%run_scoped3A_115, %dma_wait3A_159, %dma_wait3A_160] : memref<4x128x128xi32, #tpu.memory_space<vmem>> -> memref<1x128x128xi32, #tpu.memory_space<vmem>>
      %dma_wait3A_162 = tpu.memref_squeeze %dma_wait3A_161 : memref<1x128x128xi32, #tpu.memory_space<vmem>> -> memref<128x128xi32, #tpu.memory_space<vmem>>
      tpu.wait_dma2 semaphore(%run_scoped3A_138 : memref<!tpu.dma_semaphore, #tpu.memory_space<semaphore_mem>>) src(%dma_wait3A_162 : memref<128x128xi32, #tpu.memory_space<vmem>>) dst(%dma_wait3A_158 : memref<128x128xi32, #tpu.memory_space<hbm>>)
      tpu.yield
    }) : () -> ()
    %dma_wait3A_116 = arith.constant 0 : i32
    %dma_wait3A_117 = arith.constant 0 : i32
    %dma_wait3A_118 = arith.constant 0 : i32
    %dma_wait3A_119 = tpu.memref_slice %arg9[%dma_wait3A_116, %dma_wait3A_117, %dma_wait3A_118] : memref<4x128x128xi32, #tpu.memory_space<vmem>> -> memref<1x128x128xi32, #tpu.memory_space<vmem>>
    %dma_wait3A_120 = tpu.memref_squeeze %dma_wait3A_119 : memref<1x128x128xi32, #tpu.memory_space<vmem>> -> memref<128x128xi32, #tpu.memory_space<vmem>>
    %dma_wait3A_121 = arith.constant 0 : i32
    %dma_wait3A_122 = arith.constant 0 : i32
    %dma_wait3A_123 = tpu.memref_slice %arg2[%dma_wait3A_121, %dma_wait3A_122] : memref<100000x128xi32, #tpu.memory_space<hbm>> -> memref<100000x128xi32, #tpu.memory_space<hbm>>
    tpu.wait_indirect_dma semaphore(%arg10 : memref<!tpu.dma_semaphore, #tpu.memory_space<semaphore_mem>>) src(%dma_wait3A_123 : memref<100000x128xi32, #tpu.memory_space<hbm>>) dst(%dma_wait3A_120 : memref<128x128xi32, #tpu.memory_space<vmem>>)
    %add3A_124 = arith.constant 512 : i32
    %add3A_125 = arith.addi %mul3A_2, %add3A_124 : i32
    %run_scoped3A_126 = arith.constant 0 : i32
    "tpu.region"() ({
      %run_scoped3A_138 = tpu.sem_alloc : memref<!tpu.dma_semaphore, #tpu.memory_space<semaphore_mem>>
      %dma_start3A_139 = arith.constant 0 : i32
      %dma_start3A_140 = arith.constant 0 : i32
      %dma_start3A_141 = tpu.memref_slice %arg9[%run_scoped3A_126, %dma_start3A_139, %dma_start3A_140] : memref<4x128x128xi32, #tpu.memory_space<vmem>> -> memref<1x128x128xi32, #tpu.memory_space<vmem>>
      %dma_start3A_142 = tpu.memref_squeeze %dma_start3A_141 : memref<1x128x128xi32, #tpu.memory_space<vmem>> -> memref<128x128xi32, #tpu.memory_space<vmem>>
      %dma_start3A_143 = arith.constant 0 : i32
      %dma_start3A_144 = tpu.memref_slice %arg4[%add3A_125, %dma_start3A_143] : memref<24576x128xi32, #tpu.memory_space<hbm>> -> memref<128x128xi32, #tpu.memory_space<hbm>>
      %dma_start3A_145 = arith.constant 0 : i32
      %dma_start3A_146 = tpu.memref_slice %arg4[%add3A_125, %dma_start3A_145] : memref<24576x128xi32, #tpu.memory_space<hbm>> -> memref<128x128xi32, #tpu.memory_space<hbm>>
      %dma_start3A_147 = arith.constant 0 : i32
      %dma_start3A_148 = arith.constant 0 : i32
      %dma_start3A_149 = tpu.memref_slice %arg9[%run_scoped3A_126, %dma_start3A_147, %dma_start3A_148] : memref<4x128x128xi32, #tpu.memory_space<vmem>> -> memref<1x128x128xi32, #tpu.memory_space<vmem>>
      %dma_start3A_150 = tpu.memref_squeeze %dma_start3A_149 : memref<1x128x128xi32, #tpu.memory_space<vmem>> -> memref<128x128xi32, #tpu.memory_space<vmem>>
      tpu.enqueue_dma source(%dma_start3A_150 : memref<128x128xi32, #tpu.memory_space<vmem>>) target(%dma_start3A_146 : memref<128x128xi32, #tpu.memory_space<hbm>>) target_semaphore(%run_scoped3A_138 : memref<!tpu.dma_semaphore, #tpu.memory_space<semaphore_mem>>)
      %dma_wait3A_151 = arith.constant 0 : i32
      %dma_wait3A_152 = arith.constant 0 : i32
      %dma_wait3A_153 = tpu.memref_slice %arg9[%run_scoped3A_126, %dma_wait3A_151, %dma_wait3A_152] : memref<4x128x128xi32, #tpu.memory_space<vmem>> -> memref<1x128x128xi32, #tpu.memory_space<vmem>>
      %dma_wait3A_154 = tpu.memref_squeeze %dma_wait3A_153 : memref<1x128x128xi32, #tpu.memory_space<vmem>> -> memref<128x128xi32, #tpu.memory_space<vmem>>
      %dma_wait3A_155 = arith.constant 0 : i32
      %dma_wait3A_156 = tpu.memref_slice %arg4[%add3A_125, %dma_wait3A_155] : memref<24576x128xi32, #tpu.memory_space<hbm>> -> memref<128x128xi32, #tpu.memory_space<hbm>>
      %dma_wait3A_157 = arith.constant 0 : i32
      %dma_wait3A_158 = tpu.memref_slice %arg4[%add3A_125, %dma_wait3A_157] : memref<24576x128xi32, #tpu.memory_space<hbm>> -> memref<128x128xi32, #tpu.memory_space<hbm>>
      %dma_wait3A_159 = arith.constant 0 : i32
      %dma_wait3A_160 = arith.constant 0 : i32
      %dma_wait3A_161 = tpu.memref_slice %arg9[%run_scoped3A_126, %dma_wait3A_159, %dma_wait3A_160] : memref<4x128x128xi32, #tpu.memory_space<vmem>> -> memref<1x128x128xi32, #tpu.memory_space<vmem>>
      %dma_wait3A_162 = tpu.memref_squeeze %dma_wait3A_161 : memref<1x128x128xi32, #tpu.memory_space<vmem>> -> memref<128x128xi32, #tpu.memory_space<vmem>>
      tpu.wait_dma2 semaphore(%run_scoped3A_138 : memref<!tpu.dma_semaphore, #tpu.memory_space<semaphore_mem>>) src(%dma_wait3A_162 : memref<128x128xi32, #tpu.memory_space<vmem>>) dst(%dma_wait3A_158 : memref<128x128xi32, #tpu.memory_space<hbm>>)
      tpu.yield
    }) : () -> ()
    %dma_wait3A_127 = arith.constant 1 : i32
    %dma_wait3A_128 = arith.constant 0 : i32
    %dma_wait3A_129 = arith.constant 0 : i32
    %dma_wait3A_130 = tpu.memref_slice %arg9[%dma_wait3A_127, %dma_wait3A_128, %dma_wait3A_129] : memref<4x128x128xi32, #tpu.memory_space<vmem>> -> memref<1x128x128xi32, #tpu.memory_space<vmem>>
    %dma_wait3A_131 = tpu.memref_squeeze %dma_wait3A_130 : memref<1x128x128xi32, #tpu.memory_space<vmem>> -> memref<128x128xi32, #tpu.memory_space<vmem>>
    %dma_wait3A_132 = arith.constant 0 : i32
    %dma_wait3A_133 = arith.constant 0 : i32
    %dma_wait3A_134 = tpu.memref_slice %arg2[%dma_wait3A_132, %dma_wait3A_133] : memref<100000x128xi32, #tpu.memory_space<hbm>> -> memref<100000x128xi32, #tpu.memory_space<hbm>>
    tpu.wait_indirect_dma semaphore(%arg10 : memref<!tpu.dma_semaphore, #tpu.memory_space<semaphore_mem>>) src(%dma_wait3A_134 : memref<100000x128xi32, #tpu.memory_space<hbm>>) dst(%dma_wait3A_131 : memref<128x128xi32, #tpu.memory_space<vmem>>)
    %add3A_135 = arith.constant 640 : i32
    %add3A_136 = arith.addi %mul3A_2, %add3A_135 : i32
    %run_scoped3A_137 = arith.constant 1 : i32
    "tpu.region"() ({
      %run_scoped3A_138 = tpu.sem_alloc : memref<!tpu.dma_semaphore, #tpu.memory_space<semaphore_mem>>
      %dma_start3A_139 = arith.constant 0 : i32
      %dma_start3A_140 = arith.constant 0 : i32
      %dma_start3A_141 = tpu.memref_slice %arg9[%run_scoped3A_137, %dma_start3A_139, %dma_start3A_140] : memref<4x128x128xi32, #tpu.memory_space<vmem>> -> memref<1x128x128xi32, #tpu.memory_space<vmem>>
      %dma_start3A_142 = tpu.memref_squeeze %dma_start3A_141 : memref<1x128x128xi32, #tpu.memory_space<vmem>> -> memref<128x128xi32, #tpu.memory_space<vmem>>
      %dma_start3A_143 = arith.constant 0 : i32
      %dma_start3A_144 = tpu.memref_slice %arg4[%add3A_136, %dma_start3A_143] : memref<24576x128xi32, #tpu.memory_space<hbm>> -> memref<128x128xi32, #tpu.memory_space<hbm>>
      %dma_start3A_145 = arith.constant 0 : i32
      %dma_start3A_146 = tpu.memref_slice %arg4[%add3A_136, %dma_start3A_145] : memref<24576x128xi32, #tpu.memory_space<hbm>> -> memref<128x128xi32, #tpu.memory_space<hbm>>
      %dma_start3A_147 = arith.constant 0 : i32
      %dma_start3A_148 = arith.constant 0 : i32
      %dma_start3A_149 = tpu.memref_slice %arg9[%run_scoped3A_137, %dma_start3A_147, %dma_start3A_148] : memref<4x128x128xi32, #tpu.memory_space<vmem>> -> memref<1x128x128xi32, #tpu.memory_space<vmem>>
      %dma_start3A_150 = tpu.memref_squeeze %dma_start3A_149 : memref<1x128x128xi32, #tpu.memory_space<vmem>> -> memref<128x128xi32, #tpu.memory_space<vmem>>
      tpu.enqueue_dma source(%dma_start3A_150 : memref<128x128xi32, #tpu.memory_space<vmem>>) target(%dma_start3A_146 : memref<128x128xi32, #tpu.memory_space<hbm>>) target_semaphore(%run_scoped3A_138 : memref<!tpu.dma_semaphore, #tpu.memory_space<semaphore_mem>>)
      %dma_wait3A_151 = arith.constant 0 : i32
      %dma_wait3A_152 = arith.constant 0 : i32
      %dma_wait3A_153 = tpu.memref_slice %arg9[%run_scoped3A_137, %dma_wait3A_151, %dma_wait3A_152] : memref<4x128x128xi32, #tpu.memory_space<vmem>> -> memref<1x128x128xi32, #tpu.memory_space<vmem>>
      %dma_wait3A_154 = tpu.memref_squeeze %dma_wait3A_153 : memref<1x128x128xi32, #tpu.memory_space<vmem>> -> memref<128x128xi32, #tpu.memory_space<vmem>>
      %dma_wait3A_155 = arith.constant 0 : i32
      %dma_wait3A_156 = tpu.memref_slice %arg4[%add3A_136, %dma_wait3A_155] : memref<24576x128xi32, #tpu.memory_space<hbm>> -> memref<128x128xi32, #tpu.memory_space<hbm>>
      %dma_wait3A_157 = arith.constant 0 : i32
      %dma_wait3A_158 = tpu.memref_slice %arg4[%add3A_136, %dma_wait3A_157] : memref<24576x128xi32, #tpu.memory_space<hbm>> -> memref<128x128xi32, #tpu.memory_space<hbm>>
      %dma_wait3A_159 = arith.constant 0 : i32
      %dma_wait3A_160 = arith.constant 0 : i32
      %dma_wait3A_161 = tpu.memref_slice %arg9[%run_scoped3A_137, %dma_wait3A_159, %dma_wait3A_160] : memref<4x128x128xi32, #tpu.memory_space<vmem>> -> memref<1x128x128xi32, #tpu.memory_space<vmem>>
      %dma_wait3A_162 = tpu.memref_squeeze %dma_wait3A_161 : memref<1x128x128xi32, #tpu.memory_space<vmem>> -> memref<128x128xi32, #tpu.memory_space<vmem>>
      tpu.wait_dma2 semaphore(%run_scoped3A_138 : memref<!tpu.dma_semaphore, #tpu.memory_space<semaphore_mem>>) src(%dma_wait3A_162 : memref<128x128xi32, #tpu.memory_space<vmem>>) dst(%dma_wait3A_158 : memref<128x128xi32, #tpu.memory_space<hbm>>)
      tpu.yield
    }) : () -> ()
    return
  }
}

#map = affine_map<(d0, d1) -> (0, 0)>
#map1 = affine_map<(d0, d1) -> (0)>
module attributes {stable_mosaic.version = 14 : i64} {
  func.func @gk(%arg0: i32, %arg1: i32, %arg2: memref<100000x128xi32, #tpu.memory_space<hbm>>, %arg3: memref<98304xi32, #tpu.memory_space<hbm>>, %arg4: memref<24576x128xi32, #tpu.memory_space<hbm>>, %arg5: memref<128xi32, #tpu.memory_space<vmem>>, %arg6: memref<128xi32, #tpu.memory_space<vmem>>, %arg7: memref<128xi32, #tpu.memory_space<vmem>>, %arg8: memref<128xi32, #tpu.memory_space<vmem>>, %arg9: memref<4x128x128xi32, #tpu.memory_space<vmem>>, %arg10: memref<!tpu.dma_semaphore, #tpu.memory_space<semaphore_mem>>) attributes {dimension_semantics = [#tpu.dimension_semantics<core_parallel>, #tpu.dimension_semantics<subcore_parallel>], iteration_bounds = array<i64: 2, 16>, scalar_prefetch = 0 : i64, scratch_operands = 6 : i64, tpu.core_type = #tpu.core_type<sc_vector_subcore>, window_params = [{transform_indices = #map}, {transform_indices = #map1}, {transform_indices = #map}]} {
    %mul3A = arith.constant 2 : i32
    %mul3A_0 = arith.muli %arg1, %mul3A : i32
    %add3A = arith.addi %mul3A_0, %arg0 : i32
    %mul3A_1 = arith.constant 768 : i32
    %mul3A_2 = arith.muli %add3A, %mul3A_1 : i32
    %add3A_3 = arith.constant 49152 : i32
    %add3A_4 = arith.addi %add3A_3, %mul3A_2 : i32
    %add3A_5 = arith.constant 0 : i32
    %add3A_6 = arith.addi %add3A_4, %add3A_5 : i32
    "tpu.region"() ({
      %run_scoped3A_138 = tpu.sem_alloc : memref<!tpu.dma_semaphore, #tpu.memory_space<semaphore_mem>>
      %dma_start3A_139 = tpu.memref_slice %arg3[%add3A_6] : memref<98304xi32, #tpu.memory_space<hbm>> -> memref<128xi32, #tpu.memory_space<hbm>>
      %dma_start3A_140 = tpu.memref_slice %arg3[%add3A_6] : memref<98304xi32, #tpu.memory_space<hbm>> -> memref<128xi32, #tpu.memory_space<hbm>>
      tpu.enqueue_dma source(%dma_start3A_140 : memref<128xi32, #tpu.memory_space<hbm>>) target(%arg5 : memref<128xi32, #tpu.memory_space<vmem>>) target_semaphore(%run_scoped3A_138 : memref<!tpu.dma_semaphore, #tpu.memory_space<semaphore_mem>>)
      %dma_wait3A_141 = tpu.memref_slice %arg3[%add3A_6] : memref<98304xi32, #tpu.memory_space<hbm>> -> memref<128xi32, #tpu.memory_space<hbm>>
      %dma_wait3A_142 = tpu.memref_slice %arg3[%add3A_6] : memref<98304xi32, #tpu.memory_space<hbm>> -> memref<128xi32, #tpu.memory_space<hbm>>
      tpu.wait_dma2 semaphore(%run_scoped3A_138 : memref<!tpu.dma_semaphore, #tpu.memory_space<semaphore_mem>>) src(%dma_wait3A_142 : memref<128xi32, #tpu.memory_space<hbm>>) dst(%arg5 : memref<128xi32, #tpu.memory_space<vmem>>)
      tpu.yield
    }) : () -> ()
    %dma_start3A = arith.constant 0 : i32
    %dma_start3A_7 = arith.constant 0 : i32
    %dma_start3A_8 = arith.constant 0 : i32
    %dma_start3A_9 = tpu.memref_slice %arg9[%dma_start3A, %dma_start3A_7, %dma_start3A_8] : memref<4x128x128xi32, #tpu.memory_space<vmem>> -> memref<1x128x128xi32, #tpu.memory_space<vmem>>
    %dma_start3A_10 = tpu.memref_squeeze %dma_start3A_9 : memref<1x128x128xi32, #tpu.memory_space<vmem>> -> memref<128x128xi32, #tpu.memory_space<vmem>>
    %dma_start3A_11 = arith.constant 0 : i32
    %dma_start3A_12 = arith.constant 0 : i32
    %dma_start3A_13 = tpu.memref_slice %arg2[%dma_start3A_11, %dma_start3A_12] : memref<100000x128xi32, #tpu.memory_space<hbm>> -> memref<100000x128xi32, #tpu.memory_space<hbm>>
    tpu.enqueue_indirect_dma source(%dma_start3A_13 : memref<100000x128xi32, #tpu.memory_space<hbm>>) target(%dma_start3A_10 : memref<128x128xi32, #tpu.memory_space<vmem>>) offsets(%arg5 : memref<128xi32, #tpu.memory_space<vmem>>) semaphore(%arg10 : memref<!tpu.dma_semaphore, #tpu.memory_space<semaphore_mem>>)
    %add3A_14 = arith.constant 49152 : i32
    %add3A_15 = arith.addi %add3A_14, %mul3A_2 : i32
    %add3A_16 = arith.constant 128 : i32
    %add3A_17 = arith.addi %add3A_15, %add3A_16 : i32
    "tpu.region"() ({
      %run_scoped3A_138 = tpu.sem_alloc : memref<!tpu.dma_semaphore, #tpu.memory_space<semaphore_mem>>
      %dma_start3A_139 = tpu.memref_slice %arg3[%add3A_17] : memref<98304xi32, #tpu.memory_space<hbm>> -> memref<128xi32, #tpu.memory_space<hbm>>
      %dma_start3A_140 = tpu.memref_slice %arg3[%add3A_17] : memref<98304xi32, #tpu.memory_space<hbm>> -> memref<128xi32, #tpu.memory_space<hbm>>
      tpu.enqueue_dma source(%dma_start3A_140 : memref<128xi32, #tpu.memory_space<hbm>>) target(%arg6 : memref<128xi32, #tpu.memory_space<vmem>>) target_semaphore(%run_scoped3A_138 : memref<!tpu.dma_semaphore, #tpu.memory_space<semaphore_mem>>)
      %dma_wait3A_141 = tpu.memref_slice %arg3[%add3A_17] : memref<98304xi32, #tpu.memory_space<hbm>> -> memref<128xi32, #tpu.memory_space<hbm>>
      %dma_wait3A_142 = tpu.memref_slice %arg3[%add3A_17] : memref<98304xi32, #tpu.memory_space<hbm>> -> memref<128xi32, #tpu.memory_space<hbm>>
      tpu.wait_dma2 semaphore(%run_scoped3A_138 : memref<!tpu.dma_semaphore, #tpu.memory_space<semaphore_mem>>) src(%dma_wait3A_142 : memref<128xi32, #tpu.memory_space<hbm>>) dst(%arg6 : memref<128xi32, #tpu.memory_space<vmem>>)
      tpu.yield
    }) : () -> ()
    %dma_start3A_18 = arith.constant 1 : i32
    %dma_start3A_19 = arith.constant 0 : i32
    %dma_start3A_20 = arith.constant 0 : i32
    %dma_start3A_21 = tpu.memref_slice %arg9[%dma_start3A_18, %dma_start3A_19, %dma_start3A_20] : memref<4x128x128xi32, #tpu.memory_space<vmem>> -> memref<1x128x128xi32, #tpu.memory_space<vmem>>
    %dma_start3A_22 = tpu.memref_squeeze %dma_start3A_21 : memref<1x128x128xi32, #tpu.memory_space<vmem>> -> memref<128x128xi32, #tpu.memory_space<vmem>>
    %dma_start3A_23 = arith.constant 0 : i32
    %dma_start3A_24 = arith.constant 0 : i32
    %dma_start3A_25 = tpu.memref_slice %arg2[%dma_start3A_23, %dma_start3A_24] : memref<100000x128xi32, #tpu.memory_space<hbm>> -> memref<100000x128xi32, #tpu.memory_space<hbm>>
    tpu.enqueue_indirect_dma source(%dma_start3A_25 : memref<100000x128xi32, #tpu.memory_space<hbm>>) target(%dma_start3A_22 : memref<128x128xi32, #tpu.memory_space<vmem>>) offsets(%arg6 : memref<128xi32, #tpu.memory_space<vmem>>) semaphore(%arg10 : memref<!tpu.dma_semaphore, #tpu.memory_space<semaphore_mem>>)
    %add3A_26 = arith.constant 49152 : i32
    %add3A_27 = arith.addi %add3A_26, %mul3A_2 : i32
    %add3A_28 = arith.constant 256 : i32
    %add3A_29 = arith.addi %add3A_27, %add3A_28 : i32
    "tpu.region"() ({
      %run_scoped3A_138 = tpu.sem_alloc : memref<!tpu.dma_semaphore, #tpu.memory_space<semaphore_mem>>
      %dma_start3A_139 = tpu.memref_slice %arg3[%add3A_29] : memref<98304xi32, #tpu.memory_space<hbm>> -> memref<128xi32, #tpu.memory_space<hbm>>
      %dma_start3A_140 = tpu.memref_slice %arg3[%add3A_29] : memref<98304xi32, #tpu.memory_space<hbm>> -> memref<128xi32, #tpu.memory_space<hbm>>
      tpu.enqueue_dma source(%dma_start3A_140 : memref<128xi32, #tpu.memory_space<hbm>>) target(%arg7 : memref<128xi32, #tpu.memory_space<vmem>>) target_semaphore(%run_scoped3A_138 : memref<!tpu.dma_semaphore, #tpu.memory_space<semaphore_mem>>)
      %dma_wait3A_141 = tpu.memref_slice %arg3[%add3A_29] : memref<98304xi32, #tpu.memory_space<hbm>> -> memref<128xi32, #tpu.memory_space<hbm>>
      %dma_wait3A_142 = tpu.memref_slice %arg3[%add3A_29] : memref<98304xi32, #tpu.memory_space<hbm>> -> memref<128xi32, #tpu.memory_space<hbm>>
      tpu.wait_dma2 semaphore(%run_scoped3A_138 : memref<!tpu.dma_semaphore, #tpu.memory_space<semaphore_mem>>) src(%dma_wait3A_142 : memref<128xi32, #tpu.memory_space<hbm>>) dst(%arg7 : memref<128xi32, #tpu.memory_space<vmem>>)
      tpu.yield
    }) : () -> ()
    %dma_start3A_30 = arith.constant 2 : i32
    %dma_start3A_31 = arith.constant 0 : i32
    %dma_start3A_32 = arith.constant 0 : i32
    %dma_start3A_33 = tpu.memref_slice %arg9[%dma_start3A_30, %dma_start3A_31, %dma_start3A_32] : memref<4x128x128xi32, #tpu.memory_space<vmem>> -> memref<1x128x128xi32, #tpu.memory_space<vmem>>
    %dma_start3A_34 = tpu.memref_squeeze %dma_start3A_33 : memref<1x128x128xi32, #tpu.memory_space<vmem>> -> memref<128x128xi32, #tpu.memory_space<vmem>>
    %dma_start3A_35 = arith.constant 0 : i32
    %dma_start3A_36 = arith.constant 0 : i32
    %dma_start3A_37 = tpu.memref_slice %arg2[%dma_start3A_35, %dma_start3A_36] : memref<100000x128xi32, #tpu.memory_space<hbm>> -> memref<100000x128xi32, #tpu.memory_space<hbm>>
    tpu.enqueue_indirect_dma source(%dma_start3A_37 : memref<100000x128xi32, #tpu.memory_space<hbm>>) target(%dma_start3A_34 : memref<128x128xi32, #tpu.memory_space<vmem>>) offsets(%arg7 : memref<128xi32, #tpu.memory_space<vmem>>) semaphore(%arg10 : memref<!tpu.dma_semaphore, #tpu.memory_space<semaphore_mem>>)
    %add3A_38 = arith.constant 49152 : i32
    %add3A_39 = arith.addi %add3A_38, %mul3A_2 : i32
    %add3A_40 = arith.constant 384 : i32
    %add3A_41 = arith.addi %add3A_39, %add3A_40 : i32
    "tpu.region"() ({
      %run_scoped3A_138 = tpu.sem_alloc : memref<!tpu.dma_semaphore, #tpu.memory_space<semaphore_mem>>
      %dma_start3A_139 = tpu.memref_slice %arg3[%add3A_41] : memref<98304xi32, #tpu.memory_space<hbm>> -> memref<128xi32, #tpu.memory_space<hbm>>
      %dma_start3A_140 = tpu.memref_slice %arg3[%add3A_41] : memref<98304xi32, #tpu.memory_space<hbm>> -> memref<128xi32, #tpu.memory_space<hbm>>
      tpu.enqueue_dma source(%dma_start3A_140 : memref<128xi32, #tpu.memory_space<hbm>>) target(%arg8 : memref<128xi32, #tpu.memory_space<vmem>>) target_semaphore(%run_scoped3A_138 : memref<!tpu.dma_semaphore, #tpu.memory_space<semaphore_mem>>)
      %dma_wait3A_141 = tpu.memref_slice %arg3[%add3A_41] : memref<98304xi32, #tpu.memory_space<hbm>> -> memref<128xi32, #tpu.memory_space<hbm>>
      %dma_wait3A_142 = tpu.memref_slice %arg3[%add3A_41] : memref<98304xi32, #tpu.memory_space<hbm>> -> memref<128xi32, #tpu.memory_space<hbm>>
      tpu.wait_dma2 semaphore(%run_scoped3A_138 : memref<!tpu.dma_semaphore, #tpu.memory_space<semaphore_mem>>) src(%dma_wait3A_142 : memref<128xi32, #tpu.memory_space<hbm>>) dst(%arg8 : memref<128xi32, #tpu.memory_space<vmem>>)
      tpu.yield
    }) : () -> ()
    %dma_start3A_42 = arith.constant 3 : i32
    %dma_start3A_43 = arith.constant 0 : i32
    %dma_start3A_44 = arith.constant 0 : i32
    %dma_start3A_45 = tpu.memref_slice %arg9[%dma_start3A_42, %dma_start3A_43, %dma_start3A_44] : memref<4x128x128xi32, #tpu.memory_space<vmem>> -> memref<1x128x128xi32, #tpu.memory_space<vmem>>
    %dma_start3A_46 = tpu.memref_squeeze %dma_start3A_45 : memref<1x128x128xi32, #tpu.memory_space<vmem>> -> memref<128x128xi32, #tpu.memory_space<vmem>>
    %dma_start3A_47 = arith.constant 0 : i32
    %dma_start3A_48 = arith.constant 0 : i32
    %dma_start3A_49 = tpu.memref_slice %arg2[%dma_start3A_47, %dma_start3A_48] : memref<100000x128xi32, #tpu.memory_space<hbm>> -> memref<100000x128xi32, #tpu.memory_space<hbm>>
    tpu.enqueue_indirect_dma source(%dma_start3A_49 : memref<100000x128xi32, #tpu.memory_space<hbm>>) target(%dma_start3A_46 : memref<128x128xi32, #tpu.memory_space<vmem>>) offsets(%arg8 : memref<128xi32, #tpu.memory_space<vmem>>) semaphore(%arg10 : memref<!tpu.dma_semaphore, #tpu.memory_space<semaphore_mem>>)
    %dma_wait3A = arith.constant 0 : i32
    %dma_wait3A_50 = arith.constant 0 : i32
    %dma_wait3A_51 = arith.constant 0 : i32
    %dma_wait3A_52 = tpu.memref_slice %arg9[%dma_wait3A, %dma_wait3A_50, %dma_wait3A_51] : memref<4x128x128xi32, #tpu.memory_space<vmem>> -> memref<1x128x128xi32, #tpu.memory_space<vmem>>
    %dma_wait3A_53 = tpu.memref_squeeze %dma_wait3A_52 : memref<1x128x128xi32, #tpu.memory_space<vmem>> -> memref<128x128xi32, #tpu.memory_space<vmem>>
    %dma_wait3A_54 = arith.constant 0 : i32
    %dma_wait3A_55 = arith.constant 0 : i32
    %dma_wait3A_56 = tpu.memref_slice %arg2[%dma_wait3A_54, %dma_wait3A_55] : memref<100000x128xi32, #tpu.memory_space<hbm>> -> memref<100000x128xi32, #tpu.memory_space<hbm>>
    tpu.wait_indirect_dma semaphore(%arg10 : memref<!tpu.dma_semaphore, #tpu.memory_space<semaphore_mem>>) src(%dma_wait3A_56 : memref<100000x128xi32, #tpu.memory_space<hbm>>) dst(%dma_wait3A_53 : memref<128x128xi32, #tpu.memory_space<vmem>>)
    %add3A_57 = arith.constant 0 : i32
    %add3A_58 = arith.addi %mul3A_2, %add3A_57 : i32
    %run_scoped3A = arith.constant 0 : i32
    "tpu.region"() ({
      %run_scoped3A_138 = tpu.sem_alloc : memref<!tpu.dma_semaphore, #tpu.memory_space<semaphore_mem>>
      %dma_start3A_139 = arith.constant 0 : i32
      %dma_start3A_140 = arith.constant 0 : i32
      %dma_start3A_141 = tpu.memref_slice %arg9[%run_scoped3A, %dma_start3A_139, %dma_start3A_140] : memref<4x128x128xi32, #tpu.memory_space<vmem>> -> memref<1x128x128xi32, #tpu.memory_space<vmem>>
      %dma_start3A_142 = tpu.memref_squeeze %dma_start3A_141 : memref<1x128x128xi32, #tpu.memory_space<vmem>> -> memref<128x128xi32, #tpu.memory_space<vmem>>
      %dma_start3A_143 = arith.constant 0 : i32
      %dma_start3A_144 = tpu.memref_slice %arg4[%add3A_58, %dma_start3A_143] : memref<24576x128xi32, #tpu.memory_space<hbm>> -> memref<128x128xi32, #tpu.memory_space<hbm>>
      %dma_start3A_145 = arith.constant 0 : i32
      %dma_start3A_146 = tpu.memref_slice %arg4[%add3A_58, %dma_start3A_145] : memref<24576x128xi32, #tpu.memory_space<hbm>> -> memref<128x128xi32, #tpu.memory_space<hbm>>
      %dma_start3A_147 = arith.constant 0 : i32
      %dma_start3A_148 = arith.constant 0 : i32
      %dma_start3A_149 = tpu.memref_slice %arg9[%run_scoped3A, %dma_start3A_147, %dma_start3A_148] : memref<4x128x128xi32, #tpu.memory_space<vmem>> -> memref<1x128x128xi32, #tpu.memory_space<vmem>>
      %dma_start3A_150 = tpu.memref_squeeze %dma_start3A_149 : memref<1x128x128xi32, #tpu.memory_space<vmem>> -> memref<128x128xi32, #tpu.memory_space<vmem>>
      tpu.enqueue_dma source(%dma_start3A_150 : memref<128x128xi32, #tpu.memory_space<vmem>>) target(%dma_start3A_146 : memref<128x128xi32, #tpu.memory_space<hbm>>) target_semaphore(%run_scoped3A_138 : memref<!tpu.dma_semaphore, #tpu.memory_space<semaphore_mem>>)
      %dma_wait3A_151 = arith.constant 0 : i32
      %dma_wait3A_152 = arith.constant 0 : i32
      %dma_wait3A_153 = tpu.memref_slice %arg9[%run_scoped3A, %dma_wait3A_151, %dma_wait3A_152] : memref<4x128x128xi32, #tpu.memory_space<vmem>> -> memref<1x128x128xi32, #tpu.memory_space<vmem>>
      %dma_wait3A_154 = tpu.memref_squeeze %dma_wait3A_153 : memref<1x128x128xi32, #tpu.memory_space<vmem>> -> memref<128x128xi32, #tpu.memory_space<vmem>>
      %dma_wait3A_155 = arith.constant 0 : i32
      %dma_wait3A_156 = tpu.memref_slice %arg4[%add3A_58, %dma_wait3A_155] : memref<24576x128xi32, #tpu.memory_space<hbm>> -> memref<128x128xi32, #tpu.memory_space<hbm>>
      %dma_wait3A_157 = arith.constant 0 : i32
      %dma_wait3A_158 = tpu.memref_slice %arg4[%add3A_58, %dma_wait3A_157] : memref<24576x128xi32, #tpu.memory_space<hbm>> -> memref<128x128xi32, #tpu.memory_space<hbm>>
      %dma_wait3A_159 = arith.constant 0 : i32
      %dma_wait3A_160 = arith.constant 0 : i32
      %dma_wait3A_161 = tpu.memref_slice %arg9[%run_scoped3A, %dma_wait3A_159, %dma_wait3A_160] : memref<4x128x128xi32, #tpu.memory_space<vmem>> -> memref<1x128x128xi32, #tpu.memory_space<vmem>>
      %dma_wait3A_162 = tpu.memref_squeeze %dma_wait3A_161 : memref<1x128x128xi32, #tpu.memory_space<vmem>> -> memref<128x128xi32, #tpu.memory_space<vmem>>
      tpu.wait_dma2 semaphore(%run_scoped3A_138 : memref<!tpu.dma_semaphore, #tpu.memory_space<semaphore_mem>>) src(%dma_wait3A_162 : memref<128x128xi32, #tpu.memory_space<vmem>>) dst(%dma_wait3A_158 : memref<128x128xi32, #tpu.memory_space<hbm>>)
      tpu.yield
    }) : () -> ()
    %add3A_59 = arith.constant 49152 : i32
    %add3A_60 = arith.addi %add3A_59, %mul3A_2 : i32
    %add3A_61 = arith.constant 512 : i32
    %add3A_62 = arith.addi %add3A_60, %add3A_61 : i32
    "tpu.region"() ({
      %run_scoped3A_138 = tpu.sem_alloc : memref<!tpu.dma_semaphore, #tpu.memory_space<semaphore_mem>>
      %dma_start3A_139 = tpu.memref_slice %arg3[%add3A_62] : memref<98304xi32, #tpu.memory_space<hbm>> -> memref<128xi32, #tpu.memory_space<hbm>>
      %dma_start3A_140 = tpu.memref_slice %arg3[%add3A_62] : memref<98304xi32, #tpu.memory_space<hbm>> -> memref<128xi32, #tpu.memory_space<hbm>>
      tpu.enqueue_dma source(%dma_start3A_140 : memref<128xi32, #tpu.memory_space<hbm>>) target(%arg5 : memref<128xi32, #tpu.memory_space<vmem>>) target_semaphore(%run_scoped3A_138 : memref<!tpu.dma_semaphore, #tpu.memory_space<semaphore_mem>>)
      %dma_wait3A_141 = tpu.memref_slice %arg3[%add3A_62] : memref<98304xi32, #tpu.memory_space<hbm>> -> memref<128xi32, #tpu.memory_space<hbm>>
      %dma_wait3A_142 = tpu.memref_slice %arg3[%add3A_62] : memref<98304xi32, #tpu.memory_space<hbm>> -> memref<128xi32, #tpu.memory_space<hbm>>
      tpu.wait_dma2 semaphore(%run_scoped3A_138 : memref<!tpu.dma_semaphore, #tpu.memory_space<semaphore_mem>>) src(%dma_wait3A_142 : memref<128xi32, #tpu.memory_space<hbm>>) dst(%arg5 : memref<128xi32, #tpu.memory_space<vmem>>)
      tpu.yield
    }) : () -> ()
    %dma_start3A_63 = arith.constant 0 : i32
    %dma_start3A_64 = arith.constant 0 : i32
    %dma_start3A_65 = arith.constant 0 : i32
    %dma_start3A_66 = tpu.memref_slice %arg9[%dma_start3A_63, %dma_start3A_64, %dma_start3A_65] : memref<4x128x128xi32, #tpu.memory_space<vmem>> -> memref<1x128x128xi32, #tpu.memory_space<vmem>>
    %dma_start3A_67 = tpu.memref_squeeze %dma_start3A_66 : memref<1x128x128xi32, #tpu.memory_space<vmem>> -> memref<128x128xi32, #tpu.memory_space<vmem>>
    %dma_start3A_68 = arith.constant 0 : i32
    %dma_start3A_69 = arith.constant 0 : i32
    %dma_start3A_70 = tpu.memref_slice %arg2[%dma_start3A_68, %dma_start3A_69] : memref<100000x128xi32, #tpu.memory_space<hbm>> -> memref<100000x128xi32, #tpu.memory_space<hbm>>
    tpu.enqueue_indirect_dma source(%dma_start3A_70 : memref<100000x128xi32, #tpu.memory_space<hbm>>) target(%dma_start3A_67 : memref<128x128xi32, #tpu.memory_space<vmem>>) offsets(%arg5 : memref<128xi32, #tpu.memory_space<vmem>>) semaphore(%arg10 : memref<!tpu.dma_semaphore, #tpu.memory_space<semaphore_mem>>)
    %dma_wait3A_71 = arith.constant 1 : i32
    %dma_wait3A_72 = arith.constant 0 : i32
    %dma_wait3A_73 = arith.constant 0 : i32
    %dma_wait3A_74 = tpu.memref_slice %arg9[%dma_wait3A_71, %dma_wait3A_72, %dma_wait3A_73] : memref<4x128x128xi32, #tpu.memory_space<vmem>> -> memref<1x128x128xi32, #tpu.memory_space<vmem>>
    %dma_wait3A_75 = tpu.memref_squeeze %dma_wait3A_74 : memref<1x128x128xi32, #tpu.memory_space<vmem>> -> memref<128x128xi32, #tpu.memory_space<vmem>>
    %dma_wait3A_76 = arith.constant 0 : i32
    %dma_wait3A_77 = arith.constant 0 : i32
    %dma_wait3A_78 = tpu.memref_slice %arg2[%dma_wait3A_76, %dma_wait3A_77] : memref<100000x128xi32, #tpu.memory_space<hbm>> -> memref<100000x128xi32, #tpu.memory_space<hbm>>
    tpu.wait_indirect_dma semaphore(%arg10 : memref<!tpu.dma_semaphore, #tpu.memory_space<semaphore_mem>>) src(%dma_wait3A_78 : memref<100000x128xi32, #tpu.memory_space<hbm>>) dst(%dma_wait3A_75 : memref<128x128xi32, #tpu.memory_space<vmem>>)
    %add3A_79 = arith.constant 128 : i32
    %add3A_80 = arith.addi %mul3A_2, %add3A_79 : i32
    %run_scoped3A_81 = arith.constant 1 : i32
    "tpu.region"() ({
      %run_scoped3A_138 = tpu.sem_alloc : memref<!tpu.dma_semaphore, #tpu.memory_space<semaphore_mem>>
      %dma_start3A_139 = arith.constant 0 : i32
      %dma_start3A_140 = arith.constant 0 : i32
      %dma_start3A_141 = tpu.memref_slice %arg9[%run_scoped3A_81, %dma_start3A_139, %dma_start3A_140] : memref<4x128x128xi32, #tpu.memory_space<vmem>> -> memref<1x128x128xi32, #tpu.memory_space<vmem>>
      %dma_start3A_142 = tpu.memref_squeeze %dma_start3A_141 : memref<1x128x128xi32, #tpu.memory_space<vmem>> -> memref<128x128xi32, #tpu.memory_space<vmem>>
      %dma_start3A_143 = arith.constant 0 : i32
      %dma_start3A_144 = tpu.memref_slice %arg4[%add3A_80, %dma_start3A_143] : memref<24576x128xi32, #tpu.memory_space<hbm>> -> memref<128x128xi32, #tpu.memory_space<hbm>>
      %dma_start3A_145 = arith.constant 0 : i32
      %dma_start3A_146 = tpu.memref_slice %arg4[%add3A_80, %dma_start3A_145] : memref<24576x128xi32, #tpu.memory_space<hbm>> -> memref<128x128xi32, #tpu.memory_space<hbm>>
      %dma_start3A_147 = arith.constant 0 : i32
      %dma_start3A_148 = arith.constant 0 : i32
      %dma_start3A_149 = tpu.memref_slice %arg9[%run_scoped3A_81, %dma_start3A_147, %dma_start3A_148] : memref<4x128x128xi32, #tpu.memory_space<vmem>> -> memref<1x128x128xi32, #tpu.memory_space<vmem>>
      %dma_start3A_150 = tpu.memref_squeeze %dma_start3A_149 : memref<1x128x128xi32, #tpu.memory_space<vmem>> -> memref<128x128xi32, #tpu.memory_space<vmem>>
      tpu.enqueue_dma source(%dma_start3A_150 : memref<128x128xi32, #tpu.memory_space<vmem>>) target(%dma_start3A_146 : memref<128x128xi32, #tpu.memory_space<hbm>>) target_semaphore(%run_scoped3A_138 : memref<!tpu.dma_semaphore, #tpu.memory_space<semaphore_mem>>)
      %dma_wait3A_151 = arith.constant 0 : i32
      %dma_wait3A_152 = arith.constant 0 : i32
      %dma_wait3A_153 = tpu.memref_slice %arg9[%run_scoped3A_81, %dma_wait3A_151, %dma_wait3A_152] : memref<4x128x128xi32, #tpu.memory_space<vmem>> -> memref<1x128x128xi32, #tpu.memory_space<vmem>>
      %dma_wait3A_154 = tpu.memref_squeeze %dma_wait3A_153 : memref<1x128x128xi32, #tpu.memory_space<vmem>> -> memref<128x128xi32, #tpu.memory_space<vmem>>
      %dma_wait3A_155 = arith.constant 0 : i32
      %dma_wait3A_156 = tpu.memref_slice %arg4[%add3A_80, %dma_wait3A_155] : memref<24576x128xi32, #tpu.memory_space<hbm>> -> memref<128x128xi32, #tpu.memory_space<hbm>>
      %dma_wait3A_157 = arith.constant 0 : i32
      %dma_wait3A_158 = tpu.memref_slice %arg4[%add3A_80, %dma_wait3A_157] : memref<24576x128xi32, #tpu.memory_space<hbm>> -> memref<128x128xi32, #tpu.memory_space<hbm>>
      %dma_wait3A_159 = arith.constant 0 : i32
      %dma_wait3A_160 = arith.constant 0 : i32
      %dma_wait3A_161 = tpu.memref_slice %arg9[%run_scoped3A_81, %dma_wait3A_159, %dma_wait3A_160] : memref<4x128x128xi32, #tpu.memory_space<vmem>> -> memref<1x128x128xi32, #tpu.memory_space<vmem>>
      %dma_wait3A_162 = tpu.memref_squeeze %dma_wait3A_161 : memref<1x128x128xi32, #tpu.memory_space<vmem>> -> memref<128x128xi32, #tpu.memory_space<vmem>>
      tpu.wait_dma2 semaphore(%run_scoped3A_138 : memref<!tpu.dma_semaphore, #tpu.memory_space<semaphore_mem>>) src(%dma_wait3A_162 : memref<128x128xi32, #tpu.memory_space<vmem>>) dst(%dma_wait3A_158 : memref<128x128xi32, #tpu.memory_space<hbm>>)
      tpu.yield
    }) : () -> ()
    %add3A_82 = arith.constant 49152 : i32
    %add3A_83 = arith.addi %add3A_82, %mul3A_2 : i32
    %add3A_84 = arith.constant 640 : i32
    %add3A_85 = arith.addi %add3A_83, %add3A_84 : i32
    "tpu.region"() ({
      %run_scoped3A_138 = tpu.sem_alloc : memref<!tpu.dma_semaphore, #tpu.memory_space<semaphore_mem>>
      %dma_start3A_139 = tpu.memref_slice %arg3[%add3A_85] : memref<98304xi32, #tpu.memory_space<hbm>> -> memref<128xi32, #tpu.memory_space<hbm>>
      %dma_start3A_140 = tpu.memref_slice %arg3[%add3A_85] : memref<98304xi32, #tpu.memory_space<hbm>> -> memref<128xi32, #tpu.memory_space<hbm>>
      tpu.enqueue_dma source(%dma_start3A_140 : memref<128xi32, #tpu.memory_space<hbm>>) target(%arg6 : memref<128xi32, #tpu.memory_space<vmem>>) target_semaphore(%run_scoped3A_138 : memref<!tpu.dma_semaphore, #tpu.memory_space<semaphore_mem>>)
      %dma_wait3A_141 = tpu.memref_slice %arg3[%add3A_85] : memref<98304xi32, #tpu.memory_space<hbm>> -> memref<128xi32, #tpu.memory_space<hbm>>
      %dma_wait3A_142 = tpu.memref_slice %arg3[%add3A_85] : memref<98304xi32, #tpu.memory_space<hbm>> -> memref<128xi32, #tpu.memory_space<hbm>>
      tpu.wait_dma2 semaphore(%run_scoped3A_138 : memref<!tpu.dma_semaphore, #tpu.memory_space<semaphore_mem>>) src(%dma_wait3A_142 : memref<128xi32, #tpu.memory_space<hbm>>) dst(%arg6 : memref<128xi32, #tpu.memory_space<vmem>>)
      tpu.yield
    }) : () -> ()
    %dma_start3A_86 = arith.constant 1 : i32
    %dma_start3A_87 = arith.constant 0 : i32
    %dma_start3A_88 = arith.constant 0 : i32
    %dma_start3A_89 = tpu.memref_slice %arg9[%dma_start3A_86, %dma_start3A_87, %dma_start3A_88] : memref<4x128x128xi32, #tpu.memory_space<vmem>> -> memref<1x128x128xi32, #tpu.memory_space<vmem>>
    %dma_start3A_90 = tpu.memref_squeeze %dma_start3A_89 : memref<1x128x128xi32, #tpu.memory_space<vmem>> -> memref<128x128xi32, #tpu.memory_space<vmem>>
    %dma_start3A_91 = arith.constant 0 : i32
    %dma_start3A_92 = arith.constant 0 : i32
    %dma_start3A_93 = tpu.memref_slice %arg2[%dma_start3A_91, %dma_start3A_92] : memref<100000x128xi32, #tpu.memory_space<hbm>> -> memref<100000x128xi32, #tpu.memory_space<hbm>>
    tpu.enqueue_indirect_dma source(%dma_start3A_93 : memref<100000x128xi32, #tpu.memory_space<hbm>>) target(%dma_start3A_90 : memref<128x128xi32, #tpu.memory_space<vmem>>) offsets(%arg6 : memref<128xi32, #tpu.memory_space<vmem>>) semaphore(%arg10 : memref<!tpu.dma_semaphore, #tpu.memory_space<semaphore_mem>>)
    %dma_wait3A_94 = arith.constant 2 : i32
    %dma_wait3A_95 = arith.constant 0 : i32
    %dma_wait3A_96 = arith.constant 0 : i32
    %dma_wait3A_97 = tpu.memref_slice %arg9[%dma_wait3A_94, %dma_wait3A_95, %dma_wait3A_96] : memref<4x128x128xi32, #tpu.memory_space<vmem>> -> memref<1x128x128xi32, #tpu.memory_space<vmem>>
    %dma_wait3A_98 = tpu.memref_squeeze %dma_wait3A_97 : memref<1x128x128xi32, #tpu.memory_space<vmem>> -> memref<128x128xi32, #tpu.memory_space<vmem>>
    %dma_wait3A_99 = arith.constant 0 : i32
    %dma_wait3A_100 = arith.constant 0 : i32
    %dma_wait3A_101 = tpu.memref_slice %arg2[%dma_wait3A_99, %dma_wait3A_100] : memref<100000x128xi32, #tpu.memory_space<hbm>> -> memref<100000x128xi32, #tpu.memory_space<hbm>>
    tpu.wait_indirect_dma semaphore(%arg10 : memref<!tpu.dma_semaphore, #tpu.memory_space<semaphore_mem>>) src(%dma_wait3A_101 : memref<100000x128xi32, #tpu.memory_space<hbm>>) dst(%dma_wait3A_98 : memref<128x128xi32, #tpu.memory_space<vmem>>)
    %add3A_102 = arith.constant 256 : i32
    %add3A_103 = arith.addi %mul3A_2, %add3A_102 : i32
    %run_scoped3A_104 = arith.constant 2 : i32
    "tpu.region"() ({
      %run_scoped3A_138 = tpu.sem_alloc : memref<!tpu.dma_semaphore, #tpu.memory_space<semaphore_mem>>
      %dma_start3A_139 = arith.constant 0 : i32
      %dma_start3A_140 = arith.constant 0 : i32
      %dma_start3A_141 = tpu.memref_slice %arg9[%run_scoped3A_104, %dma_start3A_139, %dma_start3A_140] : memref<4x128x128xi32, #tpu.memory_space<vmem>> -> memref<1x128x128xi32, #tpu.memory_space<vmem>>
      %dma_start3A_142 = tpu.memref_squeeze %dma_start3A_141 : memref<1x128x128xi32, #tpu.memory_space<vmem>> -> memref<128x128xi32, #tpu.memory_space<vmem>>
      %dma_start3A_143 = arith.constant 0 : i32
      %dma_start3A_144 = tpu.memref_slice %arg4[%add3A_103, %dma_start3A_143] : memref<24576x128xi32, #tpu.memory_space<hbm>> -> memref<128x128xi32, #tpu.memory_space<hbm>>
      %dma_start3A_145 = arith.constant 0 : i32
      %dma_start3A_146 = tpu.memref_slice %arg4[%add3A_103, %dma_start3A_145] : memref<24576x128xi32, #tpu.memory_space<hbm>> -> memref<128x128xi32, #tpu.memory_space<hbm>>
      %dma_start3A_147 = arith.constant 0 : i32
      %dma_start3A_148 = arith.constant 0 : i32
      %dma_start3A_149 = tpu.memref_slice %arg9[%run_scoped3A_104, %dma_start3A_147, %dma_start3A_148] : memref<4x128x128xi32, #tpu.memory_space<vmem>> -> memref<1x128x128xi32, #tpu.memory_space<vmem>>
      %dma_start3A_150 = tpu.memref_squeeze %dma_start3A_149 : memref<1x128x128xi32, #tpu.memory_space<vmem>> -> memref<128x128xi32, #tpu.memory_space<vmem>>
      tpu.enqueue_dma source(%dma_start3A_150 : memref<128x128xi32, #tpu.memory_space<vmem>>) target(%dma_start3A_146 : memref<128x128xi32, #tpu.memory_space<hbm>>) target_semaphore(%run_scoped3A_138 : memref<!tpu.dma_semaphore, #tpu.memory_space<semaphore_mem>>)
      %dma_wait3A_151 = arith.constant 0 : i32
      %dma_wait3A_152 = arith.constant 0 : i32
      %dma_wait3A_153 = tpu.memref_slice %arg9[%run_scoped3A_104, %dma_wait3A_151, %dma_wait3A_152] : memref<4x128x128xi32, #tpu.memory_space<vmem>> -> memref<1x128x128xi32, #tpu.memory_space<vmem>>
      %dma_wait3A_154 = tpu.memref_squeeze %dma_wait3A_153 : memref<1x128x128xi32, #tpu.memory_space<vmem>> -> memref<128x128xi32, #tpu.memory_space<vmem>>
      %dma_wait3A_155 = arith.constant 0 : i32
      %dma_wait3A_156 = tpu.memref_slice %arg4[%add3A_103, %dma_wait3A_155] : memref<24576x128xi32, #tpu.memory_space<hbm>> -> memref<128x128xi32, #tpu.memory_space<hbm>>
      %dma_wait3A_157 = arith.constant 0 : i32
      %dma_wait3A_158 = tpu.memref_slice %arg4[%add3A_103, %dma_wait3A_157] : memref<24576x128xi32, #tpu.memory_space<hbm>> -> memref<128x128xi32, #tpu.memory_space<hbm>>
      %dma_wait3A_159 = arith.constant 0 : i32
      %dma_wait3A_160 = arith.constant 0 : i32
      %dma_wait3A_161 = tpu.memref_slice %arg9[%run_scoped3A_104, %dma_wait3A_159, %dma_wait3A_160] : memref<4x128x128xi32, #tpu.memory_space<vmem>> -> memref<1x128x128xi32, #tpu.memory_space<vmem>>
      %dma_wait3A_162 = tpu.memref_squeeze %dma_wait3A_161 : memref<1x128x128xi32, #tpu.memory_space<vmem>> -> memref<128x128xi32, #tpu.memory_space<vmem>>
      tpu.wait_dma2 semaphore(%run_scoped3A_138 : memref<!tpu.dma_semaphore, #tpu.memory_space<semaphore_mem>>) src(%dma_wait3A_162 : memref<128x128xi32, #tpu.memory_space<vmem>>) dst(%dma_wait3A_158 : memref<128x128xi32, #tpu.memory_space<hbm>>)
      tpu.yield
    }) : () -> ()
    %dma_wait3A_105 = arith.constant 3 : i32
    %dma_wait3A_106 = arith.constant 0 : i32
    %dma_wait3A_107 = arith.constant 0 : i32
    %dma_wait3A_108 = tpu.memref_slice %arg9[%dma_wait3A_105, %dma_wait3A_106, %dma_wait3A_107] : memref<4x128x128xi32, #tpu.memory_space<vmem>> -> memref<1x128x128xi32, #tpu.memory_space<vmem>>
    %dma_wait3A_109 = tpu.memref_squeeze %dma_wait3A_108 : memref<1x128x128xi32, #tpu.memory_space<vmem>> -> memref<128x128xi32, #tpu.memory_space<vmem>>
    %dma_wait3A_110 = arith.constant 0 : i32
    %dma_wait3A_111 = arith.constant 0 : i32
    %dma_wait3A_112 = tpu.memref_slice %arg2[%dma_wait3A_110, %dma_wait3A_111] : memref<100000x128xi32, #tpu.memory_space<hbm>> -> memref<100000x128xi32, #tpu.memory_space<hbm>>
    tpu.wait_indirect_dma semaphore(%arg10 : memref<!tpu.dma_semaphore, #tpu.memory_space<semaphore_mem>>) src(%dma_wait3A_112 : memref<100000x128xi32, #tpu.memory_space<hbm>>) dst(%dma_wait3A_109 : memref<128x128xi32, #tpu.memory_space<vmem>>)
    %add3A_113 = arith.constant 384 : i32
    %add3A_114 = arith.addi %mul3A_2, %add3A_113 : i32
    %run_scoped3A_115 = arith.constant 3 : i32
    "tpu.region"() ({
      %run_scoped3A_138 = tpu.sem_alloc : memref<!tpu.dma_semaphore, #tpu.memory_space<semaphore_mem>>
      %dma_start3A_139 = arith.constant 0 : i32
      %dma_start3A_140 = arith.constant 0 : i32
      %dma_start3A_141 = tpu.memref_slice %arg9[%run_scoped3A_115, %dma_start3A_139, %dma_start3A_140] : memref<4x128x128xi32, #tpu.memory_space<vmem>> -> memref<1x128x128xi32, #tpu.memory_space<vmem>>
      %dma_start3A_142 = tpu.memref_squeeze %dma_start3A_141 : memref<1x128x128xi32, #tpu.memory_space<vmem>> -> memref<128x128xi32, #tpu.memory_space<vmem>>
      %dma_start3A_143 = arith.constant 0 : i32
      %dma_start3A_144 = tpu.memref_slice %arg4[%add3A_114, %dma_start3A_143] : memref<24576x128xi32, #tpu.memory_space<hbm>> -> memref<128x128xi32, #tpu.memory_space<hbm>>
      %dma_start3A_145 = arith.constant 0 : i32
      %dma_start3A_146 = tpu.memref_slice %arg4[%add3A_114, %dma_start3A_145] : memref<24576x128xi32, #tpu.memory_space<hbm>> -> memref<128x128xi32, #tpu.memory_space<hbm>>
      %dma_start3A_147 = arith.constant 0 : i32
      %dma_start3A_148 = arith.constant 0 : i32
      %dma_start3A_149 = tpu.memref_slice %arg9[%run_scoped3A_115, %dma_start3A_147, %dma_start3A_148] : memref<4x128x128xi32, #tpu.memory_space<vmem>> -> memref<1x128x128xi32, #tpu.memory_space<vmem>>
      %dma_start3A_150 = tpu.memref_squeeze %dma_start3A_149 : memref<1x128x128xi32, #tpu.memory_space<vmem>> -> memref<128x128xi32, #tpu.memory_space<vmem>>
      tpu.enqueue_dma source(%dma_start3A_150 : memref<128x128xi32, #tpu.memory_space<vmem>>) target(%dma_start3A_146 : memref<128x128xi32, #tpu.memory_space<hbm>>) target_semaphore(%run_scoped3A_138 : memref<!tpu.dma_semaphore, #tpu.memory_space<semaphore_mem>>)
      %dma_wait3A_151 = arith.constant 0 : i32
      %dma_wait3A_152 = arith.constant 0 : i32
      %dma_wait3A_153 = tpu.memref_slice %arg9[%run_scoped3A_115, %dma_wait3A_151, %dma_wait3A_152] : memref<4x128x128xi32, #tpu.memory_space<vmem>> -> memref<1x128x128xi32, #tpu.memory_space<vmem>>
      %dma_wait3A_154 = tpu.memref_squeeze %dma_wait3A_153 : memref<1x128x128xi32, #tpu.memory_space<vmem>> -> memref<128x128xi32, #tpu.memory_space<vmem>>
      %dma_wait3A_155 = arith.constant 0 : i32
      %dma_wait3A_156 = tpu.memref_slice %arg4[%add3A_114, %dma_wait3A_155] : memref<24576x128xi32, #tpu.memory_space<hbm>> -> memref<128x128xi32, #tpu.memory_space<hbm>>
      %dma_wait3A_157 = arith.constant 0 : i32
      %dma_wait3A_158 = tpu.memref_slice %arg4[%add3A_114, %dma_wait3A_157] : memref<24576x128xi32, #tpu.memory_space<hbm>> -> memref<128x128xi32, #tpu.memory_space<hbm>>
      %dma_wait3A_159 = arith.constant 0 : i32
      %dma_wait3A_160 = arith.constant 0 : i32
      %dma_wait3A_161 = tpu.memref_slice %arg9[%run_scoped3A_115, %dma_wait3A_159, %dma_wait3A_160] : memref<4x128x128xi32, #tpu.memory_space<vmem>> -> memref<1x128x128xi32, #tpu.memory_space<vmem>>
      %dma_wait3A_162 = tpu.memref_squeeze %dma_wait3A_161 : memref<1x128x128xi32, #tpu.memory_space<vmem>> -> memref<128x128xi32, #tpu.memory_space<vmem>>
      tpu.wait_dma2 semaphore(%run_scoped3A_138 : memref<!tpu.dma_semaphore, #tpu.memory_space<semaphore_mem>>) src(%dma_wait3A_162 : memref<128x128xi32, #tpu.memory_space<vmem>>) dst(%dma_wait3A_158 : memref<128x128xi32, #tpu.memory_space<hbm>>)
      tpu.yield
    }) : () -> ()
    %dma_wait3A_116 = arith.constant 0 : i32
    %dma_wait3A_117 = arith.constant 0 : i32
    %dma_wait3A_118 = arith.constant 0 : i32
    %dma_wait3A_119 = tpu.memref_slice %arg9[%dma_wait3A_116, %dma_wait3A_117, %dma_wait3A_118] : memref<4x128x128xi32, #tpu.memory_space<vmem>> -> memref<1x128x128xi32, #tpu.memory_space<vmem>>
    %dma_wait3A_120 = tpu.memref_squeeze %dma_wait3A_119 : memref<1x128x128xi32, #tpu.memory_space<vmem>> -> memref<128x128xi32, #tpu.memory_space<vmem>>
    %dma_wait3A_121 = arith.constant 0 : i32
    %dma_wait3A_122 = arith.constant 0 : i32
    %dma_wait3A_123 = tpu.memref_slice %arg2[%dma_wait3A_121, %dma_wait3A_122] : memref<100000x128xi32, #tpu.memory_space<hbm>> -> memref<100000x128xi32, #tpu.memory_space<hbm>>
    tpu.wait_indirect_dma semaphore(%arg10 : memref<!tpu.dma_semaphore, #tpu.memory_space<semaphore_mem>>) src(%dma_wait3A_123 : memref<100000x128xi32, #tpu.memory_space<hbm>>) dst(%dma_wait3A_120 : memref<128x128xi32, #tpu.memory_space<vmem>>)
    %add3A_124 = arith.constant 512 : i32
    %add3A_125 = arith.addi %mul3A_2, %add3A_124 : i32
    %run_scoped3A_126 = arith.constant 0 : i32
    "tpu.region"() ({
      %run_scoped3A_138 = tpu.sem_alloc : memref<!tpu.dma_semaphore, #tpu.memory_space<semaphore_mem>>
      %dma_start3A_139 = arith.constant 0 : i32
      %dma_start3A_140 = arith.constant 0 : i32
      %dma_start3A_141 = tpu.memref_slice %arg9[%run_scoped3A_126, %dma_start3A_139, %dma_start3A_140] : memref<4x128x128xi32, #tpu.memory_space<vmem>> -> memref<1x128x128xi32, #tpu.memory_space<vmem>>
      %dma_start3A_142 = tpu.memref_squeeze %dma_start3A_141 : memref<1x128x128xi32, #tpu.memory_space<vmem>> -> memref<128x128xi32, #tpu.memory_space<vmem>>
      %dma_start3A_143 = arith.constant 0 : i32
      %dma_start3A_144 = tpu.memref_slice %arg4[%add3A_125, %dma_start3A_143] : memref<24576x128xi32, #tpu.memory_space<hbm>> -> memref<128x128xi32, #tpu.memory_space<hbm>>
      %dma_start3A_145 = arith.constant 0 : i32
      %dma_start3A_146 = tpu.memref_slice %arg4[%add3A_125, %dma_start3A_145] : memref<24576x128xi32, #tpu.memory_space<hbm>> -> memref<128x128xi32, #tpu.memory_space<hbm>>
      %dma_start3A_147 = arith.constant 0 : i32
      %dma_start3A_148 = arith.constant 0 : i32
      %dma_start3A_149 = tpu.memref_slice %arg9[%run_scoped3A_126, %dma_start3A_147, %dma_start3A_148] : memref<4x128x128xi32, #tpu.memory_space<vmem>> -> memref<1x128x128xi32, #tpu.memory_space<vmem>>
      %dma_start3A_150 = tpu.memref_squeeze %dma_start3A_149 : memref<1x128x128xi32, #tpu.memory_space<vmem>> -> memref<128x128xi32, #tpu.memory_space<vmem>>
      tpu.enqueue_dma source(%dma_start3A_150 : memref<128x128xi32, #tpu.memory_space<vmem>>) target(%dma_start3A_146 : memref<128x128xi32, #tpu.memory_space<hbm>>) target_semaphore(%run_scoped3A_138 : memref<!tpu.dma_semaphore, #tpu.memory_space<semaphore_mem>>)
      %dma_wait3A_151 = arith.constant 0 : i32
      %dma_wait3A_152 = arith.constant 0 : i32
      %dma_wait3A_153 = tpu.memref_slice %arg9[%run_scoped3A_126, %dma_wait3A_151, %dma_wait3A_152] : memref<4x128x128xi32, #tpu.memory_space<vmem>> -> memref<1x128x128xi32, #tpu.memory_space<vmem>>
      %dma_wait3A_154 = tpu.memref_squeeze %dma_wait3A_153 : memref<1x128x128xi32, #tpu.memory_space<vmem>> -> memref<128x128xi32, #tpu.memory_space<vmem>>
      %dma_wait3A_155 = arith.constant 0 : i32
      %dma_wait3A_156 = tpu.memref_slice %arg4[%add3A_125, %dma_wait3A_155] : memref<24576x128xi32, #tpu.memory_space<hbm>> -> memref<128x128xi32, #tpu.memory_space<hbm>>
      %dma_wait3A_157 = arith.constant 0 : i32
      %dma_wait3A_158 = tpu.memref_slice %arg4[%add3A_125, %dma_wait3A_157] : memref<24576x128xi32, #tpu.memory_space<hbm>> -> memref<128x128xi32, #tpu.memory_space<hbm>>
      %dma_wait3A_159 = arith.constant 0 : i32
      %dma_wait3A_160 = arith.constant 0 : i32
      %dma_wait3A_161 = tpu.memref_slice %arg9[%run_scoped3A_126, %dma_wait3A_159, %dma_wait3A_160] : memref<4x128x128xi32, #tpu.memory_space<vmem>> -> memref<1x128x128xi32, #tpu.memory_space<vmem>>
      %dma_wait3A_162 = tpu.memref_squeeze %dma_wait3A_161 : memref<1x128x128xi32, #tpu.memory_space<vmem>> -> memref<128x128xi32, #tpu.memory_space<vmem>>
      tpu.wait_dma2 semaphore(%run_scoped3A_138 : memref<!tpu.dma_semaphore, #tpu.memory_space<semaphore_mem>>) src(%dma_wait3A_162 : memref<128x128xi32, #tpu.memory_space<vmem>>) dst(%dma_wait3A_158 : memref<128x128xi32, #tpu.memory_space<hbm>>)
      tpu.yield
    }) : () -> ()
    %dma_wait3A_127 = arith.constant 1 : i32
    %dma_wait3A_128 = arith.constant 0 : i32
    %dma_wait3A_129 = arith.constant 0 : i32
    %dma_wait3A_130 = tpu.memref_slice %arg9[%dma_wait3A_127, %dma_wait3A_128, %dma_wait3A_129] : memref<4x128x128xi32, #tpu.memory_space<vmem>> -> memref<1x128x128xi32, #tpu.memory_space<vmem>>
    %dma_wait3A_131 = tpu.memref_squeeze %dma_wait3A_130 : memref<1x128x128xi32, #tpu.memory_space<vmem>> -> memref<128x128xi32, #tpu.memory_space<vmem>>
    %dma_wait3A_132 = arith.constant 0 : i32
    %dma_wait3A_133 = arith.constant 0 : i32
    %dma_wait3A_134 = tpu.memref_slice %arg2[%dma_wait3A_132, %dma_wait3A_133] : memref<100000x128xi32, #tpu.memory_space<hbm>> -> memref<100000x128xi32, #tpu.memory_space<hbm>>
    tpu.wait_indirect_dma semaphore(%arg10 : memref<!tpu.dma_semaphore, #tpu.memory_space<semaphore_mem>>) src(%dma_wait3A_134 : memref<100000x128xi32, #tpu.memory_space<hbm>>) dst(%dma_wait3A_131 : memref<128x128xi32, #tpu.memory_space<vmem>>)
    %add3A_135 = arith.constant 640 : i32
    %add3A_136 = arith.addi %mul3A_2, %add3A_135 : i32
    %run_scoped3A_137 = arith.constant 1 : i32
    "tpu.region"() ({
      %run_scoped3A_138 = tpu.sem_alloc : memref<!tpu.dma_semaphore, #tpu.memory_space<semaphore_mem>>
      %dma_start3A_139 = arith.constant 0 : i32
      %dma_start3A_140 = arith.constant 0 : i32
      %dma_start3A_141 = tpu.memref_slice %arg9[%run_scoped3A_137, %dma_start3A_139, %dma_start3A_140] : memref<4x128x128xi32, #tpu.memory_space<vmem>> -> memref<1x128x128xi32, #tpu.memory_space<vmem>>
      %dma_start3A_142 = tpu.memref_squeeze %dma_start3A_141 : memref<1x128x128xi32, #tpu.memory_space<vmem>> -> memref<128x128xi32, #tpu.memory_space<vmem>>
      %dma_start3A_143 = arith.constant 0 : i32
      %dma_start3A_144 = tpu.memref_slice %arg4[%add3A_136, %dma_start3A_143] : memref<24576x128xi32, #tpu.memory_space<hbm>> -> memref<128x128xi32, #tpu.memory_space<hbm>>
      %dma_start3A_145 = arith.constant 0 : i32
      %dma_start3A_146 = tpu.memref_slice %arg4[%add3A_136, %dma_start3A_145] : memref<24576x128xi32, #tpu.memory_space<hbm>> -> memref<128x128xi32, #tpu.memory_space<hbm>>
      %dma_start3A_147 = arith.constant 0 : i32
      %dma_start3A_148 = arith.constant 0 : i32
      %dma_start3A_149 = tpu.memref_slice %arg9[%run_scoped3A_137, %dma_start3A_147, %dma_start3A_148] : memref<4x128x128xi32, #tpu.memory_space<vmem>> -> memref<1x128x128xi32, #tpu.memory_space<vmem>>
      %dma_start3A_150 = tpu.memref_squeeze %dma_start3A_149 : memref<1x128x128xi32, #tpu.memory_space<vmem>> -> memref<128x128xi32, #tpu.memory_space<vmem>>
      tpu.enqueue_dma source(%dma_start3A_150 : memref<128x128xi32, #tpu.memory_space<vmem>>) target(%dma_start3A_146 : memref<128x128xi32, #tpu.memory_space<hbm>>) target_semaphore(%run_scoped3A_138 : memref<!tpu.dma_semaphore, #tpu.memory_space<semaphore_mem>>)
      %dma_wait3A_151 = arith.constant 0 : i32
      %dma_wait3A_152 = arith.constant 0 : i32
      %dma_wait3A_153 = tpu.memref_slice %arg9[%run_scoped3A_137, %dma_wait3A_151, %dma_wait3A_152] : memref<4x128x128xi32, #tpu.memory_space<vmem>> -> memref<1x128x128xi32, #tpu.memory_space<vmem>>
      %dma_wait3A_154 = tpu.memref_squeeze %dma_wait3A_153 : memref<1x128x128xi32, #tpu.memory_space<vmem>> -> memref<128x128xi32, #tpu.memory_space<vmem>>
      %dma_wait3A_155 = arith.constant 0 : i32
      %dma_wait3A_156 = tpu.memref_slice %arg4[%add3A_136, %dma_wait3A_155] : memref<24576x128xi32, #tpu.memory_space<hbm>> -> memref<128x128xi32, #tpu.memory_space<hbm>>
      %dma_wait3A_157 = arith.constant 0 : i32
      %dma_wait3A_158 = tpu.memref_slice %arg4[%add3A_136, %dma_wait3A_157] : memref<24576x128xi32, #tpu.memory_space<hbm>> -> memref<128x128xi32, #tpu.memory_space<hbm>>
      %dma_wait3A_159 = arith.constant 0 : i32
      %dma_wait3A_160 = arith.constant 0 : i32
      %dma_wait3A_161 = tpu.memref_slice %arg9[%run_scoped3A_137, %dma_wait3A_159, %dma_wait3A_160] : memref<4x128x128xi32, #tpu.memory_space<vmem>> -> memref<1x128x128xi32, #tpu.memory_space<vmem>>
      %dma_wait3A_162 = tpu.memref_squeeze %dma_wait3A_161 : memref<1x128x128xi32, #tpu.memory_space<vmem>> -> memref<128x128xi32, #tpu.memory_space<vmem>>
      tpu.wait_dma2 semaphore(%run_scoped3A_138 : memref<!tpu.dma_semaphore, #tpu.memory_space<semaphore_mem>>) src(%dma_wait3A_162 : memref<128x128xi32, #tpu.memory_space<vmem>>) dst(%dma_wait3A_158 : memref<128x128xi32, #tpu.memory_space<hbm>>)
      tpu.yield
    }) : () -> ()
    return
  }
}

module attributes {stable_mosaic.version = 14 : i64} {
  func.func @body(%arg0: i32, %arg1: memref<1024x1xi32, #tpu.memory_space<vmem>>, %arg2: memref<1024x1xi32, #tpu.memory_space<vmem>>, %arg3: memref<1024x128xi32, #tpu.memory_space<vmem>>, %arg4: memref<1024x128xi32, #tpu.memory_space<vmem>>, %arg5: memref<1024x128xi32, #tpu.memory_space<vmem>>, %arg6: memref<1024x128xi32, #tpu.memory_space<vmem>>, %arg7: memref<168x4096xbf16, #tpu.memory_space<vmem>>, %arg8: memref<400x4096xbf16, #tpu.memory_space<vmem>>, %arg9: memref<64x168xbf16, #tpu.memory_space<vmem>>, %arg10: memref<64x400xbf16, #tpu.memory_space<vmem>>, %arg11: memref<64x4096xbf16, #tpu.memory_space<vmem>>, %arg12: memref<64x4096xbf16, #tpu.memory_space<vmem>>, %arg13: memref<1024x1xf32, #tpu.memory_space<vmem>>, %arg14: memref<8x128xf32, #tpu.memory_space<vmem>>) attributes {dimension_semantics = [#tpu.dimension_semantics<arbitrary>], iteration_bounds = array<i64: 6>, scalar_prefetch = 0 : i64, scratch_operands = 0 : i64, tpu.core_type = #tpu.core_type<tc>, window_params = [{transform_indices = @transform_0, window_bounds = array<i64: 1024, 1>}, {transform_indices = @transform_1, window_bounds = array<i64: 1024, 1>}, {transform_indices = @transform_2, window_bounds = array<i64: 1024, 128>}, {transform_indices = @transform_3, window_bounds = array<i64: 1024, 128>}, {transform_indices = @transform_4, window_bounds = array<i64: 1024, 128>}, {transform_indices = @transform_5, window_bounds = array<i64: 1024, 128>}, {pipeline_mode = #tpu.pipeline_mode<synchronous>, transform_indices = @transform_6, window_bounds = array<i64: 168, 4096>}, {pipeline_mode = #tpu.pipeline_mode<synchronous>, transform_indices = @transform_7, window_bounds = array<i64: 400, 4096>}, {pipeline_mode = #tpu.pipeline_mode<synchronous>, transform_indices = @transform_8, window_bounds = array<i64: 64, 168>}, {pipeline_mode = #tpu.pipeline_mode<synchronous>, transform_indices = @transform_9, window_bounds = array<i64: 64, 400>}, {pipeline_mode = #tpu.pipeline_mode<synchronous>, transform_indices = @transform_10, window_bounds = array<i64: 64, 4096>}, {pipeline_mode = #tpu.pipeline_mode<synchronous>, transform_indices = @transform_11, window_bounds = array<i64: 64, 4096>}, {transform_indices = @transform_12, window_bounds = array<i64: 1024, 1>}, {pipeline_mode = #tpu.pipeline_mode<synchronous>, transform_indices = @transform_13, window_bounds = array<i64: 8, 128>}]} {
    %add3A = arith.constant 0 : i32
    %add3A_0 = arith.addi %add3A, %arg0 : i32
    %get3A = arith.constant 0 : index
    %get3A_1 = arith.constant 0 : index
    %get3A_2 = vector.load %arg3[%get3A, %get3A_1] : memref<1024x128xi32, #tpu.memory_space<vmem>>, vector<1024x64xi32>
    %and3A = arith.constant -65536 : i32
    %and3A_3 = vector.broadcast %and3A : i32 to vector<1024x64xi32>
    %and3A_4 = arith.andi %get3A_2, %and3A_3 : vector<1024x64xi32>
    %bitcast_convert_type3A = tpu.bitcast %and3A_4 : vector<1024x64xi32> -> vector<1024x64xf32>
    %convert_element_type3A = arith.truncf %bitcast_convert_type3A : vector<1024x64xf32> to vector<1024x64xbf16>
    %get3A_5 = arith.constant 0 : index
    %get3A_6 = arith.constant 64 : index
    %get3A_7 = vector.load %arg4[%get3A_5, %get3A_6] : memref<1024x128xi32, #tpu.memory_space<vmem>>, vector<1024x64xi32>
    %and3A_8 = arith.constant -65536 : i32
    %and3A_9 = vector.broadcast %and3A_8 : i32 to vector<1024x64xi32>
    %and3A_10 = arith.andi %get3A_7, %and3A_9 : vector<1024x64xi32>
    %bitcast_convert_type3A_11 = tpu.bitcast %and3A_10 : vector<1024x64xi32> -> vector<1024x64xf32>
    %convert_element_type3A_12 = arith.truncf %bitcast_convert_type3A_11 : vector<1024x64xf32> to vector<1024x64xbf16>
    %get3A_13 = arith.constant 0 : index
    %get3A_14 = arith.constant 0 : index
    %get3A_15 = vector.load %arg5[%get3A_13, %get3A_14] : memref<1024x128xi32, #tpu.memory_space<vmem>>, vector<1024x64xi32>
    %shift_left3A = arith.constant 16 : i32
    %shift_left3A_16 = vector.broadcast %shift_left3A : i32 to vector<1024x64xi32>
    %shift_left3A_17 = arith.shli %get3A_15, %shift_left3A_16 : vector<1024x64xi32>
    %bitcast_convert_type3A_18 = tpu.bitcast %shift_left3A_17 : vector<1024x64xi32> -> vector<1024x64xf32>
    %convert_element_type3A_19 = arith.truncf %bitcast_convert_type3A_18 : vector<1024x64xf32> to vector<1024x64xbf16>
    %get3A_20 = arith.constant 0 : index
    %get3A_21 = arith.constant 64 : index
    %get3A_22 = vector.load %arg6[%get3A_20, %get3A_21] : memref<1024x128xi32, #tpu.memory_space<vmem>>, vector<1024x64xi32>
    %shift_left3A_23 = arith.constant 16 : i32
    %shift_left3A_24 = vector.broadcast %shift_left3A_23 : i32 to vector<1024x64xi32>
    %shift_left3A_25 = arith.shli %get3A_22, %shift_left3A_24 : vector<1024x64xi32>
    %bitcast_convert_type3A_26 = tpu.bitcast %shift_left3A_25 : vector<1024x64xi32> -> vector<1024x64xf32>
    %convert_element_type3A_27 = arith.truncf %bitcast_convert_type3A_26 : vector<1024x64xf32> to vector<1024x64xbf16>
    %get3A_28 = arith.constant 0 : index
    %get3A_29 = arith.constant 0 : index
    %get3A_30 = vector.load %arg7[%get3A_28, %get3A_29] : memref<168x4096xbf16, #tpu.memory_space<vmem>>, vector<168x4096xbf16>
    %get3A_31 = arith.constant 0 : index
    %get3A_32 = arith.constant 0 : index
    %get3A_33 = vector.load %arg9[%get3A_31, %get3A_32] : memref<64x168xbf16, #tpu.memory_space<vmem>>, vector<64x168xbf16>
    %get3A_34 = arith.constant 0 : index
    %get3A_35 = arith.constant 0 : index
    %get3A_36 = vector.load %arg1[%get3A_34, %get3A_35] : memref<1024x1xi32, #tpu.memory_space<vmem>>, vector<1024x1xi32>
    %get3A_37 = arith.constant 0 : index
    %get3A_38 = arith.constant 0 : index
    %get3A_39 = vector.load %arg11[%get3A_37, %get3A_38] : memref<64x4096xbf16, #tpu.memory_space<vmem>>, vector<64x4096xbf16>
    %dot_general3A = arith.constant dense<0.000000e+00> : vector<1024x4096xf32>
    %dot_general3A_40 = tpu.matmul %convert_element_type3A_19, %get3A_39, %dot_general3A {dimension_numbers = #tpu.dot_dimension_numbers<[1], [0], [0], [1], [0, 0, 1, 1], [], []>, transpose_lhs_hint = false} : vector<1024x64xbf16>, vector<64x4096xbf16>, vector<1024x4096xf32> -> vector<1024x4096xf32>
    %concatenate3A = tpu.concatenate %convert_element_type3A, %convert_element_type3A in 1 : vector<1024x64xbf16>, vector<1024x64xbf16> -> vector<1024x128xbf16>
    %slice3A = vector.extract_strided_slice %dot_general3A_40 {offsets = [0, 0], sizes = [1024, 128], strides = [1, 1]} : vector<1024x4096xf32> to vector<1024x128xf32>
    %convert_element_type3A_41 = arith.extf %concatenate3A : vector<1024x128xbf16> to vector<1024x128xf32>
    %mul3A = arith.mulf %slice3A, %convert_element_type3A_41 : vector<1024x128xf32>
    %convert_element_type3A_42 = arith.truncf %mul3A : vector<1024x128xf32> to vector<1024x128xbf16>
    %slice3A_43 = vector.extract_strided_slice %dot_general3A_40 {offsets = [0, 128], sizes = [1024, 128], strides = [1, 1]} : vector<1024x4096xf32> to vector<1024x128xf32>
    %convert_element_type3A_44 = arith.extf %concatenate3A : vector<1024x128xbf16> to vector<1024x128xf32>
    %mul3A_45 = arith.mulf %slice3A_43, %convert_element_type3A_44 : vector<1024x128xf32>
    %convert_element_type3A_46 = arith.truncf %mul3A_45 : vector<1024x128xf32> to vector<1024x128xbf16>
    %slice3A_47 = vector.extract_strided_slice %dot_general3A_40 {offsets = [0, 256], sizes = [1024, 128], strides = [1, 1]} : vector<1024x4096xf32> to vector<1024x128xf32>
    %convert_element_type3A_48 = arith.extf %concatenate3A : vector<1024x128xbf16> to vector<1024x128xf32>
    %mul3A_49 = arith.mulf %slice3A_47, %convert_element_type3A_48 : vector<1024x128xf32>
    %convert_element_type3A_50 = arith.truncf %mul3A_49 : vector<1024x128xf32> to vector<1024x128xbf16>
    %slice3A_51 = vector.extract_strided_slice %dot_general3A_40 {offsets = [0, 384], sizes = [1024, 128], strides = [1, 1]} : vector<1024x4096xf32> to vector<1024x128xf32>
    %convert_element_type3A_52 = arith.extf %concatenate3A : vector<1024x128xbf16> to vector<1024x128xf32>
    %mul3A_53 = arith.mulf %slice3A_51, %convert_element_type3A_52 : vector<1024x128xf32>
    %convert_element_type3A_54 = arith.truncf %mul3A_53 : vector<1024x128xf32> to vector<1024x128xbf16>
    %slice3A_55 = vector.extract_strided_slice %dot_general3A_40 {offsets = [0, 512], sizes = [1024, 128], strides = [1, 1]} : vector<1024x4096xf32> to vector<1024x128xf32>
    %convert_element_type3A_56 = arith.extf %concatenate3A : vector<1024x128xbf16> to vector<1024x128xf32>
    %mul3A_57 = arith.mulf %slice3A_55, %convert_element_type3A_56 : vector<1024x128xf32>
    %convert_element_type3A_58 = arith.truncf %mul3A_57 : vector<1024x128xf32> to vector<1024x128xbf16>
    %slice3A_59 = vector.extract_strided_slice %dot_general3A_40 {offsets = [0, 640], sizes = [1024, 128], strides = [1, 1]} : vector<1024x4096xf32> to vector<1024x128xf32>
    %convert_element_type3A_60 = arith.extf %concatenate3A : vector<1024x128xbf16> to vector<1024x128xf32>
    %mul3A_61 = arith.mulf %slice3A_59, %convert_element_type3A_60 : vector<1024x128xf32>
    %convert_element_type3A_62 = arith.truncf %mul3A_61 : vector<1024x128xf32> to vector<1024x128xbf16>
    %slice3A_63 = vector.extract_strided_slice %dot_general3A_40 {offsets = [0, 768], sizes = [1024, 128], strides = [1, 1]} : vector<1024x4096xf32> to vector<1024x128xf32>
    %convert_element_type3A_64 = arith.extf %concatenate3A : vector<1024x128xbf16> to vector<1024x128xf32>
    %mul3A_65 = arith.mulf %slice3A_63, %convert_element_type3A_64 : vector<1024x128xf32>
    %convert_element_type3A_66 = arith.truncf %mul3A_65 : vector<1024x128xf32> to vector<1024x128xbf16>
    %slice3A_67 = vector.extract_strided_slice %dot_general3A_40 {offsets = [0, 896], sizes = [1024, 128], strides = [1, 1]} : vector<1024x4096xf32> to vector<1024x128xf32>
    %convert_element_type3A_68 = arith.extf %concatenate3A : vector<1024x128xbf16> to vector<1024x128xf32>
    %mul3A_69 = arith.mulf %slice3A_67, %convert_element_type3A_68 : vector<1024x128xf32>
    %convert_element_type3A_70 = arith.truncf %mul3A_69 : vector<1024x128xf32> to vector<1024x128xbf16>
    %slice3A_71 = vector.extract_strided_slice %dot_general3A_40 {offsets = [0, 1024], sizes = [1024, 128], strides = [1, 1]} : vector<1024x4096xf32> to vector<1024x128xf32>
    %convert_element_type3A_72 = arith.extf %concatenate3A : vector<1024x128xbf16> to vector<1024x128xf32>
    %mul3A_73 = arith.mulf %slice3A_71, %convert_element_type3A_72 : vector<1024x128xf32>
    %convert_element_type3A_74 = arith.truncf %mul3A_73 : vector<1024x128xf32> to vector<1024x128xbf16>
    %slice3A_75 = vector.extract_strided_slice %dot_general3A_40 {offsets = [0, 1152], sizes = [1024, 128], strides = [1, 1]} : vector<1024x4096xf32> to vector<1024x128xf32>
    %convert_element_type3A_76 = arith.extf %concatenate3A : vector<1024x128xbf16> to vector<1024x128xf32>
    %mul3A_77 = arith.mulf %slice3A_75, %convert_element_type3A_76 : vector<1024x128xf32>
    %convert_element_type3A_78 = arith.truncf %mul3A_77 : vector<1024x128xf32> to vector<1024x128xbf16>
    %slice3A_79 = vector.extract_strided_slice %dot_general3A_40 {offsets = [0, 1280], sizes = [1024, 128], strides = [1, 1]} : vector<1024x4096xf32> to vector<1024x128xf32>
    %convert_element_type3A_80 = arith.extf %concatenate3A : vector<1024x128xbf16> to vector<1024x128xf32>
    %mul3A_81 = arith.mulf %slice3A_79, %convert_element_type3A_80 : vector<1024x128xf32>
    %convert_element_type3A_82 = arith.truncf %mul3A_81 : vector<1024x128xf32> to vector<1024x128xbf16>
    %slice3A_83 = vector.extract_strided_slice %dot_general3A_40 {offsets = [0, 1408], sizes = [1024, 128], strides = [1, 1]} : vector<1024x4096xf32> to vector<1024x128xf32>
    %convert_element_type3A_84 = arith.extf %concatenate3A : vector<1024x128xbf16> to vector<1024x128xf32>
    %mul3A_85 = arith.mulf %slice3A_83, %convert_element_type3A_84 : vector<1024x128xf32>
    %convert_element_type3A_86 = arith.truncf %mul3A_85 : vector<1024x128xf32> to vector<1024x128xbf16>
    %slice3A_87 = vector.extract_strided_slice %dot_general3A_40 {offsets = [0, 1536], sizes = [1024, 128], strides = [1, 1]} : vector<1024x4096xf32> to vector<1024x128xf32>
    %convert_element_type3A_88 = arith.extf %concatenate3A : vector<1024x128xbf16> to vector<1024x128xf32>
    %mul3A_89 = arith.mulf %slice3A_87, %convert_element_type3A_88 : vector<1024x128xf32>
    %convert_element_type3A_90 = arith.truncf %mul3A_89 : vector<1024x128xf32> to vector<1024x128xbf16>
    %slice3A_91 = vector.extract_strided_slice %dot_general3A_40 {offsets = [0, 1664], sizes = [1024, 128], strides = [1, 1]} : vector<1024x4096xf32> to vector<1024x128xf32>
    %convert_element_type3A_92 = arith.extf %concatenate3A : vector<1024x128xbf16> to vector<1024x128xf32>
    %mul3A_93 = arith.mulf %slice3A_91, %convert_element_type3A_92 : vector<1024x128xf32>
    %convert_element_type3A_94 = arith.truncf %mul3A_93 : vector<1024x128xf32> to vector<1024x128xbf16>
    %slice3A_95 = vector.extract_strided_slice %dot_general3A_40 {offsets = [0, 1792], sizes = [1024, 128], strides = [1, 1]} : vector<1024x4096xf32> to vector<1024x128xf32>
    %convert_element_type3A_96 = arith.extf %concatenate3A : vector<1024x128xbf16> to vector<1024x128xf32>
    %mul3A_97 = arith.mulf %slice3A_95, %convert_element_type3A_96 : vector<1024x128xf32>
    %convert_element_type3A_98 = arith.truncf %mul3A_97 : vector<1024x128xf32> to vector<1024x128xbf16>
    %slice3A_99 = vector.extract_strided_slice %dot_general3A_40 {offsets = [0, 1920], sizes = [1024, 128], strides = [1, 1]} : vector<1024x4096xf32> to vector<1024x128xf32>
    %convert_element_type3A_100 = arith.extf %concatenate3A : vector<1024x128xbf16> to vector<1024x128xf32>
    %mul3A_101 = arith.mulf %slice3A_99, %convert_element_type3A_100 : vector<1024x128xf32>
    %convert_element_type3A_102 = arith.truncf %mul3A_101 : vector<1024x128xf32> to vector<1024x128xbf16>
    %slice3A_103 = vector.extract_strided_slice %dot_general3A_40 {offsets = [0, 2048], sizes = [1024, 128], strides = [1, 1]} : vector<1024x4096xf32> to vector<1024x128xf32>
    %convert_element_type3A_104 = arith.extf %concatenate3A : vector<1024x128xbf16> to vector<1024x128xf32>
    %mul3A_105 = arith.mulf %slice3A_103, %convert_element_type3A_104 : vector<1024x128xf32>
    %convert_element_type3A_106 = arith.truncf %mul3A_105 : vector<1024x128xf32> to vector<1024x128xbf16>
    %slice3A_107 = vector.extract_strided_slice %dot_general3A_40 {offsets = [0, 2176], sizes = [1024, 128], strides = [1, 1]} : vector<1024x4096xf32> to vector<1024x128xf32>
    %convert_element_type3A_108 = arith.extf %concatenate3A : vector<1024x128xbf16> to vector<1024x128xf32>
    %mul3A_109 = arith.mulf %slice3A_107, %convert_element_type3A_108 : vector<1024x128xf32>
    %convert_element_type3A_110 = arith.truncf %mul3A_109 : vector<1024x128xf32> to vector<1024x128xbf16>
    %slice3A_111 = vector.extract_strided_slice %dot_general3A_40 {offsets = [0, 2304], sizes = [1024, 128], strides = [1, 1]} : vector<1024x4096xf32> to vector<1024x128xf32>
    %convert_element_type3A_112 = arith.extf %concatenate3A : vector<1024x128xbf16> to vector<1024x128xf32>
    %mul3A_113 = arith.mulf %slice3A_111, %convert_element_type3A_112 : vector<1024x128xf32>
    %convert_element_type3A_114 = arith.truncf %mul3A_113 : vector<1024x128xf32> to vector<1024x128xbf16>
    %slice3A_115 = vector.extract_strided_slice %dot_general3A_40 {offsets = [0, 2432], sizes = [1024, 128], strides = [1, 1]} : vector<1024x4096xf32> to vector<1024x128xf32>
    %convert_element_type3A_116 = arith.extf %concatenate3A : vector<1024x128xbf16> to vector<1024x128xf32>
    %mul3A_117 = arith.mulf %slice3A_115, %convert_element_type3A_116 : vector<1024x128xf32>
    %convert_element_type3A_118 = arith.truncf %mul3A_117 : vector<1024x128xf32> to vector<1024x128xbf16>
    %slice3A_119 = vector.extract_strided_slice %dot_general3A_40 {offsets = [0, 2560], sizes = [1024, 128], strides = [1, 1]} : vector<1024x4096xf32> to vector<1024x128xf32>
    %convert_element_type3A_120 = arith.extf %concatenate3A : vector<1024x128xbf16> to vector<1024x128xf32>
    %mul3A_121 = arith.mulf %slice3A_119, %convert_element_type3A_120 : vector<1024x128xf32>
    %convert_element_type3A_122 = arith.truncf %mul3A_121 : vector<1024x128xf32> to vector<1024x128xbf16>
    %slice3A_123 = vector.extract_strided_slice %dot_general3A_40 {offsets = [0, 2688], sizes = [1024, 128], strides = [1, 1]} : vector<1024x4096xf32> to vector<1024x128xf32>
    %convert_element_type3A_124 = arith.extf %concatenate3A : vector<1024x128xbf16> to vector<1024x128xf32>
    %mul3A_125 = arith.mulf %slice3A_123, %convert_element_type3A_124 : vector<1024x128xf32>
    %convert_element_type3A_126 = arith.truncf %mul3A_125 : vector<1024x128xf32> to vector<1024x128xbf16>
    %slice3A_127 = vector.extract_strided_slice %dot_general3A_40 {offsets = [0, 2816], sizes = [1024, 128], strides = [1, 1]} : vector<1024x4096xf32> to vector<1024x128xf32>
    %convert_element_type3A_128 = arith.extf %concatenate3A : vector<1024x128xbf16> to vector<1024x128xf32>
    %mul3A_129 = arith.mulf %slice3A_127, %convert_element_type3A_128 : vector<1024x128xf32>
    %convert_element_type3A_130 = arith.truncf %mul3A_129 : vector<1024x128xf32> to vector<1024x128xbf16>
    %slice3A_131 = vector.extract_strided_slice %dot_general3A_40 {offsets = [0, 2944], sizes = [1024, 128], strides = [1, 1]} : vector<1024x4096xf32> to vector<1024x128xf32>
    %convert_element_type3A_132 = arith.extf %concatenate3A : vector<1024x128xbf16> to vector<1024x128xf32>
    %mul3A_133 = arith.mulf %slice3A_131, %convert_element_type3A_132 : vector<1024x128xf32>
    %convert_element_type3A_134 = arith.truncf %mul3A_133 : vector<1024x128xf32> to vector<1024x128xbf16>
    %slice3A_135 = vector.extract_strided_slice %dot_general3A_40 {offsets = [0, 3072], sizes = [1024, 128], strides = [1, 1]} : vector<1024x4096xf32> to vector<1024x128xf32>
    %convert_element_type3A_136 = arith.extf %concatenate3A : vector<1024x128xbf16> to vector<1024x128xf32>
    %mul3A_137 = arith.mulf %slice3A_135, %convert_element_type3A_136 : vector<1024x128xf32>
    %convert_element_type3A_138 = arith.truncf %mul3A_137 : vector<1024x128xf32> to vector<1024x128xbf16>
    %slice3A_139 = vector.extract_strided_slice %dot_general3A_40 {offsets = [0, 3200], sizes = [1024, 128], strides = [1, 1]} : vector<1024x4096xf32> to vector<1024x128xf32>
    %convert_element_type3A_140 = arith.extf %concatenate3A : vector<1024x128xbf16> to vector<1024x128xf32>
    %mul3A_141 = arith.mulf %slice3A_139, %convert_element_type3A_140 : vector<1024x128xf32>
    %convert_element_type3A_142 = arith.truncf %mul3A_141 : vector<1024x128xf32> to vector<1024x128xbf16>
    %slice3A_143 = vector.extract_strided_slice %dot_general3A_40 {offsets = [0, 3328], sizes = [1024, 128], strides = [1, 1]} : vector<1024x4096xf32> to vector<1024x128xf32>
    %convert_element_type3A_144 = arith.extf %concatenate3A : vector<1024x128xbf16> to vector<1024x128xf32>
    %mul3A_145 = arith.mulf %slice3A_143, %convert_element_type3A_144 : vector<1024x128xf32>
    %convert_element_type3A_146 = arith.truncf %mul3A_145 : vector<1024x128xf32> to vector<1024x128xbf16>
    %slice3A_147 = vector.extract_strided_slice %dot_general3A_40 {offsets = [0, 3456], sizes = [1024, 128], strides = [1, 1]} : vector<1024x4096xf32> to vector<1024x128xf32>
    %convert_element_type3A_148 = arith.extf %concatenate3A : vector<1024x128xbf16> to vector<1024x128xf32>
    %mul3A_149 = arith.mulf %slice3A_147, %convert_element_type3A_148 : vector<1024x128xf32>
    %convert_element_type3A_150 = arith.truncf %mul3A_149 : vector<1024x128xf32> to vector<1024x128xbf16>
    %slice3A_151 = vector.extract_strided_slice %dot_general3A_40 {offsets = [0, 3584], sizes = [1024, 128], strides = [1, 1]} : vector<1024x4096xf32> to vector<1024x128xf32>
    %convert_element_type3A_152 = arith.extf %concatenate3A : vector<1024x128xbf16> to vector<1024x128xf32>
    %mul3A_153 = arith.mulf %slice3A_151, %convert_element_type3A_152 : vector<1024x128xf32>
    %convert_element_type3A_154 = arith.truncf %mul3A_153 : vector<1024x128xf32> to vector<1024x128xbf16>
    %slice3A_155 = vector.extract_strided_slice %dot_general3A_40 {offsets = [0, 3712], sizes = [1024, 128], strides = [1, 1]} : vector<1024x4096xf32> to vector<1024x128xf32>
    %convert_element_type3A_156 = arith.extf %concatenate3A : vector<1024x128xbf16> to vector<1024x128xf32>
    %mul3A_157 = arith.mulf %slice3A_155, %convert_element_type3A_156 : vector<1024x128xf32>
    %convert_element_type3A_158 = arith.truncf %mul3A_157 : vector<1024x128xf32> to vector<1024x128xbf16>
    %slice3A_159 = vector.extract_strided_slice %dot_general3A_40 {offsets = [0, 3840], sizes = [1024, 128], strides = [1, 1]} : vector<1024x4096xf32> to vector<1024x128xf32>
    %convert_element_type3A_160 = arith.extf %concatenate3A : vector<1024x128xbf16> to vector<1024x128xf32>
    %mul3A_161 = arith.mulf %slice3A_159, %convert_element_type3A_160 : vector<1024x128xf32>
    %convert_element_type3A_162 = arith.truncf %mul3A_161 : vector<1024x128xf32> to vector<1024x128xbf16>
    %slice3A_163 = vector.extract_strided_slice %dot_general3A_40 {offsets = [0, 3968], sizes = [1024, 128], strides = [1, 1]} : vector<1024x4096xf32> to vector<1024x128xf32>
    %convert_element_type3A_164 = arith.extf %concatenate3A : vector<1024x128xbf16> to vector<1024x128xf32>
    %mul3A_165 = arith.mulf %slice3A_163, %convert_element_type3A_164 : vector<1024x128xf32>
    %convert_element_type3A_166 = arith.truncf %mul3A_165 : vector<1024x128xf32> to vector<1024x128xbf16>
    %concatenate3A_167 = tpu.concatenate %convert_element_type3A_42, %convert_element_type3A_46, %convert_element_type3A_50, %convert_element_type3A_54, %convert_element_type3A_58, %convert_element_type3A_62, %convert_element_type3A_66, %convert_element_type3A_70, %convert_element_type3A_74, %convert_element_type3A_78, %convert_element_type3A_82, %convert_element_type3A_86, %convert_element_type3A_90, %convert_element_type3A_94, %convert_element_type3A_98, %convert_element_type3A_102, %convert_element_type3A_106, %convert_element_type3A_110, %convert_element_type3A_114, %convert_element_type3A_118, %convert_element_type3A_122, %convert_element_type3A_126, %convert_element_type3A_130, %convert_element_type3A_134, %convert_element_type3A_138, %convert_element_type3A_142, %convert_element_type3A_146, %convert_element_type3A_150, %convert_element_type3A_154, %convert_element_type3A_158, %convert_element_type3A_162, %convert_element_type3A_166 in 1 : vector<1024x128xbf16>, vector<1024x128xbf16>, vector<1024x128xbf16>, vector<1024x128xbf16>, vector<1024x128xbf16>, vector<1024x128xbf16>, vector<1024x128xbf16>, vector<1024x128xbf16>, vector<1024x128xbf16>, vector<1024x128xbf16>, vector<1024x128xbf16>, vector<1024x128xbf16>, vector<1024x128xbf16>, vector<1024x128xbf16>, vector<1024x128xbf16>, vector<1024x128xbf16>, vector<1024x128xbf16>, vector<1024x128xbf16>, vector<1024x128xbf16>, vector<1024x128xbf16>, vector<1024x128xbf16>, vector<1024x128xbf16>, vector<1024x128xbf16>, vector<1024x128xbf16>, vector<1024x128xbf16>, vector<1024x128xbf16>, vector<1024x128xbf16>, vector<1024x128xbf16>, vector<1024x128xbf16>, vector<1024x128xbf16>, vector<1024x128xbf16>, vector<1024x128xbf16> -> vector<1024x4096xbf16>
    %dot_general3A_168 = arith.constant dense<0.000000e+00> : vector<1024x168xf32>
    %dot_general3A_169 = tpu.matmul %concatenate3A_167, %get3A_30, %dot_general3A_168 {dimension_numbers = #tpu.dot_dimension_numbers<[1], [1], [0], [0], [0, 0, 1, 0], [], []>, transpose_lhs_hint = false} : vector<1024x4096xbf16>, vector<168x4096xbf16>, vector<1024x168xf32> -> vector<1024x168xf32>
    %dot_general3A_170 = arith.constant dense<0.000000e+00> : vector<1024x168xf32>
    %dot_general3A_171 = tpu.matmul %convert_element_type3A_19, %get3A_33, %dot_general3A_170 {dimension_numbers = #tpu.dot_dimension_numbers<[1], [0], [0], [1], [0, 0, 1, 1], [], []>, transpose_lhs_hint = false} : vector<1024x64xbf16>, vector<64x168xbf16>, vector<1024x168xf32> -> vector<1024x168xf32>
    %add3A_172 = arith.addf %dot_general3A_169, %dot_general3A_171 : vector<1024x168xf32>
    %iota3A = tpu.iota {dimensions = array<i32: 1>} : vector<1024x168xi32>
    %eq3A = vector.broadcast %get3A_36 : vector<1024x1xi32> to vector<1024x168xi32>
    %eq3A_173 = arith.cmpi eq, %iota3A, %eq3A : vector<1024x168xi32>
    %jit3A = arith.constant 0.000000e+00 : f32
    %broadcast_in_dim3A = vector.broadcast %jit3A : f32 to vector<1024x168xf32>
    %select_n3A = arith.select %eq3A_173, %add3A_172, %broadcast_in_dim3A : vector<1024x168xi1>, vector<1024x168xf32>
    %reduce_sum3A = arith.constant dense<0.000000e+00> : vector<1024xf32>
    %reduce_sum3A_174 = vector.multi_reduction <add>, %select_n3A, %reduce_sum3A [1] : vector<1024x168xf32> to vector<1024xf32>
    %broadcast_in_dim3A_175 = vector.shape_cast %reduce_sum3A_174 : vector<1024xf32> to vector<1024x1xf32>
    %get3A_176 = arith.constant 0 : index
    %get3A_177 = arith.constant 0 : index
    %get3A_178 = vector.load %arg8[%get3A_176, %get3A_177] : memref<400x4096xbf16, #tpu.memory_space<vmem>>, vector<400x4096xbf16>
    %get3A_179 = arith.constant 0 : index
    %get3A_180 = arith.constant 0 : index
    %get3A_181 = vector.load %arg10[%get3A_179, %get3A_180] : memref<64x400xbf16, #tpu.memory_space<vmem>>, vector<64x400xbf16>
    %get3A_182 = arith.constant 0 : index
    %get3A_183 = arith.constant 0 : index
    %get3A_184 = vector.load %arg2[%get3A_182, %get3A_183] : memref<1024x1xi32, #tpu.memory_space<vmem>>, vector<1024x1xi32>
    %get3A_185 = arith.constant 0 : index
    %get3A_186 = arith.constant 0 : index
    %get3A_187 = vector.load %arg11[%get3A_185, %get3A_186] : memref<64x4096xbf16, #tpu.memory_space<vmem>>, vector<64x4096xbf16>
    %dot_general3A_188 = arith.constant dense<0.000000e+00> : vector<1024x4096xf32>
    %dot_general3A_189 = tpu.matmul %convert_element_type3A_27, %get3A_187, %dot_general3A_188 {dimension_numbers = #tpu.dot_dimension_numbers<[1], [0], [0], [1], [0, 0, 1, 1], [], []>, transpose_lhs_hint = false} : vector<1024x64xbf16>, vector<64x4096xbf16>, vector<1024x4096xf32> -> vector<1024x4096xf32>
    %concatenate3A_190 = tpu.concatenate %convert_element_type3A_12, %convert_element_type3A_12 in 1 : vector<1024x64xbf16>, vector<1024x64xbf16> -> vector<1024x128xbf16>
    %slice3A_191 = vector.extract_strided_slice %dot_general3A_189 {offsets = [0, 0], sizes = [1024, 128], strides = [1, 1]} : vector<1024x4096xf32> to vector<1024x128xf32>
    %convert_element_type3A_192 = arith.extf %concatenate3A_190 : vector<1024x128xbf16> to vector<1024x128xf32>
    %mul3A_193 = arith.mulf %slice3A_191, %convert_element_type3A_192 : vector<1024x128xf32>
    %convert_element_type3A_194 = arith.truncf %mul3A_193 : vector<1024x128xf32> to vector<1024x128xbf16>
    %slice3A_195 = vector.extract_strided_slice %dot_general3A_189 {offsets = [0, 128], sizes = [1024, 128], strides = [1, 1]} : vector<1024x4096xf32> to vector<1024x128xf32>
    %convert_element_type3A_196 = arith.extf %concatenate3A_190 : vector<1024x128xbf16> to vector<1024x128xf32>
    %mul3A_197 = arith.mulf %slice3A_195, %convert_element_type3A_196 : vector<1024x128xf32>
    %convert_element_type3A_198 = arith.truncf %mul3A_197 : vector<1024x128xf32> to vector<1024x128xbf16>
    %slice3A_199 = vector.extract_strided_slice %dot_general3A_189 {offsets = [0, 256], sizes = [1024, 128], strides = [1, 1]} : vector<1024x4096xf32> to vector<1024x128xf32>
    %convert_element_type3A_200 = arith.extf %concatenate3A_190 : vector<1024x128xbf16> to vector<1024x128xf32>
    %mul3A_201 = arith.mulf %slice3A_199, %convert_element_type3A_200 : vector<1024x128xf32>
    %convert_element_type3A_202 = arith.truncf %mul3A_201 : vector<1024x128xf32> to vector<1024x128xbf16>
    %slice3A_203 = vector.extract_strided_slice %dot_general3A_189 {offsets = [0, 384], sizes = [1024, 128], strides = [1, 1]} : vector<1024x4096xf32> to vector<1024x128xf32>
    %convert_element_type3A_204 = arith.extf %concatenate3A_190 : vector<1024x128xbf16> to vector<1024x128xf32>
    %mul3A_205 = arith.mulf %slice3A_203, %convert_element_type3A_204 : vector<1024x128xf32>
    %convert_element_type3A_206 = arith.truncf %mul3A_205 : vector<1024x128xf32> to vector<1024x128xbf16>
    %slice3A_207 = vector.extract_strided_slice %dot_general3A_189 {offsets = [0, 512], sizes = [1024, 128], strides = [1, 1]} : vector<1024x4096xf32> to vector<1024x128xf32>
    %convert_element_type3A_208 = arith.extf %concatenate3A_190 : vector<1024x128xbf16> to vector<1024x128xf32>
    %mul3A_209 = arith.mulf %slice3A_207, %convert_element_type3A_208 : vector<1024x128xf32>
    %convert_element_type3A_210 = arith.truncf %mul3A_209 : vector<1024x128xf32> to vector<1024x128xbf16>
    %slice3A_211 = vector.extract_strided_slice %dot_general3A_189 {offsets = [0, 640], sizes = [1024, 128], strides = [1, 1]} : vector<1024x4096xf32> to vector<1024x128xf32>
    %convert_element_type3A_212 = arith.extf %concatenate3A_190 : vector<1024x128xbf16> to vector<1024x128xf32>
    %mul3A_213 = arith.mulf %slice3A_211, %convert_element_type3A_212 : vector<1024x128xf32>
    %convert_element_type3A_214 = arith.truncf %mul3A_213 : vector<1024x128xf32> to vector<1024x128xbf16>
    %slice3A_215 = vector.extract_strided_slice %dot_general3A_189 {offsets = [0, 768], sizes = [1024, 128], strides = [1, 1]} : vector<1024x4096xf32> to vector<1024x128xf32>
    %convert_element_type3A_216 = arith.extf %concatenate3A_190 : vector<1024x128xbf16> to vector<1024x128xf32>
    %mul3A_217 = arith.mulf %slice3A_215, %convert_element_type3A_216 : vector<1024x128xf32>
    %convert_element_type3A_218 = arith.truncf %mul3A_217 : vector<1024x128xf32> to vector<1024x128xbf16>
    %slice3A_219 = vector.extract_strided_slice %dot_general3A_189 {offsets = [0, 896], sizes = [1024, 128], strides = [1, 1]} : vector<1024x4096xf32> to vector<1024x128xf32>
    %convert_element_type3A_220 = arith.extf %concatenate3A_190 : vector<1024x128xbf16> to vector<1024x128xf32>
    %mul3A_221 = arith.mulf %slice3A_219, %convert_element_type3A_220 : vector<1024x128xf32>
    %convert_element_type3A_222 = arith.truncf %mul3A_221 : vector<1024x128xf32> to vector<1024x128xbf16>
    %slice3A_223 = vector.extract_strided_slice %dot_general3A_189 {offsets = [0, 1024], sizes = [1024, 128], strides = [1, 1]} : vector<1024x4096xf32> to vector<1024x128xf32>
    %convert_element_type3A_224 = arith.extf %concatenate3A_190 : vector<1024x128xbf16> to vector<1024x128xf32>
    %mul3A_225 = arith.mulf %slice3A_223, %convert_element_type3A_224 : vector<1024x128xf32>
    %convert_element_type3A_226 = arith.truncf %mul3A_225 : vector<1024x128xf32> to vector<1024x128xbf16>
    %slice3A_227 = vector.extract_strided_slice %dot_general3A_189 {offsets = [0, 1152], sizes = [1024, 128], strides = [1, 1]} : vector<1024x4096xf32> to vector<1024x128xf32>
    %convert_element_type3A_228 = arith.extf %concatenate3A_190 : vector<1024x128xbf16> to vector<1024x128xf32>
    %mul3A_229 = arith.mulf %slice3A_227, %convert_element_type3A_228 : vector<1024x128xf32>
    %convert_element_type3A_230 = arith.truncf %mul3A_229 : vector<1024x128xf32> to vector<1024x128xbf16>
    %slice3A_231 = vector.extract_strided_slice %dot_general3A_189 {offsets = [0, 1280], sizes = [1024, 128], strides = [1, 1]} : vector<1024x4096xf32> to vector<1024x128xf32>
    %convert_element_type3A_232 = arith.extf %concatenate3A_190 : vector<1024x128xbf16> to vector<1024x128xf32>
    %mul3A_233 = arith.mulf %slice3A_231, %convert_element_type3A_232 : vector<1024x128xf32>
    %convert_element_type3A_234 = arith.truncf %mul3A_233 : vector<1024x128xf32> to vector<1024x128xbf16>
    %slice3A_235 = vector.extract_strided_slice %dot_general3A_189 {offsets = [0, 1408], sizes = [1024, 128], strides = [1, 1]} : vector<1024x4096xf32> to vector<1024x128xf32>
    %convert_element_type3A_236 = arith.extf %concatenate3A_190 : vector<1024x128xbf16> to vector<1024x128xf32>
    %mul3A_237 = arith.mulf %slice3A_235, %convert_element_type3A_236 : vector<1024x128xf32>
    %convert_element_type3A_238 = arith.truncf %mul3A_237 : vector<1024x128xf32> to vector<1024x128xbf16>
    %slice3A_239 = vector.extract_strided_slice %dot_general3A_189 {offsets = [0, 1536], sizes = [1024, 128], strides = [1, 1]} : vector<1024x4096xf32> to vector<1024x128xf32>
    %convert_element_type3A_240 = arith.extf %concatenate3A_190 : vector<1024x128xbf16> to vector<1024x128xf32>
    %mul3A_241 = arith.mulf %slice3A_239, %convert_element_type3A_240 : vector<1024x128xf32>
    %convert_element_type3A_242 = arith.truncf %mul3A_241 : vector<1024x128xf32> to vector<1024x128xbf16>
    %slice3A_243 = vector.extract_strided_slice %dot_general3A_189 {offsets = [0, 1664], sizes = [1024, 128], strides = [1, 1]} : vector<1024x4096xf32> to vector<1024x128xf32>
    %convert_element_type3A_244 = arith.extf %concatenate3A_190 : vector<1024x128xbf16> to vector<1024x128xf32>
    %mul3A_245 = arith.mulf %slice3A_243, %convert_element_type3A_244 : vector<1024x128xf32>
    %convert_element_type3A_246 = arith.truncf %mul3A_245 : vector<1024x128xf32> to vector<1024x128xbf16>
    %slice3A_247 = vector.extract_strided_slice %dot_general3A_189 {offsets = [0, 1792], sizes = [1024, 128], strides = [1, 1]} : vector<1024x4096xf32> to vector<1024x128xf32>
    %convert_element_type3A_248 = arith.extf %concatenate3A_190 : vector<1024x128xbf16> to vector<1024x128xf32>
    %mul3A_249 = arith.mulf %slice3A_247, %convert_element_type3A_248 : vector<1024x128xf32>
    %convert_element_type3A_250 = arith.truncf %mul3A_249 : vector<1024x128xf32> to vector<1024x128xbf16>
    %slice3A_251 = vector.extract_strided_slice %dot_general3A_189 {offsets = [0, 1920], sizes = [1024, 128], strides = [1, 1]} : vector<1024x4096xf32> to vector<1024x128xf32>
    %convert_element_type3A_252 = arith.extf %concatenate3A_190 : vector<1024x128xbf16> to vector<1024x128xf32>
    %mul3A_253 = arith.mulf %slice3A_251, %convert_element_type3A_252 : vector<1024x128xf32>
    %convert_element_type3A_254 = arith.truncf %mul3A_253 : vector<1024x128xf32> to vector<1024x128xbf16>
    %slice3A_255 = vector.extract_strided_slice %dot_general3A_189 {offsets = [0, 2048], sizes = [1024, 128], strides = [1, 1]} : vector<1024x4096xf32> to vector<1024x128xf32>
    %convert_element_type3A_256 = arith.extf %concatenate3A_190 : vector<1024x128xbf16> to vector<1024x128xf32>
    %mul3A_257 = arith.mulf %slice3A_255, %convert_element_type3A_256 : vector<1024x128xf32>
    %convert_element_type3A_258 = arith.truncf %mul3A_257 : vector<1024x128xf32> to vector<1024x128xbf16>
    %slice3A_259 = vector.extract_strided_slice %dot_general3A_189 {offsets = [0, 2176], sizes = [1024, 128], strides = [1, 1]} : vector<1024x4096xf32> to vector<1024x128xf32>
    %convert_element_type3A_260 = arith.extf %concatenate3A_190 : vector<1024x128xbf16> to vector<1024x128xf32>
    %mul3A_261 = arith.mulf %slice3A_259, %convert_element_type3A_260 : vector<1024x128xf32>
    %convert_element_type3A_262 = arith.truncf %mul3A_261 : vector<1024x128xf32> to vector<1024x128xbf16>
    %slice3A_263 = vector.extract_strided_slice %dot_general3A_189 {offsets = [0, 2304], sizes = [1024, 128], strides = [1, 1]} : vector<1024x4096xf32> to vector<1024x128xf32>
    %convert_element_type3A_264 = arith.extf %concatenate3A_190 : vector<1024x128xbf16> to vector<1024x128xf32>
    %mul3A_265 = arith.mulf %slice3A_263, %convert_element_type3A_264 : vector<1024x128xf32>
    %convert_element_type3A_266 = arith.truncf %mul3A_265 : vector<1024x128xf32> to vector<1024x128xbf16>
    %slice3A_267 = vector.extract_strided_slice %dot_general3A_189 {offsets = [0, 2432], sizes = [1024, 128], strides = [1, 1]} : vector<1024x4096xf32> to vector<1024x128xf32>
    %convert_element_type3A_268 = arith.extf %concatenate3A_190 : vector<1024x128xbf16> to vector<1024x128xf32>
    %mul3A_269 = arith.mulf %slice3A_267, %convert_element_type3A_268 : vector<1024x128xf32>
    %convert_element_type3A_270 = arith.truncf %mul3A_269 : vector<1024x128xf32> to vector<1024x128xbf16>
    %slice3A_271 = vector.extract_strided_slice %dot_general3A_189 {offsets = [0, 2560], sizes = [1024, 128], strides = [1, 1]} : vector<1024x4096xf32> to vector<1024x128xf32>
    %convert_element_type3A_272 = arith.extf %concatenate3A_190 : vector<1024x128xbf16> to vector<1024x128xf32>
    %mul3A_273 = arith.mulf %slice3A_271, %convert_element_type3A_272 : vector<1024x128xf32>
    %convert_element_type3A_274 = arith.truncf %mul3A_273 : vector<1024x128xf32> to vector<1024x128xbf16>
    %slice3A_275 = vector.extract_strided_slice %dot_general3A_189 {offsets = [0, 2688], sizes = [1024, 128], strides = [1, 1]} : vector<1024x4096xf32> to vector<1024x128xf32>
    %convert_element_type3A_276 = arith.extf %concatenate3A_190 : vector<1024x128xbf16> to vector<1024x128xf32>
    %mul3A_277 = arith.mulf %slice3A_275, %convert_element_type3A_276 : vector<1024x128xf32>
    %convert_element_type3A_278 = arith.truncf %mul3A_277 : vector<1024x128xf32> to vector<1024x128xbf16>
    %slice3A_279 = vector.extract_strided_slice %dot_general3A_189 {offsets = [0, 2816], sizes = [1024, 128], strides = [1, 1]} : vector<1024x4096xf32> to vector<1024x128xf32>
    %convert_element_type3A_280 = arith.extf %concatenate3A_190 : vector<1024x128xbf16> to vector<1024x128xf32>
    %mul3A_281 = arith.mulf %slice3A_279, %convert_element_type3A_280 : vector<1024x128xf32>
    %convert_element_type3A_282 = arith.truncf %mul3A_281 : vector<1024x128xf32> to vector<1024x128xbf16>
    %slice3A_283 = vector.extract_strided_slice %dot_general3A_189 {offsets = [0, 2944], sizes = [1024, 128], strides = [1, 1]} : vector<1024x4096xf32> to vector<1024x128xf32>
    %convert_element_type3A_284 = arith.extf %concatenate3A_190 : vector<1024x128xbf16> to vector<1024x128xf32>
    %mul3A_285 = arith.mulf %slice3A_283, %convert_element_type3A_284 : vector<1024x128xf32>
    %convert_element_type3A_286 = arith.truncf %mul3A_285 : vector<1024x128xf32> to vector<1024x128xbf16>
    %slice3A_287 = vector.extract_strided_slice %dot_general3A_189 {offsets = [0, 3072], sizes = [1024, 128], strides = [1, 1]} : vector<1024x4096xf32> to vector<1024x128xf32>
    %convert_element_type3A_288 = arith.extf %concatenate3A_190 : vector<1024x128xbf16> to vector<1024x128xf32>
    %mul3A_289 = arith.mulf %slice3A_287, %convert_element_type3A_288 : vector<1024x128xf32>
    %convert_element_type3A_290 = arith.truncf %mul3A_289 : vector<1024x128xf32> to vector<1024x128xbf16>
    %slice3A_291 = vector.extract_strided_slice %dot_general3A_189 {offsets = [0, 3200], sizes = [1024, 128], strides = [1, 1]} : vector<1024x4096xf32> to vector<1024x128xf32>
    %convert_element_type3A_292 = arith.extf %concatenate3A_190 : vector<1024x128xbf16> to vector<1024x128xf32>
    %mul3A_293 = arith.mulf %slice3A_291, %convert_element_type3A_292 : vector<1024x128xf32>
    %convert_element_type3A_294 = arith.truncf %mul3A_293 : vector<1024x128xf32> to vector<1024x128xbf16>
    %slice3A_295 = vector.extract_strided_slice %dot_general3A_189 {offsets = [0, 3328], sizes = [1024, 128], strides = [1, 1]} : vector<1024x4096xf32> to vector<1024x128xf32>
    %convert_element_type3A_296 = arith.extf %concatenate3A_190 : vector<1024x128xbf16> to vector<1024x128xf32>
    %mul3A_297 = arith.mulf %slice3A_295, %convert_element_type3A_296 : vector<1024x128xf32>
    %convert_element_type3A_298 = arith.truncf %mul3A_297 : vector<1024x128xf32> to vector<1024x128xbf16>
    %slice3A_299 = vector.extract_strided_slice %dot_general3A_189 {offsets = [0, 3456], sizes = [1024, 128], strides = [1, 1]} : vector<1024x4096xf32> to vector<1024x128xf32>
    %convert_element_type3A_300 = arith.extf %concatenate3A_190 : vector<1024x128xbf16> to vector<1024x128xf32>
    %mul3A_301 = arith.mulf %slice3A_299, %convert_element_type3A_300 : vector<1024x128xf32>
    %convert_element_type3A_302 = arith.truncf %mul3A_301 : vector<1024x128xf32> to vector<1024x128xbf16>
    %slice3A_303 = vector.extract_strided_slice %dot_general3A_189 {offsets = [0, 3584], sizes = [1024, 128], strides = [1, 1]} : vector<1024x4096xf32> to vector<1024x128xf32>
    %convert_element_type3A_304 = arith.extf %concatenate3A_190 : vector<1024x128xbf16> to vector<1024x128xf32>
    %mul3A_305 = arith.mulf %slice3A_303, %convert_element_type3A_304 : vector<1024x128xf32>
    %convert_element_type3A_306 = arith.truncf %mul3A_305 : vector<1024x128xf32> to vector<1024x128xbf16>
    %slice3A_307 = vector.extract_strided_slice %dot_general3A_189 {offsets = [0, 3712], sizes = [1024, 128], strides = [1, 1]} : vector<1024x4096xf32> to vector<1024x128xf32>
    %convert_element_type3A_308 = arith.extf %concatenate3A_190 : vector<1024x128xbf16> to vector<1024x128xf32>
    %mul3A_309 = arith.mulf %slice3A_307, %convert_element_type3A_308 : vector<1024x128xf32>
    %convert_element_type3A_310 = arith.truncf %mul3A_309 : vector<1024x128xf32> to vector<1024x128xbf16>
    %slice3A_311 = vector.extract_strided_slice %dot_general3A_189 {offsets = [0, 3840], sizes = [1024, 128], strides = [1, 1]} : vector<1024x4096xf32> to vector<1024x128xf32>
    %convert_element_type3A_312 = arith.extf %concatenate3A_190 : vector<1024x128xbf16> to vector<1024x128xf32>
    %mul3A_313 = arith.mulf %slice3A_311, %convert_element_type3A_312 : vector<1024x128xf32>
    %convert_element_type3A_314 = arith.truncf %mul3A_313 : vector<1024x128xf32> to vector<1024x128xbf16>
    %slice3A_315 = vector.extract_strided_slice %dot_general3A_189 {offsets = [0, 3968], sizes = [1024, 128], strides = [1, 1]} : vector<1024x4096xf32> to vector<1024x128xf32>
    %convert_element_type3A_316 = arith.extf %concatenate3A_190 : vector<1024x128xbf16> to vector<1024x128xf32>
    %mul3A_317 = arith.mulf %slice3A_315, %convert_element_type3A_316 : vector<1024x128xf32>
    %convert_element_type3A_318 = arith.truncf %mul3A_317 : vector<1024x128xf32> to vector<1024x128xbf16>
    %concatenate3A_319 = tpu.concatenate %convert_element_type3A_194, %convert_element_type3A_198, %convert_element_type3A_202, %convert_element_type3A_206, %convert_element_type3A_210, %convert_element_type3A_214, %convert_element_type3A_218, %convert_element_type3A_222, %convert_element_type3A_226, %convert_element_type3A_230, %convert_element_type3A_234, %convert_element_type3A_238, %convert_element_type3A_242, %convert_element_type3A_246, %convert_element_type3A_250, %convert_element_type3A_254, %convert_element_type3A_258, %convert_element_type3A_262, %convert_element_type3A_266, %convert_element_type3A_270, %convert_element_type3A_274, %convert_element_type3A_278, %convert_element_type3A_282, %convert_element_type3A_286, %convert_element_type3A_290, %convert_element_type3A_294, %convert_element_type3A_298, %convert_element_type3A_302, %convert_element_type3A_306, %convert_element_type3A_310, %convert_element_type3A_314, %convert_element_type3A_318 in 1 : vector<1024x128xbf16>, vector<1024x128xbf16>, vector<1024x128xbf16>, vector<1024x128xbf16>, vector<1024x128xbf16>, vector<1024x128xbf16>, vector<1024x128xbf16>, vector<1024x128xbf16>, vector<1024x128xbf16>, vector<1024x128xbf16>, vector<1024x128xbf16>, vector<1024x128xbf16>, vector<1024x128xbf16>, vector<1024x128xbf16>, vector<1024x128xbf16>, vector<1024x128xbf16>, vector<1024x128xbf16>, vector<1024x128xbf16>, vector<1024x128xbf16>, vector<1024x128xbf16>, vector<1024x128xbf16>, vector<1024x128xbf16>, vector<1024x128xbf16>, vector<1024x128xbf16>, vector<1024x128xbf16>, vector<1024x128xbf16>, vector<1024x128xbf16>, vector<1024x128xbf16>, vector<1024x128xbf16>, vector<1024x128xbf16>, vector<1024x128xbf16>, vector<1024x128xbf16> -> vector<1024x4096xbf16>
    %dot_general3A_320 = arith.constant dense<0.000000e+00> : vector<1024x400xf32>
    %dot_general3A_321 = tpu.matmul %concatenate3A_319, %get3A_178, %dot_general3A_320 {dimension_numbers = #tpu.dot_dimension_numbers<[1], [1], [0], [0], [0, 0, 1, 0], [], []>, transpose_lhs_hint = false} : vector<1024x4096xbf16>, vector<400x4096xbf16>, vector<1024x400xf32> -> vector<1024x400xf32>
    %dot_general3A_322 = arith.constant dense<0.000000e+00> : vector<1024x400xf32>
    %dot_general3A_323 = tpu.matmul %convert_element_type3A_27, %get3A_181, %dot_general3A_322 {dimension_numbers = #tpu.dot_dimension_numbers<[1], [0], [0], [1], [0, 0, 1, 1], [], []>, transpose_lhs_hint = false} : vector<1024x64xbf16>, vector<64x400xbf16>, vector<1024x400xf32> -> vector<1024x400xf32>
    %add3A_324 = arith.addf %dot_general3A_321, %dot_general3A_323 : vector<1024x400xf32>
    %iota3A_325 = tpu.iota {dimensions = array<i32: 1>} : vector<1024x400xi32>
    %eq3A_326 = vector.broadcast %get3A_184 : vector<1024x1xi32> to vector<1024x400xi32>
    %eq3A_327 = arith.cmpi eq, %iota3A_325, %eq3A_326 : vector<1024x400xi32>
    %jit3A_328 = arith.constant 0.000000e+00 : f32
    %broadcast_in_dim3A_329 = vector.broadcast %jit3A_328 : f32 to vector<1024x400xf32>
    %select_n3A_330 = arith.select %eq3A_327, %add3A_324, %broadcast_in_dim3A_329 : vector<1024x400xi1>, vector<1024x400xf32>
    %reduce_sum3A_331 = arith.constant dense<0.000000e+00> : vector<1024xf32>
    %reduce_sum3A_332 = vector.multi_reduction <add>, %select_n3A_330, %reduce_sum3A_331 [1] : vector<1024x400xf32> to vector<1024xf32>
    %broadcast_in_dim3A_333 = vector.shape_cast %reduce_sum3A_332 : vector<1024xf32> to vector<1024x1xf32>
    %jit3A_334 = arith.constant 4 : i32
    %div3A = arith.divsi %add3A_0, %jit3A_334 : i32
    %sign3A = arith.constant 0 : i32
    %sign3A_335 = arith.cmpi sgt, %add3A_0, %sign3A : i32
    %sign3A_336 = arith.extui %sign3A_335 : i1 to i32
    %sign3A_337 = arith.constant 0 : i32
    %sign3A_338 = arith.cmpi slt, %add3A_0, %sign3A_337 : i32
    %sign3A_339 = arith.extui %sign3A_338 : i1 to i32
    %sign3A_340 = arith.subi %sign3A_336, %sign3A_339 : i32
    %sign3A_341 = arith.constant 0 : i32
    %sign3A_342 = arith.cmpi sgt, %jit3A_334, %sign3A_341 : i32
    %sign3A_343 = arith.extui %sign3A_342 : i1 to i32
    %sign3A_344 = arith.constant 0 : i32
    %sign3A_345 = arith.cmpi slt, %jit3A_334, %sign3A_344 : i32
    %sign3A_346 = arith.extui %sign3A_345 : i1 to i32
    %sign3A_347 = arith.subi %sign3A_343, %sign3A_346 : i32
    %ne3A = arith.cmpi ne, %sign3A_340, %sign3A_347 : i32
    %rem3A = arith.remsi %add3A_0, %jit3A_334 : i32
    %ne3A_348 = arith.constant 0 : i32
    %ne3A_349 = arith.cmpi ne, %rem3A, %ne3A_348 : i32
    %and3A_350 = arith.andi %ne3A, %ne3A_349 : i1
    %sub3A = arith.constant 1 : i32
    %sub3A_351 = arith.subi %div3A, %sub3A : i32
    %select_n3A_352 = arith.select %and3A_350, %sub3A_351, %div3A : i32
    %eq3A_353 = arith.constant 0 : i32
    %eq3A_354 = arith.cmpi eq, %arg0, %eq3A_353 : i32
    %convert_element_type3A_355 = arith.extui %eq3A_354 : i1 to i32
    %cond3A = arith.constant 0 : i32
    %cond3A_356 = arith.cmpi ne, %convert_element_type3A_355, %cond3A : i32
    scf.if %cond3A_356 {
      %broadcast_in_dim3A_366 = arith.constant 0.000000e+00 : f32
      %broadcast_in_dim3A_367 = vector.broadcast %broadcast_in_dim3A_366 : f32 to vector<8x128xf32>
      %swap3A = arith.constant 0 : index
      %swap3A_368 = arith.constant 0 : index
      %swap3A_369 = vector.load %arg14[%swap3A, %swap3A_368] : memref<8x128xf32, #tpu.memory_space<vmem>>, vector<8x128xf32>
      tpu.vector_store %arg14[%swap3A, %swap3A_368], %broadcast_in_dim3A_367 {strides = array<i32>} : memref<8x128xf32, #tpu.memory_space<vmem>>, vector<8x128xf32>,
    } else {
    }
    %eq3A_357 = arith.constant 0 : i32
    %eq3A_358 = arith.cmpi eq, %select_n3A_352, %eq3A_357 : i32
    %convert_element_type3A_359 = arith.extui %eq3A_358 : i1 to i32
    %cond3A_360 = arith.constant 0 : i32
    %cond3A_361 = arith.cmpi ne, %convert_element_type3A_359, %cond3A_360 : i32
    scf.if %cond3A_361 {
      %neg3A = arith.constant 0.000000e+00 : f32
      %neg3A_366 = vector.broadcast %neg3A : f32 to vector<1024x1xf32>
      %neg3A_367 = arith.subf %neg3A_366, %broadcast_in_dim3A_175 : vector<1024x1xf32>
      %max3A = arith.constant 0.000000e+00 : f32
      %max3A_368 = vector.broadcast %max3A : f32 to vector<1024x1xf32>
      %max3A_369 = arith.maximumf %neg3A_367, %max3A_368 : vector<1024x1xf32>
      %abs3A = math.absf %broadcast_in_dim3A_175 : vector<1024x1xf32>
      %neg3A_370 = arith.constant 0.000000e+00 : f32
      %neg3A_371 = vector.broadcast %neg3A_370 : f32 to vector<1024x1xf32>
      %neg3A_372 = arith.subf %neg3A_371, %abs3A : vector<1024x1xf32>
      %exp3A = math.exp %neg3A_372 : vector<1024x1xf32>
      %add3A_373 = arith.constant 1.000000e+00 : f32
      %add3A_374 = vector.broadcast %add3A_373 : f32 to vector<1024x1xf32>
      %add3A_375 = arith.addf %add3A_374, %exp3A : vector<1024x1xf32>
      %log3A = math.log %add3A_375 : vector<1024x1xf32>
      %add3A_376 = arith.addf %max3A_369, %log3A : vector<1024x1xf32>
      %neg3A_377 = arith.constant 0.000000e+00 : f32
      %neg3A_378 = vector.broadcast %neg3A_377 : f32 to vector<1024x1xf32>
      %neg3A_379 = arith.subf %neg3A_378, %add3A_376 : vector<1024x1xf32>
      %neg3A_380 = arith.constant 0.000000e+00 : f32
      %neg3A_381 = vector.broadcast %neg3A_380 : f32 to vector<1024x1xf32>
      %neg3A_382 = arith.subf %neg3A_381, %broadcast_in_dim3A_333 : vector<1024x1xf32>
      %max3A_383 = arith.constant 0.000000e+00 : f32
      %max3A_384 = vector.broadcast %max3A_383 : f32 to vector<1024x1xf32>
      %max3A_385 = arith.maximumf %neg3A_382, %max3A_384 : vector<1024x1xf32>
      %abs3A_386 = math.absf %broadcast_in_dim3A_333 : vector<1024x1xf32>
      %neg3A_387 = arith.constant 0.000000e+00 : f32
      %neg3A_388 = vector.broadcast %neg3A_387 : f32 to vector<1024x1xf32>
      %neg3A_389 = arith.subf %neg3A_388, %abs3A_386 : vector<1024x1xf32>
      %exp3A_390 = math.exp %neg3A_389 : vector<1024x1xf32>
      %add3A_391 = arith.constant 1.000000e+00 : f32
      %add3A_392 = vector.broadcast %add3A_391 : f32 to vector<1024x1xf32>
      %add3A_393 = arith.addf %add3A_392, %exp3A_390 : vector<1024x1xf32>
      %log3A_394 = math.log %add3A_393 : vector<1024x1xf32>
      %add3A_395 = arith.addf %max3A_385, %log3A_394 : vector<1024x1xf32>
      %neg3A_396 = arith.constant 0.000000e+00 : f32
      %neg3A_397 = vector.broadcast %neg3A_396 : f32 to vector<1024x1xf32>
      %neg3A_398 = arith.subf %neg3A_397, %add3A_395 : vector<1024x1xf32>
      %add3A_399 = arith.addf %neg3A_379, %neg3A_398 : vector<1024x1xf32>
      %neg3A_400 = arith.constant 0.000000e+00 : f32
      %neg3A_401 = vector.broadcast %neg3A_400 : f32 to vector<1024x1xf32>
      %neg3A_402 = arith.subf %neg3A_401, %add3A_399 : vector<1024x1xf32>
      %swap3A = arith.constant 0 : index
      %swap3A_403 = arith.constant 0 : index
      %swap3A_404 = vector.load %arg13[%swap3A, %swap3A_403] : memref<1024x1xf32, #tpu.memory_space<vmem>>, vector<1024x1xf32>
      tpu.vector_store %arg13[%swap3A, %swap3A_403], %neg3A_402 {strides = array<i32>} : memref<1024x1xf32, #tpu.memory_space<vmem>>, vector<1024x1xf32>,
    } else {
    }
    %gt3A = arith.constant 0 : i32
    %gt3A_362 = arith.cmpi sgt, %select_n3A_352, %gt3A : i32
    %convert_element_type3A_363 = arith.extui %gt3A_362 : i1 to i32
    %cond3A_364 = arith.constant 0 : i32
    %cond3A_365 = arith.cmpi ne, %convert_element_type3A_363, %cond3A_364 : i32
    scf.if %cond3A_365 {
      %neg3A = arith.constant 0.000000e+00 : f32
      %neg3A_366 = vector.broadcast %neg3A : f32 to vector<1024x1xf32>
      %neg3A_367 = arith.subf %neg3A_366, %broadcast_in_dim3A_175 : vector<1024x1xf32>
      %neg3A_368 = arith.constant 0.000000e+00 : f32
      %neg3A_369 = vector.broadcast %neg3A_368 : f32 to vector<1024x1xf32>
      %neg3A_370 = arith.subf %neg3A_369, %neg3A_367 : vector<1024x1xf32>
      %max3A = arith.constant 0.000000e+00 : f32
      %max3A_371 = vector.broadcast %max3A : f32 to vector<1024x1xf32>
      %max3A_372 = arith.maximumf %neg3A_370, %max3A_371 : vector<1024x1xf32>
      %abs3A = math.absf %neg3A_367 : vector<1024x1xf32>
      %neg3A_373 = arith.constant 0.000000e+00 : f32
      %neg3A_374 = vector.broadcast %neg3A_373 : f32 to vector<1024x1xf32>
      %neg3A_375 = arith.subf %neg3A_374, %abs3A : vector<1024x1xf32>
      %exp3A = math.exp %neg3A_375 : vector<1024x1xf32>
      %add3A_376 = arith.constant 1.000000e+00 : f32
      %add3A_377 = vector.broadcast %add3A_376 : f32 to vector<1024x1xf32>
      %add3A_378 = arith.addf %add3A_377, %exp3A : vector<1024x1xf32>
      %log3A = math.log %add3A_378 : vector<1024x1xf32>
      %add3A_379 = arith.addf %max3A_372, %log3A : vector<1024x1xf32>
      %neg3A_380 = arith.constant 0.000000e+00 : f32
      %neg3A_381 = vector.broadcast %neg3A_380 : f32 to vector<1024x1xf32>
      %neg3A_382 = arith.subf %neg3A_381, %add3A_379 : vector<1024x1xf32>
      %neg3A_383 = arith.constant 0.000000e+00 : f32
      %neg3A_384 = vector.broadcast %neg3A_383 : f32 to vector<1024x1xf32>
      %neg3A_385 = arith.subf %neg3A_384, %broadcast_in_dim3A_333 : vector<1024x1xf32>
      %neg3A_386 = arith.constant 0.000000e+00 : f32
      %neg3A_387 = vector.broadcast %neg3A_386 : f32 to vector<1024x1xf32>
      %neg3A_388 = arith.subf %neg3A_387, %neg3A_385 : vector<1024x1xf32>
      %max3A_389 = arith.constant 0.000000e+00 : f32
      %max3A_390 = vector.broadcast %max3A_389 : f32 to vector<1024x1xf32>
      %max3A_391 = arith.maximumf %neg3A_388, %max3A_390 : vector<1024x1xf32>
      %abs3A_392 = math.absf %neg3A_385 : vector<1024x1xf32>
      %neg3A_393 = arith.constant 0.000000e+00 : f32
      %neg3A_394 = vector.broadcast %neg3A_393 : f32 to vector<1024x1xf32>
      %neg3A_395 = arith.subf %neg3A_394, %abs3A_392 : vector<1024x1xf32>
      %exp3A_396 = math.exp %neg3A_395 : vector<1024x1xf32>
      %add3A_397 = arith.constant 1.000000e+00 : f32
      %add3A_398 = vector.broadcast %add3A_397 : f32 to vector<1024x1xf32>
      %add3A_399 = arith.addf %add3A_398, %exp3A_396 : vector<1024x1xf32>
      %log3A_400 = math.log %add3A_399 : vector<1024x1xf32>
      %add3A_401 = arith.addf %max3A_391, %log3A_400 : vector<1024x1xf32>
      %neg3A_402 = arith.constant 0.000000e+00 : f32
      %neg3A_403 = vector.broadcast %neg3A_402 : f32 to vector<1024x1xf32>
      %neg3A_404 = arith.subf %neg3A_403, %add3A_401 : vector<1024x1xf32>
      %add3A_405 = arith.addf %neg3A_382, %neg3A_404 : vector<1024x1xf32>
      %reduce_sum3A_406 = vector.shape_cast %add3A_405 : vector<1024x1xf32> to vector<1x1024x1xf32>
      %reduce_sum3A_407 = arith.constant dense<0.000000e+00> : vector<1xf32>
      %reduce_sum3A_408 = vector.multi_reduction <add>, %reduce_sum3A_406, %reduce_sum3A_407 [1, 2] : vector<1x1024x1xf32> to vector<1xf32>
      %reduce_sum3A_409 = vector.shape_cast %reduce_sum3A_408 : vector<1xf32> to vector<1x1x1xf32>
      %reduce_sum3A_410 = vector.extract %reduce_sum3A_409[0, 0, 0] : f32 from vector<1x1x1xf32>
      %iota3A_411 = tpu.iota {dimensions = array<i32: 0>} : vector<8x128xi32>
      %iota3A_412 = tpu.iota {dimensions = array<i32: 1>} : vector<8x128xi32>
      %sub3A_413 = arith.constant 1 : i32
      %sub3A_414 = arith.subi %select_n3A_352, %sub3A_413 : i32
      %eq3A_415 = vector.broadcast %sub3A_414 : i32 to vector<8x128xi32>
      %eq3A_416 = arith.cmpi eq, %iota3A_411, %eq3A_415 : vector<8x128xi32>
      %eq3A_417 = arith.constant 0 : i32
      %eq3A_418 = vector.broadcast %eq3A_417 : i32 to vector<8x128xi32>
      %eq3A_419 = arith.cmpi eq, %iota3A_412, %eq3A_418 : vector<8x128xi32>
      %and3A_420 = arith.andi %eq3A_416, %eq3A_419 : vector<8x128xi1>
      %get3A_421 = arith.constant 0 : index
      %get3A_422 = arith.constant 0 : index
      %get3A_423 = vector.load %arg14[%get3A_421, %get3A_422] : memref<8x128xf32, #tpu.memory_space<vmem>>, vector<8x128xf32>
      %neg3A_424 = arith.constant 0.000000e+00 : f32
      %neg3A_425 = arith.subf %neg3A_424, %reduce_sum3A_410 : f32
      %jit3A_426 = arith.constant 0.000000e+00 : f32
      %broadcast_in_dim3A_427 = vector.broadcast %neg3A_425 : f32 to vector<8x128xf32>
      %broadcast_in_dim3A_428 = vector.broadcast %jit3A_426 : f32 to vector<8x128xf32>
      %select_n3A_429 = arith.select %and3A_420, %broadcast_in_dim3A_427, %broadcast_in_dim3A_428 : vector<8x128xi1>, vector<8x128xf32>
      %add3A_430 = arith.addf %get3A_423, %select_n3A_429 : vector<8x128xf32>
      %swap3A = arith.constant 0 : index
      %swap3A_431 = arith.constant 0 : index
      %swap3A_432 = vector.load %arg14[%swap3A, %swap3A_431] : memref<8x128xf32, #tpu.memory_space<vmem>>, vector<8x128xf32>
      tpu.vector_store %arg14[%swap3A, %swap3A_431], %add3A_430 {strides = array<i32>} : memref<8x128xf32, #tpu.memory_space<vmem>>, vector<8x128xf32>,
    } else {
    }
    return
  }
  func.func @transform_0(%arg0: i32) -> (i32, i32) {
    %add3A = arith.constant 0 : i32
    %add3A_0 = arith.addi %add3A, %arg0 : i32
    %c0_i32 = arith.constant 0 : i32
    %c0_i32_1 = arith.constant 0 : i32
    return %add3A_0, %c0_i32 : i32, i32
  }
  func.func @transform_1(%arg0: i32) -> (i32, i32) {
    %add3A = arith.constant 0 : i32
    %add3A_0 = arith.addi %add3A, %arg0 : i32
    %c0_i32 = arith.constant 0 : i32
    %c0_i32_1 = arith.constant 0 : i32
    return %add3A_0, %c0_i32 : i32, i32
  }
  func.func @transform_2(%arg0: i32) -> (i32, i32) {
    %c0_i32 = arith.constant 0 : i32
    %c0_i32_0 = arith.constant 0 : i32
    return %arg0, %c0_i32 : i32, i32
  }
  func.func @transform_3(%arg0: i32) -> (i32, i32) {
    %add3A = arith.constant 6 : i32
    %add3A_0 = arith.addi %arg0, %add3A : i32
    %c0_i32 = arith.constant 0 : i32
    %c0_i32_1 = arith.constant 0 : i32
    return %add3A_0, %c0_i32 : i32, i32
  }
  func.func @transform_4(%arg0: i32) -> (i32, i32) {
    %add3A = arith.constant 12 : i32
    %add3A_0 = arith.addi %arg0, %add3A : i32
    %c0_i32 = arith.constant 0 : i32
    %c0_i32_1 = arith.constant 0 : i32
    return %add3A_0, %c0_i32 : i32, i32
  }
  func.func @transform_5(%arg0: i32) -> (i32, i32) {
    %add3A = arith.constant 18 : i32
    %add3A_0 = arith.addi %arg0, %add3A : i32
    %c0_i32 = arith.constant 0 : i32
    %c0_i32_1 = arith.constant 0 : i32
    return %add3A_0, %c0_i32 : i32, i32
  }
  func.func @transform_6(%arg0: i32) -> (i32, i32) {
    %c0_i32 = arith.constant 0 : i32
    %c0_i32_0 = arith.constant 0 : i32
    %c0_i32_1 = arith.constant 0 : i32
    return %c0_i32, %c0_i32_0 : i32, i32
  }
  func.func @transform_7(%arg0: i32) -> (i32, i32) {
    %c0_i32 = arith.constant 0 : i32
    %c0_i32_0 = arith.constant 0 : i32
    %c0_i32_1 = arith.constant 0 : i32
    return %c0_i32, %c0_i32_0 : i32, i32
  }
  func.func @transform_8(%arg0: i32) -> (i32, i32) {
    %c0_i32 = arith.constant 0 : i32
    %c0_i32_0 = arith.constant 0 : i32
    %c0_i32_1 = arith.constant 0 : i32
    return %c0_i32, %c0_i32_0 : i32, i32
  }
  func.func @transform_9(%arg0: i32) -> (i32, i32) {
    %c0_i32 = arith.constant 0 : i32
    %c0_i32_0 = arith.constant 0 : i32
    %c0_i32_1 = arith.constant 0 : i32
    return %c0_i32, %c0_i32_0 : i32, i32
  }
  func.func @transform_10(%arg0: i32) -> (i32, i32) {
    %c0_i32 = arith.constant 0 : i32
    %c0_i32_0 = arith.constant 0 : i32
    %c0_i32_1 = arith.constant 0 : i32
    return %c0_i32, %c0_i32_0 : i32, i32
  }
  func.func @transform_11(%arg0: i32) -> (i32, i32) {
    %c0_i32 = arith.constant 0 : i32
    %c0_i32_0 = arith.constant 0 : i32
    %c0_i32_1 = arith.constant 0 : i32
    return %c0_i32, %c0_i32_0 : i32, i32
  }
  func.func @transform_12(%arg0: i32) -> (i32, i32) {
    %min3A = arith.constant 3 : i32
    %min3A_0 = arith.minsi %arg0, %min3A : i32
    %c0_i32 = arith.constant 0 : i32
    %c0_i32_1 = arith.constant 0 : i32
    return %min3A_0, %c0_i32 : i32, i32
  }
  func.func @transform_13(%arg0: i32) -> (i32, i32) {
    %c0_i32 = arith.constant 0 : i32
    %c0_i32_0 = arith.constant 0 : i32
    %c0_i32_1 = arith.constant 0 : i32
    return %c0_i32, %c0_i32_0 : i32, i32
  }
}

module attributes {stable_mosaic.version = 14 : i64} {
  func.func @body(%arg0: i32, %arg1: memref<1024x1xi32, #tpu.memory_space<vmem>>, %arg2: memref<1024x1xi32, #tpu.memory_space<vmem>>, %arg3: memref<1024x128xi32, #tpu.memory_space<vmem>>, %arg4: memref<1024x128xi32, #tpu.memory_space<vmem>>, %arg5: memref<1024x128xi32, #tpu.memory_space<vmem>>, %arg6: memref<1024x128xi32, #tpu.memory_space<vmem>>, %arg7: memref<168x4096xbf16, #tpu.memory_space<vmem>>, %arg8: memref<400x4096xbf16, #tpu.memory_space<vmem>>, %arg9: memref<64x168xbf16, #tpu.memory_space<vmem>>, %arg10: memref<64x400xbf16, #tpu.memory_space<vmem>>, %arg11: memref<64x4096xbf16, #tpu.memory_space<vmem>>, %arg12: memref<64x4096xbf16, #tpu.memory_space<vmem>>, %arg13: memref<8x128xf32, #tpu.memory_space<vmem>>) attributes {dimension_semantics = [#tpu.dimension_semantics<arbitrary>], iteration_bounds = array<i64: 6>, scalar_prefetch = 0 : i64, scratch_operands = 0 : i64, tpu.core_type = #tpu.core_type<tc>, window_params = [{transform_indices = @transform_0, window_bounds = array<i64: 1024, 1>}, {transform_indices = @transform_1, window_bounds = array<i64: 1024, 1>}, {transform_indices = @transform_2, window_bounds = array<i64: 1024, 128>}, {transform_indices = @transform_3, window_bounds = array<i64: 1024, 128>}, {transform_indices = @transform_4, window_bounds = array<i64: 1024, 128>}, {transform_indices = @transform_5, window_bounds = array<i64: 1024, 128>}, {pipeline_mode = #tpu.pipeline_mode<synchronous>, transform_indices = @transform_6, window_bounds = array<i64: 168, 4096>}, {pipeline_mode = #tpu.pipeline_mode<synchronous>, transform_indices = @transform_7, window_bounds = array<i64: 400, 4096>}, {pipeline_mode = #tpu.pipeline_mode<synchronous>, transform_indices = @transform_8, window_bounds = array<i64: 64, 168>}, {pipeline_mode = #tpu.pipeline_mode<synchronous>, transform_indices = @transform_9, window_bounds = array<i64: 64, 400>}, {pipeline_mode = #tpu.pipeline_mode<synchronous>, transform_indices = @transform_10, window_bounds = array<i64: 64, 4096>}, {pipeline_mode = #tpu.pipeline_mode<synchronous>, transform_indices = @transform_11, window_bounds = array<i64: 64, 4096>}, {pipeline_mode = #tpu.pipeline_mode<synchronous>, transform_indices = @transform_12, window_bounds = array<i64: 8, 128>}]} {
    %add3A = arith.constant 6 : i32
    %add3A_0 = arith.addi %add3A, %arg0 : i32
    %get3A = arith.constant 0 : index
    %get3A_1 = arith.constant 0 : index
    %get3A_2 = vector.load %arg3[%get3A, %get3A_1] : memref<1024x128xi32, #tpu.memory_space<vmem>>, vector<1024x64xi32>
    %and3A = arith.constant -65536 : i32
    %and3A_3 = vector.broadcast %and3A : i32 to vector<1024x64xi32>
    %and3A_4 = arith.andi %get3A_2, %and3A_3 : vector<1024x64xi32>
    %bitcast_convert_type3A = tpu.bitcast %and3A_4 : vector<1024x64xi32> -> vector<1024x64xf32>
    %convert_element_type3A = arith.truncf %bitcast_convert_type3A : vector<1024x64xf32> to vector<1024x64xbf16>
    %get3A_5 = arith.constant 0 : index
    %get3A_6 = arith.constant 64 : index
    %get3A_7 = vector.load %arg4[%get3A_5, %get3A_6] : memref<1024x128xi32, #tpu.memory_space<vmem>>, vector<1024x64xi32>
    %and3A_8 = arith.constant -65536 : i32
    %and3A_9 = vector.broadcast %and3A_8 : i32 to vector<1024x64xi32>
    %and3A_10 = arith.andi %get3A_7, %and3A_9 : vector<1024x64xi32>
    %bitcast_convert_type3A_11 = tpu.bitcast %and3A_10 : vector<1024x64xi32> -> vector<1024x64xf32>
    %convert_element_type3A_12 = arith.truncf %bitcast_convert_type3A_11 : vector<1024x64xf32> to vector<1024x64xbf16>
    %get3A_13 = arith.constant 0 : index
    %get3A_14 = arith.constant 0 : index
    %get3A_15 = vector.load %arg5[%get3A_13, %get3A_14] : memref<1024x128xi32, #tpu.memory_space<vmem>>, vector<1024x64xi32>
    %shift_left3A = arith.constant 16 : i32
    %shift_left3A_16 = vector.broadcast %shift_left3A : i32 to vector<1024x64xi32>
    %shift_left3A_17 = arith.shli %get3A_15, %shift_left3A_16 : vector<1024x64xi32>
    %bitcast_convert_type3A_18 = tpu.bitcast %shift_left3A_17 : vector<1024x64xi32> -> vector<1024x64xf32>
    %convert_element_type3A_19 = arith.truncf %bitcast_convert_type3A_18 : vector<1024x64xf32> to vector<1024x64xbf16>
    %get3A_20 = arith.constant 0 : index
    %get3A_21 = arith.constant 64 : index
    %get3A_22 = vector.load %arg6[%get3A_20, %get3A_21] : memref<1024x128xi32, #tpu.memory_space<vmem>>, vector<1024x64xi32>
    %shift_left3A_23 = arith.constant 16 : i32
    %shift_left3A_24 = vector.broadcast %shift_left3A_23 : i32 to vector<1024x64xi32>
    %shift_left3A_25 = arith.shli %get3A_22, %shift_left3A_24 : vector<1024x64xi32>
    %bitcast_convert_type3A_26 = tpu.bitcast %shift_left3A_25 : vector<1024x64xi32> -> vector<1024x64xf32>
    %convert_element_type3A_27 = arith.truncf %bitcast_convert_type3A_26 : vector<1024x64xf32> to vector<1024x64xbf16>
    %get3A_28 = arith.constant 0 : index
    %get3A_29 = arith.constant 0 : index
    %get3A_30 = vector.load %arg7[%get3A_28, %get3A_29] : memref<168x4096xbf16, #tpu.memory_space<vmem>>, vector<168x4096xbf16>
    %get3A_31 = arith.constant 0 : index
    %get3A_32 = arith.constant 0 : index
    %get3A_33 = vector.load %arg9[%get3A_31, %get3A_32] : memref<64x168xbf16, #tpu.memory_space<vmem>>, vector<64x168xbf16>
    %get3A_34 = arith.constant 0 : index
    %get3A_35 = arith.constant 0 : index
    %get3A_36 = vector.load %arg1[%get3A_34, %get3A_35] : memref<1024x1xi32, #tpu.memory_space<vmem>>, vector<1024x1xi32>
    %get3A_37 = arith.constant 0 : index
    %get3A_38 = arith.constant 0 : index
    %get3A_39 = vector.load %arg11[%get3A_37, %get3A_38] : memref<64x4096xbf16, #tpu.memory_space<vmem>>, vector<64x4096xbf16>
    %dot_general3A = arith.constant dense<0.000000e+00> : vector<1024x4096xf32>
    %dot_general3A_40 = tpu.matmul %convert_element_type3A_19, %get3A_39, %dot_general3A {dimension_numbers = #tpu.dot_dimension_numbers<[1], [0], [0], [1], [0, 0, 1, 1], [], []>, transpose_lhs_hint = false} : vector<1024x64xbf16>, vector<64x4096xbf16>, vector<1024x4096xf32> -> vector<1024x4096xf32>
    %concatenate3A = tpu.concatenate %convert_element_type3A, %convert_element_type3A in 1 : vector<1024x64xbf16>, vector<1024x64xbf16> -> vector<1024x128xbf16>
    %slice3A = vector.extract_strided_slice %dot_general3A_40 {offsets = [0, 0], sizes = [1024, 128], strides = [1, 1]} : vector<1024x4096xf32> to vector<1024x128xf32>
    %convert_element_type3A_41 = arith.extf %concatenate3A : vector<1024x128xbf16> to vector<1024x128xf32>
    %mul3A = arith.mulf %slice3A, %convert_element_type3A_41 : vector<1024x128xf32>
    %convert_element_type3A_42 = arith.truncf %mul3A : vector<1024x128xf32> to vector<1024x128xbf16>
    %slice3A_43 = vector.extract_strided_slice %dot_general3A_40 {offsets = [0, 128], sizes = [1024, 128], strides = [1, 1]} : vector<1024x4096xf32> to vector<1024x128xf32>
    %convert_element_type3A_44 = arith.extf %concatenate3A : vector<1024x128xbf16> to vector<1024x128xf32>
    %mul3A_45 = arith.mulf %slice3A_43, %convert_element_type3A_44 : vector<1024x128xf32>
    %convert_element_type3A_46 = arith.truncf %mul3A_45 : vector<1024x128xf32> to vector<1024x128xbf16>
    %slice3A_47 = vector.extract_strided_slice %dot_general3A_40 {offsets = [0, 256], sizes = [1024, 128], strides = [1, 1]} : vector<1024x4096xf32> to vector<1024x128xf32>
    %convert_element_type3A_48 = arith.extf %concatenate3A : vector<1024x128xbf16> to vector<1024x128xf32>
    %mul3A_49 = arith.mulf %slice3A_47, %convert_element_type3A_48 : vector<1024x128xf32>
    %convert_element_type3A_50 = arith.truncf %mul3A_49 : vector<1024x128xf32> to vector<1024x128xbf16>
    %slice3A_51 = vector.extract_strided_slice %dot_general3A_40 {offsets = [0, 384], sizes = [1024, 128], strides = [1, 1]} : vector<1024x4096xf32> to vector<1024x128xf32>
    %convert_element_type3A_52 = arith.extf %concatenate3A : vector<1024x128xbf16> to vector<1024x128xf32>
    %mul3A_53 = arith.mulf %slice3A_51, %convert_element_type3A_52 : vector<1024x128xf32>
    %convert_element_type3A_54 = arith.truncf %mul3A_53 : vector<1024x128xf32> to vector<1024x128xbf16>
    %slice3A_55 = vector.extract_strided_slice %dot_general3A_40 {offsets = [0, 512], sizes = [1024, 128], strides = [1, 1]} : vector<1024x4096xf32> to vector<1024x128xf32>
    %convert_element_type3A_56 = arith.extf %concatenate3A : vector<1024x128xbf16> to vector<1024x128xf32>
    %mul3A_57 = arith.mulf %slice3A_55, %convert_element_type3A_56 : vector<1024x128xf32>
    %convert_element_type3A_58 = arith.truncf %mul3A_57 : vector<1024x128xf32> to vector<1024x128xbf16>
    %slice3A_59 = vector.extract_strided_slice %dot_general3A_40 {offsets = [0, 640], sizes = [1024, 128], strides = [1, 1]} : vector<1024x4096xf32> to vector<1024x128xf32>
    %convert_element_type3A_60 = arith.extf %concatenate3A : vector<1024x128xbf16> to vector<1024x128xf32>
    %mul3A_61 = arith.mulf %slice3A_59, %convert_element_type3A_60 : vector<1024x128xf32>
    %convert_element_type3A_62 = arith.truncf %mul3A_61 : vector<1024x128xf32> to vector<1024x128xbf16>
    %slice3A_63 = vector.extract_strided_slice %dot_general3A_40 {offsets = [0, 768], sizes = [1024, 128], strides = [1, 1]} : vector<1024x4096xf32> to vector<1024x128xf32>
    %convert_element_type3A_64 = arith.extf %concatenate3A : vector<1024x128xbf16> to vector<1024x128xf32>
    %mul3A_65 = arith.mulf %slice3A_63, %convert_element_type3A_64 : vector<1024x128xf32>
    %convert_element_type3A_66 = arith.truncf %mul3A_65 : vector<1024x128xf32> to vector<1024x128xbf16>
    %slice3A_67 = vector.extract_strided_slice %dot_general3A_40 {offsets = [0, 896], sizes = [1024, 128], strides = [1, 1]} : vector<1024x4096xf32> to vector<1024x128xf32>
    %convert_element_type3A_68 = arith.extf %concatenate3A : vector<1024x128xbf16> to vector<1024x128xf32>
    %mul3A_69 = arith.mulf %slice3A_67, %convert_element_type3A_68 : vector<1024x128xf32>
    %convert_element_type3A_70 = arith.truncf %mul3A_69 : vector<1024x128xf32> to vector<1024x128xbf16>
    %slice3A_71 = vector.extract_strided_slice %dot_general3A_40 {offsets = [0, 1024], sizes = [1024, 128], strides = [1, 1]} : vector<1024x4096xf32> to vector<1024x128xf32>
    %convert_element_type3A_72 = arith.extf %concatenate3A : vector<1024x128xbf16> to vector<1024x128xf32>
    %mul3A_73 = arith.mulf %slice3A_71, %convert_element_type3A_72 : vector<1024x128xf32>
    %convert_element_type3A_74 = arith.truncf %mul3A_73 : vector<1024x128xf32> to vector<1024x128xbf16>
    %slice3A_75 = vector.extract_strided_slice %dot_general3A_40 {offsets = [0, 1152], sizes = [1024, 128], strides = [1, 1]} : vector<1024x4096xf32> to vector<1024x128xf32>
    %convert_element_type3A_76 = arith.extf %concatenate3A : vector<1024x128xbf16> to vector<1024x128xf32>
    %mul3A_77 = arith.mulf %slice3A_75, %convert_element_type3A_76 : vector<1024x128xf32>
    %convert_element_type3A_78 = arith.truncf %mul3A_77 : vector<1024x128xf32> to vector<1024x128xbf16>
    %slice3A_79 = vector.extract_strided_slice %dot_general3A_40 {offsets = [0, 1280], sizes = [1024, 128], strides = [1, 1]} : vector<1024x4096xf32> to vector<1024x128xf32>
    %convert_element_type3A_80 = arith.extf %concatenate3A : vector<1024x128xbf16> to vector<1024x128xf32>
    %mul3A_81 = arith.mulf %slice3A_79, %convert_element_type3A_80 : vector<1024x128xf32>
    %convert_element_type3A_82 = arith.truncf %mul3A_81 : vector<1024x128xf32> to vector<1024x128xbf16>
    %slice3A_83 = vector.extract_strided_slice %dot_general3A_40 {offsets = [0, 1408], sizes = [1024, 128], strides = [1, 1]} : vector<1024x4096xf32> to vector<1024x128xf32>
    %convert_element_type3A_84 = arith.extf %concatenate3A : vector<1024x128xbf16> to vector<1024x128xf32>
    %mul3A_85 = arith.mulf %slice3A_83, %convert_element_type3A_84 : vector<1024x128xf32>
    %convert_element_type3A_86 = arith.truncf %mul3A_85 : vector<1024x128xf32> to vector<1024x128xbf16>
    %slice3A_87 = vector.extract_strided_slice %dot_general3A_40 {offsets = [0, 1536], sizes = [1024, 128], strides = [1, 1]} : vector<1024x4096xf32> to vector<1024x128xf32>
    %convert_element_type3A_88 = arith.extf %concatenate3A : vector<1024x128xbf16> to vector<1024x128xf32>
    %mul3A_89 = arith.mulf %slice3A_87, %convert_element_type3A_88 : vector<1024x128xf32>
    %convert_element_type3A_90 = arith.truncf %mul3A_89 : vector<1024x128xf32> to vector<1024x128xbf16>
    %slice3A_91 = vector.extract_strided_slice %dot_general3A_40 {offsets = [0, 1664], sizes = [1024, 128], strides = [1, 1]} : vector<1024x4096xf32> to vector<1024x128xf32>
    %convert_element_type3A_92 = arith.extf %concatenate3A : vector<1024x128xbf16> to vector<1024x128xf32>
    %mul3A_93 = arith.mulf %slice3A_91, %convert_element_type3A_92 : vector<1024x128xf32>
    %convert_element_type3A_94 = arith.truncf %mul3A_93 : vector<1024x128xf32> to vector<1024x128xbf16>
    %slice3A_95 = vector.extract_strided_slice %dot_general3A_40 {offsets = [0, 1792], sizes = [1024, 128], strides = [1, 1]} : vector<1024x4096xf32> to vector<1024x128xf32>
    %convert_element_type3A_96 = arith.extf %concatenate3A : vector<1024x128xbf16> to vector<1024x128xf32>
    %mul3A_97 = arith.mulf %slice3A_95, %convert_element_type3A_96 : vector<1024x128xf32>
    %convert_element_type3A_98 = arith.truncf %mul3A_97 : vector<1024x128xf32> to vector<1024x128xbf16>
    %slice3A_99 = vector.extract_strided_slice %dot_general3A_40 {offsets = [0, 1920], sizes = [1024, 128], strides = [1, 1]} : vector<1024x4096xf32> to vector<1024x128xf32>
    %convert_element_type3A_100 = arith.extf %concatenate3A : vector<1024x128xbf16> to vector<1024x128xf32>
    %mul3A_101 = arith.mulf %slice3A_99, %convert_element_type3A_100 : vector<1024x128xf32>
    %convert_element_type3A_102 = arith.truncf %mul3A_101 : vector<1024x128xf32> to vector<1024x128xbf16>
    %slice3A_103 = vector.extract_strided_slice %dot_general3A_40 {offsets = [0, 2048], sizes = [1024, 128], strides = [1, 1]} : vector<1024x4096xf32> to vector<1024x128xf32>
    %convert_element_type3A_104 = arith.extf %concatenate3A : vector<1024x128xbf16> to vector<1024x128xf32>
    %mul3A_105 = arith.mulf %slice3A_103, %convert_element_type3A_104 : vector<1024x128xf32>
    %convert_element_type3A_106 = arith.truncf %mul3A_105 : vector<1024x128xf32> to vector<1024x128xbf16>
    %slice3A_107 = vector.extract_strided_slice %dot_general3A_40 {offsets = [0, 2176], sizes = [1024, 128], strides = [1, 1]} : vector<1024x4096xf32> to vector<1024x128xf32>
    %convert_element_type3A_108 = arith.extf %concatenate3A : vector<1024x128xbf16> to vector<1024x128xf32>
    %mul3A_109 = arith.mulf %slice3A_107, %convert_element_type3A_108 : vector<1024x128xf32>
    %convert_element_type3A_110 = arith.truncf %mul3A_109 : vector<1024x128xf32> to vector<1024x128xbf16>
    %slice3A_111 = vector.extract_strided_slice %dot_general3A_40 {offsets = [0, 2304], sizes = [1024, 128], strides = [1, 1]} : vector<1024x4096xf32> to vector<1024x128xf32>
    %convert_element_type3A_112 = arith.extf %concatenate3A : vector<1024x128xbf16> to vector<1024x128xf32>
    %mul3A_113 = arith.mulf %slice3A_111, %convert_element_type3A_112 : vector<1024x128xf32>
    %convert_element_type3A_114 = arith.truncf %mul3A_113 : vector<1024x128xf32> to vector<1024x128xbf16>
    %slice3A_115 = vector.extract_strided_slice %dot_general3A_40 {offsets = [0, 2432], sizes = [1024, 128], strides = [1, 1]} : vector<1024x4096xf32> to vector<1024x128xf32>
    %convert_element_type3A_116 = arith.extf %concatenate3A : vector<1024x128xbf16> to vector<1024x128xf32>
    %mul3A_117 = arith.mulf %slice3A_115, %convert_element_type3A_116 : vector<1024x128xf32>
    %convert_element_type3A_118 = arith.truncf %mul3A_117 : vector<1024x128xf32> to vector<1024x128xbf16>
    %slice3A_119 = vector.extract_strided_slice %dot_general3A_40 {offsets = [0, 2560], sizes = [1024, 128], strides = [1, 1]} : vector<1024x4096xf32> to vector<1024x128xf32>
    %convert_element_type3A_120 = arith.extf %concatenate3A : vector<1024x128xbf16> to vector<1024x128xf32>
    %mul3A_121 = arith.mulf %slice3A_119, %convert_element_type3A_120 : vector<1024x128xf32>
    %convert_element_type3A_122 = arith.truncf %mul3A_121 : vector<1024x128xf32> to vector<1024x128xbf16>
    %slice3A_123 = vector.extract_strided_slice %dot_general3A_40 {offsets = [0, 2688], sizes = [1024, 128], strides = [1, 1]} : vector<1024x4096xf32> to vector<1024x128xf32>
    %convert_element_type3A_124 = arith.extf %concatenate3A : vector<1024x128xbf16> to vector<1024x128xf32>
    %mul3A_125 = arith.mulf %slice3A_123, %convert_element_type3A_124 : vector<1024x128xf32>
    %convert_element_type3A_126 = arith.truncf %mul3A_125 : vector<1024x128xf32> to vector<1024x128xbf16>
    %slice3A_127 = vector.extract_strided_slice %dot_general3A_40 {offsets = [0, 2816], sizes = [1024, 128], strides = [1, 1]} : vector<1024x4096xf32> to vector<1024x128xf32>
    %convert_element_type3A_128 = arith.extf %concatenate3A : vector<1024x128xbf16> to vector<1024x128xf32>
    %mul3A_129 = arith.mulf %slice3A_127, %convert_element_type3A_128 : vector<1024x128xf32>
    %convert_element_type3A_130 = arith.truncf %mul3A_129 : vector<1024x128xf32> to vector<1024x128xbf16>
    %slice3A_131 = vector.extract_strided_slice %dot_general3A_40 {offsets = [0, 2944], sizes = [1024, 128], strides = [1, 1]} : vector<1024x4096xf32> to vector<1024x128xf32>
    %convert_element_type3A_132 = arith.extf %concatenate3A : vector<1024x128xbf16> to vector<1024x128xf32>
    %mul3A_133 = arith.mulf %slice3A_131, %convert_element_type3A_132 : vector<1024x128xf32>
    %convert_element_type3A_134 = arith.truncf %mul3A_133 : vector<1024x128xf32> to vector<1024x128xbf16>
    %slice3A_135 = vector.extract_strided_slice %dot_general3A_40 {offsets = [0, 3072], sizes = [1024, 128], strides = [1, 1]} : vector<1024x4096xf32> to vector<1024x128xf32>
    %convert_element_type3A_136 = arith.extf %concatenate3A : vector<1024x128xbf16> to vector<1024x128xf32>
    %mul3A_137 = arith.mulf %slice3A_135, %convert_element_type3A_136 : vector<1024x128xf32>
    %convert_element_type3A_138 = arith.truncf %mul3A_137 : vector<1024x128xf32> to vector<1024x128xbf16>
    %slice3A_139 = vector.extract_strided_slice %dot_general3A_40 {offsets = [0, 3200], sizes = [1024, 128], strides = [1, 1]} : vector<1024x4096xf32> to vector<1024x128xf32>
    %convert_element_type3A_140 = arith.extf %concatenate3A : vector<1024x128xbf16> to vector<1024x128xf32>
    %mul3A_141 = arith.mulf %slice3A_139, %convert_element_type3A_140 : vector<1024x128xf32>
    %convert_element_type3A_142 = arith.truncf %mul3A_141 : vector<1024x128xf32> to vector<1024x128xbf16>
    %slice3A_143 = vector.extract_strided_slice %dot_general3A_40 {offsets = [0, 3328], sizes = [1024, 128], strides = [1, 1]} : vector<1024x4096xf32> to vector<1024x128xf32>
    %convert_element_type3A_144 = arith.extf %concatenate3A : vector<1024x128xbf16> to vector<1024x128xf32>
    %mul3A_145 = arith.mulf %slice3A_143, %convert_element_type3A_144 : vector<1024x128xf32>
    %convert_element_type3A_146 = arith.truncf %mul3A_145 : vector<1024x128xf32> to vector<1024x128xbf16>
    %slice3A_147 = vector.extract_strided_slice %dot_general3A_40 {offsets = [0, 3456], sizes = [1024, 128], strides = [1, 1]} : vector<1024x4096xf32> to vector<1024x128xf32>
    %convert_element_type3A_148 = arith.extf %concatenate3A : vector<1024x128xbf16> to vector<1024x128xf32>
    %mul3A_149 = arith.mulf %slice3A_147, %convert_element_type3A_148 : vector<1024x128xf32>
    %convert_element_type3A_150 = arith.truncf %mul3A_149 : vector<1024x128xf32> to vector<1024x128xbf16>
    %slice3A_151 = vector.extract_strided_slice %dot_general3A_40 {offsets = [0, 3584], sizes = [1024, 128], strides = [1, 1]} : vector<1024x4096xf32> to vector<1024x128xf32>
    %convert_element_type3A_152 = arith.extf %concatenate3A : vector<1024x128xbf16> to vector<1024x128xf32>
    %mul3A_153 = arith.mulf %slice3A_151, %convert_element_type3A_152 : vector<1024x128xf32>
    %convert_element_type3A_154 = arith.truncf %mul3A_153 : vector<1024x128xf32> to vector<1024x128xbf16>
    %slice3A_155 = vector.extract_strided_slice %dot_general3A_40 {offsets = [0, 3712], sizes = [1024, 128], strides = [1, 1]} : vector<1024x4096xf32> to vector<1024x128xf32>
    %convert_element_type3A_156 = arith.extf %concatenate3A : vector<1024x128xbf16> to vector<1024x128xf32>
    %mul3A_157 = arith.mulf %slice3A_155, %convert_element_type3A_156 : vector<1024x128xf32>
    %convert_element_type3A_158 = arith.truncf %mul3A_157 : vector<1024x128xf32> to vector<1024x128xbf16>
    %slice3A_159 = vector.extract_strided_slice %dot_general3A_40 {offsets = [0, 3840], sizes = [1024, 128], strides = [1, 1]} : vector<1024x4096xf32> to vector<1024x128xf32>
    %convert_element_type3A_160 = arith.extf %concatenate3A : vector<1024x128xbf16> to vector<1024x128xf32>
    %mul3A_161 = arith.mulf %slice3A_159, %convert_element_type3A_160 : vector<1024x128xf32>
    %convert_element_type3A_162 = arith.truncf %mul3A_161 : vector<1024x128xf32> to vector<1024x128xbf16>
    %slice3A_163 = vector.extract_strided_slice %dot_general3A_40 {offsets = [0, 3968], sizes = [1024, 128], strides = [1, 1]} : vector<1024x4096xf32> to vector<1024x128xf32>
    %convert_element_type3A_164 = arith.extf %concatenate3A : vector<1024x128xbf16> to vector<1024x128xf32>
    %mul3A_165 = arith.mulf %slice3A_163, %convert_element_type3A_164 : vector<1024x128xf32>
    %convert_element_type3A_166 = arith.truncf %mul3A_165 : vector<1024x128xf32> to vector<1024x128xbf16>
    %concatenate3A_167 = tpu.concatenate %convert_element_type3A_42, %convert_element_type3A_46, %convert_element_type3A_50, %convert_element_type3A_54, %convert_element_type3A_58, %convert_element_type3A_62, %convert_element_type3A_66, %convert_element_type3A_70, %convert_element_type3A_74, %convert_element_type3A_78, %convert_element_type3A_82, %convert_element_type3A_86, %convert_element_type3A_90, %convert_element_type3A_94, %convert_element_type3A_98, %convert_element_type3A_102, %convert_element_type3A_106, %convert_element_type3A_110, %convert_element_type3A_114, %convert_element_type3A_118, %convert_element_type3A_122, %convert_element_type3A_126, %convert_element_type3A_130, %convert_element_type3A_134, %convert_element_type3A_138, %convert_element_type3A_142, %convert_element_type3A_146, %convert_element_type3A_150, %convert_element_type3A_154, %convert_element_type3A_158, %convert_element_type3A_162, %convert_element_type3A_166 in 1 : vector<1024x128xbf16>, vector<1024x128xbf16>, vector<1024x128xbf16>, vector<1024x128xbf16>, vector<1024x128xbf16>, vector<1024x128xbf16>, vector<1024x128xbf16>, vector<1024x128xbf16>, vector<1024x128xbf16>, vector<1024x128xbf16>, vector<1024x128xbf16>, vector<1024x128xbf16>, vector<1024x128xbf16>, vector<1024x128xbf16>, vector<1024x128xbf16>, vector<1024x128xbf16>, vector<1024x128xbf16>, vector<1024x128xbf16>, vector<1024x128xbf16>, vector<1024x128xbf16>, vector<1024x128xbf16>, vector<1024x128xbf16>, vector<1024x128xbf16>, vector<1024x128xbf16>, vector<1024x128xbf16>, vector<1024x128xbf16>, vector<1024x128xbf16>, vector<1024x128xbf16>, vector<1024x128xbf16>, vector<1024x128xbf16>, vector<1024x128xbf16>, vector<1024x128xbf16> -> vector<1024x4096xbf16>
    %dot_general3A_168 = arith.constant dense<0.000000e+00> : vector<1024x168xf32>
    %dot_general3A_169 = tpu.matmul %concatenate3A_167, %get3A_30, %dot_general3A_168 {dimension_numbers = #tpu.dot_dimension_numbers<[1], [1], [0], [0], [0, 0, 1, 0], [], []>, transpose_lhs_hint = false} : vector<1024x4096xbf16>, vector<168x4096xbf16>, vector<1024x168xf32> -> vector<1024x168xf32>
    %dot_general3A_170 = arith.constant dense<0.000000e+00> : vector<1024x168xf32>
    %dot_general3A_171 = tpu.matmul %convert_element_type3A_19, %get3A_33, %dot_general3A_170 {dimension_numbers = #tpu.dot_dimension_numbers<[1], [0], [0], [1], [0, 0, 1, 1], [], []>, transpose_lhs_hint = false} : vector<1024x64xbf16>, vector<64x168xbf16>, vector<1024x168xf32> -> vector<1024x168xf32>
    %add3A_172 = arith.addf %dot_general3A_169, %dot_general3A_171 : vector<1024x168xf32>
    %iota3A = tpu.iota {dimensions = array<i32: 1>} : vector<1024x168xi32>
    %eq3A = vector.broadcast %get3A_36 : vector<1024x1xi32> to vector<1024x168xi32>
    %eq3A_173 = arith.cmpi eq, %iota3A, %eq3A : vector<1024x168xi32>
    %jit3A = arith.constant 0.000000e+00 : f32
    %broadcast_in_dim3A = vector.broadcast %jit3A : f32 to vector<1024x168xf32>
    %select_n3A = arith.select %eq3A_173, %add3A_172, %broadcast_in_dim3A : vector<1024x168xi1>, vector<1024x168xf32>
    %reduce_sum3A = arith.constant dense<0.000000e+00> : vector<1024xf32>
    %reduce_sum3A_174 = vector.multi_reduction <add>, %select_n3A, %reduce_sum3A [1] : vector<1024x168xf32> to vector<1024xf32>
    %broadcast_in_dim3A_175 = vector.shape_cast %reduce_sum3A_174 : vector<1024xf32> to vector<1024x1xf32>
    %get3A_176 = arith.constant 0 : index
    %get3A_177 = arith.constant 0 : index
    %get3A_178 = vector.load %arg8[%get3A_176, %get3A_177] : memref<400x4096xbf16, #tpu.memory_space<vmem>>, vector<400x4096xbf16>
    %get3A_179 = arith.constant 0 : index
    %get3A_180 = arith.constant 0 : index
    %get3A_181 = vector.load %arg10[%get3A_179, %get3A_180] : memref<64x400xbf16, #tpu.memory_space<vmem>>, vector<64x400xbf16>
    %get3A_182 = arith.constant 0 : index
    %get3A_183 = arith.constant 0 : index
    %get3A_184 = vector.load %arg2[%get3A_182, %get3A_183] : memref<1024x1xi32, #tpu.memory_space<vmem>>, vector<1024x1xi32>
    %get3A_185 = arith.constant 0 : index
    %get3A_186 = arith.constant 0 : index
    %get3A_187 = vector.load %arg11[%get3A_185, %get3A_186] : memref<64x4096xbf16, #tpu.memory_space<vmem>>, vector<64x4096xbf16>
    %dot_general3A_188 = arith.constant dense<0.000000e+00> : vector<1024x4096xf32>
    %dot_general3A_189 = tpu.matmul %convert_element_type3A_27, %get3A_187, %dot_general3A_188 {dimension_numbers = #tpu.dot_dimension_numbers<[1], [0], [0], [1], [0, 0, 1, 1], [], []>, transpose_lhs_hint = false} : vector<1024x64xbf16>, vector<64x4096xbf16>, vector<1024x4096xf32> -> vector<1024x4096xf32>
    %concatenate3A_190 = tpu.concatenate %convert_element_type3A_12, %convert_element_type3A_12 in 1 : vector<1024x64xbf16>, vector<1024x64xbf16> -> vector<1024x128xbf16>
    %slice3A_191 = vector.extract_strided_slice %dot_general3A_189 {offsets = [0, 0], sizes = [1024, 128], strides = [1, 1]} : vector<1024x4096xf32> to vector<1024x128xf32>
    %convert_element_type3A_192 = arith.extf %concatenate3A_190 : vector<1024x128xbf16> to vector<1024x128xf32>
    %mul3A_193 = arith.mulf %slice3A_191, %convert_element_type3A_192 : vector<1024x128xf32>
    %convert_element_type3A_194 = arith.truncf %mul3A_193 : vector<1024x128xf32> to vector<1024x128xbf16>
    %slice3A_195 = vector.extract_strided_slice %dot_general3A_189 {offsets = [0, 128], sizes = [1024, 128], strides = [1, 1]} : vector<1024x4096xf32> to vector<1024x128xf32>
    %convert_element_type3A_196 = arith.extf %concatenate3A_190 : vector<1024x128xbf16> to vector<1024x128xf32>
    %mul3A_197 = arith.mulf %slice3A_195, %convert_element_type3A_196 : vector<1024x128xf32>
    %convert_element_type3A_198 = arith.truncf %mul3A_197 : vector<1024x128xf32> to vector<1024x128xbf16>
    %slice3A_199 = vector.extract_strided_slice %dot_general3A_189 {offsets = [0, 256], sizes = [1024, 128], strides = [1, 1]} : vector<1024x4096xf32> to vector<1024x128xf32>
    %convert_element_type3A_200 = arith.extf %concatenate3A_190 : vector<1024x128xbf16> to vector<1024x128xf32>
    %mul3A_201 = arith.mulf %slice3A_199, %convert_element_type3A_200 : vector<1024x128xf32>
    %convert_element_type3A_202 = arith.truncf %mul3A_201 : vector<1024x128xf32> to vector<1024x128xbf16>
    %slice3A_203 = vector.extract_strided_slice %dot_general3A_189 {offsets = [0, 384], sizes = [1024, 128], strides = [1, 1]} : vector<1024x4096xf32> to vector<1024x128xf32>
    %convert_element_type3A_204 = arith.extf %concatenate3A_190 : vector<1024x128xbf16> to vector<1024x128xf32>
    %mul3A_205 = arith.mulf %slice3A_203, %convert_element_type3A_204 : vector<1024x128xf32>
    %convert_element_type3A_206 = arith.truncf %mul3A_205 : vector<1024x128xf32> to vector<1024x128xbf16>
    %slice3A_207 = vector.extract_strided_slice %dot_general3A_189 {offsets = [0, 512], sizes = [1024, 128], strides = [1, 1]} : vector<1024x4096xf32> to vector<1024x128xf32>
    %convert_element_type3A_208 = arith.extf %concatenate3A_190 : vector<1024x128xbf16> to vector<1024x128xf32>
    %mul3A_209 = arith.mulf %slice3A_207, %convert_element_type3A_208 : vector<1024x128xf32>
    %convert_element_type3A_210 = arith.truncf %mul3A_209 : vector<1024x128xf32> to vector<1024x128xbf16>
    %slice3A_211 = vector.extract_strided_slice %dot_general3A_189 {offsets = [0, 640], sizes = [1024, 128], strides = [1, 1]} : vector<1024x4096xf32> to vector<1024x128xf32>
    %convert_element_type3A_212 = arith.extf %concatenate3A_190 : vector<1024x128xbf16> to vector<1024x128xf32>
    %mul3A_213 = arith.mulf %slice3A_211, %convert_element_type3A_212 : vector<1024x128xf32>
    %convert_element_type3A_214 = arith.truncf %mul3A_213 : vector<1024x128xf32> to vector<1024x128xbf16>
    %slice3A_215 = vector.extract_strided_slice %dot_general3A_189 {offsets = [0, 768], sizes = [1024, 128], strides = [1, 1]} : vector<1024x4096xf32> to vector<1024x128xf32>
    %convert_element_type3A_216 = arith.extf %concatenate3A_190 : vector<1024x128xbf16> to vector<1024x128xf32>
    %mul3A_217 = arith.mulf %slice3A_215, %convert_element_type3A_216 : vector<1024x128xf32>
    %convert_element_type3A_218 = arith.truncf %mul3A_217 : vector<1024x128xf32> to vector<1024x128xbf16>
    %slice3A_219 = vector.extract_strided_slice %dot_general3A_189 {offsets = [0, 896], sizes = [1024, 128], strides = [1, 1]} : vector<1024x4096xf32> to vector<1024x128xf32>
    %convert_element_type3A_220 = arith.extf %concatenate3A_190 : vector<1024x128xbf16> to vector<1024x128xf32>
    %mul3A_221 = arith.mulf %slice3A_219, %convert_element_type3A_220 : vector<1024x128xf32>
    %convert_element_type3A_222 = arith.truncf %mul3A_221 : vector<1024x128xf32> to vector<1024x128xbf16>
    %slice3A_223 = vector.extract_strided_slice %dot_general3A_189 {offsets = [0, 1024], sizes = [1024, 128], strides = [1, 1]} : vector<1024x4096xf32> to vector<1024x128xf32>
    %convert_element_type3A_224 = arith.extf %concatenate3A_190 : vector<1024x128xbf16> to vector<1024x128xf32>
    %mul3A_225 = arith.mulf %slice3A_223, %convert_element_type3A_224 : vector<1024x128xf32>
    %convert_element_type3A_226 = arith.truncf %mul3A_225 : vector<1024x128xf32> to vector<1024x128xbf16>
    %slice3A_227 = vector.extract_strided_slice %dot_general3A_189 {offsets = [0, 1152], sizes = [1024, 128], strides = [1, 1]} : vector<1024x4096xf32> to vector<1024x128xf32>
    %convert_element_type3A_228 = arith.extf %concatenate3A_190 : vector<1024x128xbf16> to vector<1024x128xf32>
    %mul3A_229 = arith.mulf %slice3A_227, %convert_element_type3A_228 : vector<1024x128xf32>
    %convert_element_type3A_230 = arith.truncf %mul3A_229 : vector<1024x128xf32> to vector<1024x128xbf16>
    %slice3A_231 = vector.extract_strided_slice %dot_general3A_189 {offsets = [0, 1280], sizes = [1024, 128], strides = [1, 1]} : vector<1024x4096xf32> to vector<1024x128xf32>
    %convert_element_type3A_232 = arith.extf %concatenate3A_190 : vector<1024x128xbf16> to vector<1024x128xf32>
    %mul3A_233 = arith.mulf %slice3A_231, %convert_element_type3A_232 : vector<1024x128xf32>
    %convert_element_type3A_234 = arith.truncf %mul3A_233 : vector<1024x128xf32> to vector<1024x128xbf16>
    %slice3A_235 = vector.extract_strided_slice %dot_general3A_189 {offsets = [0, 1408], sizes = [1024, 128], strides = [1, 1]} : vector<1024x4096xf32> to vector<1024x128xf32>
    %convert_element_type3A_236 = arith.extf %concatenate3A_190 : vector<1024x128xbf16> to vector<1024x128xf32>
    %mul3A_237 = arith.mulf %slice3A_235, %convert_element_type3A_236 : vector<1024x128xf32>
    %convert_element_type3A_238 = arith.truncf %mul3A_237 : vector<1024x128xf32> to vector<1024x128xbf16>
    %slice3A_239 = vector.extract_strided_slice %dot_general3A_189 {offsets = [0, 1536], sizes = [1024, 128], strides = [1, 1]} : vector<1024x4096xf32> to vector<1024x128xf32>
    %convert_element_type3A_240 = arith.extf %concatenate3A_190 : vector<1024x128xbf16> to vector<1024x128xf32>
    %mul3A_241 = arith.mulf %slice3A_239, %convert_element_type3A_240 : vector<1024x128xf32>
    %convert_element_type3A_242 = arith.truncf %mul3A_241 : vector<1024x128xf32> to vector<1024x128xbf16>
    %slice3A_243 = vector.extract_strided_slice %dot_general3A_189 {offsets = [0, 1664], sizes = [1024, 128], strides = [1, 1]} : vector<1024x4096xf32> to vector<1024x128xf32>
    %convert_element_type3A_244 = arith.extf %concatenate3A_190 : vector<1024x128xbf16> to vector<1024x128xf32>
    %mul3A_245 = arith.mulf %slice3A_243, %convert_element_type3A_244 : vector<1024x128xf32>
    %convert_element_type3A_246 = arith.truncf %mul3A_245 : vector<1024x128xf32> to vector<1024x128xbf16>
    %slice3A_247 = vector.extract_strided_slice %dot_general3A_189 {offsets = [0, 1792], sizes = [1024, 128], strides = [1, 1]} : vector<1024x4096xf32> to vector<1024x128xf32>
    %convert_element_type3A_248 = arith.extf %concatenate3A_190 : vector<1024x128xbf16> to vector<1024x128xf32>
    %mul3A_249 = arith.mulf %slice3A_247, %convert_element_type3A_248 : vector<1024x128xf32>
    %convert_element_type3A_250 = arith.truncf %mul3A_249 : vector<1024x128xf32> to vector<1024x128xbf16>
    %slice3A_251 = vector.extract_strided_slice %dot_general3A_189 {offsets = [0, 1920], sizes = [1024, 128], strides = [1, 1]} : vector<1024x4096xf32> to vector<1024x128xf32>
    %convert_element_type3A_252 = arith.extf %concatenate3A_190 : vector<1024x128xbf16> to vector<1024x128xf32>
    %mul3A_253 = arith.mulf %slice3A_251, %convert_element_type3A_252 : vector<1024x128xf32>
    %convert_element_type3A_254 = arith.truncf %mul3A_253 : vector<1024x128xf32> to vector<1024x128xbf16>
    %slice3A_255 = vector.extract_strided_slice %dot_general3A_189 {offsets = [0, 2048], sizes = [1024, 128], strides = [1, 1]} : vector<1024x4096xf32> to vector<1024x128xf32>
    %convert_element_type3A_256 = arith.extf %concatenate3A_190 : vector<1024x128xbf16> to vector<1024x128xf32>
    %mul3A_257 = arith.mulf %slice3A_255, %convert_element_type3A_256 : vector<1024x128xf32>
    %convert_element_type3A_258 = arith.truncf %mul3A_257 : vector<1024x128xf32> to vector<1024x128xbf16>
    %slice3A_259 = vector.extract_strided_slice %dot_general3A_189 {offsets = [0, 2176], sizes = [1024, 128], strides = [1, 1]} : vector<1024x4096xf32> to vector<1024x128xf32>
    %convert_element_type3A_260 = arith.extf %concatenate3A_190 : vector<1024x128xbf16> to vector<1024x128xf32>
    %mul3A_261 = arith.mulf %slice3A_259, %convert_element_type3A_260 : vector<1024x128xf32>
    %convert_element_type3A_262 = arith.truncf %mul3A_261 : vector<1024x128xf32> to vector<1024x128xbf16>
    %slice3A_263 = vector.extract_strided_slice %dot_general3A_189 {offsets = [0, 2304], sizes = [1024, 128], strides = [1, 1]} : vector<1024x4096xf32> to vector<1024x128xf32>
    %convert_element_type3A_264 = arith.extf %concatenate3A_190 : vector<1024x128xbf16> to vector<1024x128xf32>
    %mul3A_265 = arith.mulf %slice3A_263, %convert_element_type3A_264 : vector<1024x128xf32>
    %convert_element_type3A_266 = arith.truncf %mul3A_265 : vector<1024x128xf32> to vector<1024x128xbf16>
    %slice3A_267 = vector.extract_strided_slice %dot_general3A_189 {offsets = [0, 2432], sizes = [1024, 128], strides = [1, 1]} : vector<1024x4096xf32> to vector<1024x128xf32>
    %convert_element_type3A_268 = arith.extf %concatenate3A_190 : vector<1024x128xbf16> to vector<1024x128xf32>
    %mul3A_269 = arith.mulf %slice3A_267, %convert_element_type3A_268 : vector<1024x128xf32>
    %convert_element_type3A_270 = arith.truncf %mul3A_269 : vector<1024x128xf32> to vector<1024x128xbf16>
    %slice3A_271 = vector.extract_strided_slice %dot_general3A_189 {offsets = [0, 2560], sizes = [1024, 128], strides = [1, 1]} : vector<1024x4096xf32> to vector<1024x128xf32>
    %convert_element_type3A_272 = arith.extf %concatenate3A_190 : vector<1024x128xbf16> to vector<1024x128xf32>
    %mul3A_273 = arith.mulf %slice3A_271, %convert_element_type3A_272 : vector<1024x128xf32>
    %convert_element_type3A_274 = arith.truncf %mul3A_273 : vector<1024x128xf32> to vector<1024x128xbf16>
    %slice3A_275 = vector.extract_strided_slice %dot_general3A_189 {offsets = [0, 2688], sizes = [1024, 128], strides = [1, 1]} : vector<1024x4096xf32> to vector<1024x128xf32>
    %convert_element_type3A_276 = arith.extf %concatenate3A_190 : vector<1024x128xbf16> to vector<1024x128xf32>
    %mul3A_277 = arith.mulf %slice3A_275, %convert_element_type3A_276 : vector<1024x128xf32>
    %convert_element_type3A_278 = arith.truncf %mul3A_277 : vector<1024x128xf32> to vector<1024x128xbf16>
    %slice3A_279 = vector.extract_strided_slice %dot_general3A_189 {offsets = [0, 2816], sizes = [1024, 128], strides = [1, 1]} : vector<1024x4096xf32> to vector<1024x128xf32>
    %convert_element_type3A_280 = arith.extf %concatenate3A_190 : vector<1024x128xbf16> to vector<1024x128xf32>
    %mul3A_281 = arith.mulf %slice3A_279, %convert_element_type3A_280 : vector<1024x128xf32>
    %convert_element_type3A_282 = arith.truncf %mul3A_281 : vector<1024x128xf32> to vector<1024x128xbf16>
    %slice3A_283 = vector.extract_strided_slice %dot_general3A_189 {offsets = [0, 2944], sizes = [1024, 128], strides = [1, 1]} : vector<1024x4096xf32> to vector<1024x128xf32>
    %convert_element_type3A_284 = arith.extf %concatenate3A_190 : vector<1024x128xbf16> to vector<1024x128xf32>
    %mul3A_285 = arith.mulf %slice3A_283, %convert_element_type3A_284 : vector<1024x128xf32>
    %convert_element_type3A_286 = arith.truncf %mul3A_285 : vector<1024x128xf32> to vector<1024x128xbf16>
    %slice3A_287 = vector.extract_strided_slice %dot_general3A_189 {offsets = [0, 3072], sizes = [1024, 128], strides = [1, 1]} : vector<1024x4096xf32> to vector<1024x128xf32>
    %convert_element_type3A_288 = arith.extf %concatenate3A_190 : vector<1024x128xbf16> to vector<1024x128xf32>
    %mul3A_289 = arith.mulf %slice3A_287, %convert_element_type3A_288 : vector<1024x128xf32>
    %convert_element_type3A_290 = arith.truncf %mul3A_289 : vector<1024x128xf32> to vector<1024x128xbf16>
    %slice3A_291 = vector.extract_strided_slice %dot_general3A_189 {offsets = [0, 3200], sizes = [1024, 128], strides = [1, 1]} : vector<1024x4096xf32> to vector<1024x128xf32>
    %convert_element_type3A_292 = arith.extf %concatenate3A_190 : vector<1024x128xbf16> to vector<1024x128xf32>
    %mul3A_293 = arith.mulf %slice3A_291, %convert_element_type3A_292 : vector<1024x128xf32>
    %convert_element_type3A_294 = arith.truncf %mul3A_293 : vector<1024x128xf32> to vector<1024x128xbf16>
    %slice3A_295 = vector.extract_strided_slice %dot_general3A_189 {offsets = [0, 3328], sizes = [1024, 128], strides = [1, 1]} : vector<1024x4096xf32> to vector<1024x128xf32>
    %convert_element_type3A_296 = arith.extf %concatenate3A_190 : vector<1024x128xbf16> to vector<1024x128xf32>
    %mul3A_297 = arith.mulf %slice3A_295, %convert_element_type3A_296 : vector<1024x128xf32>
    %convert_element_type3A_298 = arith.truncf %mul3A_297 : vector<1024x128xf32> to vector<1024x128xbf16>
    %slice3A_299 = vector.extract_strided_slice %dot_general3A_189 {offsets = [0, 3456], sizes = [1024, 128], strides = [1, 1]} : vector<1024x4096xf32> to vector<1024x128xf32>
    %convert_element_type3A_300 = arith.extf %concatenate3A_190 : vector<1024x128xbf16> to vector<1024x128xf32>
    %mul3A_301 = arith.mulf %slice3A_299, %convert_element_type3A_300 : vector<1024x128xf32>
    %convert_element_type3A_302 = arith.truncf %mul3A_301 : vector<1024x128xf32> to vector<1024x128xbf16>
    %slice3A_303 = vector.extract_strided_slice %dot_general3A_189 {offsets = [0, 3584], sizes = [1024, 128], strides = [1, 1]} : vector<1024x4096xf32> to vector<1024x128xf32>
    %convert_element_type3A_304 = arith.extf %concatenate3A_190 : vector<1024x128xbf16> to vector<1024x128xf32>
    %mul3A_305 = arith.mulf %slice3A_303, %convert_element_type3A_304 : vector<1024x128xf32>
    %convert_element_type3A_306 = arith.truncf %mul3A_305 : vector<1024x128xf32> to vector<1024x128xbf16>
    %slice3A_307 = vector.extract_strided_slice %dot_general3A_189 {offsets = [0, 3712], sizes = [1024, 128], strides = [1, 1]} : vector<1024x4096xf32> to vector<1024x128xf32>
    %convert_element_type3A_308 = arith.extf %concatenate3A_190 : vector<1024x128xbf16> to vector<1024x128xf32>
    %mul3A_309 = arith.mulf %slice3A_307, %convert_element_type3A_308 : vector<1024x128xf32>
    %convert_element_type3A_310 = arith.truncf %mul3A_309 : vector<1024x128xf32> to vector<1024x128xbf16>
    %slice3A_311 = vector.extract_strided_slice %dot_general3A_189 {offsets = [0, 3840], sizes = [1024, 128], strides = [1, 1]} : vector<1024x4096xf32> to vector<1024x128xf32>
    %convert_element_type3A_312 = arith.extf %concatenate3A_190 : vector<1024x128xbf16> to vector<1024x128xf32>
    %mul3A_313 = arith.mulf %slice3A_311, %convert_element_type3A_312 : vector<1024x128xf32>
    %convert_element_type3A_314 = arith.truncf %mul3A_313 : vector<1024x128xf32> to vector<1024x128xbf16>
    %slice3A_315 = vector.extract_strided_slice %dot_general3A_189 {offsets = [0, 3968], sizes = [1024, 128], strides = [1, 1]} : vector<1024x4096xf32> to vector<1024x128xf32>
    %convert_element_type3A_316 = arith.extf %concatenate3A_190 : vector<1024x128xbf16> to vector<1024x128xf32>
    %mul3A_317 = arith.mulf %slice3A_315, %convert_element_type3A_316 : vector<1024x128xf32>
    %convert_element_type3A_318 = arith.truncf %mul3A_317 : vector<1024x128xf32> to vector<1024x128xbf16>
    %concatenate3A_319 = tpu.concatenate %convert_element_type3A_194, %convert_element_type3A_198, %convert_element_type3A_202, %convert_element_type3A_206, %convert_element_type3A_210, %convert_element_type3A_214, %convert_element_type3A_218, %convert_element_type3A_222, %convert_element_type3A_226, %convert_element_type3A_230, %convert_element_type3A_234, %convert_element_type3A_238, %convert_element_type3A_242, %convert_element_type3A_246, %convert_element_type3A_250, %convert_element_type3A_254, %convert_element_type3A_258, %convert_element_type3A_262, %convert_element_type3A_266, %convert_element_type3A_270, %convert_element_type3A_274, %convert_element_type3A_278, %convert_element_type3A_282, %convert_element_type3A_286, %convert_element_type3A_290, %convert_element_type3A_294, %convert_element_type3A_298, %convert_element_type3A_302, %convert_element_type3A_306, %convert_element_type3A_310, %convert_element_type3A_314, %convert_element_type3A_318 in 1 : vector<1024x128xbf16>, vector<1024x128xbf16>, vector<1024x128xbf16>, vector<1024x128xbf16>, vector<1024x128xbf16>, vector<1024x128xbf16>, vector<1024x128xbf16>, vector<1024x128xbf16>, vector<1024x128xbf16>, vector<1024x128xbf16>, vector<1024x128xbf16>, vector<1024x128xbf16>, vector<1024x128xbf16>, vector<1024x128xbf16>, vector<1024x128xbf16>, vector<1024x128xbf16>, vector<1024x128xbf16>, vector<1024x128xbf16>, vector<1024x128xbf16>, vector<1024x128xbf16>, vector<1024x128xbf16>, vector<1024x128xbf16>, vector<1024x128xbf16>, vector<1024x128xbf16>, vector<1024x128xbf16>, vector<1024x128xbf16>, vector<1024x128xbf16>, vector<1024x128xbf16>, vector<1024x128xbf16>, vector<1024x128xbf16>, vector<1024x128xbf16>, vector<1024x128xbf16> -> vector<1024x4096xbf16>
    %dot_general3A_320 = arith.constant dense<0.000000e+00> : vector<1024x400xf32>
    %dot_general3A_321 = tpu.matmul %concatenate3A_319, %get3A_178, %dot_general3A_320 {dimension_numbers = #tpu.dot_dimension_numbers<[1], [1], [0], [0], [0, 0, 1, 0], [], []>, transpose_lhs_hint = false} : vector<1024x4096xbf16>, vector<400x4096xbf16>, vector<1024x400xf32> -> vector<1024x400xf32>
    %dot_general3A_322 = arith.constant dense<0.000000e+00> : vector<1024x400xf32>
    %dot_general3A_323 = tpu.matmul %convert_element_type3A_27, %get3A_181, %dot_general3A_322 {dimension_numbers = #tpu.dot_dimension_numbers<[1], [0], [0], [1], [0, 0, 1, 1], [], []>, transpose_lhs_hint = false} : vector<1024x64xbf16>, vector<64x400xbf16>, vector<1024x400xf32> -> vector<1024x400xf32>
    %add3A_324 = arith.addf %dot_general3A_321, %dot_general3A_323 : vector<1024x400xf32>
    %iota3A_325 = tpu.iota {dimensions = array<i32: 1>} : vector<1024x400xi32>
    %eq3A_326 = vector.broadcast %get3A_184 : vector<1024x1xi32> to vector<1024x400xi32>
    %eq3A_327 = arith.cmpi eq, %iota3A_325, %eq3A_326 : vector<1024x400xi32>
    %jit3A_328 = arith.constant 0.000000e+00 : f32
    %broadcast_in_dim3A_329 = vector.broadcast %jit3A_328 : f32 to vector<1024x400xf32>
    %select_n3A_330 = arith.select %eq3A_327, %add3A_324, %broadcast_in_dim3A_329 : vector<1024x400xi1>, vector<1024x400xf32>
    %reduce_sum3A_331 = arith.constant dense<0.000000e+00> : vector<1024xf32>
    %reduce_sum3A_332 = vector.multi_reduction <add>, %select_n3A_330, %reduce_sum3A_331 [1] : vector<1024x400xf32> to vector<1024xf32>
    %broadcast_in_dim3A_333 = vector.shape_cast %reduce_sum3A_332 : vector<1024xf32> to vector<1024x1xf32>
    %jit3A_334 = arith.constant 4 : i32
    %div3A = arith.divsi %add3A_0, %jit3A_334 : i32
    %sign3A = arith.constant 0 : i32
    %sign3A_335 = arith.cmpi sgt, %add3A_0, %sign3A : i32
    %sign3A_336 = arith.extui %sign3A_335 : i1 to i32
    %sign3A_337 = arith.constant 0 : i32
    %sign3A_338 = arith.cmpi slt, %add3A_0, %sign3A_337 : i32
    %sign3A_339 = arith.extui %sign3A_338 : i1 to i32
    %sign3A_340 = arith.subi %sign3A_336, %sign3A_339 : i32
    %sign3A_341 = arith.constant 0 : i32
    %sign3A_342 = arith.cmpi sgt, %jit3A_334, %sign3A_341 : i32
    %sign3A_343 = arith.extui %sign3A_342 : i1 to i32
    %sign3A_344 = arith.constant 0 : i32
    %sign3A_345 = arith.cmpi slt, %jit3A_334, %sign3A_344 : i32
    %sign3A_346 = arith.extui %sign3A_345 : i1 to i32
    %sign3A_347 = arith.subi %sign3A_343, %sign3A_346 : i32
    %ne3A = arith.cmpi ne, %sign3A_340, %sign3A_347 : i32
    %rem3A = arith.remsi %add3A_0, %jit3A_334 : i32
    %ne3A_348 = arith.constant 0 : i32
    %ne3A_349 = arith.cmpi ne, %rem3A, %ne3A_348 : i32
    %and3A_350 = arith.andi %ne3A, %ne3A_349 : i1
    %sub3A = arith.constant 1 : i32
    %sub3A_351 = arith.subi %div3A, %sub3A : i32
    %select_n3A_352 = arith.select %and3A_350, %sub3A_351, %div3A : i32
    %eq3A_353 = arith.constant 0 : i32
    %eq3A_354 = arith.cmpi eq, %arg0, %eq3A_353 : i32
    %convert_element_type3A_355 = arith.extui %eq3A_354 : i1 to i32
    %cond3A = arith.constant 0 : i32
    %cond3A_356 = arith.cmpi ne, %convert_element_type3A_355, %cond3A : i32
    scf.if %cond3A_356 {
      %broadcast_in_dim3A_361 = arith.constant 0.000000e+00 : f32
      %broadcast_in_dim3A_362 = vector.broadcast %broadcast_in_dim3A_361 : f32 to vector<8x128xf32>
      %swap3A = arith.constant 0 : index
      %swap3A_363 = arith.constant 0 : index
      %swap3A_364 = vector.load %arg13[%swap3A, %swap3A_363] : memref<8x128xf32, #tpu.memory_space<vmem>>, vector<8x128xf32>
      tpu.vector_store %arg13[%swap3A, %swap3A_363], %broadcast_in_dim3A_362 {strides = array<i32>} : memref<8x128xf32, #tpu.memory_space<vmem>>, vector<8x128xf32>,
    } else {
    }
    %gt3A = arith.constant 0 : i32
    %gt3A_357 = arith.cmpi sgt, %select_n3A_352, %gt3A : i32
    %convert_element_type3A_358 = arith.extui %gt3A_357 : i1 to i32
    %cond3A_359 = arith.constant 0 : i32
    %cond3A_360 = arith.cmpi ne, %convert_element_type3A_358, %cond3A_359 : i32
    scf.if %cond3A_360 {
      %neg3A = arith.constant 0.000000e+00 : f32
      %neg3A_361 = vector.broadcast %neg3A : f32 to vector<1024x1xf32>
      %neg3A_362 = arith.subf %neg3A_361, %broadcast_in_dim3A_175 : vector<1024x1xf32>
      %neg3A_363 = arith.constant 0.000000e+00 : f32
      %neg3A_364 = vector.broadcast %neg3A_363 : f32 to vector<1024x1xf32>
      %neg3A_365 = arith.subf %neg3A_364, %neg3A_362 : vector<1024x1xf32>
      %max3A = arith.constant 0.000000e+00 : f32
      %max3A_366 = vector.broadcast %max3A : f32 to vector<1024x1xf32>
      %max3A_367 = arith.maximumf %neg3A_365, %max3A_366 : vector<1024x1xf32>
      %abs3A = math.absf %neg3A_362 : vector<1024x1xf32>
      %neg3A_368 = arith.constant 0.000000e+00 : f32
      %neg3A_369 = vector.broadcast %neg3A_368 : f32 to vector<1024x1xf32>
      %neg3A_370 = arith.subf %neg3A_369, %abs3A : vector<1024x1xf32>
      %exp3A = math.exp %neg3A_370 : vector<1024x1xf32>
      %add3A_371 = arith.constant 1.000000e+00 : f32
      %add3A_372 = vector.broadcast %add3A_371 : f32 to vector<1024x1xf32>
      %add3A_373 = arith.addf %add3A_372, %exp3A : vector<1024x1xf32>
      %log3A = math.log %add3A_373 : vector<1024x1xf32>
      %add3A_374 = arith.addf %max3A_367, %log3A : vector<1024x1xf32>
      %neg3A_375 = arith.constant 0.000000e+00 : f32
      %neg3A_376 = vector.broadcast %neg3A_375 : f32 to vector<1024x1xf32>
      %neg3A_377 = arith.subf %neg3A_376, %add3A_374 : vector<1024x1xf32>
      %neg3A_378 = arith.constant 0.000000e+00 : f32
      %neg3A_379 = vector.broadcast %neg3A_378 : f32 to vector<1024x1xf32>
      %neg3A_380 = arith.subf %neg3A_379, %broadcast_in_dim3A_333 : vector<1024x1xf32>
      %neg3A_381 = arith.constant 0.000000e+00 : f32
      %neg3A_382 = vector.broadcast %neg3A_381 : f32 to vector<1024x1xf32>
      %neg3A_383 = arith.subf %neg3A_382, %neg3A_380 : vector<1024x1xf32>
      %max3A_384 = arith.constant 0.000000e+00 : f32
      %max3A_385 = vector.broadcast %max3A_384 : f32 to vector<1024x1xf32>
      %max3A_386 = arith.maximumf %neg3A_383, %max3A_385 : vector<1024x1xf32>
      %abs3A_387 = math.absf %neg3A_380 : vector<1024x1xf32>
      %neg3A_388 = arith.constant 0.000000e+00 : f32
      %neg3A_389 = vector.broadcast %neg3A_388 : f32 to vector<1024x1xf32>
      %neg3A_390 = arith.subf %neg3A_389, %abs3A_387 : vector<1024x1xf32>
      %exp3A_391 = math.exp %neg3A_390 : vector<1024x1xf32>
      %add3A_392 = arith.constant 1.000000e+00 : f32
      %add3A_393 = vector.broadcast %add3A_392 : f32 to vector<1024x1xf32>
      %add3A_394 = arith.addf %add3A_393, %exp3A_391 : vector<1024x1xf32>
      %log3A_395 = math.log %add3A_394 : vector<1024x1xf32>
      %add3A_396 = arith.addf %max3A_386, %log3A_395 : vector<1024x1xf32>
      %neg3A_397 = arith.constant 0.000000e+00 : f32
      %neg3A_398 = vector.broadcast %neg3A_397 : f32 to vector<1024x1xf32>
      %neg3A_399 = arith.subf %neg3A_398, %add3A_396 : vector<1024x1xf32>
      %add3A_400 = arith.addf %neg3A_377, %neg3A_399 : vector<1024x1xf32>
      %reduce_sum3A_401 = vector.shape_cast %add3A_400 : vector<1024x1xf32> to vector<1x1024x1xf32>
      %reduce_sum3A_402 = arith.constant dense<0.000000e+00> : vector<1xf32>
      %reduce_sum3A_403 = vector.multi_reduction <add>, %reduce_sum3A_401, %reduce_sum3A_402 [1, 2] : vector<1x1024x1xf32> to vector<1xf32>
      %reduce_sum3A_404 = vector.shape_cast %reduce_sum3A_403 : vector<1xf32> to vector<1x1x1xf32>
      %reduce_sum3A_405 = vector.extract %reduce_sum3A_404[0, 0, 0] : f32 from vector<1x1x1xf32>
      %iota3A_406 = tpu.iota {dimensions = array<i32: 0>} : vector<8x128xi32>
      %iota3A_407 = tpu.iota {dimensions = array<i32: 1>} : vector<8x128xi32>
      %sub3A_408 = arith.constant 1 : i32
      %sub3A_409 = arith.subi %select_n3A_352, %sub3A_408 : i32
      %eq3A_410 = vector.broadcast %sub3A_409 : i32 to vector<8x128xi32>
      %eq3A_411 = arith.cmpi eq, %iota3A_406, %eq3A_410 : vector<8x128xi32>
      %eq3A_412 = arith.constant 0 : i32
      %eq3A_413 = vector.broadcast %eq3A_412 : i32 to vector<8x128xi32>
      %eq3A_414 = arith.cmpi eq, %iota3A_407, %eq3A_413 : vector<8x128xi32>
      %and3A_415 = arith.andi %eq3A_411, %eq3A_414 : vector<8x128xi1>
      %get3A_416 = arith.constant 0 : index
      %get3A_417 = arith.constant 0 : index
      %get3A_418 = vector.load %arg13[%get3A_416, %get3A_417] : memref<8x128xf32, #tpu.memory_space<vmem>>, vector<8x128xf32>
      %neg3A_419 = arith.constant 0.000000e+00 : f32
      %neg3A_420 = arith.subf %neg3A_419, %reduce_sum3A_405 : f32
      %jit3A_421 = arith.constant 0.000000e+00 : f32
      %broadcast_in_dim3A_422 = vector.broadcast %neg3A_420 : f32 to vector<8x128xf32>
      %broadcast_in_dim3A_423 = vector.broadcast %jit3A_421 : f32 to vector<8x128xf32>
      %select_n3A_424 = arith.select %and3A_415, %broadcast_in_dim3A_422, %broadcast_in_dim3A_423 : vector<8x128xi1>, vector<8x128xf32>
      %add3A_425 = arith.addf %get3A_418, %select_n3A_424 : vector<8x128xf32>
      %swap3A = arith.constant 0 : index
      %swap3A_426 = arith.constant 0 : index
      %swap3A_427 = vector.load %arg13[%swap3A, %swap3A_426] : memref<8x128xf32, #tpu.memory_space<vmem>>, vector<8x128xf32>
      tpu.vector_store %arg13[%swap3A, %swap3A_426], %add3A_425 {strides = array<i32>} : memref<8x128xf32, #tpu.memory_space<vmem>>, vector<8x128xf32>,
    } else {
    }
    return
  }
  func.func @transform_0(%arg0: i32) -> (i32, i32) {
    %add3A = arith.constant 6 : i32
    %add3A_0 = arith.addi %add3A, %arg0 : i32
    %c0_i32 = arith.constant 0 : i32
    %c0_i32_1 = arith.constant 0 : i32
    return %add3A_0, %c0_i32 : i32, i32
  }
  func.func @transform_1(%arg0: i32) -> (i32, i32) {
    %add3A = arith.constant 6 : i32
    %add3A_0 = arith.addi %add3A, %arg0 : i32
    %c0_i32 = arith.constant 0 : i32
    %c0_i32_1 = arith.constant 0 : i32
    return %add3A_0, %c0_i32 : i32, i32
  }
  func.func @transform_2(%arg0: i32) -> (i32, i32) {
    %c0_i32 = arith.constant 0 : i32
    %c0_i32_0 = arith.constant 0 : i32
    return %arg0, %c0_i32 : i32, i32
  }
  func.func @transform_3(%arg0: i32) -> (i32, i32) {
    %add3A = arith.constant 6 : i32
    %add3A_0 = arith.addi %arg0, %add3A : i32
    %c0_i32 = arith.constant 0 : i32
    %c0_i32_1 = arith.constant 0 : i32
    return %add3A_0, %c0_i32 : i32, i32
  }
  func.func @transform_4(%arg0: i32) -> (i32, i32) {
    %add3A = arith.constant 12 : i32
    %add3A_0 = arith.addi %arg0, %add3A : i32
    %c0_i32 = arith.constant 0 : i32
    %c0_i32_1 = arith.constant 0 : i32
    return %add3A_0, %c0_i32 : i32, i32
  }
  func.func @transform_5(%arg0: i32) -> (i32, i32) {
    %add3A = arith.constant 18 : i32
    %add3A_0 = arith.addi %arg0, %add3A : i32
    %c0_i32 = arith.constant 0 : i32
    %c0_i32_1 = arith.constant 0 : i32
    return %add3A_0, %c0_i32 : i32, i32
  }
  func.func @transform_6(%arg0: i32) -> (i32, i32) {
    %c0_i32 = arith.constant 0 : i32
    %c0_i32_0 = arith.constant 0 : i32
    %c0_i32_1 = arith.constant 0 : i32
    return %c0_i32, %c0_i32_0 : i32, i32
  }
  func.func @transform_7(%arg0: i32) -> (i32, i32) {
    %c0_i32 = arith.constant 0 : i32
    %c0_i32_0 = arith.constant 0 : i32
    %c0_i32_1 = arith.constant 0 : i32
    return %c0_i32, %c0_i32_0 : i32, i32
  }
  func.func @transform_8(%arg0: i32) -> (i32, i32) {
    %c0_i32 = arith.constant 0 : i32
    %c0_i32_0 = arith.constant 0 : i32
    %c0_i32_1 = arith.constant 0 : i32
    return %c0_i32, %c0_i32_0 : i32, i32
  }
  func.func @transform_9(%arg0: i32) -> (i32, i32) {
    %c0_i32 = arith.constant 0 : i32
    %c0_i32_0 = arith.constant 0 : i32
    %c0_i32_1 = arith.constant 0 : i32
    return %c0_i32, %c0_i32_0 : i32, i32
  }
  func.func @transform_10(%arg0: i32) -> (i32, i32) {
    %c0_i32 = arith.constant 0 : i32
    %c0_i32_0 = arith.constant 0 : i32
    %c0_i32_1 = arith.constant 0 : i32
    return %c0_i32, %c0_i32_0 : i32, i32
  }
  func.func @transform_11(%arg0: i32) -> (i32, i32) {
    %c0_i32 = arith.constant 0 : i32
    %c0_i32_0 = arith.constant 0 : i32
    %c0_i32_1 = arith.constant 0 : i32
    return %c0_i32, %c0_i32_0 : i32, i32
  }
  func.func @transform_12(%arg0: i32) -> (i32, i32) {
    %c0_i32 = arith.constant 0 : i32
    %c0_i32_0 = arith.constant 0 : i32
    %c0_i32_1 = arith.constant 0 : i32
    return %c0_i32, %c0_i32_0 : i32, i32
  }
}

module attributes {stable_mosaic.version = 14 : i64} {
  func.func @body(%arg0: i32, %arg1: memref<1024x1xi32, #tpu.memory_space<vmem>>, %arg2: memref<1024x1xi32, #tpu.memory_space<vmem>>, %arg3: memref<1024x128xi32, #tpu.memory_space<vmem>>, %arg4: memref<1024x128xi32, #tpu.memory_space<vmem>>, %arg5: memref<1024x128xi32, #tpu.memory_space<vmem>>, %arg6: memref<1024x128xi32, #tpu.memory_space<vmem>>, %arg7: memref<168x4096xbf16, #tpu.memory_space<vmem>>, %arg8: memref<400x4096xbf16, #tpu.memory_space<vmem>>, %arg9: memref<64x168xbf16, #tpu.memory_space<vmem>>, %arg10: memref<64x400xbf16, #tpu.memory_space<vmem>>, %arg11: memref<64x4096xbf16, #tpu.memory_space<vmem>>, %arg12: memref<64x4096xbf16, #tpu.memory_space<vmem>>, %arg13: memref<8x128xf32, #tpu.memory_space<vmem>>) attributes {dimension_semantics = [#tpu.dimension_semantics<arbitrary>], iteration_bounds = array<i64: 6>, scalar_prefetch = 0 : i64, scratch_operands = 0 : i64, tpu.core_type = #tpu.core_type<tc>, window_params = [{transform_indices = @transform_0, window_bounds = array<i64: 1024, 1>}, {transform_indices = @transform_1, window_bounds = array<i64: 1024, 1>}, {transform_indices = @transform_2, window_bounds = array<i64: 1024, 128>}, {transform_indices = @transform_3, window_bounds = array<i64: 1024, 128>}, {transform_indices = @transform_4, window_bounds = array<i64: 1024, 128>}, {transform_indices = @transform_5, window_bounds = array<i64: 1024, 128>}, {pipeline_mode = #tpu.pipeline_mode<synchronous>, transform_indices = @transform_6, window_bounds = array<i64: 168, 4096>}, {pipeline_mode = #tpu.pipeline_mode<synchronous>, transform_indices = @transform_7, window_bounds = array<i64: 400, 4096>}, {pipeline_mode = #tpu.pipeline_mode<synchronous>, transform_indices = @transform_8, window_bounds = array<i64: 64, 168>}, {pipeline_mode = #tpu.pipeline_mode<synchronous>, transform_indices = @transform_9, window_bounds = array<i64: 64, 400>}, {pipeline_mode = #tpu.pipeline_mode<synchronous>, transform_indices = @transform_10, window_bounds = array<i64: 64, 4096>}, {pipeline_mode = #tpu.pipeline_mode<synchronous>, transform_indices = @transform_11, window_bounds = array<i64: 64, 4096>}, {pipeline_mode = #tpu.pipeline_mode<synchronous>, transform_indices = @transform_12, window_bounds = array<i64: 8, 128>}]} {
    %add3A = arith.constant 12 : i32
    %add3A_0 = arith.addi %add3A, %arg0 : i32
    %get3A = arith.constant 0 : index
    %get3A_1 = arith.constant 0 : index
    %get3A_2 = vector.load %arg3[%get3A, %get3A_1] : memref<1024x128xi32, #tpu.memory_space<vmem>>, vector<1024x64xi32>
    %and3A = arith.constant -65536 : i32
    %and3A_3 = vector.broadcast %and3A : i32 to vector<1024x64xi32>
    %and3A_4 = arith.andi %get3A_2, %and3A_3 : vector<1024x64xi32>
    %bitcast_convert_type3A = tpu.bitcast %and3A_4 : vector<1024x64xi32> -> vector<1024x64xf32>
    %convert_element_type3A = arith.truncf %bitcast_convert_type3A : vector<1024x64xf32> to vector<1024x64xbf16>
    %get3A_5 = arith.constant 0 : index
    %get3A_6 = arith.constant 64 : index
    %get3A_7 = vector.load %arg4[%get3A_5, %get3A_6] : memref<1024x128xi32, #tpu.memory_space<vmem>>, vector<1024x64xi32>
    %and3A_8 = arith.constant -65536 : i32
    %and3A_9 = vector.broadcast %and3A_8 : i32 to vector<1024x64xi32>
    %and3A_10 = arith.andi %get3A_7, %and3A_9 : vector<1024x64xi32>
    %bitcast_convert_type3A_11 = tpu.bitcast %and3A_10 : vector<1024x64xi32> -> vector<1024x64xf32>
    %convert_element_type3A_12 = arith.truncf %bitcast_convert_type3A_11 : vector<1024x64xf32> to vector<1024x64xbf16>
    %get3A_13 = arith.constant 0 : index
    %get3A_14 = arith.constant 0 : index
    %get3A_15 = vector.load %arg5[%get3A_13, %get3A_14] : memref<1024x128xi32, #tpu.memory_space<vmem>>, vector<1024x64xi32>
    %shift_left3A = arith.constant 16 : i32
    %shift_left3A_16 = vector.broadcast %shift_left3A : i32 to vector<1024x64xi32>
    %shift_left3A_17 = arith.shli %get3A_15, %shift_left3A_16 : vector<1024x64xi32>
    %bitcast_convert_type3A_18 = tpu.bitcast %shift_left3A_17 : vector<1024x64xi32> -> vector<1024x64xf32>
    %convert_element_type3A_19 = arith.truncf %bitcast_convert_type3A_18 : vector<1024x64xf32> to vector<1024x64xbf16>
    %get3A_20 = arith.constant 0 : index
    %get3A_21 = arith.constant 64 : index
    %get3A_22 = vector.load %arg6[%get3A_20, %get3A_21] : memref<1024x128xi32, #tpu.memory_space<vmem>>, vector<1024x64xi32>
    %shift_left3A_23 = arith.constant 16 : i32
    %shift_left3A_24 = vector.broadcast %shift_left3A_23 : i32 to vector<1024x64xi32>
    %shift_left3A_25 = arith.shli %get3A_22, %shift_left3A_24 : vector<1024x64xi32>
    %bitcast_convert_type3A_26 = tpu.bitcast %shift_left3A_25 : vector<1024x64xi32> -> vector<1024x64xf32>
    %convert_element_type3A_27 = arith.truncf %bitcast_convert_type3A_26 : vector<1024x64xf32> to vector<1024x64xbf16>
    %get3A_28 = arith.constant 0 : index
    %get3A_29 = arith.constant 0 : index
    %get3A_30 = vector.load %arg7[%get3A_28, %get3A_29] : memref<168x4096xbf16, #tpu.memory_space<vmem>>, vector<168x4096xbf16>
    %get3A_31 = arith.constant 0 : index
    %get3A_32 = arith.constant 0 : index
    %get3A_33 = vector.load %arg9[%get3A_31, %get3A_32] : memref<64x168xbf16, #tpu.memory_space<vmem>>, vector<64x168xbf16>
    %get3A_34 = arith.constant 0 : index
    %get3A_35 = arith.constant 0 : index
    %get3A_36 = vector.load %arg1[%get3A_34, %get3A_35] : memref<1024x1xi32, #tpu.memory_space<vmem>>, vector<1024x1xi32>
    %get3A_37 = arith.constant 0 : index
    %get3A_38 = arith.constant 0 : index
    %get3A_39 = vector.load %arg11[%get3A_37, %get3A_38] : memref<64x4096xbf16, #tpu.memory_space<vmem>>, vector<64x4096xbf16>
    %dot_general3A = arith.constant dense<0.000000e+00> : vector<1024x4096xf32>
    %dot_general3A_40 = tpu.matmul %convert_element_type3A_19, %get3A_39, %dot_general3A {dimension_numbers = #tpu.dot_dimension_numbers<[1], [0], [0], [1], [0, 0, 1, 1], [], []>, transpose_lhs_hint = false} : vector<1024x64xbf16>, vector<64x4096xbf16>, vector<1024x4096xf32> -> vector<1024x4096xf32>
    %concatenate3A = tpu.concatenate %convert_element_type3A, %convert_element_type3A in 1 : vector<1024x64xbf16>, vector<1024x64xbf16> -> vector<1024x128xbf16>
    %slice3A = vector.extract_strided_slice %dot_general3A_40 {offsets = [0, 0], sizes = [1024, 128], strides = [1, 1]} : vector<1024x4096xf32> to vector<1024x128xf32>
    %convert_element_type3A_41 = arith.extf %concatenate3A : vector<1024x128xbf16> to vector<1024x128xf32>
    %mul3A = arith.mulf %slice3A, %convert_element_type3A_41 : vector<1024x128xf32>
    %convert_element_type3A_42 = arith.truncf %mul3A : vector<1024x128xf32> to vector<1024x128xbf16>
    %slice3A_43 = vector.extract_strided_slice %dot_general3A_40 {offsets = [0, 128], sizes = [1024, 128], strides = [1, 1]} : vector<1024x4096xf32> to vector<1024x128xf32>
    %convert_element_type3A_44 = arith.extf %concatenate3A : vector<1024x128xbf16> to vector<1024x128xf32>
    %mul3A_45 = arith.mulf %slice3A_43, %convert_element_type3A_44 : vector<1024x128xf32>
    %convert_element_type3A_46 = arith.truncf %mul3A_45 : vector<1024x128xf32> to vector<1024x128xbf16>
    %slice3A_47 = vector.extract_strided_slice %dot_general3A_40 {offsets = [0, 256], sizes = [1024, 128], strides = [1, 1]} : vector<1024x4096xf32> to vector<1024x128xf32>
    %convert_element_type3A_48 = arith.extf %concatenate3A : vector<1024x128xbf16> to vector<1024x128xf32>
    %mul3A_49 = arith.mulf %slice3A_47, %convert_element_type3A_48 : vector<1024x128xf32>
    %convert_element_type3A_50 = arith.truncf %mul3A_49 : vector<1024x128xf32> to vector<1024x128xbf16>
    %slice3A_51 = vector.extract_strided_slice %dot_general3A_40 {offsets = [0, 384], sizes = [1024, 128], strides = [1, 1]} : vector<1024x4096xf32> to vector<1024x128xf32>
    %convert_element_type3A_52 = arith.extf %concatenate3A : vector<1024x128xbf16> to vector<1024x128xf32>
    %mul3A_53 = arith.mulf %slice3A_51, %convert_element_type3A_52 : vector<1024x128xf32>
    %convert_element_type3A_54 = arith.truncf %mul3A_53 : vector<1024x128xf32> to vector<1024x128xbf16>
    %slice3A_55 = vector.extract_strided_slice %dot_general3A_40 {offsets = [0, 512], sizes = [1024, 128], strides = [1, 1]} : vector<1024x4096xf32> to vector<1024x128xf32>
    %convert_element_type3A_56 = arith.extf %concatenate3A : vector<1024x128xbf16> to vector<1024x128xf32>
    %mul3A_57 = arith.mulf %slice3A_55, %convert_element_type3A_56 : vector<1024x128xf32>
    %convert_element_type3A_58 = arith.truncf %mul3A_57 : vector<1024x128xf32> to vector<1024x128xbf16>
    %slice3A_59 = vector.extract_strided_slice %dot_general3A_40 {offsets = [0, 640], sizes = [1024, 128], strides = [1, 1]} : vector<1024x4096xf32> to vector<1024x128xf32>
    %convert_element_type3A_60 = arith.extf %concatenate3A : vector<1024x128xbf16> to vector<1024x128xf32>
    %mul3A_61 = arith.mulf %slice3A_59, %convert_element_type3A_60 : vector<1024x128xf32>
    %convert_element_type3A_62 = arith.truncf %mul3A_61 : vector<1024x128xf32> to vector<1024x128xbf16>
    %slice3A_63 = vector.extract_strided_slice %dot_general3A_40 {offsets = [0, 768], sizes = [1024, 128], strides = [1, 1]} : vector<1024x4096xf32> to vector<1024x128xf32>
    %convert_element_type3A_64 = arith.extf %concatenate3A : vector<1024x128xbf16> to vector<1024x128xf32>
    %mul3A_65 = arith.mulf %slice3A_63, %convert_element_type3A_64 : vector<1024x128xf32>
    %convert_element_type3A_66 = arith.truncf %mul3A_65 : vector<1024x128xf32> to vector<1024x128xbf16>
    %slice3A_67 = vector.extract_strided_slice %dot_general3A_40 {offsets = [0, 896], sizes = [1024, 128], strides = [1, 1]} : vector<1024x4096xf32> to vector<1024x128xf32>
    %convert_element_type3A_68 = arith.extf %concatenate3A : vector<1024x128xbf16> to vector<1024x128xf32>
    %mul3A_69 = arith.mulf %slice3A_67, %convert_element_type3A_68 : vector<1024x128xf32>
    %convert_element_type3A_70 = arith.truncf %mul3A_69 : vector<1024x128xf32> to vector<1024x128xbf16>
    %slice3A_71 = vector.extract_strided_slice %dot_general3A_40 {offsets = [0, 1024], sizes = [1024, 128], strides = [1, 1]} : vector<1024x4096xf32> to vector<1024x128xf32>
    %convert_element_type3A_72 = arith.extf %concatenate3A : vector<1024x128xbf16> to vector<1024x128xf32>
    %mul3A_73 = arith.mulf %slice3A_71, %convert_element_type3A_72 : vector<1024x128xf32>
    %convert_element_type3A_74 = arith.truncf %mul3A_73 : vector<1024x128xf32> to vector<1024x128xbf16>
    %slice3A_75 = vector.extract_strided_slice %dot_general3A_40 {offsets = [0, 1152], sizes = [1024, 128], strides = [1, 1]} : vector<1024x4096xf32> to vector<1024x128xf32>
    %convert_element_type3A_76 = arith.extf %concatenate3A : vector<1024x128xbf16> to vector<1024x128xf32>
    %mul3A_77 = arith.mulf %slice3A_75, %convert_element_type3A_76 : vector<1024x128xf32>
    %convert_element_type3A_78 = arith.truncf %mul3A_77 : vector<1024x128xf32> to vector<1024x128xbf16>
    %slice3A_79 = vector.extract_strided_slice %dot_general3A_40 {offsets = [0, 1280], sizes = [1024, 128], strides = [1, 1]} : vector<1024x4096xf32> to vector<1024x128xf32>
    %convert_element_type3A_80 = arith.extf %concatenate3A : vector<1024x128xbf16> to vector<1024x128xf32>
    %mul3A_81 = arith.mulf %slice3A_79, %convert_element_type3A_80 : vector<1024x128xf32>
    %convert_element_type3A_82 = arith.truncf %mul3A_81 : vector<1024x128xf32> to vector<1024x128xbf16>
    %slice3A_83 = vector.extract_strided_slice %dot_general3A_40 {offsets = [0, 1408], sizes = [1024, 128], strides = [1, 1]} : vector<1024x4096xf32> to vector<1024x128xf32>
    %convert_element_type3A_84 = arith.extf %concatenate3A : vector<1024x128xbf16> to vector<1024x128xf32>
    %mul3A_85 = arith.mulf %slice3A_83, %convert_element_type3A_84 : vector<1024x128xf32>
    %convert_element_type3A_86 = arith.truncf %mul3A_85 : vector<1024x128xf32> to vector<1024x128xbf16>
    %slice3A_87 = vector.extract_strided_slice %dot_general3A_40 {offsets = [0, 1536], sizes = [1024, 128], strides = [1, 1]} : vector<1024x4096xf32> to vector<1024x128xf32>
    %convert_element_type3A_88 = arith.extf %concatenate3A : vector<1024x128xbf16> to vector<1024x128xf32>
    %mul3A_89 = arith.mulf %slice3A_87, %convert_element_type3A_88 : vector<1024x128xf32>
    %convert_element_type3A_90 = arith.truncf %mul3A_89 : vector<1024x128xf32> to vector<1024x128xbf16>
    %slice3A_91 = vector.extract_strided_slice %dot_general3A_40 {offsets = [0, 1664], sizes = [1024, 128], strides = [1, 1]} : vector<1024x4096xf32> to vector<1024x128xf32>
    %convert_element_type3A_92 = arith.extf %concatenate3A : vector<1024x128xbf16> to vector<1024x128xf32>
    %mul3A_93 = arith.mulf %slice3A_91, %convert_element_type3A_92 : vector<1024x128xf32>
    %convert_element_type3A_94 = arith.truncf %mul3A_93 : vector<1024x128xf32> to vector<1024x128xbf16>
    %slice3A_95 = vector.extract_strided_slice %dot_general3A_40 {offsets = [0, 1792], sizes = [1024, 128], strides = [1, 1]} : vector<1024x4096xf32> to vector<1024x128xf32>
    %convert_element_type3A_96 = arith.extf %concatenate3A : vector<1024x128xbf16> to vector<1024x128xf32>
    %mul3A_97 = arith.mulf %slice3A_95, %convert_element_type3A_96 : vector<1024x128xf32>
    %convert_element_type3A_98 = arith.truncf %mul3A_97 : vector<1024x128xf32> to vector<1024x128xbf16>
    %slice3A_99 = vector.extract_strided_slice %dot_general3A_40 {offsets = [0, 1920], sizes = [1024, 128], strides = [1, 1]} : vector<1024x4096xf32> to vector<1024x128xf32>
    %convert_element_type3A_100 = arith.extf %concatenate3A : vector<1024x128xbf16> to vector<1024x128xf32>
    %mul3A_101 = arith.mulf %slice3A_99, %convert_element_type3A_100 : vector<1024x128xf32>
    %convert_element_type3A_102 = arith.truncf %mul3A_101 : vector<1024x128xf32> to vector<1024x128xbf16>
    %slice3A_103 = vector.extract_strided_slice %dot_general3A_40 {offsets = [0, 2048], sizes = [1024, 128], strides = [1, 1]} : vector<1024x4096xf32> to vector<1024x128xf32>
    %convert_element_type3A_104 = arith.extf %concatenate3A : vector<1024x128xbf16> to vector<1024x128xf32>
    %mul3A_105 = arith.mulf %slice3A_103, %convert_element_type3A_104 : vector<1024x128xf32>
    %convert_element_type3A_106 = arith.truncf %mul3A_105 : vector<1024x128xf32> to vector<1024x128xbf16>
    %slice3A_107 = vector.extract_strided_slice %dot_general3A_40 {offsets = [0, 2176], sizes = [1024, 128], strides = [1, 1]} : vector<1024x4096xf32> to vector<1024x128xf32>
    %convert_element_type3A_108 = arith.extf %concatenate3A : vector<1024x128xbf16> to vector<1024x128xf32>
    %mul3A_109 = arith.mulf %slice3A_107, %convert_element_type3A_108 : vector<1024x128xf32>
    %convert_element_type3A_110 = arith.truncf %mul3A_109 : vector<1024x128xf32> to vector<1024x128xbf16>
    %slice3A_111 = vector.extract_strided_slice %dot_general3A_40 {offsets = [0, 2304], sizes = [1024, 128], strides = [1, 1]} : vector<1024x4096xf32> to vector<1024x128xf32>
    %convert_element_type3A_112 = arith.extf %concatenate3A : vector<1024x128xbf16> to vector<1024x128xf32>
    %mul3A_113 = arith.mulf %slice3A_111, %convert_element_type3A_112 : vector<1024x128xf32>
    %convert_element_type3A_114 = arith.truncf %mul3A_113 : vector<1024x128xf32> to vector<1024x128xbf16>
    %slice3A_115 = vector.extract_strided_slice %dot_general3A_40 {offsets = [0, 2432], sizes = [1024, 128], strides = [1, 1]} : vector<1024x4096xf32> to vector<1024x128xf32>
    %convert_element_type3A_116 = arith.extf %concatenate3A : vector<1024x128xbf16> to vector<1024x128xf32>
    %mul3A_117 = arith.mulf %slice3A_115, %convert_element_type3A_116 : vector<1024x128xf32>
    %convert_element_type3A_118 = arith.truncf %mul3A_117 : vector<1024x128xf32> to vector<1024x128xbf16>
    %slice3A_119 = vector.extract_strided_slice %dot_general3A_40 {offsets = [0, 2560], sizes = [1024, 128], strides = [1, 1]} : vector<1024x4096xf32> to vector<1024x128xf32>
    %convert_element_type3A_120 = arith.extf %concatenate3A : vector<1024x128xbf16> to vector<1024x128xf32>
    %mul3A_121 = arith.mulf %slice3A_119, %convert_element_type3A_120 : vector<1024x128xf32>
    %convert_element_type3A_122 = arith.truncf %mul3A_121 : vector<1024x128xf32> to vector<1024x128xbf16>
    %slice3A_123 = vector.extract_strided_slice %dot_general3A_40 {offsets = [0, 2688], sizes = [1024, 128], strides = [1, 1]} : vector<1024x4096xf32> to vector<1024x128xf32>
    %convert_element_type3A_124 = arith.extf %concatenate3A : vector<1024x128xbf16> to vector<1024x128xf32>
    %mul3A_125 = arith.mulf %slice3A_123, %convert_element_type3A_124 : vector<1024x128xf32>
    %convert_element_type3A_126 = arith.truncf %mul3A_125 : vector<1024x128xf32> to vector<1024x128xbf16>
    %slice3A_127 = vector.extract_strided_slice %dot_general3A_40 {offsets = [0, 2816], sizes = [1024, 128], strides = [1, 1]} : vector<1024x4096xf32> to vector<1024x128xf32>
    %convert_element_type3A_128 = arith.extf %concatenate3A : vector<1024x128xbf16> to vector<1024x128xf32>
    %mul3A_129 = arith.mulf %slice3A_127, %convert_element_type3A_128 : vector<1024x128xf32>
    %convert_element_type3A_130 = arith.truncf %mul3A_129 : vector<1024x128xf32> to vector<1024x128xbf16>
    %slice3A_131 = vector.extract_strided_slice %dot_general3A_40 {offsets = [0, 2944], sizes = [1024, 128], strides = [1, 1]} : vector<1024x4096xf32> to vector<1024x128xf32>
    %convert_element_type3A_132 = arith.extf %concatenate3A : vector<1024x128xbf16> to vector<1024x128xf32>
    %mul3A_133 = arith.mulf %slice3A_131, %convert_element_type3A_132 : vector<1024x128xf32>
    %convert_element_type3A_134 = arith.truncf %mul3A_133 : vector<1024x128xf32> to vector<1024x128xbf16>
    %slice3A_135 = vector.extract_strided_slice %dot_general3A_40 {offsets = [0, 3072], sizes = [1024, 128], strides = [1, 1]} : vector<1024x4096xf32> to vector<1024x128xf32>
    %convert_element_type3A_136 = arith.extf %concatenate3A : vector<1024x128xbf16> to vector<1024x128xf32>
    %mul3A_137 = arith.mulf %slice3A_135, %convert_element_type3A_136 : vector<1024x128xf32>
    %convert_element_type3A_138 = arith.truncf %mul3A_137 : vector<1024x128xf32> to vector<1024x128xbf16>
    %slice3A_139 = vector.extract_strided_slice %dot_general3A_40 {offsets = [0, 3200], sizes = [1024, 128], strides = [1, 1]} : vector<1024x4096xf32> to vector<1024x128xf32>
    %convert_element_type3A_140 = arith.extf %concatenate3A : vector<1024x128xbf16> to vector<1024x128xf32>
    %mul3A_141 = arith.mulf %slice3A_139, %convert_element_type3A_140 : vector<1024x128xf32>
    %convert_element_type3A_142 = arith.truncf %mul3A_141 : vector<1024x128xf32> to vector<1024x128xbf16>
    %slice3A_143 = vector.extract_strided_slice %dot_general3A_40 {offsets = [0, 3328], sizes = [1024, 128], strides = [1, 1]} : vector<1024x4096xf32> to vector<1024x128xf32>
    %convert_element_type3A_144 = arith.extf %concatenate3A : vector<1024x128xbf16> to vector<1024x128xf32>
    %mul3A_145 = arith.mulf %slice3A_143, %convert_element_type3A_144 : vector<1024x128xf32>
    %convert_element_type3A_146 = arith.truncf %mul3A_145 : vector<1024x128xf32> to vector<1024x128xbf16>
    %slice3A_147 = vector.extract_strided_slice %dot_general3A_40 {offsets = [0, 3456], sizes = [1024, 128], strides = [1, 1]} : vector<1024x4096xf32> to vector<1024x128xf32>
    %convert_element_type3A_148 = arith.extf %concatenate3A : vector<1024x128xbf16> to vector<1024x128xf32>
    %mul3A_149 = arith.mulf %slice3A_147, %convert_element_type3A_148 : vector<1024x128xf32>
    %convert_element_type3A_150 = arith.truncf %mul3A_149 : vector<1024x128xf32> to vector<1024x128xbf16>
    %slice3A_151 = vector.extract_strided_slice %dot_general3A_40 {offsets = [0, 3584], sizes = [1024, 128], strides = [1, 1]} : vector<1024x4096xf32> to vector<1024x128xf32>
    %convert_element_type3A_152 = arith.extf %concatenate3A : vector<1024x128xbf16> to vector<1024x128xf32>
    %mul3A_153 = arith.mulf %slice3A_151, %convert_element_type3A_152 : vector<1024x128xf32>
    %convert_element_type3A_154 = arith.truncf %mul3A_153 : vector<1024x128xf32> to vector<1024x128xbf16>
    %slice3A_155 = vector.extract_strided_slice %dot_general3A_40 {offsets = [0, 3712], sizes = [1024, 128], strides = [1, 1]} : vector<1024x4096xf32> to vector<1024x128xf32>
    %convert_element_type3A_156 = arith.extf %concatenate3A : vector<1024x128xbf16> to vector<1024x128xf32>
    %mul3A_157 = arith.mulf %slice3A_155, %convert_element_type3A_156 : vector<1024x128xf32>
    %convert_element_type3A_158 = arith.truncf %mul3A_157 : vector<1024x128xf32> to vector<1024x128xbf16>
    %slice3A_159 = vector.extract_strided_slice %dot_general3A_40 {offsets = [0, 3840], sizes = [1024, 128], strides = [1, 1]} : vector<1024x4096xf32> to vector<1024x128xf32>
    %convert_element_type3A_160 = arith.extf %concatenate3A : vector<1024x128xbf16> to vector<1024x128xf32>
    %mul3A_161 = arith.mulf %slice3A_159, %convert_element_type3A_160 : vector<1024x128xf32>
    %convert_element_type3A_162 = arith.truncf %mul3A_161 : vector<1024x128xf32> to vector<1024x128xbf16>
    %slice3A_163 = vector.extract_strided_slice %dot_general3A_40 {offsets = [0, 3968], sizes = [1024, 128], strides = [1, 1]} : vector<1024x4096xf32> to vector<1024x128xf32>
    %convert_element_type3A_164 = arith.extf %concatenate3A : vector<1024x128xbf16> to vector<1024x128xf32>
    %mul3A_165 = arith.mulf %slice3A_163, %convert_element_type3A_164 : vector<1024x128xf32>
    %convert_element_type3A_166 = arith.truncf %mul3A_165 : vector<1024x128xf32> to vector<1024x128xbf16>
    %concatenate3A_167 = tpu.concatenate %convert_element_type3A_42, %convert_element_type3A_46, %convert_element_type3A_50, %convert_element_type3A_54, %convert_element_type3A_58, %convert_element_type3A_62, %convert_element_type3A_66, %convert_element_type3A_70, %convert_element_type3A_74, %convert_element_type3A_78, %convert_element_type3A_82, %convert_element_type3A_86, %convert_element_type3A_90, %convert_element_type3A_94, %convert_element_type3A_98, %convert_element_type3A_102, %convert_element_type3A_106, %convert_element_type3A_110, %convert_element_type3A_114, %convert_element_type3A_118, %convert_element_type3A_122, %convert_element_type3A_126, %convert_element_type3A_130, %convert_element_type3A_134, %convert_element_type3A_138, %convert_element_type3A_142, %convert_element_type3A_146, %convert_element_type3A_150, %convert_element_type3A_154, %convert_element_type3A_158, %convert_element_type3A_162, %convert_element_type3A_166 in 1 : vector<1024x128xbf16>, vector<1024x128xbf16>, vector<1024x128xbf16>, vector<1024x128xbf16>, vector<1024x128xbf16>, vector<1024x128xbf16>, vector<1024x128xbf16>, vector<1024x128xbf16>, vector<1024x128xbf16>, vector<1024x128xbf16>, vector<1024x128xbf16>, vector<1024x128xbf16>, vector<1024x128xbf16>, vector<1024x128xbf16>, vector<1024x128xbf16>, vector<1024x128xbf16>, vector<1024x128xbf16>, vector<1024x128xbf16>, vector<1024x128xbf16>, vector<1024x128xbf16>, vector<1024x128xbf16>, vector<1024x128xbf16>, vector<1024x128xbf16>, vector<1024x128xbf16>, vector<1024x128xbf16>, vector<1024x128xbf16>, vector<1024x128xbf16>, vector<1024x128xbf16>, vector<1024x128xbf16>, vector<1024x128xbf16>, vector<1024x128xbf16>, vector<1024x128xbf16> -> vector<1024x4096xbf16>
    %dot_general3A_168 = arith.constant dense<0.000000e+00> : vector<1024x168xf32>
    %dot_general3A_169 = tpu.matmul %concatenate3A_167, %get3A_30, %dot_general3A_168 {dimension_numbers = #tpu.dot_dimension_numbers<[1], [1], [0], [0], [0, 0, 1, 0], [], []>, transpose_lhs_hint = false} : vector<1024x4096xbf16>, vector<168x4096xbf16>, vector<1024x168xf32> -> vector<1024x168xf32>
    %dot_general3A_170 = arith.constant dense<0.000000e+00> : vector<1024x168xf32>
    %dot_general3A_171 = tpu.matmul %convert_element_type3A_19, %get3A_33, %dot_general3A_170 {dimension_numbers = #tpu.dot_dimension_numbers<[1], [0], [0], [1], [0, 0, 1, 1], [], []>, transpose_lhs_hint = false} : vector<1024x64xbf16>, vector<64x168xbf16>, vector<1024x168xf32> -> vector<1024x168xf32>
    %add3A_172 = arith.addf %dot_general3A_169, %dot_general3A_171 : vector<1024x168xf32>
    %iota3A = tpu.iota {dimensions = array<i32: 1>} : vector<1024x168xi32>
    %eq3A = vector.broadcast %get3A_36 : vector<1024x1xi32> to vector<1024x168xi32>
    %eq3A_173 = arith.cmpi eq, %iota3A, %eq3A : vector<1024x168xi32>
    %jit3A = arith.constant 0.000000e+00 : f32
    %broadcast_in_dim3A = vector.broadcast %jit3A : f32 to vector<1024x168xf32>
    %select_n3A = arith.select %eq3A_173, %add3A_172, %broadcast_in_dim3A : vector<1024x168xi1>, vector<1024x168xf32>
    %reduce_sum3A = arith.constant dense<0.000000e+00> : vector<1024xf32>
    %reduce_sum3A_174 = vector.multi_reduction <add>, %select_n3A, %reduce_sum3A [1] : vector<1024x168xf32> to vector<1024xf32>
    %broadcast_in_dim3A_175 = vector.shape_cast %reduce_sum3A_174 : vector<1024xf32> to vector<1024x1xf32>
    %get3A_176 = arith.constant 0 : index
    %get3A_177 = arith.constant 0 : index
    %get3A_178 = vector.load %arg8[%get3A_176, %get3A_177] : memref<400x4096xbf16, #tpu.memory_space<vmem>>, vector<400x4096xbf16>
    %get3A_179 = arith.constant 0 : index
    %get3A_180 = arith.constant 0 : index
    %get3A_181 = vector.load %arg10[%get3A_179, %get3A_180] : memref<64x400xbf16, #tpu.memory_space<vmem>>, vector<64x400xbf16>
    %get3A_182 = arith.constant 0 : index
    %get3A_183 = arith.constant 0 : index
    %get3A_184 = vector.load %arg2[%get3A_182, %get3A_183] : memref<1024x1xi32, #tpu.memory_space<vmem>>, vector<1024x1xi32>
    %get3A_185 = arith.constant 0 : index
    %get3A_186 = arith.constant 0 : index
    %get3A_187 = vector.load %arg11[%get3A_185, %get3A_186] : memref<64x4096xbf16, #tpu.memory_space<vmem>>, vector<64x4096xbf16>
    %dot_general3A_188 = arith.constant dense<0.000000e+00> : vector<1024x4096xf32>
    %dot_general3A_189 = tpu.matmul %convert_element_type3A_27, %get3A_187, %dot_general3A_188 {dimension_numbers = #tpu.dot_dimension_numbers<[1], [0], [0], [1], [0, 0, 1, 1], [], []>, transpose_lhs_hint = false} : vector<1024x64xbf16>, vector<64x4096xbf16>, vector<1024x4096xf32> -> vector<1024x4096xf32>
    %concatenate3A_190 = tpu.concatenate %convert_element_type3A_12, %convert_element_type3A_12 in 1 : vector<1024x64xbf16>, vector<1024x64xbf16> -> vector<1024x128xbf16>
    %slice3A_191 = vector.extract_strided_slice %dot_general3A_189 {offsets = [0, 0], sizes = [1024, 128], strides = [1, 1]} : vector<1024x4096xf32> to vector<1024x128xf32>
    %convert_element_type3A_192 = arith.extf %concatenate3A_190 : vector<1024x128xbf16> to vector<1024x128xf32>
    %mul3A_193 = arith.mulf %slice3A_191, %convert_element_type3A_192 : vector<1024x128xf32>
    %convert_element_type3A_194 = arith.truncf %mul3A_193 : vector<1024x128xf32> to vector<1024x128xbf16>
    %slice3A_195 = vector.extract_strided_slice %dot_general3A_189 {offsets = [0, 128], sizes = [1024, 128], strides = [1, 1]} : vector<1024x4096xf32> to vector<1024x128xf32>
    %convert_element_type3A_196 = arith.extf %concatenate3A_190 : vector<1024x128xbf16> to vector<1024x128xf32>
    %mul3A_197 = arith.mulf %slice3A_195, %convert_element_type3A_196 : vector<1024x128xf32>
    %convert_element_type3A_198 = arith.truncf %mul3A_197 : vector<1024x128xf32> to vector<1024x128xbf16>
    %slice3A_199 = vector.extract_strided_slice %dot_general3A_189 {offsets = [0, 256], sizes = [1024, 128], strides = [1, 1]} : vector<1024x4096xf32> to vector<1024x128xf32>
    %convert_element_type3A_200 = arith.extf %concatenate3A_190 : vector<1024x128xbf16> to vector<1024x128xf32>
    %mul3A_201 = arith.mulf %slice3A_199, %convert_element_type3A_200 : vector<1024x128xf32>
    %convert_element_type3A_202 = arith.truncf %mul3A_201 : vector<1024x128xf32> to vector<1024x128xbf16>
    %slice3A_203 = vector.extract_strided_slice %dot_general3A_189 {offsets = [0, 384], sizes = [1024, 128], strides = [1, 1]} : vector<1024x4096xf32> to vector<1024x128xf32>
    %convert_element_type3A_204 = arith.extf %concatenate3A_190 : vector<1024x128xbf16> to vector<1024x128xf32>
    %mul3A_205 = arith.mulf %slice3A_203, %convert_element_type3A_204 : vector<1024x128xf32>
    %convert_element_type3A_206 = arith.truncf %mul3A_205 : vector<1024x128xf32> to vector<1024x128xbf16>
    %slice3A_207 = vector.extract_strided_slice %dot_general3A_189 {offsets = [0, 512], sizes = [1024, 128], strides = [1, 1]} : vector<1024x4096xf32> to vector<1024x128xf32>
    %convert_element_type3A_208 = arith.extf %concatenate3A_190 : vector<1024x128xbf16> to vector<1024x128xf32>
    %mul3A_209 = arith.mulf %slice3A_207, %convert_element_type3A_208 : vector<1024x128xf32>
    %convert_element_type3A_210 = arith.truncf %mul3A_209 : vector<1024x128xf32> to vector<1024x128xbf16>
    %slice3A_211 = vector.extract_strided_slice %dot_general3A_189 {offsets = [0, 640], sizes = [1024, 128], strides = [1, 1]} : vector<1024x4096xf32> to vector<1024x128xf32>
    %convert_element_type3A_212 = arith.extf %concatenate3A_190 : vector<1024x128xbf16> to vector<1024x128xf32>
    %mul3A_213 = arith.mulf %slice3A_211, %convert_element_type3A_212 : vector<1024x128xf32>
    %convert_element_type3A_214 = arith.truncf %mul3A_213 : vector<1024x128xf32> to vector<1024x128xbf16>
    %slice3A_215 = vector.extract_strided_slice %dot_general3A_189 {offsets = [0, 768], sizes = [1024, 128], strides = [1, 1]} : vector<1024x4096xf32> to vector<1024x128xf32>
    %convert_element_type3A_216 = arith.extf %concatenate3A_190 : vector<1024x128xbf16> to vector<1024x128xf32>
    %mul3A_217 = arith.mulf %slice3A_215, %convert_element_type3A_216 : vector<1024x128xf32>
    %convert_element_type3A_218 = arith.truncf %mul3A_217 : vector<1024x128xf32> to vector<1024x128xbf16>
    %slice3A_219 = vector.extract_strided_slice %dot_general3A_189 {offsets = [0, 896], sizes = [1024, 128], strides = [1, 1]} : vector<1024x4096xf32> to vector<1024x128xf32>
    %convert_element_type3A_220 = arith.extf %concatenate3A_190 : vector<1024x128xbf16> to vector<1024x128xf32>
    %mul3A_221 = arith.mulf %slice3A_219, %convert_element_type3A_220 : vector<1024x128xf32>
    %convert_element_type3A_222 = arith.truncf %mul3A_221 : vector<1024x128xf32> to vector<1024x128xbf16>
    %slice3A_223 = vector.extract_strided_slice %dot_general3A_189 {offsets = [0, 1024], sizes = [1024, 128], strides = [1, 1]} : vector<1024x4096xf32> to vector<1024x128xf32>
    %convert_element_type3A_224 = arith.extf %concatenate3A_190 : vector<1024x128xbf16> to vector<1024x128xf32>
    %mul3A_225 = arith.mulf %slice3A_223, %convert_element_type3A_224 : vector<1024x128xf32>
    %convert_element_type3A_226 = arith.truncf %mul3A_225 : vector<1024x128xf32> to vector<1024x128xbf16>
    %slice3A_227 = vector.extract_strided_slice %dot_general3A_189 {offsets = [0, 1152], sizes = [1024, 128], strides = [1, 1]} : vector<1024x4096xf32> to vector<1024x128xf32>
    %convert_element_type3A_228 = arith.extf %concatenate3A_190 : vector<1024x128xbf16> to vector<1024x128xf32>
    %mul3A_229 = arith.mulf %slice3A_227, %convert_element_type3A_228 : vector<1024x128xf32>
    %convert_element_type3A_230 = arith.truncf %mul3A_229 : vector<1024x128xf32> to vector<1024x128xbf16>
    %slice3A_231 = vector.extract_strided_slice %dot_general3A_189 {offsets = [0, 1280], sizes = [1024, 128], strides = [1, 1]} : vector<1024x4096xf32> to vector<1024x128xf32>
    %convert_element_type3A_232 = arith.extf %concatenate3A_190 : vector<1024x128xbf16> to vector<1024x128xf32>
    %mul3A_233 = arith.mulf %slice3A_231, %convert_element_type3A_232 : vector<1024x128xf32>
    %convert_element_type3A_234 = arith.truncf %mul3A_233 : vector<1024x128xf32> to vector<1024x128xbf16>
    %slice3A_235 = vector.extract_strided_slice %dot_general3A_189 {offsets = [0, 1408], sizes = [1024, 128], strides = [1, 1]} : vector<1024x4096xf32> to vector<1024x128xf32>
    %convert_element_type3A_236 = arith.extf %concatenate3A_190 : vector<1024x128xbf16> to vector<1024x128xf32>
    %mul3A_237 = arith.mulf %slice3A_235, %convert_element_type3A_236 : vector<1024x128xf32>
    %convert_element_type3A_238 = arith.truncf %mul3A_237 : vector<1024x128xf32> to vector<1024x128xbf16>
    %slice3A_239 = vector.extract_strided_slice %dot_general3A_189 {offsets = [0, 1536], sizes = [1024, 128], strides = [1, 1]} : vector<1024x4096xf32> to vector<1024x128xf32>
    %convert_element_type3A_240 = arith.extf %concatenate3A_190 : vector<1024x128xbf16> to vector<1024x128xf32>
    %mul3A_241 = arith.mulf %slice3A_239, %convert_element_type3A_240 : vector<1024x128xf32>
    %convert_element_type3A_242 = arith.truncf %mul3A_241 : vector<1024x128xf32> to vector<1024x128xbf16>
    %slice3A_243 = vector.extract_strided_slice %dot_general3A_189 {offsets = [0, 1664], sizes = [1024, 128], strides = [1, 1]} : vector<1024x4096xf32> to vector<1024x128xf32>
    %convert_element_type3A_244 = arith.extf %concatenate3A_190 : vector<1024x128xbf16> to vector<1024x128xf32>
    %mul3A_245 = arith.mulf %slice3A_243, %convert_element_type3A_244 : vector<1024x128xf32>
    %convert_element_type3A_246 = arith.truncf %mul3A_245 : vector<1024x128xf32> to vector<1024x128xbf16>
    %slice3A_247 = vector.extract_strided_slice %dot_general3A_189 {offsets = [0, 1792], sizes = [1024, 128], strides = [1, 1]} : vector<1024x4096xf32> to vector<1024x128xf32>
    %convert_element_type3A_248 = arith.extf %concatenate3A_190 : vector<1024x128xbf16> to vector<1024x128xf32>
    %mul3A_249 = arith.mulf %slice3A_247, %convert_element_type3A_248 : vector<1024x128xf32>
    %convert_element_type3A_250 = arith.truncf %mul3A_249 : vector<1024x128xf32> to vector<1024x128xbf16>
    %slice3A_251 = vector.extract_strided_slice %dot_general3A_189 {offsets = [0, 1920], sizes = [1024, 128], strides = [1, 1]} : vector<1024x4096xf32> to vector<1024x128xf32>
    %convert_element_type3A_252 = arith.extf %concatenate3A_190 : vector<1024x128xbf16> to vector<1024x128xf32>
    %mul3A_253 = arith.mulf %slice3A_251, %convert_element_type3A_252 : vector<1024x128xf32>
    %convert_element_type3A_254 = arith.truncf %mul3A_253 : vector<1024x128xf32> to vector<1024x128xbf16>
    %slice3A_255 = vector.extract_strided_slice %dot_general3A_189 {offsets = [0, 2048], sizes = [1024, 128], strides = [1, 1]} : vector<1024x4096xf32> to vector<1024x128xf32>
    %convert_element_type3A_256 = arith.extf %concatenate3A_190 : vector<1024x128xbf16> to vector<1024x128xf32>
    %mul3A_257 = arith.mulf %slice3A_255, %convert_element_type3A_256 : vector<1024x128xf32>
    %convert_element_type3A_258 = arith.truncf %mul3A_257 : vector<1024x128xf32> to vector<1024x128xbf16>
    %slice3A_259 = vector.extract_strided_slice %dot_general3A_189 {offsets = [0, 2176], sizes = [1024, 128], strides = [1, 1]} : vector<1024x4096xf32> to vector<1024x128xf32>
    %convert_element_type3A_260 = arith.extf %concatenate3A_190 : vector<1024x128xbf16> to vector<1024x128xf32>
    %mul3A_261 = arith.mulf %slice3A_259, %convert_element_type3A_260 : vector<1024x128xf32>
    %convert_element_type3A_262 = arith.truncf %mul3A_261 : vector<1024x128xf32> to vector<1024x128xbf16>
    %slice3A_263 = vector.extract_strided_slice %dot_general3A_189 {offsets = [0, 2304], sizes = [1024, 128], strides = [1, 1]} : vector<1024x4096xf32> to vector<1024x128xf32>
    %convert_element_type3A_264 = arith.extf %concatenate3A_190 : vector<1024x128xbf16> to vector<1024x128xf32>
    %mul3A_265 = arith.mulf %slice3A_263, %convert_element_type3A_264 : vector<1024x128xf32>
    %convert_element_type3A_266 = arith.truncf %mul3A_265 : vector<1024x128xf32> to vector<1024x128xbf16>
    %slice3A_267 = vector.extract_strided_slice %dot_general3A_189 {offsets = [0, 2432], sizes = [1024, 128], strides = [1, 1]} : vector<1024x4096xf32> to vector<1024x128xf32>
    %convert_element_type3A_268 = arith.extf %concatenate3A_190 : vector<1024x128xbf16> to vector<1024x128xf32>
    %mul3A_269 = arith.mulf %slice3A_267, %convert_element_type3A_268 : vector<1024x128xf32>
    %convert_element_type3A_270 = arith.truncf %mul3A_269 : vector<1024x128xf32> to vector<1024x128xbf16>
    %slice3A_271 = vector.extract_strided_slice %dot_general3A_189 {offsets = [0, 2560], sizes = [1024, 128], strides = [1, 1]} : vector<1024x4096xf32> to vector<1024x128xf32>
    %convert_element_type3A_272 = arith.extf %concatenate3A_190 : vector<1024x128xbf16> to vector<1024x128xf32>
    %mul3A_273 = arith.mulf %slice3A_271, %convert_element_type3A_272 : vector<1024x128xf32>
    %convert_element_type3A_274 = arith.truncf %mul3A_273 : vector<1024x128xf32> to vector<1024x128xbf16>
    %slice3A_275 = vector.extract_strided_slice %dot_general3A_189 {offsets = [0, 2688], sizes = [1024, 128], strides = [1, 1]} : vector<1024x4096xf32> to vector<1024x128xf32>
    %convert_element_type3A_276 = arith.extf %concatenate3A_190 : vector<1024x128xbf16> to vector<1024x128xf32>
    %mul3A_277 = arith.mulf %slice3A_275, %convert_element_type3A_276 : vector<1024x128xf32>
    %convert_element_type3A_278 = arith.truncf %mul3A_277 : vector<1024x128xf32> to vector<1024x128xbf16>
    %slice3A_279 = vector.extract_strided_slice %dot_general3A_189 {offsets = [0, 2816], sizes = [1024, 128], strides = [1, 1]} : vector<1024x4096xf32> to vector<1024x128xf32>
    %convert_element_type3A_280 = arith.extf %concatenate3A_190 : vector<1024x128xbf16> to vector<1024x128xf32>
    %mul3A_281 = arith.mulf %slice3A_279, %convert_element_type3A_280 : vector<1024x128xf32>
    %convert_element_type3A_282 = arith.truncf %mul3A_281 : vector<1024x128xf32> to vector<1024x128xbf16>
    %slice3A_283 = vector.extract_strided_slice %dot_general3A_189 {offsets = [0, 2944], sizes = [1024, 128], strides = [1, 1]} : vector<1024x4096xf32> to vector<1024x128xf32>
    %convert_element_type3A_284 = arith.extf %concatenate3A_190 : vector<1024x128xbf16> to vector<1024x128xf32>
    %mul3A_285 = arith.mulf %slice3A_283, %convert_element_type3A_284 : vector<1024x128xf32>
    %convert_element_type3A_286 = arith.truncf %mul3A_285 : vector<1024x128xf32> to vector<1024x128xbf16>
    %slice3A_287 = vector.extract_strided_slice %dot_general3A_189 {offsets = [0, 3072], sizes = [1024, 128], strides = [1, 1]} : vector<1024x4096xf32> to vector<1024x128xf32>
    %convert_element_type3A_288 = arith.extf %concatenate3A_190 : vector<1024x128xbf16> to vector<1024x128xf32>
    %mul3A_289 = arith.mulf %slice3A_287, %convert_element_type3A_288 : vector<1024x128xf32>
    %convert_element_type3A_290 = arith.truncf %mul3A_289 : vector<1024x128xf32> to vector<1024x128xbf16>
    %slice3A_291 = vector.extract_strided_slice %dot_general3A_189 {offsets = [0, 3200], sizes = [1024, 128], strides = [1, 1]} : vector<1024x4096xf32> to vector<1024x128xf32>
    %convert_element_type3A_292 = arith.extf %concatenate3A_190 : vector<1024x128xbf16> to vector<1024x128xf32>
    %mul3A_293 = arith.mulf %slice3A_291, %convert_element_type3A_292 : vector<1024x128xf32>
    %convert_element_type3A_294 = arith.truncf %mul3A_293 : vector<1024x128xf32> to vector<1024x128xbf16>
    %slice3A_295 = vector.extract_strided_slice %dot_general3A_189 {offsets = [0, 3328], sizes = [1024, 128], strides = [1, 1]} : vector<1024x4096xf32> to vector<1024x128xf32>
    %convert_element_type3A_296 = arith.extf %concatenate3A_190 : vector<1024x128xbf16> to vector<1024x128xf32>
    %mul3A_297 = arith.mulf %slice3A_295, %convert_element_type3A_296 : vector<1024x128xf32>
    %convert_element_type3A_298 = arith.truncf %mul3A_297 : vector<1024x128xf32> to vector<1024x128xbf16>
    %slice3A_299 = vector.extract_strided_slice %dot_general3A_189 {offsets = [0, 3456], sizes = [1024, 128], strides = [1, 1]} : vector<1024x4096xf32> to vector<1024x128xf32>
    %convert_element_type3A_300 = arith.extf %concatenate3A_190 : vector<1024x128xbf16> to vector<1024x128xf32>
    %mul3A_301 = arith.mulf %slice3A_299, %convert_element_type3A_300 : vector<1024x128xf32>
    %convert_element_type3A_302 = arith.truncf %mul3A_301 : vector<1024x128xf32> to vector<1024x128xbf16>
    %slice3A_303 = vector.extract_strided_slice %dot_general3A_189 {offsets = [0, 3584], sizes = [1024, 128], strides = [1, 1]} : vector<1024x4096xf32> to vector<1024x128xf32>
    %convert_element_type3A_304 = arith.extf %concatenate3A_190 : vector<1024x128xbf16> to vector<1024x128xf32>
    %mul3A_305 = arith.mulf %slice3A_303, %convert_element_type3A_304 : vector<1024x128xf32>
    %convert_element_type3A_306 = arith.truncf %mul3A_305 : vector<1024x128xf32> to vector<1024x128xbf16>
    %slice3A_307 = vector.extract_strided_slice %dot_general3A_189 {offsets = [0, 3712], sizes = [1024, 128], strides = [1, 1]} : vector<1024x4096xf32> to vector<1024x128xf32>
    %convert_element_type3A_308 = arith.extf %concatenate3A_190 : vector<1024x128xbf16> to vector<1024x128xf32>
    %mul3A_309 = arith.mulf %slice3A_307, %convert_element_type3A_308 : vector<1024x128xf32>
    %convert_element_type3A_310 = arith.truncf %mul3A_309 : vector<1024x128xf32> to vector<1024x128xbf16>
    %slice3A_311 = vector.extract_strided_slice %dot_general3A_189 {offsets = [0, 3840], sizes = [1024, 128], strides = [1, 1]} : vector<1024x4096xf32> to vector<1024x128xf32>
    %convert_element_type3A_312 = arith.extf %concatenate3A_190 : vector<1024x128xbf16> to vector<1024x128xf32>
    %mul3A_313 = arith.mulf %slice3A_311, %convert_element_type3A_312 : vector<1024x128xf32>
    %convert_element_type3A_314 = arith.truncf %mul3A_313 : vector<1024x128xf32> to vector<1024x128xbf16>
    %slice3A_315 = vector.extract_strided_slice %dot_general3A_189 {offsets = [0, 3968], sizes = [1024, 128], strides = [1, 1]} : vector<1024x4096xf32> to vector<1024x128xf32>
    %convert_element_type3A_316 = arith.extf %concatenate3A_190 : vector<1024x128xbf16> to vector<1024x128xf32>
    %mul3A_317 = arith.mulf %slice3A_315, %convert_element_type3A_316 : vector<1024x128xf32>
    %convert_element_type3A_318 = arith.truncf %mul3A_317 : vector<1024x128xf32> to vector<1024x128xbf16>
    %concatenate3A_319 = tpu.concatenate %convert_element_type3A_194, %convert_element_type3A_198, %convert_element_type3A_202, %convert_element_type3A_206, %convert_element_type3A_210, %convert_element_type3A_214, %convert_element_type3A_218, %convert_element_type3A_222, %convert_element_type3A_226, %convert_element_type3A_230, %convert_element_type3A_234, %convert_element_type3A_238, %convert_element_type3A_242, %convert_element_type3A_246, %convert_element_type3A_250, %convert_element_type3A_254, %convert_element_type3A_258, %convert_element_type3A_262, %convert_element_type3A_266, %convert_element_type3A_270, %convert_element_type3A_274, %convert_element_type3A_278, %convert_element_type3A_282, %convert_element_type3A_286, %convert_element_type3A_290, %convert_element_type3A_294, %convert_element_type3A_298, %convert_element_type3A_302, %convert_element_type3A_306, %convert_element_type3A_310, %convert_element_type3A_314, %convert_element_type3A_318 in 1 : vector<1024x128xbf16>, vector<1024x128xbf16>, vector<1024x128xbf16>, vector<1024x128xbf16>, vector<1024x128xbf16>, vector<1024x128xbf16>, vector<1024x128xbf16>, vector<1024x128xbf16>, vector<1024x128xbf16>, vector<1024x128xbf16>, vector<1024x128xbf16>, vector<1024x128xbf16>, vector<1024x128xbf16>, vector<1024x128xbf16>, vector<1024x128xbf16>, vector<1024x128xbf16>, vector<1024x128xbf16>, vector<1024x128xbf16>, vector<1024x128xbf16>, vector<1024x128xbf16>, vector<1024x128xbf16>, vector<1024x128xbf16>, vector<1024x128xbf16>, vector<1024x128xbf16>, vector<1024x128xbf16>, vector<1024x128xbf16>, vector<1024x128xbf16>, vector<1024x128xbf16>, vector<1024x128xbf16>, vector<1024x128xbf16>, vector<1024x128xbf16>, vector<1024x128xbf16> -> vector<1024x4096xbf16>
    %dot_general3A_320 = arith.constant dense<0.000000e+00> : vector<1024x400xf32>
    %dot_general3A_321 = tpu.matmul %concatenate3A_319, %get3A_178, %dot_general3A_320 {dimension_numbers = #tpu.dot_dimension_numbers<[1], [1], [0], [0], [0, 0, 1, 0], [], []>, transpose_lhs_hint = false} : vector<1024x4096xbf16>, vector<400x4096xbf16>, vector<1024x400xf32> -> vector<1024x400xf32>
    %dot_general3A_322 = arith.constant dense<0.000000e+00> : vector<1024x400xf32>
    %dot_general3A_323 = tpu.matmul %convert_element_type3A_27, %get3A_181, %dot_general3A_322 {dimension_numbers = #tpu.dot_dimension_numbers<[1], [0], [0], [1], [0, 0, 1, 1], [], []>, transpose_lhs_hint = false} : vector<1024x64xbf16>, vector<64x400xbf16>, vector<1024x400xf32> -> vector<1024x400xf32>
    %add3A_324 = arith.addf %dot_general3A_321, %dot_general3A_323 : vector<1024x400xf32>
    %iota3A_325 = tpu.iota {dimensions = array<i32: 1>} : vector<1024x400xi32>
    %eq3A_326 = vector.broadcast %get3A_184 : vector<1024x1xi32> to vector<1024x400xi32>
    %eq3A_327 = arith.cmpi eq, %iota3A_325, %eq3A_326 : vector<1024x400xi32>
    %jit3A_328 = arith.constant 0.000000e+00 : f32
    %broadcast_in_dim3A_329 = vector.broadcast %jit3A_328 : f32 to vector<1024x400xf32>
    %select_n3A_330 = arith.select %eq3A_327, %add3A_324, %broadcast_in_dim3A_329 : vector<1024x400xi1>, vector<1024x400xf32>
    %reduce_sum3A_331 = arith.constant dense<0.000000e+00> : vector<1024xf32>
    %reduce_sum3A_332 = vector.multi_reduction <add>, %select_n3A_330, %reduce_sum3A_331 [1] : vector<1024x400xf32> to vector<1024xf32>
    %broadcast_in_dim3A_333 = vector.shape_cast %reduce_sum3A_332 : vector<1024xf32> to vector<1024x1xf32>
    %jit3A_334 = arith.constant 4 : i32
    %div3A = arith.divsi %add3A_0, %jit3A_334 : i32
    %sign3A = arith.constant 0 : i32
    %sign3A_335 = arith.cmpi sgt, %add3A_0, %sign3A : i32
    %sign3A_336 = arith.extui %sign3A_335 : i1 to i32
    %sign3A_337 = arith.constant 0 : i32
    %sign3A_338 = arith.cmpi slt, %add3A_0, %sign3A_337 : i32
    %sign3A_339 = arith.extui %sign3A_338 : i1 to i32
    %sign3A_340 = arith.subi %sign3A_336, %sign3A_339 : i32
    %sign3A_341 = arith.constant 0 : i32
    %sign3A_342 = arith.cmpi sgt, %jit3A_334, %sign3A_341 : i32
    %sign3A_343 = arith.extui %sign3A_342 : i1 to i32
    %sign3A_344 = arith.constant 0 : i32
    %sign3A_345 = arith.cmpi slt, %jit3A_334, %sign3A_344 : i32
    %sign3A_346 = arith.extui %sign3A_345 : i1 to i32
    %sign3A_347 = arith.subi %sign3A_343, %sign3A_346 : i32
    %ne3A = arith.cmpi ne, %sign3A_340, %sign3A_347 : i32
    %rem3A = arith.remsi %add3A_0, %jit3A_334 : i32
    %ne3A_348 = arith.constant 0 : i32
    %ne3A_349 = arith.cmpi ne, %rem3A, %ne3A_348 : i32
    %and3A_350 = arith.andi %ne3A, %ne3A_349 : i1
    %sub3A = arith.constant 1 : i32
    %sub3A_351 = arith.subi %div3A, %sub3A : i32
    %select_n3A_352 = arith.select %and3A_350, %sub3A_351, %div3A : i32
    %eq3A_353 = arith.constant 0 : i32
    %eq3A_354 = arith.cmpi eq, %arg0, %eq3A_353 : i32
    %convert_element_type3A_355 = arith.extui %eq3A_354 : i1 to i32
    %cond3A = arith.constant 0 : i32
    %cond3A_356 = arith.cmpi ne, %convert_element_type3A_355, %cond3A : i32
    scf.if %cond3A_356 {
      %broadcast_in_dim3A_361 = arith.constant 0.000000e+00 : f32
      %broadcast_in_dim3A_362 = vector.broadcast %broadcast_in_dim3A_361 : f32 to vector<8x128xf32>
      %swap3A = arith.constant 0 : index
      %swap3A_363 = arith.constant 0 : index
      %swap3A_364 = vector.load %arg13[%swap3A, %swap3A_363] : memref<8x128xf32, #tpu.memory_space<vmem>>, vector<8x128xf32>
      tpu.vector_store %arg13[%swap3A, %swap3A_363], %broadcast_in_dim3A_362 {strides = array<i32>} : memref<8x128xf32, #tpu.memory_space<vmem>>, vector<8x128xf32>,
    } else {
    }
    %gt3A = arith.constant 0 : i32
    %gt3A_357 = arith.cmpi sgt, %select_n3A_352, %gt3A : i32
    %convert_element_type3A_358 = arith.extui %gt3A_357 : i1 to i32
    %cond3A_359 = arith.constant 0 : i32
    %cond3A_360 = arith.cmpi ne, %convert_element_type3A_358, %cond3A_359 : i32
    scf.if %cond3A_360 {
      %neg3A = arith.constant 0.000000e+00 : f32
      %neg3A_361 = vector.broadcast %neg3A : f32 to vector<1024x1xf32>
      %neg3A_362 = arith.subf %neg3A_361, %broadcast_in_dim3A_175 : vector<1024x1xf32>
      %neg3A_363 = arith.constant 0.000000e+00 : f32
      %neg3A_364 = vector.broadcast %neg3A_363 : f32 to vector<1024x1xf32>
      %neg3A_365 = arith.subf %neg3A_364, %neg3A_362 : vector<1024x1xf32>
      %max3A = arith.constant 0.000000e+00 : f32
      %max3A_366 = vector.broadcast %max3A : f32 to vector<1024x1xf32>
      %max3A_367 = arith.maximumf %neg3A_365, %max3A_366 : vector<1024x1xf32>
      %abs3A = math.absf %neg3A_362 : vector<1024x1xf32>
      %neg3A_368 = arith.constant 0.000000e+00 : f32
      %neg3A_369 = vector.broadcast %neg3A_368 : f32 to vector<1024x1xf32>
      %neg3A_370 = arith.subf %neg3A_369, %abs3A : vector<1024x1xf32>
      %exp3A = math.exp %neg3A_370 : vector<1024x1xf32>
      %add3A_371 = arith.constant 1.000000e+00 : f32
      %add3A_372 = vector.broadcast %add3A_371 : f32 to vector<1024x1xf32>
      %add3A_373 = arith.addf %add3A_372, %exp3A : vector<1024x1xf32>
      %log3A = math.log %add3A_373 : vector<1024x1xf32>
      %add3A_374 = arith.addf %max3A_367, %log3A : vector<1024x1xf32>
      %neg3A_375 = arith.constant 0.000000e+00 : f32
      %neg3A_376 = vector.broadcast %neg3A_375 : f32 to vector<1024x1xf32>
      %neg3A_377 = arith.subf %neg3A_376, %add3A_374 : vector<1024x1xf32>
      %neg3A_378 = arith.constant 0.000000e+00 : f32
      %neg3A_379 = vector.broadcast %neg3A_378 : f32 to vector<1024x1xf32>
      %neg3A_380 = arith.subf %neg3A_379, %broadcast_in_dim3A_333 : vector<1024x1xf32>
      %neg3A_381 = arith.constant 0.000000e+00 : f32
      %neg3A_382 = vector.broadcast %neg3A_381 : f32 to vector<1024x1xf32>
      %neg3A_383 = arith.subf %neg3A_382, %neg3A_380 : vector<1024x1xf32>
      %max3A_384 = arith.constant 0.000000e+00 : f32
      %max3A_385 = vector.broadcast %max3A_384 : f32 to vector<1024x1xf32>
      %max3A_386 = arith.maximumf %neg3A_383, %max3A_385 : vector<1024x1xf32>
      %abs3A_387 = math.absf %neg3A_380 : vector<1024x1xf32>
      %neg3A_388 = arith.constant 0.000000e+00 : f32
      %neg3A_389 = vector.broadcast %neg3A_388 : f32 to vector<1024x1xf32>
      %neg3A_390 = arith.subf %neg3A_389, %abs3A_387 : vector<1024x1xf32>
      %exp3A_391 = math.exp %neg3A_390 : vector<1024x1xf32>
      %add3A_392 = arith.constant 1.000000e+00 : f32
      %add3A_393 = vector.broadcast %add3A_392 : f32 to vector<1024x1xf32>
      %add3A_394 = arith.addf %add3A_393, %exp3A_391 : vector<1024x1xf32>
      %log3A_395 = math.log %add3A_394 : vector<1024x1xf32>
      %add3A_396 = arith.addf %max3A_386, %log3A_395 : vector<1024x1xf32>
      %neg3A_397 = arith.constant 0.000000e+00 : f32
      %neg3A_398 = vector.broadcast %neg3A_397 : f32 to vector<1024x1xf32>
      %neg3A_399 = arith.subf %neg3A_398, %add3A_396 : vector<1024x1xf32>
      %add3A_400 = arith.addf %neg3A_377, %neg3A_399 : vector<1024x1xf32>
      %reduce_sum3A_401 = vector.shape_cast %add3A_400 : vector<1024x1xf32> to vector<1x1024x1xf32>
      %reduce_sum3A_402 = arith.constant dense<0.000000e+00> : vector<1xf32>
      %reduce_sum3A_403 = vector.multi_reduction <add>, %reduce_sum3A_401, %reduce_sum3A_402 [1, 2] : vector<1x1024x1xf32> to vector<1xf32>
      %reduce_sum3A_404 = vector.shape_cast %reduce_sum3A_403 : vector<1xf32> to vector<1x1x1xf32>
      %reduce_sum3A_405 = vector.extract %reduce_sum3A_404[0, 0, 0] : f32 from vector<1x1x1xf32>
      %iota3A_406 = tpu.iota {dimensions = array<i32: 0>} : vector<8x128xi32>
      %iota3A_407 = tpu.iota {dimensions = array<i32: 1>} : vector<8x128xi32>
      %sub3A_408 = arith.constant 1 : i32
      %sub3A_409 = arith.subi %select_n3A_352, %sub3A_408 : i32
      %eq3A_410 = vector.broadcast %sub3A_409 : i32 to vector<8x128xi32>
      %eq3A_411 = arith.cmpi eq, %iota3A_406, %eq3A_410 : vector<8x128xi32>
      %eq3A_412 = arith.constant 0 : i32
      %eq3A_413 = vector.broadcast %eq3A_412 : i32 to vector<8x128xi32>
      %eq3A_414 = arith.cmpi eq, %iota3A_407, %eq3A_413 : vector<8x128xi32>
      %and3A_415 = arith.andi %eq3A_411, %eq3A_414 : vector<8x128xi1>
      %get3A_416 = arith.constant 0 : index
      %get3A_417 = arith.constant 0 : index
      %get3A_418 = vector.load %arg13[%get3A_416, %get3A_417] : memref<8x128xf32, #tpu.memory_space<vmem>>, vector<8x128xf32>
      %neg3A_419 = arith.constant 0.000000e+00 : f32
      %neg3A_420 = arith.subf %neg3A_419, %reduce_sum3A_405 : f32
      %jit3A_421 = arith.constant 0.000000e+00 : f32
      %broadcast_in_dim3A_422 = vector.broadcast %neg3A_420 : f32 to vector<8x128xf32>
      %broadcast_in_dim3A_423 = vector.broadcast %jit3A_421 : f32 to vector<8x128xf32>
      %select_n3A_424 = arith.select %and3A_415, %broadcast_in_dim3A_422, %broadcast_in_dim3A_423 : vector<8x128xi1>, vector<8x128xf32>
      %add3A_425 = arith.addf %get3A_418, %select_n3A_424 : vector<8x128xf32>
      %swap3A = arith.constant 0 : index
      %swap3A_426 = arith.constant 0 : index
      %swap3A_427 = vector.load %arg13[%swap3A, %swap3A_426] : memref<8x128xf32, #tpu.memory_space<vmem>>, vector<8x128xf32>
      tpu.vector_store %arg13[%swap3A, %swap3A_426], %add3A_425 {strides = array<i32>} : memref<8x128xf32, #tpu.memory_space<vmem>>, vector<8x128xf32>,
    } else {
    }
    return
  }
  func.func @transform_0(%arg0: i32) -> (i32, i32) {
    %add3A = arith.constant 12 : i32
    %add3A_0 = arith.addi %add3A, %arg0 : i32
    %c0_i32 = arith.constant 0 : i32
    %c0_i32_1 = arith.constant 0 : i32
    return %add3A_0, %c0_i32 : i32, i32
  }
  func.func @transform_1(%arg0: i32) -> (i32, i32) {
    %add3A = arith.constant 12 : i32
    %add3A_0 = arith.addi %add3A, %arg0 : i32
    %c0_i32 = arith.constant 0 : i32
    %c0_i32_1 = arith.constant 0 : i32
    return %add3A_0, %c0_i32 : i32, i32
  }
  func.func @transform_2(%arg0: i32) -> (i32, i32) {
    %c0_i32 = arith.constant 0 : i32
    %c0_i32_0 = arith.constant 0 : i32
    return %arg0, %c0_i32 : i32, i32
  }
  func.func @transform_3(%arg0: i32) -> (i32, i32) {
    %add3A = arith.constant 6 : i32
    %add3A_0 = arith.addi %arg0, %add3A : i32
    %c0_i32 = arith.constant 0 : i32
    %c0_i32_1 = arith.constant 0 : i32
    return %add3A_0, %c0_i32 : i32, i32
  }
  func.func @transform_4(%arg0: i32) -> (i32, i32) {
    %add3A = arith.constant 12 : i32
    %add3A_0 = arith.addi %arg0, %add3A : i32
    %c0_i32 = arith.constant 0 : i32
    %c0_i32_1 = arith.constant 0 : i32
    return %add3A_0, %c0_i32 : i32, i32
  }
  func.func @transform_5(%arg0: i32) -> (i32, i32) {
    %add3A = arith.constant 18 : i32
    %add3A_0 = arith.addi %arg0, %add3A : i32
    %c0_i32 = arith.constant 0 : i32
    %c0_i32_1 = arith.constant 0 : i32
    return %add3A_0, %c0_i32 : i32, i32
  }
  func.func @transform_6(%arg0: i32) -> (i32, i32) {
    %c0_i32 = arith.constant 0 : i32
    %c0_i32_0 = arith.constant 0 : i32
    %c0_i32_1 = arith.constant 0 : i32
    return %c0_i32, %c0_i32_0 : i32, i32
  }
  func.func @transform_7(%arg0: i32) -> (i32, i32) {
    %c0_i32 = arith.constant 0 : i32
    %c0_i32_0 = arith.constant 0 : i32
    %c0_i32_1 = arith.constant 0 : i32
    return %c0_i32, %c0_i32_0 : i32, i32
  }
  func.func @transform_8(%arg0: i32) -> (i32, i32) {
    %c0_i32 = arith.constant 0 : i32
    %c0_i32_0 = arith.constant 0 : i32
    %c0_i32_1 = arith.constant 0 : i32
    return %c0_i32, %c0_i32_0 : i32, i32
  }
  func.func @transform_9(%arg0: i32) -> (i32, i32) {
    %c0_i32 = arith.constant 0 : i32
    %c0_i32_0 = arith.constant 0 : i32
    %c0_i32_1 = arith.constant 0 : i32
    return %c0_i32, %c0_i32_0 : i32, i32
  }
  func.func @transform_10(%arg0: i32) -> (i32, i32) {
    %c0_i32 = arith.constant 0 : i32
    %c0_i32_0 = arith.constant 0 : i32
    %c0_i32_1 = arith.constant 0 : i32
    return %c0_i32, %c0_i32_0 : i32, i32
  }
  func.func @transform_11(%arg0: i32) -> (i32, i32) {
    %c0_i32 = arith.constant 0 : i32
    %c0_i32_0 = arith.constant 0 : i32
    %c0_i32_1 = arith.constant 0 : i32
    return %c0_i32, %c0_i32_0 : i32, i32
  }
  func.func @transform_12(%arg0: i32) -> (i32, i32) {
    %c0_i32 = arith.constant 0 : i32
    %c0_i32_0 = arith.constant 0 : i32
    %c0_i32_1 = arith.constant 0 : i32
    return %c0_i32, %c0_i32_0 : i32, i32
  }
}

module attributes {stable_mosaic.version = 14 : i64} {
  func.func @body(%arg0: i32, %arg1: memref<1024x1xi32, #tpu.memory_space<vmem>>, %arg2: memref<1024x1xi32, #tpu.memory_space<vmem>>, %arg3: memref<1024x128xi32, #tpu.memory_space<vmem>>, %arg4: memref<1024x128xi32, #tpu.memory_space<vmem>>, %arg5: memref<1024x128xi32, #tpu.memory_space<vmem>>, %arg6: memref<1024x128xi32, #tpu.memory_space<vmem>>, %arg7: memref<168x4096xbf16, #tpu.memory_space<vmem>>, %arg8: memref<400x4096xbf16, #tpu.memory_space<vmem>>, %arg9: memref<64x168xbf16, #tpu.memory_space<vmem>>, %arg10: memref<64x400xbf16, #tpu.memory_space<vmem>>, %arg11: memref<64x4096xbf16, #tpu.memory_space<vmem>>, %arg12: memref<64x4096xbf16, #tpu.memory_space<vmem>>, %arg13: memref<8x128xf32, #tpu.memory_space<vmem>>) attributes {dimension_semantics = [#tpu.dimension_semantics<arbitrary>], iteration_bounds = array<i64: 6>, scalar_prefetch = 0 : i64, scratch_operands = 0 : i64, tpu.core_type = #tpu.core_type<tc>, window_params = [{transform_indices = @transform_0, window_bounds = array<i64: 1024, 1>}, {transform_indices = @transform_1, window_bounds = array<i64: 1024, 1>}, {transform_indices = @transform_2, window_bounds = array<i64: 1024, 128>}, {transform_indices = @transform_3, window_bounds = array<i64: 1024, 128>}, {transform_indices = @transform_4, window_bounds = array<i64: 1024, 128>}, {transform_indices = @transform_5, window_bounds = array<i64: 1024, 128>}, {pipeline_mode = #tpu.pipeline_mode<synchronous>, transform_indices = @transform_6, window_bounds = array<i64: 168, 4096>}, {pipeline_mode = #tpu.pipeline_mode<synchronous>, transform_indices = @transform_7, window_bounds = array<i64: 400, 4096>}, {pipeline_mode = #tpu.pipeline_mode<synchronous>, transform_indices = @transform_8, window_bounds = array<i64: 64, 168>}, {pipeline_mode = #tpu.pipeline_mode<synchronous>, transform_indices = @transform_9, window_bounds = array<i64: 64, 400>}, {pipeline_mode = #tpu.pipeline_mode<synchronous>, transform_indices = @transform_10, window_bounds = array<i64: 64, 4096>}, {pipeline_mode = #tpu.pipeline_mode<synchronous>, transform_indices = @transform_11, window_bounds = array<i64: 64, 4096>}, {pipeline_mode = #tpu.pipeline_mode<synchronous>, transform_indices = @transform_12, window_bounds = array<i64: 8, 128>}]} {
    %add3A = arith.constant 18 : i32
    %add3A_0 = arith.addi %add3A, %arg0 : i32
    %get3A = arith.constant 0 : index
    %get3A_1 = arith.constant 0 : index
    %get3A_2 = vector.load %arg3[%get3A, %get3A_1] : memref<1024x128xi32, #tpu.memory_space<vmem>>, vector<1024x64xi32>
    %and3A = arith.constant -65536 : i32
    %and3A_3 = vector.broadcast %and3A : i32 to vector<1024x64xi32>
    %and3A_4 = arith.andi %get3A_2, %and3A_3 : vector<1024x64xi32>
    %bitcast_convert_type3A = tpu.bitcast %and3A_4 : vector<1024x64xi32> -> vector<1024x64xf32>
    %convert_element_type3A = arith.truncf %bitcast_convert_type3A : vector<1024x64xf32> to vector<1024x64xbf16>
    %get3A_5 = arith.constant 0 : index
    %get3A_6 = arith.constant 64 : index
    %get3A_7 = vector.load %arg4[%get3A_5, %get3A_6] : memref<1024x128xi32, #tpu.memory_space<vmem>>, vector<1024x64xi32>
    %and3A_8 = arith.constant -65536 : i32
    %and3A_9 = vector.broadcast %and3A_8 : i32 to vector<1024x64xi32>
    %and3A_10 = arith.andi %get3A_7, %and3A_9 : vector<1024x64xi32>
    %bitcast_convert_type3A_11 = tpu.bitcast %and3A_10 : vector<1024x64xi32> -> vector<1024x64xf32>
    %convert_element_type3A_12 = arith.truncf %bitcast_convert_type3A_11 : vector<1024x64xf32> to vector<1024x64xbf16>
    %get3A_13 = arith.constant 0 : index
    %get3A_14 = arith.constant 0 : index
    %get3A_15 = vector.load %arg5[%get3A_13, %get3A_14] : memref<1024x128xi32, #tpu.memory_space<vmem>>, vector<1024x64xi32>
    %shift_left3A = arith.constant 16 : i32
    %shift_left3A_16 = vector.broadcast %shift_left3A : i32 to vector<1024x64xi32>
    %shift_left3A_17 = arith.shli %get3A_15, %shift_left3A_16 : vector<1024x64xi32>
    %bitcast_convert_type3A_18 = tpu.bitcast %shift_left3A_17 : vector<1024x64xi32> -> vector<1024x64xf32>
    %convert_element_type3A_19 = arith.truncf %bitcast_convert_type3A_18 : vector<1024x64xf32> to vector<1024x64xbf16>
    %get3A_20 = arith.constant 0 : index
    %get3A_21 = arith.constant 64 : index
    %get3A_22 = vector.load %arg6[%get3A_20, %get3A_21] : memref<1024x128xi32, #tpu.memory_space<vmem>>, vector<1024x64xi32>
    %shift_left3A_23 = arith.constant 16 : i32
    %shift_left3A_24 = vector.broadcast %shift_left3A_23 : i32 to vector<1024x64xi32>
    %shift_left3A_25 = arith.shli %get3A_22, %shift_left3A_24 : vector<1024x64xi32>
    %bitcast_convert_type3A_26 = tpu.bitcast %shift_left3A_25 : vector<1024x64xi32> -> vector<1024x64xf32>
    %convert_element_type3A_27 = arith.truncf %bitcast_convert_type3A_26 : vector<1024x64xf32> to vector<1024x64xbf16>
    %get3A_28 = arith.constant 0 : index
    %get3A_29 = arith.constant 0 : index
    %get3A_30 = vector.load %arg7[%get3A_28, %get3A_29] : memref<168x4096xbf16, #tpu.memory_space<vmem>>, vector<168x4096xbf16>
    %get3A_31 = arith.constant 0 : index
    %get3A_32 = arith.constant 0 : index
    %get3A_33 = vector.load %arg9[%get3A_31, %get3A_32] : memref<64x168xbf16, #tpu.memory_space<vmem>>, vector<64x168xbf16>
    %get3A_34 = arith.constant 0 : index
    %get3A_35 = arith.constant 0 : index
    %get3A_36 = vector.load %arg1[%get3A_34, %get3A_35] : memref<1024x1xi32, #tpu.memory_space<vmem>>, vector<1024x1xi32>
    %get3A_37 = arith.constant 0 : index
    %get3A_38 = arith.constant 0 : index
    %get3A_39 = vector.load %arg11[%get3A_37, %get3A_38] : memref<64x4096xbf16, #tpu.memory_space<vmem>>, vector<64x4096xbf16>
    %dot_general3A = arith.constant dense<0.000000e+00> : vector<1024x4096xf32>
    %dot_general3A_40 = tpu.matmul %convert_element_type3A_19, %get3A_39, %dot_general3A {dimension_numbers = #tpu.dot_dimension_numbers<[1], [0], [0], [1], [0, 0, 1, 1], [], []>, transpose_lhs_hint = false} : vector<1024x64xbf16>, vector<64x4096xbf16>, vector<1024x4096xf32> -> vector<1024x4096xf32>
    %concatenate3A = tpu.concatenate %convert_element_type3A, %convert_element_type3A in 1 : vector<1024x64xbf16>, vector<1024x64xbf16> -> vector<1024x128xbf16>
    %slice3A = vector.extract_strided_slice %dot_general3A_40 {offsets = [0, 0], sizes = [1024, 128], strides = [1, 1]} : vector<1024x4096xf32> to vector<1024x128xf32>
    %convert_element_type3A_41 = arith.extf %concatenate3A : vector<1024x128xbf16> to vector<1024x128xf32>
    %mul3A = arith.mulf %slice3A, %convert_element_type3A_41 : vector<1024x128xf32>
    %convert_element_type3A_42 = arith.truncf %mul3A : vector<1024x128xf32> to vector<1024x128xbf16>
    %slice3A_43 = vector.extract_strided_slice %dot_general3A_40 {offsets = [0, 128], sizes = [1024, 128], strides = [1, 1]} : vector<1024x4096xf32> to vector<1024x128xf32>
    %convert_element_type3A_44 = arith.extf %concatenate3A : vector<1024x128xbf16> to vector<1024x128xf32>
    %mul3A_45 = arith.mulf %slice3A_43, %convert_element_type3A_44 : vector<1024x128xf32>
    %convert_element_type3A_46 = arith.truncf %mul3A_45 : vector<1024x128xf32> to vector<1024x128xbf16>
    %slice3A_47 = vector.extract_strided_slice %dot_general3A_40 {offsets = [0, 256], sizes = [1024, 128], strides = [1, 1]} : vector<1024x4096xf32> to vector<1024x128xf32>
    %convert_element_type3A_48 = arith.extf %concatenate3A : vector<1024x128xbf16> to vector<1024x128xf32>
    %mul3A_49 = arith.mulf %slice3A_47, %convert_element_type3A_48 : vector<1024x128xf32>
    %convert_element_type3A_50 = arith.truncf %mul3A_49 : vector<1024x128xf32> to vector<1024x128xbf16>
    %slice3A_51 = vector.extract_strided_slice %dot_general3A_40 {offsets = [0, 384], sizes = [1024, 128], strides = [1, 1]} : vector<1024x4096xf32> to vector<1024x128xf32>
    %convert_element_type3A_52 = arith.extf %concatenate3A : vector<1024x128xbf16> to vector<1024x128xf32>
    %mul3A_53 = arith.mulf %slice3A_51, %convert_element_type3A_52 : vector<1024x128xf32>
    %convert_element_type3A_54 = arith.truncf %mul3A_53 : vector<1024x128xf32> to vector<1024x128xbf16>
    %slice3A_55 = vector.extract_strided_slice %dot_general3A_40 {offsets = [0, 512], sizes = [1024, 128], strides = [1, 1]} : vector<1024x4096xf32> to vector<1024x128xf32>
    %convert_element_type3A_56 = arith.extf %concatenate3A : vector<1024x128xbf16> to vector<1024x128xf32>
    %mul3A_57 = arith.mulf %slice3A_55, %convert_element_type3A_56 : vector<1024x128xf32>
    %convert_element_type3A_58 = arith.truncf %mul3A_57 : vector<1024x128xf32> to vector<1024x128xbf16>
    %slice3A_59 = vector.extract_strided_slice %dot_general3A_40 {offsets = [0, 640], sizes = [1024, 128], strides = [1, 1]} : vector<1024x4096xf32> to vector<1024x128xf32>
    %convert_element_type3A_60 = arith.extf %concatenate3A : vector<1024x128xbf16> to vector<1024x128xf32>
    %mul3A_61 = arith.mulf %slice3A_59, %convert_element_type3A_60 : vector<1024x128xf32>
    %convert_element_type3A_62 = arith.truncf %mul3A_61 : vector<1024x128xf32> to vector<1024x128xbf16>
    %slice3A_63 = vector.extract_strided_slice %dot_general3A_40 {offsets = [0, 768], sizes = [1024, 128], strides = [1, 1]} : vector<1024x4096xf32> to vector<1024x128xf32>
    %convert_element_type3A_64 = arith.extf %concatenate3A : vector<1024x128xbf16> to vector<1024x128xf32>
    %mul3A_65 = arith.mulf %slice3A_63, %convert_element_type3A_64 : vector<1024x128xf32>
    %convert_element_type3A_66 = arith.truncf %mul3A_65 : vector<1024x128xf32> to vector<1024x128xbf16>
    %slice3A_67 = vector.extract_strided_slice %dot_general3A_40 {offsets = [0, 896], sizes = [1024, 128], strides = [1, 1]} : vector<1024x4096xf32> to vector<1024x128xf32>
    %convert_element_type3A_68 = arith.extf %concatenate3A : vector<1024x128xbf16> to vector<1024x128xf32>
    %mul3A_69 = arith.mulf %slice3A_67, %convert_element_type3A_68 : vector<1024x128xf32>
    %convert_element_type3A_70 = arith.truncf %mul3A_69 : vector<1024x128xf32> to vector<1024x128xbf16>
    %slice3A_71 = vector.extract_strided_slice %dot_general3A_40 {offsets = [0, 1024], sizes = [1024, 128], strides = [1, 1]} : vector<1024x4096xf32> to vector<1024x128xf32>
    %convert_element_type3A_72 = arith.extf %concatenate3A : vector<1024x128xbf16> to vector<1024x128xf32>
    %mul3A_73 = arith.mulf %slice3A_71, %convert_element_type3A_72 : vector<1024x128xf32>
    %convert_element_type3A_74 = arith.truncf %mul3A_73 : vector<1024x128xf32> to vector<1024x128xbf16>
    %slice3A_75 = vector.extract_strided_slice %dot_general3A_40 {offsets = [0, 1152], sizes = [1024, 128], strides = [1, 1]} : vector<1024x4096xf32> to vector<1024x128xf32>
    %convert_element_type3A_76 = arith.extf %concatenate3A : vector<1024x128xbf16> to vector<1024x128xf32>
    %mul3A_77 = arith.mulf %slice3A_75, %convert_element_type3A_76 : vector<1024x128xf32>
    %convert_element_type3A_78 = arith.truncf %mul3A_77 : vector<1024x128xf32> to vector<1024x128xbf16>
    %slice3A_79 = vector.extract_strided_slice %dot_general3A_40 {offsets = [0, 1280], sizes = [1024, 128], strides = [1, 1]} : vector<1024x4096xf32> to vector<1024x128xf32>
    %convert_element_type3A_80 = arith.extf %concatenate3A : vector<1024x128xbf16> to vector<1024x128xf32>
    %mul3A_81 = arith.mulf %slice3A_79, %convert_element_type3A_80 : vector<1024x128xf32>
    %convert_element_type3A_82 = arith.truncf %mul3A_81 : vector<1024x128xf32> to vector<1024x128xbf16>
    %slice3A_83 = vector.extract_strided_slice %dot_general3A_40 {offsets = [0, 1408], sizes = [1024, 128], strides = [1, 1]} : vector<1024x4096xf32> to vector<1024x128xf32>
    %convert_element_type3A_84 = arith.extf %concatenate3A : vector<1024x128xbf16> to vector<1024x128xf32>
    %mul3A_85 = arith.mulf %slice3A_83, %convert_element_type3A_84 : vector<1024x128xf32>
    %convert_element_type3A_86 = arith.truncf %mul3A_85 : vector<1024x128xf32> to vector<1024x128xbf16>
    %slice3A_87 = vector.extract_strided_slice %dot_general3A_40 {offsets = [0, 1536], sizes = [1024, 128], strides = [1, 1]} : vector<1024x4096xf32> to vector<1024x128xf32>
    %convert_element_type3A_88 = arith.extf %concatenate3A : vector<1024x128xbf16> to vector<1024x128xf32>
    %mul3A_89 = arith.mulf %slice3A_87, %convert_element_type3A_88 : vector<1024x128xf32>
    %convert_element_type3A_90 = arith.truncf %mul3A_89 : vector<1024x128xf32> to vector<1024x128xbf16>
    %slice3A_91 = vector.extract_strided_slice %dot_general3A_40 {offsets = [0, 1664], sizes = [1024, 128], strides = [1, 1]} : vector<1024x4096xf32> to vector<1024x128xf32>
    %convert_element_type3A_92 = arith.extf %concatenate3A : vector<1024x128xbf16> to vector<1024x128xf32>
    %mul3A_93 = arith.mulf %slice3A_91, %convert_element_type3A_92 : vector<1024x128xf32>
    %convert_element_type3A_94 = arith.truncf %mul3A_93 : vector<1024x128xf32> to vector<1024x128xbf16>
    %slice3A_95 = vector.extract_strided_slice %dot_general3A_40 {offsets = [0, 1792], sizes = [1024, 128], strides = [1, 1]} : vector<1024x4096xf32> to vector<1024x128xf32>
    %convert_element_type3A_96 = arith.extf %concatenate3A : vector<1024x128xbf16> to vector<1024x128xf32>
    %mul3A_97 = arith.mulf %slice3A_95, %convert_element_type3A_96 : vector<1024x128xf32>
    %convert_element_type3A_98 = arith.truncf %mul3A_97 : vector<1024x128xf32> to vector<1024x128xbf16>
    %slice3A_99 = vector.extract_strided_slice %dot_general3A_40 {offsets = [0, 1920], sizes = [1024, 128], strides = [1, 1]} : vector<1024x4096xf32> to vector<1024x128xf32>
    %convert_element_type3A_100 = arith.extf %concatenate3A : vector<1024x128xbf16> to vector<1024x128xf32>
    %mul3A_101 = arith.mulf %slice3A_99, %convert_element_type3A_100 : vector<1024x128xf32>
    %convert_element_type3A_102 = arith.truncf %mul3A_101 : vector<1024x128xf32> to vector<1024x128xbf16>
    %slice3A_103 = vector.extract_strided_slice %dot_general3A_40 {offsets = [0, 2048], sizes = [1024, 128], strides = [1, 1]} : vector<1024x4096xf32> to vector<1024x128xf32>
    %convert_element_type3A_104 = arith.extf %concatenate3A : vector<1024x128xbf16> to vector<1024x128xf32>
    %mul3A_105 = arith.mulf %slice3A_103, %convert_element_type3A_104 : vector<1024x128xf32>
    %convert_element_type3A_106 = arith.truncf %mul3A_105 : vector<1024x128xf32> to vector<1024x128xbf16>
    %slice3A_107 = vector.extract_strided_slice %dot_general3A_40 {offsets = [0, 2176], sizes = [1024, 128], strides = [1, 1]} : vector<1024x4096xf32> to vector<1024x128xf32>
    %convert_element_type3A_108 = arith.extf %concatenate3A : vector<1024x128xbf16> to vector<1024x128xf32>
    %mul3A_109 = arith.mulf %slice3A_107, %convert_element_type3A_108 : vector<1024x128xf32>
    %convert_element_type3A_110 = arith.truncf %mul3A_109 : vector<1024x128xf32> to vector<1024x128xbf16>
    %slice3A_111 = vector.extract_strided_slice %dot_general3A_40 {offsets = [0, 2304], sizes = [1024, 128], strides = [1, 1]} : vector<1024x4096xf32> to vector<1024x128xf32>
    %convert_element_type3A_112 = arith.extf %concatenate3A : vector<1024x128xbf16> to vector<1024x128xf32>
    %mul3A_113 = arith.mulf %slice3A_111, %convert_element_type3A_112 : vector<1024x128xf32>
    %convert_element_type3A_114 = arith.truncf %mul3A_113 : vector<1024x128xf32> to vector<1024x128xbf16>
    %slice3A_115 = vector.extract_strided_slice %dot_general3A_40 {offsets = [0, 2432], sizes = [1024, 128], strides = [1, 1]} : vector<1024x4096xf32> to vector<1024x128xf32>
    %convert_element_type3A_116 = arith.extf %concatenate3A : vector<1024x128xbf16> to vector<1024x128xf32>
    %mul3A_117 = arith.mulf %slice3A_115, %convert_element_type3A_116 : vector<1024x128xf32>
    %convert_element_type3A_118 = arith.truncf %mul3A_117 : vector<1024x128xf32> to vector<1024x128xbf16>
    %slice3A_119 = vector.extract_strided_slice %dot_general3A_40 {offsets = [0, 2560], sizes = [1024, 128], strides = [1, 1]} : vector<1024x4096xf32> to vector<1024x128xf32>
    %convert_element_type3A_120 = arith.extf %concatenate3A : vector<1024x128xbf16> to vector<1024x128xf32>
    %mul3A_121 = arith.mulf %slice3A_119, %convert_element_type3A_120 : vector<1024x128xf32>
    %convert_element_type3A_122 = arith.truncf %mul3A_121 : vector<1024x128xf32> to vector<1024x128xbf16>
    %slice3A_123 = vector.extract_strided_slice %dot_general3A_40 {offsets = [0, 2688], sizes = [1024, 128], strides = [1, 1]} : vector<1024x4096xf32> to vector<1024x128xf32>
    %convert_element_type3A_124 = arith.extf %concatenate3A : vector<1024x128xbf16> to vector<1024x128xf32>
    %mul3A_125 = arith.mulf %slice3A_123, %convert_element_type3A_124 : vector<1024x128xf32>
    %convert_element_type3A_126 = arith.truncf %mul3A_125 : vector<1024x128xf32> to vector<1024x128xbf16>
    %slice3A_127 = vector.extract_strided_slice %dot_general3A_40 {offsets = [0, 2816], sizes = [1024, 128], strides = [1, 1]} : vector<1024x4096xf32> to vector<1024x128xf32>
    %convert_element_type3A_128 = arith.extf %concatenate3A : vector<1024x128xbf16> to vector<1024x128xf32>
    %mul3A_129 = arith.mulf %slice3A_127, %convert_element_type3A_128 : vector<1024x128xf32>
    %convert_element_type3A_130 = arith.truncf %mul3A_129 : vector<1024x128xf32> to vector<1024x128xbf16>
    %slice3A_131 = vector.extract_strided_slice %dot_general3A_40 {offsets = [0, 2944], sizes = [1024, 128], strides = [1, 1]} : vector<1024x4096xf32> to vector<1024x128xf32>
    %convert_element_type3A_132 = arith.extf %concatenate3A : vector<1024x128xbf16> to vector<1024x128xf32>
    %mul3A_133 = arith.mulf %slice3A_131, %convert_element_type3A_132 : vector<1024x128xf32>
    %convert_element_type3A_134 = arith.truncf %mul3A_133 : vector<1024x128xf32> to vector<1024x128xbf16>
    %slice3A_135 = vector.extract_strided_slice %dot_general3A_40 {offsets = [0, 3072], sizes = [1024, 128], strides = [1, 1]} : vector<1024x4096xf32> to vector<1024x128xf32>
    %convert_element_type3A_136 = arith.extf %concatenate3A : vector<1024x128xbf16> to vector<1024x128xf32>
    %mul3A_137 = arith.mulf %slice3A_135, %convert_element_type3A_136 : vector<1024x128xf32>
    %convert_element_type3A_138 = arith.truncf %mul3A_137 : vector<1024x128xf32> to vector<1024x128xbf16>
    %slice3A_139 = vector.extract_strided_slice %dot_general3A_40 {offsets = [0, 3200], sizes = [1024, 128], strides = [1, 1]} : vector<1024x4096xf32> to vector<1024x128xf32>
    %convert_element_type3A_140 = arith.extf %concatenate3A : vector<1024x128xbf16> to vector<1024x128xf32>
    %mul3A_141 = arith.mulf %slice3A_139, %convert_element_type3A_140 : vector<1024x128xf32>
    %convert_element_type3A_142 = arith.truncf %mul3A_141 : vector<1024x128xf32> to vector<1024x128xbf16>
    %slice3A_143 = vector.extract_strided_slice %dot_general3A_40 {offsets = [0, 3328], sizes = [1024, 128], strides = [1, 1]} : vector<1024x4096xf32> to vector<1024x128xf32>
    %convert_element_type3A_144 = arith.extf %concatenate3A : vector<1024x128xbf16> to vector<1024x128xf32>
    %mul3A_145 = arith.mulf %slice3A_143, %convert_element_type3A_144 : vector<1024x128xf32>
    %convert_element_type3A_146 = arith.truncf %mul3A_145 : vector<1024x128xf32> to vector<1024x128xbf16>
    %slice3A_147 = vector.extract_strided_slice %dot_general3A_40 {offsets = [0, 3456], sizes = [1024, 128], strides = [1, 1]} : vector<1024x4096xf32> to vector<1024x128xf32>
    %convert_element_type3A_148 = arith.extf %concatenate3A : vector<1024x128xbf16> to vector<1024x128xf32>
    %mul3A_149 = arith.mulf %slice3A_147, %convert_element_type3A_148 : vector<1024x128xf32>
    %convert_element_type3A_150 = arith.truncf %mul3A_149 : vector<1024x128xf32> to vector<1024x128xbf16>
    %slice3A_151 = vector.extract_strided_slice %dot_general3A_40 {offsets = [0, 3584], sizes = [1024, 128], strides = [1, 1]} : vector<1024x4096xf32> to vector<1024x128xf32>
    %convert_element_type3A_152 = arith.extf %concatenate3A : vector<1024x128xbf16> to vector<1024x128xf32>
    %mul3A_153 = arith.mulf %slice3A_151, %convert_element_type3A_152 : vector<1024x128xf32>
    %convert_element_type3A_154 = arith.truncf %mul3A_153 : vector<1024x128xf32> to vector<1024x128xbf16>
    %slice3A_155 = vector.extract_strided_slice %dot_general3A_40 {offsets = [0, 3712], sizes = [1024, 128], strides = [1, 1]} : vector<1024x4096xf32> to vector<1024x128xf32>
    %convert_element_type3A_156 = arith.extf %concatenate3A : vector<1024x128xbf16> to vector<1024x128xf32>
    %mul3A_157 = arith.mulf %slice3A_155, %convert_element_type3A_156 : vector<1024x128xf32>
    %convert_element_type3A_158 = arith.truncf %mul3A_157 : vector<1024x128xf32> to vector<1024x128xbf16>
    %slice3A_159 = vector.extract_strided_slice %dot_general3A_40 {offsets = [0, 3840], sizes = [1024, 128], strides = [1, 1]} : vector<1024x4096xf32> to vector<1024x128xf32>
    %convert_element_type3A_160 = arith.extf %concatenate3A : vector<1024x128xbf16> to vector<1024x128xf32>
    %mul3A_161 = arith.mulf %slice3A_159, %convert_element_type3A_160 : vector<1024x128xf32>
    %convert_element_type3A_162 = arith.truncf %mul3A_161 : vector<1024x128xf32> to vector<1024x128xbf16>
    %slice3A_163 = vector.extract_strided_slice %dot_general3A_40 {offsets = [0, 3968], sizes = [1024, 128], strides = [1, 1]} : vector<1024x4096xf32> to vector<1024x128xf32>
    %convert_element_type3A_164 = arith.extf %concatenate3A : vector<1024x128xbf16> to vector<1024x128xf32>
    %mul3A_165 = arith.mulf %slice3A_163, %convert_element_type3A_164 : vector<1024x128xf32>
    %convert_element_type3A_166 = arith.truncf %mul3A_165 : vector<1024x128xf32> to vector<1024x128xbf16>
    %concatenate3A_167 = tpu.concatenate %convert_element_type3A_42, %convert_element_type3A_46, %convert_element_type3A_50, %convert_element_type3A_54, %convert_element_type3A_58, %convert_element_type3A_62, %convert_element_type3A_66, %convert_element_type3A_70, %convert_element_type3A_74, %convert_element_type3A_78, %convert_element_type3A_82, %convert_element_type3A_86, %convert_element_type3A_90, %convert_element_type3A_94, %convert_element_type3A_98, %convert_element_type3A_102, %convert_element_type3A_106, %convert_element_type3A_110, %convert_element_type3A_114, %convert_element_type3A_118, %convert_element_type3A_122, %convert_element_type3A_126, %convert_element_type3A_130, %convert_element_type3A_134, %convert_element_type3A_138, %convert_element_type3A_142, %convert_element_type3A_146, %convert_element_type3A_150, %convert_element_type3A_154, %convert_element_type3A_158, %convert_element_type3A_162, %convert_element_type3A_166 in 1 : vector<1024x128xbf16>, vector<1024x128xbf16>, vector<1024x128xbf16>, vector<1024x128xbf16>, vector<1024x128xbf16>, vector<1024x128xbf16>, vector<1024x128xbf16>, vector<1024x128xbf16>, vector<1024x128xbf16>, vector<1024x128xbf16>, vector<1024x128xbf16>, vector<1024x128xbf16>, vector<1024x128xbf16>, vector<1024x128xbf16>, vector<1024x128xbf16>, vector<1024x128xbf16>, vector<1024x128xbf16>, vector<1024x128xbf16>, vector<1024x128xbf16>, vector<1024x128xbf16>, vector<1024x128xbf16>, vector<1024x128xbf16>, vector<1024x128xbf16>, vector<1024x128xbf16>, vector<1024x128xbf16>, vector<1024x128xbf16>, vector<1024x128xbf16>, vector<1024x128xbf16>, vector<1024x128xbf16>, vector<1024x128xbf16>, vector<1024x128xbf16>, vector<1024x128xbf16> -> vector<1024x4096xbf16>
    %dot_general3A_168 = arith.constant dense<0.000000e+00> : vector<1024x168xf32>
    %dot_general3A_169 = tpu.matmul %concatenate3A_167, %get3A_30, %dot_general3A_168 {dimension_numbers = #tpu.dot_dimension_numbers<[1], [1], [0], [0], [0, 0, 1, 0], [], []>, transpose_lhs_hint = false} : vector<1024x4096xbf16>, vector<168x4096xbf16>, vector<1024x168xf32> -> vector<1024x168xf32>
    %dot_general3A_170 = arith.constant dense<0.000000e+00> : vector<1024x168xf32>
    %dot_general3A_171 = tpu.matmul %convert_element_type3A_19, %get3A_33, %dot_general3A_170 {dimension_numbers = #tpu.dot_dimension_numbers<[1], [0], [0], [1], [0, 0, 1, 1], [], []>, transpose_lhs_hint = false} : vector<1024x64xbf16>, vector<64x168xbf16>, vector<1024x168xf32> -> vector<1024x168xf32>
    %add3A_172 = arith.addf %dot_general3A_169, %dot_general3A_171 : vector<1024x168xf32>
    %iota3A = tpu.iota {dimensions = array<i32: 1>} : vector<1024x168xi32>
    %eq3A = vector.broadcast %get3A_36 : vector<1024x1xi32> to vector<1024x168xi32>
    %eq3A_173 = arith.cmpi eq, %iota3A, %eq3A : vector<1024x168xi32>
    %jit3A = arith.constant 0.000000e+00 : f32
    %broadcast_in_dim3A = vector.broadcast %jit3A : f32 to vector<1024x168xf32>
    %select_n3A = arith.select %eq3A_173, %add3A_172, %broadcast_in_dim3A : vector<1024x168xi1>, vector<1024x168xf32>
    %reduce_sum3A = arith.constant dense<0.000000e+00> : vector<1024xf32>
    %reduce_sum3A_174 = vector.multi_reduction <add>, %select_n3A, %reduce_sum3A [1] : vector<1024x168xf32> to vector<1024xf32>
    %broadcast_in_dim3A_175 = vector.shape_cast %reduce_sum3A_174 : vector<1024xf32> to vector<1024x1xf32>
    %get3A_176 = arith.constant 0 : index
    %get3A_177 = arith.constant 0 : index
    %get3A_178 = vector.load %arg8[%get3A_176, %get3A_177] : memref<400x4096xbf16, #tpu.memory_space<vmem>>, vector<400x4096xbf16>
    %get3A_179 = arith.constant 0 : index
    %get3A_180 = arith.constant 0 : index
    %get3A_181 = vector.load %arg10[%get3A_179, %get3A_180] : memref<64x400xbf16, #tpu.memory_space<vmem>>, vector<64x400xbf16>
    %get3A_182 = arith.constant 0 : index
    %get3A_183 = arith.constant 0 : index
    %get3A_184 = vector.load %arg2[%get3A_182, %get3A_183] : memref<1024x1xi32, #tpu.memory_space<vmem>>, vector<1024x1xi32>
    %get3A_185 = arith.constant 0 : index
    %get3A_186 = arith.constant 0 : index
    %get3A_187 = vector.load %arg11[%get3A_185, %get3A_186] : memref<64x4096xbf16, #tpu.memory_space<vmem>>, vector<64x4096xbf16>
    %dot_general3A_188 = arith.constant dense<0.000000e+00> : vector<1024x4096xf32>
    %dot_general3A_189 = tpu.matmul %convert_element_type3A_27, %get3A_187, %dot_general3A_188 {dimension_numbers = #tpu.dot_dimension_numbers<[1], [0], [0], [1], [0, 0, 1, 1], [], []>, transpose_lhs_hint = false} : vector<1024x64xbf16>, vector<64x4096xbf16>, vector<1024x4096xf32> -> vector<1024x4096xf32>
    %concatenate3A_190 = tpu.concatenate %convert_element_type3A_12, %convert_element_type3A_12 in 1 : vector<1024x64xbf16>, vector<1024x64xbf16> -> vector<1024x128xbf16>
    %slice3A_191 = vector.extract_strided_slice %dot_general3A_189 {offsets = [0, 0], sizes = [1024, 128], strides = [1, 1]} : vector<1024x4096xf32> to vector<1024x128xf32>
    %convert_element_type3A_192 = arith.extf %concatenate3A_190 : vector<1024x128xbf16> to vector<1024x128xf32>
    %mul3A_193 = arith.mulf %slice3A_191, %convert_element_type3A_192 : vector<1024x128xf32>
    %convert_element_type3A_194 = arith.truncf %mul3A_193 : vector<1024x128xf32> to vector<1024x128xbf16>
    %slice3A_195 = vector.extract_strided_slice %dot_general3A_189 {offsets = [0, 128], sizes = [1024, 128], strides = [1, 1]} : vector<1024x4096xf32> to vector<1024x128xf32>
    %convert_element_type3A_196 = arith.extf %concatenate3A_190 : vector<1024x128xbf16> to vector<1024x128xf32>
    %mul3A_197 = arith.mulf %slice3A_195, %convert_element_type3A_196 : vector<1024x128xf32>
    %convert_element_type3A_198 = arith.truncf %mul3A_197 : vector<1024x128xf32> to vector<1024x128xbf16>
    %slice3A_199 = vector.extract_strided_slice %dot_general3A_189 {offsets = [0, 256], sizes = [1024, 128], strides = [1, 1]} : vector<1024x4096xf32> to vector<1024x128xf32>
    %convert_element_type3A_200 = arith.extf %concatenate3A_190 : vector<1024x128xbf16> to vector<1024x128xf32>
    %mul3A_201 = arith.mulf %slice3A_199, %convert_element_type3A_200 : vector<1024x128xf32>
    %convert_element_type3A_202 = arith.truncf %mul3A_201 : vector<1024x128xf32> to vector<1024x128xbf16>
    %slice3A_203 = vector.extract_strided_slice %dot_general3A_189 {offsets = [0, 384], sizes = [1024, 128], strides = [1, 1]} : vector<1024x4096xf32> to vector<1024x128xf32>
    %convert_element_type3A_204 = arith.extf %concatenate3A_190 : vector<1024x128xbf16> to vector<1024x128xf32>
    %mul3A_205 = arith.mulf %slice3A_203, %convert_element_type3A_204 : vector<1024x128xf32>
    %convert_element_type3A_206 = arith.truncf %mul3A_205 : vector<1024x128xf32> to vector<1024x128xbf16>
    %slice3A_207 = vector.extract_strided_slice %dot_general3A_189 {offsets = [0, 512], sizes = [1024, 128], strides = [1, 1]} : vector<1024x4096xf32> to vector<1024x128xf32>
    %convert_element_type3A_208 = arith.extf %concatenate3A_190 : vector<1024x128xbf16> to vector<1024x128xf32>
    %mul3A_209 = arith.mulf %slice3A_207, %convert_element_type3A_208 : vector<1024x128xf32>
    %convert_element_type3A_210 = arith.truncf %mul3A_209 : vector<1024x128xf32> to vector<1024x128xbf16>
    %slice3A_211 = vector.extract_strided_slice %dot_general3A_189 {offsets = [0, 640], sizes = [1024, 128], strides = [1, 1]} : vector<1024x4096xf32> to vector<1024x128xf32>
    %convert_element_type3A_212 = arith.extf %concatenate3A_190 : vector<1024x128xbf16> to vector<1024x128xf32>
    %mul3A_213 = arith.mulf %slice3A_211, %convert_element_type3A_212 : vector<1024x128xf32>
    %convert_element_type3A_214 = arith.truncf %mul3A_213 : vector<1024x128xf32> to vector<1024x128xbf16>
    %slice3A_215 = vector.extract_strided_slice %dot_general3A_189 {offsets = [0, 768], sizes = [1024, 128], strides = [1, 1]} : vector<1024x4096xf32> to vector<1024x128xf32>
    %convert_element_type3A_216 = arith.extf %concatenate3A_190 : vector<1024x128xbf16> to vector<1024x128xf32>
    %mul3A_217 = arith.mulf %slice3A_215, %convert_element_type3A_216 : vector<1024x128xf32>
    %convert_element_type3A_218 = arith.truncf %mul3A_217 : vector<1024x128xf32> to vector<1024x128xbf16>
    %slice3A_219 = vector.extract_strided_slice %dot_general3A_189 {offsets = [0, 896], sizes = [1024, 128], strides = [1, 1]} : vector<1024x4096xf32> to vector<1024x128xf32>
    %convert_element_type3A_220 = arith.extf %concatenate3A_190 : vector<1024x128xbf16> to vector<1024x128xf32>
    %mul3A_221 = arith.mulf %slice3A_219, %convert_element_type3A_220 : vector<1024x128xf32>
    %convert_element_type3A_222 = arith.truncf %mul3A_221 : vector<1024x128xf32> to vector<1024x128xbf16>
    %slice3A_223 = vector.extract_strided_slice %dot_general3A_189 {offsets = [0, 1024], sizes = [1024, 128], strides = [1, 1]} : vector<1024x4096xf32> to vector<1024x128xf32>
    %convert_element_type3A_224 = arith.extf %concatenate3A_190 : vector<1024x128xbf16> to vector<1024x128xf32>
    %mul3A_225 = arith.mulf %slice3A_223, %convert_element_type3A_224 : vector<1024x128xf32>
    %convert_element_type3A_226 = arith.truncf %mul3A_225 : vector<1024x128xf32> to vector<1024x128xbf16>
    %slice3A_227 = vector.extract_strided_slice %dot_general3A_189 {offsets = [0, 1152], sizes = [1024, 128], strides = [1, 1]} : vector<1024x4096xf32> to vector<1024x128xf32>
    %convert_element_type3A_228 = arith.extf %concatenate3A_190 : vector<1024x128xbf16> to vector<1024x128xf32>
    %mul3A_229 = arith.mulf %slice3A_227, %convert_element_type3A_228 : vector<1024x128xf32>
    %convert_element_type3A_230 = arith.truncf %mul3A_229 : vector<1024x128xf32> to vector<1024x128xbf16>
    %slice3A_231 = vector.extract_strided_slice %dot_general3A_189 {offsets = [0, 1280], sizes = [1024, 128], strides = [1, 1]} : vector<1024x4096xf32> to vector<1024x128xf32>
    %convert_element_type3A_232 = arith.extf %concatenate3A_190 : vector<1024x128xbf16> to vector<1024x128xf32>
    %mul3A_233 = arith.mulf %slice3A_231, %convert_element_type3A_232 : vector<1024x128xf32>
    %convert_element_type3A_234 = arith.truncf %mul3A_233 : vector<1024x128xf32> to vector<1024x128xbf16>
    %slice3A_235 = vector.extract_strided_slice %dot_general3A_189 {offsets = [0, 1408], sizes = [1024, 128], strides = [1, 1]} : vector<1024x4096xf32> to vector<1024x128xf32>
    %convert_element_type3A_236 = arith.extf %concatenate3A_190 : vector<1024x128xbf16> to vector<1024x128xf32>
    %mul3A_237 = arith.mulf %slice3A_235, %convert_element_type3A_236 : vector<1024x128xf32>
    %convert_element_type3A_238 = arith.truncf %mul3A_237 : vector<1024x128xf32> to vector<1024x128xbf16>
    %slice3A_239 = vector.extract_strided_slice %dot_general3A_189 {offsets = [0, 1536], sizes = [1024, 128], strides = [1, 1]} : vector<1024x4096xf32> to vector<1024x128xf32>
    %convert_element_type3A_240 = arith.extf %concatenate3A_190 : vector<1024x128xbf16> to vector<1024x128xf32>
    %mul3A_241 = arith.mulf %slice3A_239, %convert_element_type3A_240 : vector<1024x128xf32>
    %convert_element_type3A_242 = arith.truncf %mul3A_241 : vector<1024x128xf32> to vector<1024x128xbf16>
    %slice3A_243 = vector.extract_strided_slice %dot_general3A_189 {offsets = [0, 1664], sizes = [1024, 128], strides = [1, 1]} : vector<1024x4096xf32> to vector<1024x128xf32>
    %convert_element_type3A_244 = arith.extf %concatenate3A_190 : vector<1024x128xbf16> to vector<1024x128xf32>
    %mul3A_245 = arith.mulf %slice3A_243, %convert_element_type3A_244 : vector<1024x128xf32>
    %convert_element_type3A_246 = arith.truncf %mul3A_245 : vector<1024x128xf32> to vector<1024x128xbf16>
    %slice3A_247 = vector.extract_strided_slice %dot_general3A_189 {offsets = [0, 1792], sizes = [1024, 128], strides = [1, 1]} : vector<1024x4096xf32> to vector<1024x128xf32>
    %convert_element_type3A_248 = arith.extf %concatenate3A_190 : vector<1024x128xbf16> to vector<1024x128xf32>
    %mul3A_249 = arith.mulf %slice3A_247, %convert_element_type3A_248 : vector<1024x128xf32>
    %convert_element_type3A_250 = arith.truncf %mul3A_249 : vector<1024x128xf32> to vector<1024x128xbf16>
    %slice3A_251 = vector.extract_strided_slice %dot_general3A_189 {offsets = [0, 1920], sizes = [1024, 128], strides = [1, 1]} : vector<1024x4096xf32> to vector<1024x128xf32>
    %convert_element_type3A_252 = arith.extf %concatenate3A_190 : vector<1024x128xbf16> to vector<1024x128xf32>
    %mul3A_253 = arith.mulf %slice3A_251, %convert_element_type3A_252 : vector<1024x128xf32>
    %convert_element_type3A_254 = arith.truncf %mul3A_253 : vector<1024x128xf32> to vector<1024x128xbf16>
    %slice3A_255 = vector.extract_strided_slice %dot_general3A_189 {offsets = [0, 2048], sizes = [1024, 128], strides = [1, 1]} : vector<1024x4096xf32> to vector<1024x128xf32>
    %convert_element_type3A_256 = arith.extf %concatenate3A_190 : vector<1024x128xbf16> to vector<1024x128xf32>
    %mul3A_257 = arith.mulf %slice3A_255, %convert_element_type3A_256 : vector<1024x128xf32>
    %convert_element_type3A_258 = arith.truncf %mul3A_257 : vector<1024x128xf32> to vector<1024x128xbf16>
    %slice3A_259 = vector.extract_strided_slice %dot_general3A_189 {offsets = [0, 2176], sizes = [1024, 128], strides = [1, 1]} : vector<1024x4096xf32> to vector<1024x128xf32>
    %convert_element_type3A_260 = arith.extf %concatenate3A_190 : vector<1024x128xbf16> to vector<1024x128xf32>
    %mul3A_261 = arith.mulf %slice3A_259, %convert_element_type3A_260 : vector<1024x128xf32>
    %convert_element_type3A_262 = arith.truncf %mul3A_261 : vector<1024x128xf32> to vector<1024x128xbf16>
    %slice3A_263 = vector.extract_strided_slice %dot_general3A_189 {offsets = [0, 2304], sizes = [1024, 128], strides = [1, 1]} : vector<1024x4096xf32> to vector<1024x128xf32>
    %convert_element_type3A_264 = arith.extf %concatenate3A_190 : vector<1024x128xbf16> to vector<1024x128xf32>
    %mul3A_265 = arith.mulf %slice3A_263, %convert_element_type3A_264 : vector<1024x128xf32>
    %convert_element_type3A_266 = arith.truncf %mul3A_265 : vector<1024x128xf32> to vector<1024x128xbf16>
    %slice3A_267 = vector.extract_strided_slice %dot_general3A_189 {offsets = [0, 2432], sizes = [1024, 128], strides = [1, 1]} : vector<1024x4096xf32> to vector<1024x128xf32>
    %convert_element_type3A_268 = arith.extf %concatenate3A_190 : vector<1024x128xbf16> to vector<1024x128xf32>
    %mul3A_269 = arith.mulf %slice3A_267, %convert_element_type3A_268 : vector<1024x128xf32>
    %convert_element_type3A_270 = arith.truncf %mul3A_269 : vector<1024x128xf32> to vector<1024x128xbf16>
    %slice3A_271 = vector.extract_strided_slice %dot_general3A_189 {offsets = [0, 2560], sizes = [1024, 128], strides = [1, 1]} : vector<1024x4096xf32> to vector<1024x128xf32>
    %convert_element_type3A_272 = arith.extf %concatenate3A_190 : vector<1024x128xbf16> to vector<1024x128xf32>
    %mul3A_273 = arith.mulf %slice3A_271, %convert_element_type3A_272 : vector<1024x128xf32>
    %convert_element_type3A_274 = arith.truncf %mul3A_273 : vector<1024x128xf32> to vector<1024x128xbf16>
    %slice3A_275 = vector.extract_strided_slice %dot_general3A_189 {offsets = [0, 2688], sizes = [1024, 128], strides = [1, 1]} : vector<1024x4096xf32> to vector<1024x128xf32>
    %convert_element_type3A_276 = arith.extf %concatenate3A_190 : vector<1024x128xbf16> to vector<1024x128xf32>
    %mul3A_277 = arith.mulf %slice3A_275, %convert_element_type3A_276 : vector<1024x128xf32>
    %convert_element_type3A_278 = arith.truncf %mul3A_277 : vector<1024x128xf32> to vector<1024x128xbf16>
    %slice3A_279 = vector.extract_strided_slice %dot_general3A_189 {offsets = [0, 2816], sizes = [1024, 128], strides = [1, 1]} : vector<1024x4096xf32> to vector<1024x128xf32>
    %convert_element_type3A_280 = arith.extf %concatenate3A_190 : vector<1024x128xbf16> to vector<1024x128xf32>
    %mul3A_281 = arith.mulf %slice3A_279, %convert_element_type3A_280 : vector<1024x128xf32>
    %convert_element_type3A_282 = arith.truncf %mul3A_281 : vector<1024x128xf32> to vector<1024x128xbf16>
    %slice3A_283 = vector.extract_strided_slice %dot_general3A_189 {offsets = [0, 2944], sizes = [1024, 128], strides = [1, 1]} : vector<1024x4096xf32> to vector<1024x128xf32>
    %convert_element_type3A_284 = arith.extf %concatenate3A_190 : vector<1024x128xbf16> to vector<1024x128xf32>
    %mul3A_285 = arith.mulf %slice3A_283, %convert_element_type3A_284 : vector<1024x128xf32>
    %convert_element_type3A_286 = arith.truncf %mul3A_285 : vector<1024x128xf32> to vector<1024x128xbf16>
    %slice3A_287 = vector.extract_strided_slice %dot_general3A_189 {offsets = [0, 3072], sizes = [1024, 128], strides = [1, 1]} : vector<1024x4096xf32> to vector<1024x128xf32>
    %convert_element_type3A_288 = arith.extf %concatenate3A_190 : vector<1024x128xbf16> to vector<1024x128xf32>
    %mul3A_289 = arith.mulf %slice3A_287, %convert_element_type3A_288 : vector<1024x128xf32>
    %convert_element_type3A_290 = arith.truncf %mul3A_289 : vector<1024x128xf32> to vector<1024x128xbf16>
    %slice3A_291 = vector.extract_strided_slice %dot_general3A_189 {offsets = [0, 3200], sizes = [1024, 128], strides = [1, 1]} : vector<1024x4096xf32> to vector<1024x128xf32>
    %convert_element_type3A_292 = arith.extf %concatenate3A_190 : vector<1024x128xbf16> to vector<1024x128xf32>
    %mul3A_293 = arith.mulf %slice3A_291, %convert_element_type3A_292 : vector<1024x128xf32>
    %convert_element_type3A_294 = arith.truncf %mul3A_293 : vector<1024x128xf32> to vector<1024x128xbf16>
    %slice3A_295 = vector.extract_strided_slice %dot_general3A_189 {offsets = [0, 3328], sizes = [1024, 128], strides = [1, 1]} : vector<1024x4096xf32> to vector<1024x128xf32>
    %convert_element_type3A_296 = arith.extf %concatenate3A_190 : vector<1024x128xbf16> to vector<1024x128xf32>
    %mul3A_297 = arith.mulf %slice3A_295, %convert_element_type3A_296 : vector<1024x128xf32>
    %convert_element_type3A_298 = arith.truncf %mul3A_297 : vector<1024x128xf32> to vector<1024x128xbf16>
    %slice3A_299 = vector.extract_strided_slice %dot_general3A_189 {offsets = [0, 3456], sizes = [1024, 128], strides = [1, 1]} : vector<1024x4096xf32> to vector<1024x128xf32>
    %convert_element_type3A_300 = arith.extf %concatenate3A_190 : vector<1024x128xbf16> to vector<1024x128xf32>
    %mul3A_301 = arith.mulf %slice3A_299, %convert_element_type3A_300 : vector<1024x128xf32>
    %convert_element_type3A_302 = arith.truncf %mul3A_301 : vector<1024x128xf32> to vector<1024x128xbf16>
    %slice3A_303 = vector.extract_strided_slice %dot_general3A_189 {offsets = [0, 3584], sizes = [1024, 128], strides = [1, 1]} : vector<1024x4096xf32> to vector<1024x128xf32>
    %convert_element_type3A_304 = arith.extf %concatenate3A_190 : vector<1024x128xbf16> to vector<1024x128xf32>
    %mul3A_305 = arith.mulf %slice3A_303, %convert_element_type3A_304 : vector<1024x128xf32>
    %convert_element_type3A_306 = arith.truncf %mul3A_305 : vector<1024x128xf32> to vector<1024x128xbf16>
    %slice3A_307 = vector.extract_strided_slice %dot_general3A_189 {offsets = [0, 3712], sizes = [1024, 128], strides = [1, 1]} : vector<1024x4096xf32> to vector<1024x128xf32>
    %convert_element_type3A_308 = arith.extf %concatenate3A_190 : vector<1024x128xbf16> to vector<1024x128xf32>
    %mul3A_309 = arith.mulf %slice3A_307, %convert_element_type3A_308 : vector<1024x128xf32>
    %convert_element_type3A_310 = arith.truncf %mul3A_309 : vector<1024x128xf32> to vector<1024x128xbf16>
    %slice3A_311 = vector.extract_strided_slice %dot_general3A_189 {offsets = [0, 3840], sizes = [1024, 128], strides = [1, 1]} : vector<1024x4096xf32> to vector<1024x128xf32>
    %convert_element_type3A_312 = arith.extf %concatenate3A_190 : vector<1024x128xbf16> to vector<1024x128xf32>
    %mul3A_313 = arith.mulf %slice3A_311, %convert_element_type3A_312 : vector<1024x128xf32>
    %convert_element_type3A_314 = arith.truncf %mul3A_313 : vector<1024x128xf32> to vector<1024x128xbf16>
    %slice3A_315 = vector.extract_strided_slice %dot_general3A_189 {offsets = [0, 3968], sizes = [1024, 128], strides = [1, 1]} : vector<1024x4096xf32> to vector<1024x128xf32>
    %convert_element_type3A_316 = arith.extf %concatenate3A_190 : vector<1024x128xbf16> to vector<1024x128xf32>
    %mul3A_317 = arith.mulf %slice3A_315, %convert_element_type3A_316 : vector<1024x128xf32>
    %convert_element_type3A_318 = arith.truncf %mul3A_317 : vector<1024x128xf32> to vector<1024x128xbf16>
    %concatenate3A_319 = tpu.concatenate %convert_element_type3A_194, %convert_element_type3A_198, %convert_element_type3A_202, %convert_element_type3A_206, %convert_element_type3A_210, %convert_element_type3A_214, %convert_element_type3A_218, %convert_element_type3A_222, %convert_element_type3A_226, %convert_element_type3A_230, %convert_element_type3A_234, %convert_element_type3A_238, %convert_element_type3A_242, %convert_element_type3A_246, %convert_element_type3A_250, %convert_element_type3A_254, %convert_element_type3A_258, %convert_element_type3A_262, %convert_element_type3A_266, %convert_element_type3A_270, %convert_element_type3A_274, %convert_element_type3A_278, %convert_element_type3A_282, %convert_element_type3A_286, %convert_element_type3A_290, %convert_element_type3A_294, %convert_element_type3A_298, %convert_element_type3A_302, %convert_element_type3A_306, %convert_element_type3A_310, %convert_element_type3A_314, %convert_element_type3A_318 in 1 : vector<1024x128xbf16>, vector<1024x128xbf16>, vector<1024x128xbf16>, vector<1024x128xbf16>, vector<1024x128xbf16>, vector<1024x128xbf16>, vector<1024x128xbf16>, vector<1024x128xbf16>, vector<1024x128xbf16>, vector<1024x128xbf16>, vector<1024x128xbf16>, vector<1024x128xbf16>, vector<1024x128xbf16>, vector<1024x128xbf16>, vector<1024x128xbf16>, vector<1024x128xbf16>, vector<1024x128xbf16>, vector<1024x128xbf16>, vector<1024x128xbf16>, vector<1024x128xbf16>, vector<1024x128xbf16>, vector<1024x128xbf16>, vector<1024x128xbf16>, vector<1024x128xbf16>, vector<1024x128xbf16>, vector<1024x128xbf16>, vector<1024x128xbf16>, vector<1024x128xbf16>, vector<1024x128xbf16>, vector<1024x128xbf16>, vector<1024x128xbf16>, vector<1024x128xbf16> -> vector<1024x4096xbf16>
    %dot_general3A_320 = arith.constant dense<0.000000e+00> : vector<1024x400xf32>
    %dot_general3A_321 = tpu.matmul %concatenate3A_319, %get3A_178, %dot_general3A_320 {dimension_numbers = #tpu.dot_dimension_numbers<[1], [1], [0], [0], [0, 0, 1, 0], [], []>, transpose_lhs_hint = false} : vector<1024x4096xbf16>, vector<400x4096xbf16>, vector<1024x400xf32> -> vector<1024x400xf32>
    %dot_general3A_322 = arith.constant dense<0.000000e+00> : vector<1024x400xf32>
    %dot_general3A_323 = tpu.matmul %convert_element_type3A_27, %get3A_181, %dot_general3A_322 {dimension_numbers = #tpu.dot_dimension_numbers<[1], [0], [0], [1], [0, 0, 1, 1], [], []>, transpose_lhs_hint = false} : vector<1024x64xbf16>, vector<64x400xbf16>, vector<1024x400xf32> -> vector<1024x400xf32>
    %add3A_324 = arith.addf %dot_general3A_321, %dot_general3A_323 : vector<1024x400xf32>
    %iota3A_325 = tpu.iota {dimensions = array<i32: 1>} : vector<1024x400xi32>
    %eq3A_326 = vector.broadcast %get3A_184 : vector<1024x1xi32> to vector<1024x400xi32>
    %eq3A_327 = arith.cmpi eq, %iota3A_325, %eq3A_326 : vector<1024x400xi32>
    %jit3A_328 = arith.constant 0.000000e+00 : f32
    %broadcast_in_dim3A_329 = vector.broadcast %jit3A_328 : f32 to vector<1024x400xf32>
    %select_n3A_330 = arith.select %eq3A_327, %add3A_324, %broadcast_in_dim3A_329 : vector<1024x400xi1>, vector<1024x400xf32>
    %reduce_sum3A_331 = arith.constant dense<0.000000e+00> : vector<1024xf32>
    %reduce_sum3A_332 = vector.multi_reduction <add>, %select_n3A_330, %reduce_sum3A_331 [1] : vector<1024x400xf32> to vector<1024xf32>
    %broadcast_in_dim3A_333 = vector.shape_cast %reduce_sum3A_332 : vector<1024xf32> to vector<1024x1xf32>
    %jit3A_334 = arith.constant 4 : i32
    %div3A = arith.divsi %add3A_0, %jit3A_334 : i32
    %sign3A = arith.constant 0 : i32
    %sign3A_335 = arith.cmpi sgt, %add3A_0, %sign3A : i32
    %sign3A_336 = arith.extui %sign3A_335 : i1 to i32
    %sign3A_337 = arith.constant 0 : i32
    %sign3A_338 = arith.cmpi slt, %add3A_0, %sign3A_337 : i32
    %sign3A_339 = arith.extui %sign3A_338 : i1 to i32
    %sign3A_340 = arith.subi %sign3A_336, %sign3A_339 : i32
    %sign3A_341 = arith.constant 0 : i32
    %sign3A_342 = arith.cmpi sgt, %jit3A_334, %sign3A_341 : i32
    %sign3A_343 = arith.extui %sign3A_342 : i1 to i32
    %sign3A_344 = arith.constant 0 : i32
    %sign3A_345 = arith.cmpi slt, %jit3A_334, %sign3A_344 : i32
    %sign3A_346 = arith.extui %sign3A_345 : i1 to i32
    %sign3A_347 = arith.subi %sign3A_343, %sign3A_346 : i32
    %ne3A = arith.cmpi ne, %sign3A_340, %sign3A_347 : i32
    %rem3A = arith.remsi %add3A_0, %jit3A_334 : i32
    %ne3A_348 = arith.constant 0 : i32
    %ne3A_349 = arith.cmpi ne, %rem3A, %ne3A_348 : i32
    %and3A_350 = arith.andi %ne3A, %ne3A_349 : i1
    %sub3A = arith.constant 1 : i32
    %sub3A_351 = arith.subi %div3A, %sub3A : i32
    %select_n3A_352 = arith.select %and3A_350, %sub3A_351, %div3A : i32
    %eq3A_353 = arith.constant 0 : i32
    %eq3A_354 = arith.cmpi eq, %arg0, %eq3A_353 : i32
    %convert_element_type3A_355 = arith.extui %eq3A_354 : i1 to i32
    %cond3A = arith.constant 0 : i32
    %cond3A_356 = arith.cmpi ne, %convert_element_type3A_355, %cond3A : i32
    scf.if %cond3A_356 {
      %broadcast_in_dim3A_361 = arith.constant 0.000000e+00 : f32
      %broadcast_in_dim3A_362 = vector.broadcast %broadcast_in_dim3A_361 : f32 to vector<8x128xf32>
      %swap3A = arith.constant 0 : index
      %swap3A_363 = arith.constant 0 : index
      %swap3A_364 = vector.load %arg13[%swap3A, %swap3A_363] : memref<8x128xf32, #tpu.memory_space<vmem>>, vector<8x128xf32>
      tpu.vector_store %arg13[%swap3A, %swap3A_363], %broadcast_in_dim3A_362 {strides = array<i32>} : memref<8x128xf32, #tpu.memory_space<vmem>>, vector<8x128xf32>,
    } else {
    }
    %gt3A = arith.constant 0 : i32
    %gt3A_357 = arith.cmpi sgt, %select_n3A_352, %gt3A : i32
    %convert_element_type3A_358 = arith.extui %gt3A_357 : i1 to i32
    %cond3A_359 = arith.constant 0 : i32
    %cond3A_360 = arith.cmpi ne, %convert_element_type3A_358, %cond3A_359 : i32
    scf.if %cond3A_360 {
      %neg3A = arith.constant 0.000000e+00 : f32
      %neg3A_361 = vector.broadcast %neg3A : f32 to vector<1024x1xf32>
      %neg3A_362 = arith.subf %neg3A_361, %broadcast_in_dim3A_175 : vector<1024x1xf32>
      %neg3A_363 = arith.constant 0.000000e+00 : f32
      %neg3A_364 = vector.broadcast %neg3A_363 : f32 to vector<1024x1xf32>
      %neg3A_365 = arith.subf %neg3A_364, %neg3A_362 : vector<1024x1xf32>
      %max3A = arith.constant 0.000000e+00 : f32
      %max3A_366 = vector.broadcast %max3A : f32 to vector<1024x1xf32>
      %max3A_367 = arith.maximumf %neg3A_365, %max3A_366 : vector<1024x1xf32>
      %abs3A = math.absf %neg3A_362 : vector<1024x1xf32>
      %neg3A_368 = arith.constant 0.000000e+00 : f32
      %neg3A_369 = vector.broadcast %neg3A_368 : f32 to vector<1024x1xf32>
      %neg3A_370 = arith.subf %neg3A_369, %abs3A : vector<1024x1xf32>
      %exp3A = math.exp %neg3A_370 : vector<1024x1xf32>
      %add3A_371 = arith.constant 1.000000e+00 : f32
      %add3A_372 = vector.broadcast %add3A_371 : f32 to vector<1024x1xf32>
      %add3A_373 = arith.addf %add3A_372, %exp3A : vector<1024x1xf32>
      %log3A = math.log %add3A_373 : vector<1024x1xf32>
      %add3A_374 = arith.addf %max3A_367, %log3A : vector<1024x1xf32>
      %neg3A_375 = arith.constant 0.000000e+00 : f32
      %neg3A_376 = vector.broadcast %neg3A_375 : f32 to vector<1024x1xf32>
      %neg3A_377 = arith.subf %neg3A_376, %add3A_374 : vector<1024x1xf32>
      %neg3A_378 = arith.constant 0.000000e+00 : f32
      %neg3A_379 = vector.broadcast %neg3A_378 : f32 to vector<1024x1xf32>
      %neg3A_380 = arith.subf %neg3A_379, %broadcast_in_dim3A_333 : vector<1024x1xf32>
      %neg3A_381 = arith.constant 0.000000e+00 : f32
      %neg3A_382 = vector.broadcast %neg3A_381 : f32 to vector<1024x1xf32>
      %neg3A_383 = arith.subf %neg3A_382, %neg3A_380 : vector<1024x1xf32>
      %max3A_384 = arith.constant 0.000000e+00 : f32
      %max3A_385 = vector.broadcast %max3A_384 : f32 to vector<1024x1xf32>
      %max3A_386 = arith.maximumf %neg3A_383, %max3A_385 : vector<1024x1xf32>
      %abs3A_387 = math.absf %neg3A_380 : vector<1024x1xf32>
      %neg3A_388 = arith.constant 0.000000e+00 : f32
      %neg3A_389 = vector.broadcast %neg3A_388 : f32 to vector<1024x1xf32>
      %neg3A_390 = arith.subf %neg3A_389, %abs3A_387 : vector<1024x1xf32>
      %exp3A_391 = math.exp %neg3A_390 : vector<1024x1xf32>
      %add3A_392 = arith.constant 1.000000e+00 : f32
      %add3A_393 = vector.broadcast %add3A_392 : f32 to vector<1024x1xf32>
      %add3A_394 = arith.addf %add3A_393, %exp3A_391 : vector<1024x1xf32>
      %log3A_395 = math.log %add3A_394 : vector<1024x1xf32>
      %add3A_396 = arith.addf %max3A_386, %log3A_395 : vector<1024x1xf32>
      %neg3A_397 = arith.constant 0.000000e+00 : f32
      %neg3A_398 = vector.broadcast %neg3A_397 : f32 to vector<1024x1xf32>
      %neg3A_399 = arith.subf %neg3A_398, %add3A_396 : vector<1024x1xf32>
      %add3A_400 = arith.addf %neg3A_377, %neg3A_399 : vector<1024x1xf32>
      %reduce_sum3A_401 = vector.shape_cast %add3A_400 : vector<1024x1xf32> to vector<1x1024x1xf32>
      %reduce_sum3A_402 = arith.constant dense<0.000000e+00> : vector<1xf32>
      %reduce_sum3A_403 = vector.multi_reduction <add>, %reduce_sum3A_401, %reduce_sum3A_402 [1, 2] : vector<1x1024x1xf32> to vector<1xf32>
      %reduce_sum3A_404 = vector.shape_cast %reduce_sum3A_403 : vector<1xf32> to vector<1x1x1xf32>
      %reduce_sum3A_405 = vector.extract %reduce_sum3A_404[0, 0, 0] : f32 from vector<1x1x1xf32>
      %iota3A_406 = tpu.iota {dimensions = array<i32: 0>} : vector<8x128xi32>
      %iota3A_407 = tpu.iota {dimensions = array<i32: 1>} : vector<8x128xi32>
      %sub3A_408 = arith.constant 1 : i32
      %sub3A_409 = arith.subi %select_n3A_352, %sub3A_408 : i32
      %eq3A_410 = vector.broadcast %sub3A_409 : i32 to vector<8x128xi32>
      %eq3A_411 = arith.cmpi eq, %iota3A_406, %eq3A_410 : vector<8x128xi32>
      %eq3A_412 = arith.constant 0 : i32
      %eq3A_413 = vector.broadcast %eq3A_412 : i32 to vector<8x128xi32>
      %eq3A_414 = arith.cmpi eq, %iota3A_407, %eq3A_413 : vector<8x128xi32>
      %and3A_415 = arith.andi %eq3A_411, %eq3A_414 : vector<8x128xi1>
      %get3A_416 = arith.constant 0 : index
      %get3A_417 = arith.constant 0 : index
      %get3A_418 = vector.load %arg13[%get3A_416, %get3A_417] : memref<8x128xf32, #tpu.memory_space<vmem>>, vector<8x128xf32>
      %neg3A_419 = arith.constant 0.000000e+00 : f32
      %neg3A_420 = arith.subf %neg3A_419, %reduce_sum3A_405 : f32
      %jit3A_421 = arith.constant 0.000000e+00 : f32
      %broadcast_in_dim3A_422 = vector.broadcast %neg3A_420 : f32 to vector<8x128xf32>
      %broadcast_in_dim3A_423 = vector.broadcast %jit3A_421 : f32 to vector<8x128xf32>
      %select_n3A_424 = arith.select %and3A_415, %broadcast_in_dim3A_422, %broadcast_in_dim3A_423 : vector<8x128xi1>, vector<8x128xf32>
      %add3A_425 = arith.addf %get3A_418, %select_n3A_424 : vector<8x128xf32>
      %swap3A = arith.constant 0 : index
      %swap3A_426 = arith.constant 0 : index
      %swap3A_427 = vector.load %arg13[%swap3A, %swap3A_426] : memref<8x128xf32, #tpu.memory_space<vmem>>, vector<8x128xf32>
      tpu.vector_store %arg13[%swap3A, %swap3A_426], %add3A_425 {strides = array<i32>} : memref<8x128xf32, #tpu.memory_space<vmem>>, vector<8x128xf32>,
    } else {
    }
    return
  }
  func.func @transform_0(%arg0: i32) -> (i32, i32) {
    %add3A = arith.constant 18 : i32
    %add3A_0 = arith.addi %add3A, %arg0 : i32
    %c0_i32 = arith.constant 0 : i32
    %c0_i32_1 = arith.constant 0 : i32
    return %add3A_0, %c0_i32 : i32, i32
  }
  func.func @transform_1(%arg0: i32) -> (i32, i32) {
    %add3A = arith.constant 18 : i32
    %add3A_0 = arith.addi %add3A, %arg0 : i32
    %c0_i32 = arith.constant 0 : i32
    %c0_i32_1 = arith.constant 0 : i32
    return %add3A_0, %c0_i32 : i32, i32
  }
  func.func @transform_2(%arg0: i32) -> (i32, i32) {
    %c0_i32 = arith.constant 0 : i32
    %c0_i32_0 = arith.constant 0 : i32
    return %arg0, %c0_i32 : i32, i32
  }
  func.func @transform_3(%arg0: i32) -> (i32, i32) {
    %add3A = arith.constant 6 : i32
    %add3A_0 = arith.addi %arg0, %add3A : i32
    %c0_i32 = arith.constant 0 : i32
    %c0_i32_1 = arith.constant 0 : i32
    return %add3A_0, %c0_i32 : i32, i32
  }
  func.func @transform_4(%arg0: i32) -> (i32, i32) {
    %add3A = arith.constant 12 : i32
    %add3A_0 = arith.addi %arg0, %add3A : i32
    %c0_i32 = arith.constant 0 : i32
    %c0_i32_1 = arith.constant 0 : i32
    return %add3A_0, %c0_i32 : i32, i32
  }
  func.func @transform_5(%arg0: i32) -> (i32, i32) {
    %add3A = arith.constant 18 : i32
    %add3A_0 = arith.addi %arg0, %add3A : i32
    %c0_i32 = arith.constant 0 : i32
    %c0_i32_1 = arith.constant 0 : i32
    return %add3A_0, %c0_i32 : i32, i32
  }
  func.func @transform_6(%arg0: i32) -> (i32, i32) {
    %c0_i32 = arith.constant 0 : i32
    %c0_i32_0 = arith.constant 0 : i32
    %c0_i32_1 = arith.constant 0 : i32
    return %c0_i32, %c0_i32_0 : i32, i32
  }
  func.func @transform_7(%arg0: i32) -> (i32, i32) {
    %c0_i32 = arith.constant 0 : i32
    %c0_i32_0 = arith.constant 0 : i32
    %c0_i32_1 = arith.constant 0 : i32
    return %c0_i32, %c0_i32_0 : i32, i32
  }
  func.func @transform_8(%arg0: i32) -> (i32, i32) {
    %c0_i32 = arith.constant 0 : i32
    %c0_i32_0 = arith.constant 0 : i32
    %c0_i32_1 = arith.constant 0 : i32
    return %c0_i32, %c0_i32_0 : i32, i32
  }
  func.func @transform_9(%arg0: i32) -> (i32, i32) {
    %c0_i32 = arith.constant 0 : i32
    %c0_i32_0 = arith.constant 0 : i32
    %c0_i32_1 = arith.constant 0 : i32
    return %c0_i32, %c0_i32_0 : i32, i32
  }
  func.func @transform_10(%arg0: i32) -> (i32, i32) {
    %c0_i32 = arith.constant 0 : i32
    %c0_i32_0 = arith.constant 0 : i32
    %c0_i32_1 = arith.constant 0 : i32
    return %c0_i32, %c0_i32_0 : i32, i32
  }
  func.func @transform_11(%arg0: i32) -> (i32, i32) {
    %c0_i32 = arith.constant 0 : i32
    %c0_i32_0 = arith.constant 0 : i32
    %c0_i32_1 = arith.constant 0 : i32
    return %c0_i32, %c0_i32_0 : i32, i32
  }
  func.func @transform_12(%arg0: i32) -> (i32, i32) {
    %c0_i32 = arith.constant 0 : i32
    %c0_i32_0 = arith.constant 0 : i32
    %c0_i32_1 = arith.constant 0 : i32
    return %c0_i32, %c0_i32_0 : i32, i32
  }
}

</mosaic_0001>

<sc_bundles>
// kernel: kernel.10.cloned.1.call-start
scs
__scs_entry_jumppad:
0x0: {  	(pc) =	sbr.rel $0x88, $3  }
0x1: {  	(tag) =	ssettag $0x0;
	lr =	simm.s32 $0x1  }
0x2: {  	[smem:$0x3F8F] =	sst lr;
	_ =	strace $0xD0000000  }
0x3: {  	_ = 	snop  }
0x4: {  	_ = 	snop  }
0x5: {  	_ = 	snop  }
0x6: {  	_ = 	snop  }
0x7: {  	_ = 	snop  }
__scs_overlays_trampoline_lowered:
0x8: {  	[smem:$0x3F9E] =	sst s0  }
0x9: {  	[smem:$0x3F9F] =	sst s1  }
0xa: {  	[smem:$0x3FA0] =	sst s2  }
0xb: {  	[smem:$0x3FA1] =	sst s3  }
0xc: {  	[smem:$0x3FA2] =	sst s4  }
0xd: {  	[smem:$0x3FA3] =	sst s5  }
0xe: {  	[smem:$0x3FA4] =	sst s6  }
0xf: {  	[smem:$0x3FA5] =	sst s7  }
0x10: {  	[smem:$0x3FA6] =	sst s8  }
0x11: {  	[smem:$0x3FA7] =	sst s9;
	s0 =	simm.s32 @!p0 $0x0  }
0x12: {  	s1 =	sld [smem:$0x3F8D];
	s0 =	simm.s32 @p0 $0x1  }
0x13: {  	[smem:$0x3FA8] =	sst s0;
	s0 =	simm.s32 @!p1 $0x0  }
0x14: {  	s2 =	sld [smem:$0x3F8C];
	s0 =	simm.s32 @p1 $0x1  }
0x15: {  	[smem:$0x3FA9] =	sst s0;
	s0 =	simm.s32 @!p2 $0x0  }
0x16: {  	s3 =	sld [smem:$0x3FDB];
	s0 =	simm.s32 @p2 $0x1  }
0x17: {  	s4 =	simm.s32 $0x1BF5;
	[smem:$0x3FAB] =	sst s0  }
0x18: {  	s0 =	sld [smem:$0x3F8E];
	_ =	swait.ge [sflag:s4], $0x0  }
0x19: {  	s7 =	sld [smem:$0x3F8F]  }
0x1a: {  	s8 =	sadd.s32 $0xFFFFE003, lr  }
0x1b: {  	s9 =	sadd.s32 $0xFFFFFEF7, lr;
	s5 =	simm.s32 $0xFFFFFFFF;
	p2 =	slt.u32 s8, $0xFFFFF086  }
0x1c: {  	p1 =	slt.u32 s9, $0xF7A;
	s5 =	simm.s32 @!p2 $0x0  }
0x1d: {  	s5 =	simm.s32 @p1 $0x1;
	p0 =	seq.s32 s7, s2  }
0x1e: {  	s7 =	smul.u32 @!p0 $0xF7A, s2;
	p2 =	seq.s32 @!p0 s5, $0x0  }
0x1f: {  	s9 =	smul.u32 $0xF7A, s1;
	s8 =	simm.s32 @!p0 $0x1BF5;
	p2 =	por !p2, p0  }
0x20: {  	[sflag:s8] =	ssyncset.s32 @!p0 $0xFFFFF086;
	s6 =	sadd.s32 @!p0 s3, s7;
	s7 =	simm.s32 @!p0 $0x108  }
0x21: {  	s3 =	sadd.s32 s3, s9;
	s6 =	sadd.s32 @!p0 $0x88, s6;
	s7 =	simm.s32 @p2 $0x1082  }
0x22: {  	[simem:s7], [sflag:s8] =	dma.local @!p0 [hbm:s6], $0xF7A  }
0x23: {  	s9 =	sor.u32 $0xD0000000, s2;
	s6 =	simm.s32 $0x108;
	_ =	swait.ge @!p0 [sflag:s8], $0x0  }
0x24: {  	s3 =	sadd.s32 $0x88, s3;
	s6 =	simm.s32 @!p1 $0x1082;
	[sflag:s4] =	ssyncset.s32 $0xFFFFF086  }
0x25: {  	[simem:s6], [sflag:s4] =	dma.local [hbm:s3], $0xF7A  }
0x26: {  	[smem:$0x3F8F] =	sst s1;
	(tag) =	ssettag s2;
	_ =	strace s9  }
0x27: {  	s1 =	sld [smem:$0x3F9F]  }
0x28: {  	s2 =	sld [smem:$0x3FA0]  }
0x29: {  	s4 =	sld [smem:$0x3FA2]  }
0x2a: {  	p0 =	seq.s32 s5, $0x0;
	s5 =	sld [smem:$0x3FA3]  }
0x2b: {  	s6 =	sld [smem:$0x3FA4]  }
0x2c: {  	s7 =	sld [smem:$0x3FA5]  }
0x2d: {  	s3 =	simm.s32 $0x108;
	s8 =	sld [smem:$0x3FA6]  }
0x2e: {  	s3 =	simm.s32 @!p0 $0x1082;
	s9 =	sld [smem:$0x3FA7]  }
0x2f: {  	lr =	sadd.s32 s0, s3;
	s0 =	sld [smem:$0x3F9E]  }
0x30: {  	s3 =	sld [smem:$0x3FA1]  }
0x31: {  	[smem:$0x3FAA] =	sst s10  }
0x32: {  	s10 =	sld [smem:$0x3FA8];
	_ =	sdelay $0x3  }
0x33: {  	p0 =	seq.s32 s10, $0x1;
	s10 =	sld [smem:$0x3FAA];
	_ =	sdelay $0x3  }
0x34: {  	[smem:$0x3FAA] =	sst s10  }
0x35: {  	s10 =	sld [smem:$0x3FA9];
	_ =	sdelay $0x3  }
0x36: {  	p1 =	seq.s32 s10, $0x1;
	s10 =	sld [smem:$0x3FAA];
	_ =	sdelay $0x3  }
0x37: {  	[smem:$0x3FAA] =	sst s10  }
0x38: {  	s10 =	sld [smem:$0x3FAB]  }
0x39: {  	_ = 	snop;
	(pc) =	sbr.ind lr, $3  }
0x3a: {  	_ = 	snop  }
0x3b: {  	_ = 	snop  }
0x3c: {  	p2 =	seq.s32 s10, $0x1;
	s10 =	sld [smem:$0x3FAA]  }
0x3d: {  	_ =	shalt  }
0x3e: {  	_ =	shalt  }
0x3f: {  	_ =	shalt  }
0x40: {  	_ =	shalt  }
0x41: {  	_ =	shalt  }
0x42: {  	_ =	shalt  }
0x43: {  	_ =	shalt  }
0x44: {  	_ =	shalt  }
0x45: {  	_ =	shalt  }
0x46: {  	_ =	shalt  }
0x47: {  	_ =	shalt  }
0x48: {  	_ =	shalt  }
0x49: {  	_ =	shalt  }
0x4a: {  	_ =	shalt  }
0x4b: {  	_ =	shalt  }
0x4c: {  	_ =	shalt  }
0x4d: {  	_ =	shalt  }
0x4e: {  	_ =	shalt  }
0x4f: {  	_ =	shalt  }
0x50: {  	_ =	shalt  }
0x51: {  	_ =	shalt  }
0x52: {  	_ =	shalt  }
0x53: {  	_ =	shalt  }
0x54: {  	_ =	shalt  }
0x55: {  	_ =	shalt  }
0x56: {  	_ =	shalt  }
0x57: {  	_ =	shalt  }
0x58: {  	_ =	shalt  }
0x59: {  	_ =	shalt  }
0x5a: {  	_ =	shalt  }
0x5b: {  	_ =	shalt  }
0x5c: {  	_ =	shalt  }
0x5d: {  	_ =	shalt  }
0x5e: {  	_ =	shalt  }
0x5f: {  	_ =	shalt  }
0x60: {  	_ =	shalt  }
0x61: {  	_ =	shalt  }
0x62: {  	_ =	shalt  }
0x63: {  	_ =	shalt  }
0x64: {  	_ =	shalt  }
0x65: {  	_ =	shalt  }
0x66: {  	_ =	shalt  }
0x67: {  	_ =	shalt  }
0x68: {  	_ =	shalt  }
0x69: {  	_ =	shalt  }
0x6a: {  	_ =	shalt  }
0x6b: {  	_ =	shalt  }
0x6c: {  	_ =	shalt  }
0x6d: {  	_ =	shalt  }
0x6e: {  	_ =	shalt  }
0x6f: {  	_ =	shalt  }
0x70: {  	_ =	shalt  }
0x71: {  	_ =	shalt  }
0x72: {  	_ =	shalt  }
0x73: {  	_ =	shalt  }
0x74: {  	_ =	shalt  }
0x75: {  	_ =	shalt  }
0x76: {  	_ =	shalt  }
0x77: {  	_ =	shalt  }
0x78: {  	_ =	shalt  }
0x79: {  	_ =	shalt  }
0x7a: {  	_ =	shalt  }
0x7b: {  	_ =	shalt  }
0x7c: {  	_ =	shalt  }
0x7d: {  	_ =	shalt  }
0x7e: {  	_ =	shalt  }
0x7f: {  	_ =	shalt  }
0x80: {  	_ =	shalt  }
0x81: {  	_ =	shalt  }
0x82: {  	_ =	shalt  }
0x83: {  	_ =	shalt  }
0x84: {  	_ =	shalt  }
0x85: {  	_ =	shalt  }
0x86: {  	_ =	shalt  }
0x87: {  	_ =	shalt  }
.Lfunc_end0:
.L_simem_size_0:
called_computation_lowered:
.L_overlay_start_0:
0x88: {  	s2 =	sld [smem:$0x3FD9]  }
0x89: {  	s3 =	sld [smem:$0x3FFE];
	_ =	sdelay $0x1  }
0x8a: {  	s1 =	srdreg.scid  }
0x8b: {  	s0 =	sand.u32 $0x1, s1  }
0x8c: {  	s16 =	sshll.u32 s0, $0xA;
	s2 =	sadd.s32 s3, s2  }
0x8d: {  	s2 =	sadd.s32 s2, s16  }
0x8e: {  	[smem:$0x3FB6] =	sst s2  }
0x8f: {  	_ = 	snop  }
0x90: {  	(tm) =	ssettm $0x1  }
0x91: {  	s17 =	sld [smem:$0x3FFB];
	_ =	sdelay $0x3  }
0x92: {  	_ =	strace s17  }
0x93: {  	s2 =	sld [smem:$0x3FFC];
	_ =	sdelay $0x3  }
0x94: {  	_ =	strace s2  }
0x95: {  	s2 =	sld [smem:$0x3FFD];
	_ =	sdelay $0x3  }
0x96: {  	_ =	strace s2  }
0x97: {  	_ =	strace $0x8FFFFFFF  }
0x98: {  	s18 =	sld [smem:$0x3FDB];
	_ =	sdelay $0x1  }
0x99: {  	s19 =	simm.s32 $_scs_section_size  }
0x9a: {  	s4 =	simm.s32 $_size__tile_overlayer_lowered;
	s5 =	simm.s32 $_tile_overlayer_lowered  }
0x9b: {  	s22 =	simm.s32 $0x1BFF;
	s21 =	sshll.u32 s5, $0x1;
	s2 =	sadd.s32 s19, s18  }
0x9c: {  	s6 =	simm.s32 $0x0;
	s20 =	sshll.u32 s4, $0x1;
	s4 =	sadd.s32 s21, s2  }
0x9d: {  	[timem:s6], [sflag:s22] =	dma.local [hbm:s4], s20  }
0x9e: {  	_ =	swait.ge [sflag:s22], s20  }
0x9f: {  	s3 =	ssub.s32 $0x0, s20;
	[sflag:s22] =	ssyncset.done $0x0  }
0xa0: {  	[sflag:s22] =	ssyncadd.s32 s3;
	_ =	sdelay $0x1  }
0xa1: {  	s23 =	simm.s32 $0x1B8B  }
0xa2: {  	_ =	swait.ge [sflag:s23], $0x1  }
0xa3: {  	[sflag:s23] =	ssyncset.done $0x0  }
0xa4: {  	s25 =	simm.s32 $0x1B8E;
	s24 =	sld [smem:$0x3FFE];
	[sflag:s23] =	ssyncadd.s32 $0xFFFFFFFF  }
0xa5: {  	s26 =	simm.s32 $execute0_lowered;
	[smem:$0x3FD2] =	sst s25  }
0xa6: {  	s4 =	sshll.u32 s26, $0x1;
	_ =	strace $0x80000046;
	[dreg:$0x1] =	wrdreg $0xFFFFFFFF  }
0xa7: {  	s28 =	simm.s32 $_size_execute0_lowered;
	s2 =	sadd.s32 s2, s4;
	[dreg:$0x0] =	wrdreg $0x0  }
0xa8: {  	s4 =	sshll.u32 s28, $0x1;
	[dreg:$0x2] =	wrdreg s2  }
0xa9: {  	[dreg:$0x3] =	wrdreg s4  }
0xaa: {  	[dreg:$0x4] =	wrdreg $0xC0  }
0xab: {  	_ =	task [dreg:s6], $0x5FFFF  }
0xac: {  	[dreg:$0x1] =	wrdreg $0xFFFFFFFF  }
0xad: {  	[dreg:$0x0] =	wrdreg $0x60  }
0xae: {  	[dreg:$0x2] =	wrdreg s24  }
0xaf: {  	[dreg:$0x3] =	wrdreg $0x9  }
0xb0: {  	_ =	task.clear_ibuf [dreg:s6], $0x4FFFF;
	_ =	strace $0x90000046  }
0xb1: {  	s29 =	simm.s32 $0x9;
	_ =	strace $0x80000048  }
0xb2: {  	_ =	swait.ge [sflag:s29], $0x1  }
0xb3: {  	[sflag:s29] =	ssyncadd.s32 $0xFFFFFFFF  }
0xb4: {  	_ =	strace $0x90000048  }
0xb5: {  	_ =	sfence  }
0xb6: {  	s30 =	sld [smem:$0x0];
	_ =	sdelay $0x2  }
0xb7: {  	s31 =	sshll.u32 s1, $0xD;
	s1 =	sshrl.u32 s1, $0x2  }
0xb8: {  	s3 =	sand.u32 $0x4000, s31;
	s1 =	sadd.s32 s1, s30  }
0xb9: {  	s0 =	sor.u32 s3, s0;
	s1 =	sshll.u32 s1, $0x11  }
0xba: {  	s0 =	sor.u32 s1, s0  }
0xbb: {  	s0 =	sadd.s32 $0x8F2B, s0  }
0xbc: {  	[sflag:s0] =	ssyncadd.remote.s32 $0x1  }
0xbd: {  	_ =	sfence.sel $0xFFFF  }
0xbe: {  	[dreg:$0x0] =	wrdreg $0xFFFFFFFF;
	(pc) =	sbr.abs _section_cstart, $3  }
0xbf: {  	[dreg:$0x1] =	wrdreg $0xFFFFFFFF  }
0xc0: {  	_ =	task.clear_ibuf [dreg:s6], $0x2FFFF;
	_ =	strace $0x9FFFFFFF  }
0xc1: {  	(tm) =	ssettm $0x7FFFFFFF  }
tec
execute0_lowered:
.L_overlay_start_1:
0x0: {  	(tag) =	ssettag $0x1  }
0x1: {  	s1 =	srdreg.scid;
	s0 =	stileid.u32  }
0x2: {  	s24 =	sand.u32 $0x1, s1;
	s30 =	sshll.u32 s0, $0x1  }
0x3: {  	s17 =	sor.u32 s24, s30  }
0x4: {  	s18 =	rddreg [dreg:$0x0];
	s21 =	smul.u32 $0x300, s17  }
0x5: {  	s2 =	simm.s32 $0x0;
	s1 =	rddreg [dreg:$0x1]  }
0x6: {  	[smem:$0x7FF] =	sst s2;
	s20 =	sadd.s32 $0x4000, s18;
	s3 =	sshrl.u32 s21, $0x3  }
0x7: {  	_ =	strace $0x80000047;
	s4 =	sadd.s32 s20, s3;
	s3 =	simm.s32 $0x2  }
0x8: {  	[tilespmem:s2], [sflag:$0x2] =	stream.linear.gather [hbm4b:s4+s2], $0x80, $0x38;
	[tilespmem:$0x10200] =	vst v63  }
0x9: {  	s6 =	simm.s32 $0x80;
	_ =	swait.ge [sflag:s3], $0x80  }
0xa: {  	s7 =	simm.s32 $0x200;
	s19 =	sor.u32 $0x80, s21;
	[sflag:s3] =	ssyncset.done $0x0  }
0xb: {  	s5 =	sadd.s32 $0x621800, s18;
	s8 =	sshrl.u32 s19, $0x3;
	[sflag:s3] =	ssyncadd.s32 $0xFFFFFF80  }
0xc: {  	[tilespmem:s7], [sflag:$0x1] =	stream.indirect.gather [hbm4b:s5+s6], $0x80, s2, s6, $0xb8;
	[tilespmem:$0x10200] =	vst v63  }
0xd: {  	s8 =	sadd.s32 s20, s8  }
0xe: {  	[tilespmem:s6], [sflag:$0x2] =	stream.linear.gather [hbm4b:s8+s2], $0x80, $0x38;
	[tilespmem:$0x10200] =	vst v63  }
0xf: {  	_ =	swait.ge [sflag:s3], $0x80  }
0x10: {  	s22 =	sadd.s32 $0x100, s21;
	[sflag:s3] =	ssyncset.done $0x0  }
0x11: {  	s9 =	simm.s32 $0x4200;
	s10 =	sshrl.u32 s22, $0x3;
	[sflag:s3] =	ssyncadd.s32 $0xFFFFFF80  }
0x12: {  	[tilespmem:s9], [sflag:$0x1] =	stream.indirect.gather [hbm4b:s5+s6], $0x80, s6, s6, $0xb8;
	[tilespmem:$0x10200] =	vst v63  }
0x13: {  	s11 =	simm.s32 $0x100;
	s10 =	sadd.s32 s20, s10  }
0x14: {  	[tilespmem:s11], [sflag:$0x2] =	stream.linear.gather [hbm4b:s10+s2], $0x80, $0x38;
	[tilespmem:$0x10200] =	vst v63  }
0x15: {  	_ =	swait.ge [sflag:s3], $0x80  }
0x16: {  	s23 =	sadd.s32 $0x180, s21;
	[sflag:s3] =	ssyncset.done $0x0  }
0x17: {  	s12 =	simm.s32 $0x8200;
	s13 =	sshrl.u32 s23, $0x3;
	[sflag:s3] =	ssyncadd.s32 $0xFFFFFF80  }
0x18: {  	[tilespmem:s12], [sflag:$0x1] =	stream.indirect.gather [hbm4b:s5+s6], $0x80, s11, s6, $0xb8;
	[tilespmem:$0x10200] =	vst v63  }
0x19: {  	s14 =	simm.s32 $0x180;
	s13 =	sadd.s32 s20, s13  }
0x1a: {  	[tilespmem:s14], [sflag:$0x2] =	stream.linear.gather [hbm4b:s13+s2], $0x80, $0x38;
	[tilespmem:$0x10200] =	vst v63  }
0x1b: {  	_ =	swait.ge [sflag:s3], $0x80  }
0x1c: {  	[sflag:s3] =	ssyncset.done $0x0  }
0x1d: {  	s15 =	simm.s32 $0xC200;
	s16 =	simm.s32 $0x1;
	[sflag:s3] =	ssyncadd.s32 $0xFFFFFF80  }
0x1e: {  	[tilespmem:s15], [sflag:$0x1] =	stream.indirect.gather [hbm4b:s5+s6], $0x80, s14, s6, $0xb8;
	[tilespmem:$0x10200] =	vst v63  }
0x1f: {  	s17 =	smul.u32 $0x3000, s17;
	_ =	swait.ge [sflag:s16], $0x4000  }
0x20: {  	s25 =	sadd.s32 $0x7000, s18;
	[sflag:s16] =	ssyncset.done $0x0  }
0x21: {  	s17 =	sadd.s32 s25, s17;
	[sflag:s16] =	ssyncadd.s32 $0xFFFFC000  }
0x22: {  	[hbm4b:s17+s2] =	stream.linear.scatter [tilespmem:s7], [sflag:$0x2], $0x4000, $0x38;
	[tilespmem:$0x10200] =	vst v63  }
0x23: {  	s26 =	sadd.s32 $0x200, s21;
	_ =	swait.ge [sflag:s3], $0x4000  }
0x24: {  	s31 =	sshrl.u32 s26, $0x3;
	[sflag:s3] =	ssyncset.done $0x0  }
0x25: {  	s18 =	sadd.s32 s20, s31;
	[sflag:s3] =	ssyncadd.s32 $0xFFFFC000  }
0x26: {  	[tilespmem:s2], [sflag:$0x2] =	stream.linear.gather [hbm4b:s18+s2], $0x80, $0x38;
	[tilespmem:$0x10200] =	vst v63  }
0x27: {  	_ =	swait.ge [sflag:s3], $0x80  }
0x28: {  	[sflag:s3] =	ssyncset.done $0x0  }
0x29: {  	[sflag:s3] =	ssyncadd.s32 $0xFFFFFF80  }
0x2a: {  	[tilespmem:s7], [sflag:$0x1] =	stream.indirect.gather [hbm4b:s5+s6], $0x80, s2, s6, $0xb8;
	[tilespmem:$0x10200] =	vst v63  }
0x2b: {  	_ =	swait.ge [sflag:s16], $0x4000  }
0x2c: {  	s19 =	sshll.u32 s19, $0x4;
	[sflag:s16] =	ssyncset.done $0x0  }
0x2d: {  	s19 =	sadd.s32 s25, s19;
	[sflag:s16] =	ssyncadd.s32 $0xFFFFC000  }
0x2e: {  	[hbm4b:s19+s2] =	stream.linear.scatter [tilespmem:s9], [sflag:$0x2], $0x4000, $0x38;
	[tilespmem:$0x10200] =	vst v63  }
0x2f: {  	s28 =	sadd.s32 $0x280, s21;
	_ =	swait.ge [sflag:s3], $0x4000  }
0x30: {  	s21 =	sshrl.u32 s28, $0x3;
	[sflag:s3] =	ssyncset.done $0x0  }
0x31: {  	s20 =	sadd.s32 s20, s21;
	[sflag:s3] =	ssyncadd.s32 $0xFFFFC000  }
0x32: {  	[tilespmem:s6], [sflag:$0x2] =	stream.linear.gather [hbm4b:s20+s2], $0x80, $0x38;
	[tilespmem:$0x10200] =	vst v63  }
0x33: {  	_ =	swait.ge [sflag:s3], $0x80  }
0x34: {  	[sflag:s3] =	ssyncset.done $0x0  }
0x35: {  	[sflag:s3] =	ssyncadd.s32 $0xFFFFFF80  }
0x36: {  	[tilespmem:s9], [sflag:$0x1] =	stream.indirect.gather [hbm4b:s5+s6], $0x80, s6, s6, $0xb8;
	[tilespmem:$0x10200] =	vst v63  }
0x37: {  	_ =	swait.ge [sflag:s16], $0x4000  }
0x38: {  	s22 =	sshll.u32 s22, $0x4;
	[sflag:s16] =	ssyncset.done $0x0  }
0x39: {  	s21 =	sadd.s32 s25, s22;
	[sflag:s16] =	ssyncadd.s32 $0xFFFFC000  }
0x3a: {  	[hbm4b:s21+s2] =	stream.linear.scatter [tilespmem:s12], [sflag:$0x2], $0x4000, $0x38;
	[tilespmem:$0x10200] =	vst v63  }
0x3b: {  	_ =	swait.ge [sflag:s3], $0x4000  }
0x3c: {  	[sflag:s3] =	ssyncset.done $0x0  }
0x3d: {  	[sflag:s3] =	ssyncadd.s32 $0xFFFFC000  }
0x3e: {  	_ =	swait.ge [sflag:s16], $0x4000  }
0x3f: {  	s23 =	sshll.u32 s23, $0x4;
	[sflag:s16] =	ssyncset.done $0x0  }
0x40: {  	s22 =	sadd.s32 s25, s23;
	[sflag:s16] =	ssyncadd.s32 $0xFFFFC000  }
0x41: {  	[hbm4b:s22+s2] =	stream.linear.scatter [tilespmem:s15], [sflag:$0x2], $0x4000, $0x38;
	[tilespmem:$0x10200] =	vst v63  }
0x42: {  	_ =	swait.ge [sflag:s3], $0x4000  }
0x43: {  	[sflag:s3] =	ssyncset.done $0x0  }
0x44: {  	[sflag:s3] =	ssyncadd.s32 $0xFFFFC000  }
0x45: {  	_ =	swait.ge [sflag:s16], $0x4000  }
0x46: {  	s26 =	sshll.u32 s26, $0x4;
	[sflag:s16] =	ssyncset.done $0x0  }
0x47: {  	s24 =	ssub.s32 $0x2, s24;
	s23 =	sadd.s32 s25, s26;
	[sflag:s16] =	ssyncadd.s32 $0xFFFFC000  }
0x48: {  	[hbm4b:s23+s2] =	stream.linear.scatter [tilespmem:s7], [sflag:$0x2], $0x4000, $0x38;
	[tilespmem:$0x10200] =	vst v63  }
0x49: {  	s29 =	sshrl.u32 s24, $0x1;
	_ =	swait.ge [sflag:s3], $0x4000  }
0x4a: {  	s26 =	ssub.s32 s24, s29;
	[sflag:s3] =	ssyncset.done $0x0  }
0x4b: {  	s31 =	smax.u32 s26, $0x1;
	[sflag:s3] =	ssyncadd.s32 $0xFFFFC000  }
0x4c: {  	p0 =	sne.s32 s31, $0x1;
	_ =	swait.ge [sflag:s16], $0x4000  }
.Ltmp0:
0x4d: {  	s30 =	sshll.u32 s28, $0x4;
	[sflag:s16] =	ssyncset.done $0x0;
	(pc) =	sbr.rel @!p0 .LBB2_2-.Ltmp0, $4  }
0x4e: {  	s24 =	sadd.s32 s25, s30;
	[sflag:s16] =	ssyncadd.s32 $0xFFFFC000  }
0x4f: {  	[hbm4b:s24+s2] =	stream.linear.scatter [tilespmem:s9], [sflag:$0x2], $0x4000, $0x38;
	[tilespmem:$0x10200] =	vst v63  }
0x50: {  	_ =	swait.ge [sflag:s3], $0x4000  }
0x51: {  	s25 =	sadd.s32 $0xFFFFFFFF, s31;
	[sflag:s3] =	ssyncset.done $0x0  }
.LBB2_1:
0x52: {  	p0 =	sne.s32 s25, $0x1;
	s25 =	sadd.s32 $0xFFFFFFFF, s25;
	[sflag:s3] =	ssyncadd.s32 $0xFFFFC000  }
0x53: {  	[tilespmem:s2], [sflag:$0x2] =	stream.linear.gather [hbm4b:s4+s2], $0x80, $0x38;
	[tilespmem:$0x10200] =	vst v63  }
0x54: {  	_ =	swait.ge [sflag:s3], $0x80  }
0x55: {  	[sflag:s3] =	ssyncset.done $0x0  }
0x56: {  	[sflag:s3] =	ssyncadd.s32 $0xFFFFFF80  }
0x57: {  	[tilespmem:s7], [sflag:$0x1] =	stream.indirect.gather [hbm4b:s5+s6], $0x80, s2, s6, $0xb8;
	[tilespmem:$0x10200] =	vst v63  }
0x58: {  	_ = 	snop  }
0x59: {  	[tilespmem:s6], [sflag:$0x2] =	stream.linear.gather [hbm4b:s8+s2], $0x80, $0x38;
	[tilespmem:$0x10200] =	vst v63  }
0x5a: {  	_ =	swait.ge [sflag:s3], $0x80  }
0x5b: {  	[sflag:s3] =	ssyncset.done $0x0  }
0x5c: {  	[sflag:s3] =	ssyncadd.s32 $0xFFFFFF80  }
0x5d: {  	[tilespmem:s9], [sflag:$0x1] =	stream.indirect.gather [hbm4b:s5+s6], $0x80, s6, s6, $0xb8;
	[tilespmem:$0x10200] =	vst v63  }
0x5e: {  	_ = 	snop  }
0x5f: {  	[tilespmem:s11], [sflag:$0x2] =	stream.linear.gather [hbm4b:s10+s2], $0x80, $0x38;
	[tilespmem:$0x10200] =	vst v63  }
0x60: {  	_ =	swait.ge [sflag:s3], $0x80  }
0x61: {  	[sflag:s3] =	ssyncset.done $0x0  }
0x62: {  	[sflag:s3] =	ssyncadd.s32 $0xFFFFFF80  }
0x63: {  	[tilespmem:s12], [sflag:$0x1] =	stream.indirect.gather [hbm4b:s5+s6], $0x80, s11, s6, $0xb8;
	[tilespmem:$0x10200] =	vst v63  }
0x64: {  	_ = 	snop  }
0x65: {  	[tilespmem:s14], [sflag:$0x2] =	stream.linear.gather [hbm4b:s13+s2], $0x80, $0x38;
	[tilespmem:$0x10200] =	vst v63  }
0x66: {  	_ =	swait.ge [sflag:s3], $0x80  }
0x67: {  	[sflag:s3] =	ssyncset.done $0x0  }
0x68: {  	[sflag:s3] =	ssyncadd.s32 $0xFFFFFF80  }
0x69: {  	[tilespmem:s15], [sflag:$0x1] =	stream.indirect.gather [hbm4b:s5+s6], $0x80, s14, s6, $0xb8;
	[tilespmem:$0x10200] =	vst v63  }
0x6a: {  	_ =	swait.ge [sflag:s16], $0x4000  }
0x6b: {  	[sflag:s16] =	ssyncset.done $0x0  }
0x6c: {  	[sflag:s16] =	ssyncadd.s32 $0xFFFFC000  }
0x6d: {  	[hbm4b:s17+s2] =	stream.linear.scatter [tilespmem:s7], [sflag:$0x2], $0x4000, $0x38;
	[tilespmem:$0x10200] =	vst v63  }
0x6e: {  	_ =	swait.ge [sflag:s3], $0x4000  }
0x6f: {  	[sflag:s3] =	ssyncset.done $0x0  }
0x70: {  	[sflag:s3] =	ssyncadd.s32 $0xFFFFC000  }
0x71: {  	[tilespmem:s2], [sflag:$0x2] =	stream.linear.gather [hbm4b:s18+s2], $0x80, $0x38;
	[tilespmem:$0x10200] =	vst v63  }
0x72: {  	_ =	swait.ge [sflag:s3], $0x80  }
0x73: {  	[sflag:s3] =	ssyncset.done $0x0  }
0x74: {  	[sflag:s3] =	ssyncadd.s32 $0xFFFFFF80  }
0x75: {  	[tilespmem:s7], [sflag:$0x1] =	stream.indirect.gather [hbm4b:s5+s6], $0x80, s2, s6, $0xb8;
	[tilespmem:$0x10200] =	vst v63  }
0x76: {  	_ =	swait.ge [sflag:s16], $0x4000  }
0x77: {  	[sflag:s16] =	ssyncset.done $0x0  }
0x78: {  	[sflag:s16] =	ssyncadd.s32 $0xFFFFC000  }
0x79: {  	[hbm4b:s19+s2] =	stream.linear.scatter [tilespmem:s9], [sflag:$0x2], $0x4000, $0x38;
	[tilespmem:$0x10200] =	vst v63  }
0x7a: {  	_ =	swait.ge [sflag:s3], $0x4000  }
0x7b: {  	[sflag:s3] =	ssyncset.done $0x0  }
0x7c: {  	[sflag:s3] =	ssyncadd.s32 $0xFFFFC000  }
0x7d: {  	[tilespmem:s6], [sflag:$0x2] =	stream.linear.gather [hbm4b:s20+s2], $0x80, $0x38;
	[tilespmem:$0x10200] =	vst v63  }
0x7e: {  	_ =	swait.ge [sflag:s3], $0x80  }
0x7f: {  	[sflag:s3] =	ssyncset.done $0x0  }
0x80: {  	[sflag:s3] =	ssyncadd.s32 $0xFFFFFF80  }
0x81: {  	[tilespmem:s9], [sflag:$0x1] =	stream.indirect.gather [hbm4b:s5+s6], $0x80, s6, s6, $0xb8;
	[tilespmem:$0x10200] =	vst v63  }
0x82: {  	_ =	swait.ge [sflag:s16], $0x4000  }
0x83: {  	[sflag:s16] =	ssyncset.done $0x0  }
0x84: {  	[sflag:s16] =	ssyncadd.s32 $0xFFFFC000  }
0x85: {  	[hbm4b:s21+s2] =	stream.linear.scatter [tilespmem:s12], [sflag:$0x2], $0x4000, $0x38;
	[tilespmem:$0x10200] =	vst v63  }
0x86: {  	_ =	swait.ge [sflag:s3], $0x4000  }
0x87: {  	[sflag:s3] =	ssyncset.done $0x0  }
0x88: {  	[sflag:s3] =	ssyncadd.s32 $0xFFFFC000  }
0x89: {  	_ =	swait.ge [sflag:s16], $0x4000  }
0x8a: {  	[sflag:s16] =	ssyncset.done $0x0  }
0x8b: {  	[sflag:s16] =	ssyncadd.s32 $0xFFFFC000  }
0x8c: {  	[hbm4b:s22+s2] =	stream.linear.scatter [tilespmem:s15], [sflag:$0x2], $0x4000, $0x38;
	[tilespmem:$0x10200] =	vst v63  }
0x8d: {  	_ =	swait.ge [sflag:s3], $0x4000  }
0x8e: {  	[sflag:s3] =	ssyncset.done $0x0  }
0x8f: {  	[sflag:s3] =	ssyncadd.s32 $0xFFFFC000  }
0x90: {  	_ =	swait.ge [sflag:s16], $0x4000  }
0x91: {  	[sflag:s16] =	ssyncset.done $0x0  }
0x92: {  	[sflag:s16] =	ssyncadd.s32 $0xFFFFC000  }
0x93: {  	[hbm4b:s23+s2] =	stream.linear.scatter [tilespmem:s7], [sflag:$0x2], $0x4000, $0x38;
	[tilespmem:$0x10200] =	vst v63  }
0x94: {  	_ =	swait.ge [sflag:s3], $0x4000  }
0x95: {  	[sflag:s3] =	ssyncset.done $0x0  }
0x96: {  	[sflag:s3] =	ssyncadd.s32 $0xFFFFC000  }
0x97: {  	_ =	swait.ge [sflag:s16], $0x4000  }
.Ltmp1:
0x98: {  	[sflag:s16] =	ssyncset.done $0x0;
	(pc) =	sbr.rel @p0 .LBB2_1-.Ltmp1, $4  }
0x99: {  	[sflag:s16] =	ssyncadd.s32 $0xFFFFC000  }
0x9a: {  	[hbm4b:s24+s2] =	stream.linear.scatter [tilespmem:s9], [sflag:$0x2], $0x4000, $0x38;
	[tilespmem:$0x10200] =	vst v63  }
0x9b: {  	_ =	swait.ge [sflag:s3], $0x4000  }
0x9c: {  	[sflag:s3] =	ssyncset.done $0x0  }
.LBB2_2:
0x9d: {  	[sflag:s3] =	ssyncadd.s32 $0xFFFFC000  }
0x9e: {  	_ =	sfence.sel $0x180000  }
0x9f: {  	[bflag:$0x0] =	sbarrier.arrive $0xFFFF  }
0xa0: {  	p0 =	sne.s32 s0, $0x0;
	_ =	strace $0x90000047  }
0xa1: {  	s0 =	sadd.s32 @!p0 $0x100000, s1;
	[bflag:$0x2] =	sbarrier.arrive $0xFFFF  }
0xa2: {  	[sflag:s0] =	ssyncadd.tile.s32 @!p0 $0x1;
	_ =	shalt  }
.Lfunc_end2:
_tile_overlayer_lowered:
.L_overlay_start_2:
0xa3: {  	(tag) =	ssettag $0x2  }
0xa4: {  	s0 =	rddreg [dreg:$0x0];
	s2 =	stileid.u32  }
0xa5: {  	s1 =	rddreg [dreg:$0x1];
	p0 =	sne.s32 s2, $0x0  }
0xa6: {  	s3 =	rddreg [dreg:$0x2];
	[bflag:$0x3] =	sbarrier.arrive $0xFFFF;
	s2 =	simm.s32 @!p0 $0x1C02  }
0xa7: {  	[timem:s3], [sflag:s2] =	dma.local @!p0 [hbm:s0], s1  }
0xa8: {  	s0 =	simm.s32 @!p0 $0x2  }
0xa9: {  	_ =	swait.ge @!p0 [sflag:s0], s1  }
0xaa: {  	s1 =	ssub.s32 @!p0 $0x0, s1;
	[sflag:s0] =	ssyncset.done @!p0 $0x0  }
0xab: {  	[sflag:s0] =	ssyncadd.s32 @!p0 s1  }
0xac: {  	[bflag:$0x3] =	sbarrier.arrive $0xFFFF  }
0xad: {  	_ =	shalt  }

// kernel: kernel.13.cloned.1.call-start
scs
__scs_entry_jumppad:
0x0: {  	(pc) =	sbr.rel $0x88, $3  }
0x1: {  	(tag) =	ssettag $0x0;
	lr =	simm.s32 $0x1  }
0x2: {  	[smem:$0x3F8F] =	sst lr;
	_ =	strace $0xD0000000  }
0x3: {  	_ = 	snop  }
0x4: {  	_ = 	snop  }
0x5: {  	_ = 	snop  }
0x6: {  	_ = 	snop  }
0x7: {  	_ = 	snop  }
__scs_overlays_trampoline_lowered:
0x8: {  	[smem:$0x3F9E] =	sst s0  }
0x9: {  	[smem:$0x3F9F] =	sst s1  }
0xa: {  	[smem:$0x3FA0] =	sst s2  }
0xb: {  	[smem:$0x3FA1] =	sst s3  }
0xc: {  	[smem:$0x3FA2] =	sst s4  }
0xd: {  	[smem:$0x3FA3] =	sst s5  }
0xe: {  	[smem:$0x3FA4] =	sst s6  }
0xf: {  	[smem:$0x3FA5] =	sst s7  }
0x10: {  	[smem:$0x3FA6] =	sst s8  }
0x11: {  	[smem:$0x3FA7] =	sst s9;
	s0 =	simm.s32 @!p0 $0x0  }
0x12: {  	s1 =	sld [smem:$0x3F8D];
	s0 =	simm.s32 @p0 $0x1  }
0x13: {  	[smem:$0x3FA8] =	sst s0;
	s0 =	simm.s32 @!p1 $0x0  }
0x14: {  	s2 =	sld [smem:$0x3F8C];
	s0 =	simm.s32 @p1 $0x1  }
0x15: {  	[smem:$0x3FA9] =	sst s0;
	s0 =	simm.s32 @!p2 $0x0  }
0x16: {  	s3 =	sld [smem:$0x3FDB];
	s0 =	simm.s32 @p2 $0x1  }
0x17: {  	s4 =	simm.s32 $0x1BF5;
	[smem:$0x3FAB] =	sst s0  }
0x18: {  	s0 =	sld [smem:$0x3F8E];
	_ =	swait.ge [sflag:s4], $0x0  }
0x19: {  	s7 =	sld [smem:$0x3F8F]  }
0x1a: {  	s8 =	sadd.s32 $0xFFFFE003, lr  }
0x1b: {  	s9 =	sadd.s32 $0xFFFFFEF7, lr;
	s5 =	simm.s32 $0xFFFFFFFF;
	p2 =	slt.u32 s8, $0xFFFFF086  }
0x1c: {  	p1 =	slt.u32 s9, $0xF7A;
	s5 =	simm.s32 @!p2 $0x0  }
0x1d: {  	s5 =	simm.s32 @p1 $0x1;
	p0 =	seq.s32 s7, s2  }
0x1e: {  	s7 =	smul.u32 @!p0 $0xF7A, s2;
	p2 =	seq.s32 @!p0 s5, $0x0  }
0x1f: {  	s9 =	smul.u32 $0xF7A, s1;
	s8 =	simm.s32 @!p0 $0x1BF5;
	p2 =	por !p2, p0  }
0x20: {  	[sflag:s8] =	ssyncset.s32 @!p0 $0xFFFFF086;
	s6 =	sadd.s32 @!p0 s3, s7;
	s7 =	simm.s32 @!p0 $0x108  }
0x21: {  	s3 =	sadd.s32 s3, s9;
	s6 =	sadd.s32 @!p0 $0x88, s6;
	s7 =	simm.s32 @p2 $0x1082  }
0x22: {  	[simem:s7], [sflag:s8] =	dma.local @!p0 [hbm:s6], $0xF7A  }
0x23: {  	s9 =	sor.u32 $0xD0000000, s2;
	s6 =	simm.s32 $0x108;
	_ =	swait.ge @!p0 [sflag:s8], $0x0  }
0x24: {  	s3 =	sadd.s32 $0x88, s3;
	s6 =	simm.s32 @!p1 $0x1082;
	[sflag:s4] =	ssyncset.s32 $0xFFFFF086  }
0x25: {  	[simem:s6], [sflag:s4] =	dma.local [hbm:s3], $0xF7A  }
0x26: {  	[smem:$0x3F8F] =	sst s1;
	(tag) =	ssettag s2;
	_ =	strace s9  }
0x27: {  	s1 =	sld [smem:$0x3F9F]  }
0x28: {  	s2 =	sld [smem:$0x3FA0]  }
0x29: {  	s4 =	sld [smem:$0x3FA2]  }
0x2a: {  	p0 =	seq.s32 s5, $0x0;
	s5 =	sld [smem:$0x3FA3]  }
0x2b: {  	s6 =	sld [smem:$0x3FA4]  }
0x2c: {  	s7 =	sld [smem:$0x3FA5]  }
0x2d: {  	s3 =	simm.s32 $0x108;
	s8 =	sld [smem:$0x3FA6]  }
0x2e: {  	s3 =	simm.s32 @!p0 $0x1082;
	s9 =	sld [smem:$0x3FA7]  }
0x2f: {  	lr =	sadd.s32 s0, s3;
	s0 =	sld [smem:$0x3F9E]  }
0x30: {  	s3 =	sld [smem:$0x3FA1]  }
0x31: {  	[smem:$0x3FAA] =	sst s10  }
0x32: {  	s10 =	sld [smem:$0x3FA8];
	_ =	sdelay $0x3  }
0x33: {  	p0 =	seq.s32 s10, $0x1;
	s10 =	sld [smem:$0x3FAA];
	_ =	sdelay $0x3  }
0x34: {  	[smem:$0x3FAA] =	sst s10  }
0x35: {  	s10 =	sld [smem:$0x3FA9];
	_ =	sdelay $0x3  }
0x36: {  	p1 =	seq.s32 s10, $0x1;
	s10 =	sld [smem:$0x3FAA];
	_ =	sdelay $0x3  }
0x37: {  	[smem:$0x3FAA] =	sst s10  }
0x38: {  	s10 =	sld [smem:$0x3FAB]  }
0x39: {  	_ = 	snop;
	(pc) =	sbr.ind lr, $3  }
0x3a: {  	_ = 	snop  }
0x3b: {  	_ = 	snop  }
0x3c: {  	p2 =	seq.s32 s10, $0x1;
	s10 =	sld [smem:$0x3FAA]  }
0x3d: {  	_ =	shalt  }
0x3e: {  	_ =	shalt  }
0x3f: {  	_ =	shalt  }
0x40: {  	_ =	shalt  }
0x41: {  	_ =	shalt  }
0x42: {  	_ =	shalt  }
0x43: {  	_ =	shalt  }
0x44: {  	_ =	shalt  }
0x45: {  	_ =	shalt  }
0x46: {  	_ =	shalt  }
0x47: {  	_ =	shalt  }
0x48: {  	_ =	shalt  }
0x49: {  	_ =	shalt  }
0x4a: {  	_ =	shalt  }
0x4b: {  	_ =	shalt  }
0x4c: {  	_ =	shalt  }
0x4d: {  	_ =	shalt  }
0x4e: {  	_ =	shalt  }
0x4f: {  	_ =	shalt  }
0x50: {  	_ =	shalt  }
0x51: {  	_ =	shalt  }
0x52: {  	_ =	shalt  }
0x53: {  	_ =	shalt  }
0x54: {  	_ =	shalt  }
0x55: {  	_ =	shalt  }
0x56: {  	_ =	shalt  }
0x57: {  	_ =	shalt  }
0x58: {  	_ =	shalt  }
0x59: {  	_ =	shalt  }
0x5a: {  	_ =	shalt  }
0x5b: {  	_ =	shalt  }
0x5c: {  	_ =	shalt  }
0x5d: {  	_ =	shalt  }
0x5e: {  	_ =	shalt  }
0x5f: {  	_ =	shalt  }
0x60: {  	_ =	shalt  }
0x61: {  	_ =	shalt  }
0x62: {  	_ =	shalt  }
0x63: {  	_ =	shalt  }
0x64: {  	_ =	shalt  }
0x65: {  	_ =	shalt  }
0x66: {  	_ =	shalt  }
0x67: {  	_ =	shalt  }
0x68: {  	_ =	shalt  }
0x69: {  	_ =	shalt  }
0x6a: {  	_ =	shalt  }
0x6b: {  	_ =	shalt  }
0x6c: {  	_ =	shalt  }
0x6d: {  	_ =	shalt  }
0x6e: {  	_ =	shalt  }
0x6f: {  	_ =	shalt  }
0x70: {  	_ =	shalt  }
0x71: {  	_ =	shalt  }
0x72: {  	_ =	shalt  }
0x73: {  	_ =	shalt  }
0x74: {  	_ =	shalt  }
0x75: {  	_ =	shalt  }
0x76: {  	_ =	shalt  }
0x77: {  	_ =	shalt  }
0x78: {  	_ =	shalt  }
0x79: {  	_ =	shalt  }
0x7a: {  	_ =	shalt  }
0x7b: {  	_ =	shalt  }
0x7c: {  	_ =	shalt  }
0x7d: {  	_ =	shalt  }
0x7e: {  	_ =	shalt  }
0x7f: {  	_ =	shalt  }
0x80: {  	_ =	shalt  }
0x81: {  	_ =	shalt  }
0x82: {  	_ =	shalt  }
0x83: {  	_ =	shalt  }
0x84: {  	_ =	shalt  }
0x85: {  	_ =	shalt  }
0x86: {  	_ =	shalt  }
0x87: {  	_ =	shalt  }
.Lfunc_end0:
.L_simem_size_0:
called_computation.1_lowered:
.L_overlay_start_0:
0x88: {  	s2 =	sld [smem:$0x3FD9]  }
0x89: {  	s3 =	sld [smem:$0x3FFE];
	_ =	sdelay $0x1  }
0x8a: {  	s1 =	srdreg.scid  }
0x8b: {  	s0 =	sand.u32 $0x1, s1  }
0x8c: {  	s17 =	sshll.u32 s0, $0xA;
	s2 =	sadd.s32 s3, s2  }
0x8d: {  	s2 =	sadd.s32 s2, s17  }
0x8e: {  	[smem:$0x3FB6] =	sst s2  }
0x8f: {  	_ = 	snop  }
0x90: {  	(tm) =	ssettm $0x1  }
0x91: {  	s18 =	sld [smem:$0x3FFB];
	_ =	sdelay $0x3  }
0x92: {  	_ =	strace s18  }
0x93: {  	s2 =	sld [smem:$0x3FFC];
	_ =	sdelay $0x3  }
0x94: {  	_ =	strace s2  }
0x95: {  	s2 =	sld [smem:$0x3FFD];
	_ =	sdelay $0x3  }
0x96: {  	_ =	strace s2  }
0x97: {  	_ =	strace $0x8FFFFFFF  }
0x98: {  	s19 =	sld [smem:$0x3FDB];
	_ =	sdelay $0x1  }
0x99: {  	s20 =	simm.s32 $_scs_section_size  }
0x9a: {  	s4 =	simm.s32 $_size__tile_overlayer_lowered;
	s5 =	simm.s32 $_tile_overlayer_lowered  }
0x9b: {  	s6 =	simm.s32 $0x1BFF;
	s21 =	sshll.u32 s5, $0x1;
	s3 =	sadd.s32 s20, s19  }
0x9c: {  	s22 =	simm.s32 $0x0;
	s4 =	sshll.u32 s4, $0x1;
	s5 =	sadd.s32 s21, s3  }
0x9d: {  	[timem:s22], [sflag:s6] =	dma.local [hbm:s5], s4  }
0x9e: {  	_ =	swait.ge [sflag:s6], s4  }
0x9f: {  	s4 =	ssub.s32 $0x0, s4;
	[sflag:s6] =	ssyncset.done $0x0  }
0xa0: {  	[sflag:s6] =	ssyncadd.s32 s4;
	_ =	sdelay $0x1  }
0xa1: {  	s23 =	simm.s32 $0x1B8B  }
0xa2: {  	_ =	swait.ge [sflag:s23], $0x1  }
0xa3: {  	[sflag:s23] =	ssyncset.done $0x0  }
0xa4: {  	[sflag:s23] =	ssyncadd.s32 $0xFFFFFFFF  }
0xa5: {  	s4 =	sld [smem:$0x0]  }
0xa6: {  	s5 =	sand.u32 $0xFFFFFFFE, s1  }
0xa7: {  	p0 =	sne.s32 s1, s5  }
0xa8: {  	s5 =	sshll.u32 @p0 s5, $0xE  }
0xa9: {  	s5 =	sadd.s32 @p0 $0x11B8D, s5;
	s6 =	sshll.u32 @p0 s4, $0x11  }
0xaa: {  	s5 =	sor.u32 @p0 s6, s5  }
0xab: {  	[sflag:s5] =	ssyncadd.remote.s32 @p0 $0x1;
	_ =	sdelay $0x1  }
0xac: {  	s5 =	simm.s32 @p0 $0x1B8D  }
0xad: {  	_ =	swait.eq @p0 [sflag:s5], $0x1  }
0xae: {  	[sflag:s5] =	ssyncadd.s32 @p0 $0xFFFFFFFF  }
0xaf: {  	s6 =	sshll.u32 @!p0 s1, $0xE  }
0xb0: {  	s6 =	sor.u32 @!p0 $0x4000, s6;
	s5 =	simm.s32 @!p0 $0x1B8D  }
0xb1: {  	s4 =	sshll.u32 @!p0 s4, $0x11;
	s6 =	sadd.s32 @!p0 $0x11B8D, s6;
	_ =	swait.eq @!p0 [sflag:s5], $0x1  }
0xb2: {  	s4 =	sor.u32 @!p0 s4, s6;
	[sflag:s5] =	ssyncadd.s32 @!p0 $0xFFFFFFFF  }
0xb3: {  	s25 =	simm.s32 $0x1B8E;
	s24 =	sld [smem:$0x3FFE];
	[sflag:s4] =	ssyncadd.remote.s32 @!p0 $0x1  }
0xb4: {  	s26 =	simm.s32 $execute0_lowered;
	[smem:$0x3FD2] =	sst s25  }
0xb5: {  	s5 =	sshll.u32 s26, $0x1;
	_ =	strace $0x80000049;
	[dreg:$0x1] =	wrdreg $0xFFFFFFFF  }
0xb6: {  	s28 =	simm.s32 $_size_execute0_lowered;
	s3 =	sadd.s32 s3, s5;
	[dreg:$0x0] =	wrdreg $0x0  }
0xb7: {  	s5 =	sshll.u32 s28, $0x1;
	[dreg:$0x2] =	wrdreg s3  }
0xb8: {  	[dreg:$0x3] =	wrdreg s5  }
0xb9: {  	[dreg:$0x4] =	wrdreg $0xC0  }
0xba: {  	_ =	task [dreg:s22], $0x5FFFF  }
0xbb: {  	[dreg:$0x1] =	wrdreg $0xFFFFFFFF  }
0xbc: {  	[dreg:$0x0] =	wrdreg $0x60  }
0xbd: {  	[dreg:$0x2] =	wrdreg s24  }
0xbe: {  	[dreg:$0x3] =	wrdreg $0xA  }
0xbf: {  	_ =	task.clear_ibuf [dreg:s22], $0x4FFFF;
	_ =	strace $0x90000049  }
0xc0: {  	s29 =	simm.s32 $0xA;
	_ =	strace $0x8000004B  }
0xc1: {  	_ =	swait.ge [sflag:s29], $0x1  }
0xc2: {  	[sflag:s29] =	ssyncadd.s32 $0xFFFFFFFF  }
0xc3: {  	_ =	strace $0x9000004B  }
0xc4: {  	_ =	sfence  }
0xc5: {  	s30 =	sld [smem:$0x0];
	_ =	sdelay $0x2  }
0xc6: {  	s31 =	sshll.u32 s1, $0xD;
	s1 =	sshrl.u32 s1, $0x2  }
0xc7: {  	s4 =	sand.u32 $0x4000, s31;
	s1 =	sadd.s32 s1, s30  }
0xc8: {  	s0 =	sor.u32 s4, s0;
	s1 =	sshll.u32 s1, $0x11  }
0xc9: {  	s0 =	sor.u32 s1, s0  }
0xca: {  	s0 =	sadd.s32 $0x8F2B, s0  }
0xcb: {  	[sflag:s0] =	ssyncadd.remote.s32 $0x1  }
0xcc: {  	_ =	sfence.sel $0xFFFF  }
0xcd: {  	[dreg:$0x0] =	wrdreg $0xFFFFFFFF;
	(pc) =	sbr.abs _section_cstart, $3  }
0xce: {  	[dreg:$0x1] =	wrdreg $0xFFFFFFFF  }
0xcf: {  	_ =	task.clear_ibuf [dreg:s22], $0x2FFFF;
	_ =	strace $0x9FFFFFFF  }
0xd0: {  	(tm) =	ssettm $0x7FFFFFFF  }
0xd1: {  	_ =	shalt  }
tec
execute0_lowered:
.L_overlay_start_1:
0x0: {  	(tag) =	ssettag $0x1  }
0x1: {  	s1 =	srdreg.scid;
	s0 =	stileid.u32  }
0x2: {  	s24 =	sand.u32 $0x1, s1;
	s30 =	sshll.u32 s0, $0x1  }
0x3: {  	s21 =	sor.u32 s24, s30  }
0x4: {  	s3 =	smul.u32 $0x300, s21  }
0x5: {  	s17 =	rddreg [dreg:$0x0]  }
0x6: {  	s2 =	simm.s32 $0x0;
	s1 =	rddreg [dreg:$0x1];
	s3 =	sshrl.u32 s3, $0x3  }
0x7: {  	[smem:$0x7FF] =	sst s2;
	s20 =	sadd.s32 s3, s17  }
0x8: {  	_ =	strace $0x8000004A;
	s3 =	simm.s32 $0x2;
	s4 =	sadd.s32 $0x4C00, s20  }
0x9: {  	[tilespmem:s2], [sflag:$0x2] =	stream.linear.gather [hbm4b:s4+s2], $0x80, $0x38;
	[tilespmem:$0x10200] =	vst v63  }
0xa: {  	_ =	swait.ge [sflag:s3], $0x80  }
0xb: {  	s6 =	simm.s32 $0x80;
	[sflag:s3] =	ssyncset.done $0x0  }
0xc: {  	s7 =	simm.s32 $0x200;
	s5 =	sadd.s32 $0x621800, s17;
	[sflag:s3] =	ssyncadd.s32 $0xFFFFFF80  }
0xd: {  	[tilespmem:s7], [sflag:$0x1] =	stream.indirect.gather [hbm4b:s5+s6], $0x80, s2, s6, $0xb8;
	[tilespmem:$0x10200] =	vst v63  }
0xe: {  	s8 =	sadd.s32 $0x4C10, s20  }
0xf: {  	[tilespmem:s6], [sflag:$0x2] =	stream.linear.gather [hbm4b:s8+s2], $0x80, $0x38;
	[tilespmem:$0x10200] =	vst v63  }
0x10: {  	_ =	swait.ge [sflag:s3], $0x80  }
0x11: {  	[sflag:s3] =	ssyncset.done $0x0  }
0x12: {  	s9 =	simm.s32 $0x4200;
	[sflag:s3] =	ssyncadd.s32 $0xFFFFFF80  }
0x13: {  	[tilespmem:s9], [sflag:$0x1] =	stream.indirect.gather [hbm4b:s5+s6], $0x80, s6, s6, $0xb8;
	[tilespmem:$0x10200] =	vst v63  }
0x14: {  	s11 =	simm.s32 $0x100;
	s10 =	sadd.s32 $0x4C20, s20  }
0x15: {  	[tilespmem:s11], [sflag:$0x2] =	stream.linear.gather [hbm4b:s10+s2], $0x80, $0x38;
	[tilespmem:$0x10200] =	vst v63  }
0x16: {  	_ =	swait.ge [sflag:s3], $0x80  }
0x17: {  	[sflag:s3] =	ssyncset.done $0x0  }
0x18: {  	s12 =	simm.s32 $0x8200;
	[sflag:s3] =	ssyncadd.s32 $0xFFFFFF80  }
0x19: {  	[tilespmem:s12], [sflag:$0x1] =	stream.indirect.gather [hbm4b:s5+s6], $0x80, s11, s6, $0xb8;
	[tilespmem:$0x10200] =	vst v63  }
0x1a: {  	s14 =	simm.s32 $0x180;
	s13 =	sadd.s32 $0x4C30, s20  }
0x1b: {  	[tilespmem:s14], [sflag:$0x2] =	stream.linear.gather [hbm4b:s13+s2], $0x80, $0x38;
	[tilespmem:$0x10200] =	vst v63  }
0x1c: {  	_ =	swait.ge [sflag:s3], $0x80  }
0x1d: {  	[sflag:s3] =	ssyncset.done $0x0  }
0x1e: {  	s15 =	simm.s32 $0xC200;
	s16 =	simm.s32 $0x1;
	[sflag:s3] =	ssyncadd.s32 $0xFFFFFF80  }
0x1f: {  	[tilespmem:s15], [sflag:$0x1] =	stream.indirect.gather [hbm4b:s5+s6], $0x80, s14, s6, $0xb8;
	[tilespmem:$0x10200] =	vst v63  }
0x20: {  	s18 =	smul.u32 $0x3000, s21;
	_ =	swait.ge [sflag:s16], $0x4000  }
0x21: {  	s22 =	sadd.s32 $0x67000, s17;
	[sflag:s16] =	ssyncset.done $0x0  }
0x22: {  	s17 =	sadd.s32 s22, s18;
	[sflag:s16] =	ssyncadd.s32 $0xFFFFC000  }
0x23: {  	[hbm4b:s17+s2] =	stream.linear.scatter [tilespmem:s7], [sflag:$0x2], $0x4000, $0x38;
	[tilespmem:$0x10200] =	vst v63  }
0x24: {  	_ =	swait.ge [sflag:s3], $0x4000  }
0x25: {  	[sflag:s3] =	ssyncset.done $0x0  }
0x26: {  	s18 =	sadd.s32 $0x4C40, s20;
	[sflag:s3] =	ssyncadd.s32 $0xFFFFC000  }
0x27: {  	[tilespmem:s2], [sflag:$0x2] =	stream.linear.gather [hbm4b:s18+s2], $0x80, $0x38;
	[tilespmem:$0x10200] =	vst v63  }
0x28: {  	_ =	swait.ge [sflag:s3], $0x80  }
0x29: {  	[sflag:s3] =	ssyncset.done $0x0  }
0x2a: {  	[sflag:s3] =	ssyncadd.s32 $0xFFFFFF80  }
0x2b: {  	[tilespmem:s7], [sflag:$0x1] =	stream.indirect.gather [hbm4b:s5+s6], $0x80, s2, s6, $0xb8;
	[tilespmem:$0x10200] =	vst v63  }
0x2c: {  	_ =	swait.ge [sflag:s16], $0x4000  }
0x2d: {  	[sflag:s16] =	ssyncset.done $0x0  }
0x2e: {  	s19 =	sadd.s32 $0x800, s17;
	[sflag:s16] =	ssyncadd.s32 $0xFFFFC000  }
0x2f: {  	[hbm4b:s19+s2] =	stream.linear.scatter [tilespmem:s9], [sflag:$0x2], $0x4000, $0x38;
	[tilespmem:$0x10200] =	vst v63  }
0x30: {  	_ =	swait.ge [sflag:s3], $0x4000  }
0x31: {  	[sflag:s3] =	ssyncset.done $0x0  }
0x32: {  	s20 =	sadd.s32 $0x4C50, s20;
	[sflag:s3] =	ssyncadd.s32 $0xFFFFC000  }
0x33: {  	[tilespmem:s6], [sflag:$0x2] =	stream.linear.gather [hbm4b:s20+s2], $0x80, $0x38;
	[tilespmem:$0x10200] =	vst v63  }
0x34: {  	_ =	swait.ge [sflag:s3], $0x80  }
0x35: {  	[sflag:s3] =	ssyncset.done $0x0  }
0x36: {  	s21 =	smul.u32 $0x18000, s21;
	[sflag:s3] =	ssyncadd.s32 $0xFFFFFF80  }
0x37: {  	[tilespmem:s9], [sflag:$0x1] =	stream.indirect.gather [hbm4b:s5+s6], $0x80, s6, s6, $0xb8;
	[tilespmem:$0x10200] =	vst v63  }
0x38: {  	s21 =	sshrl.u32 s21, $0x3;
	_ =	swait.ge [sflag:s16], $0x4000  }
0x39: {  	s25 =	sadd.s32 s22, s21;
	[sflag:s16] =	ssyncset.done $0x0  }
0x3a: {  	s21 =	sadd.s32 $0x1000, s25;
	[sflag:s16] =	ssyncadd.s32 $0xFFFFC000  }
0x3b: {  	[hbm4b:s21+s2] =	stream.linear.scatter [tilespmem:s12], [sflag:$0x2], $0x4000, $0x38;
	[tilespmem:$0x10200] =	vst v63  }
0x3c: {  	_ =	swait.ge [sflag:s3], $0x4000  }
0x3d: {  	[sflag:s3] =	ssyncset.done $0x0  }
0x3e: {  	[sflag:s3] =	ssyncadd.s32 $0xFFFFC000  }
0x3f: {  	_ =	swait.ge [sflag:s16], $0x4000  }
0x40: {  	[sflag:s16] =	ssyncset.done $0x0  }
0x41: {  	s22 =	sadd.s32 $0x1800, s25;
	[sflag:s16] =	ssyncadd.s32 $0xFFFFC000  }
0x42: {  	[hbm4b:s22+s2] =	stream.linear.scatter [tilespmem:s15], [sflag:$0x2], $0x4000, $0x38;
	[tilespmem:$0x10200] =	vst v63  }
0x43: {  	_ =	swait.ge [sflag:s3], $0x4000  }
0x44: {  	[sflag:s3] =	ssyncset.done $0x0  }
0x45: {  	[sflag:s3] =	ssyncadd.s32 $0xFFFFC000  }
0x46: {  	_ =	swait.ge [sflag:s16], $0x4000  }
0x47: {  	[sflag:s16] =	ssyncset.done $0x0  }
0x48: {  	s24 =	ssub.s32 $0x2, s24;
	s23 =	sadd.s32 $0x2000, s25;
	[sflag:s16] =	ssyncadd.s32 $0xFFFFC000  }
0x49: {  	[hbm4b:s23+s2] =	stream.linear.scatter [tilespmem:s7], [sflag:$0x2], $0x4000, $0x38;
	[tilespmem:$0x10200] =	vst v63  }
0x4a: {  	s26 =	sshrl.u32 s24, $0x1;
	_ =	swait.ge [sflag:s3], $0x4000  }
0x4b: {  	s26 =	ssub.s32 s24, s26;
	[sflag:s3] =	ssyncset.done $0x0  }
0x4c: {  	s31 =	smax.u32 s26, $0x1;
	[sflag:s3] =	ssyncadd.s32 $0xFFFFC000  }
0x4d: {  	p0 =	sne.s32 s31, $0x1;
	_ =	swait.ge [sflag:s16], $0x4000  }
.Ltmp0:
0x4e: {  	[sflag:s16] =	ssyncset.done $0x0;
	(pc) =	sbr.rel @!p0 .LBB2_2-.Ltmp0, $4  }
0x4f: {  	s24 =	sadd.s32 $0x2800, s25;
	[sflag:s16] =	ssyncadd.s32 $0xFFFFC000  }
0x50: {  	[hbm4b:s24+s2] =	stream.linear.scatter [tilespmem:s9], [sflag:$0x2], $0x4000, $0x38;
	[tilespmem:$0x10200] =	vst v63  }
0x51: {  	_ =	swait.ge [sflag:s3], $0x4000  }
0x52: {  	s25 =	sadd.s32 $0xFFFFFFFF, s31;
	[sflag:s3] =	ssyncset.done $0x0  }
.LBB2_1:
0x53: {  	p0 =	sne.s32 s25, $0x1;
	s25 =	sadd.s32 $0xFFFFFFFF, s25;
	[sflag:s3] =	ssyncadd.s32 $0xFFFFC000  }
0x54: {  	[tilespmem:s2], [sflag:$0x2] =	stream.linear.gather [hbm4b:s4+s2], $0x80, $0x38;
	[tilespmem:$0x10200] =	vst v63  }
0x55: {  	_ =	swait.ge [sflag:s3], $0x80  }
0x56: {  	[sflag:s3] =	ssyncset.done $0x0  }
0x57: {  	[sflag:s3] =	ssyncadd.s32 $0xFFFFFF80  }
0x58: {  	[tilespmem:s7], [sflag:$0x1] =	stream.indirect.gather [hbm4b:s5+s6], $0x80, s2, s6, $0xb8;
	[tilespmem:$0x10200] =	vst v63  }
0x59: {  	_ = 	snop  }
0x5a: {  	[tilespmem:s6], [sflag:$0x2] =	stream.linear.gather [hbm4b:s8+s2], $0x80, $0x38;
	[tilespmem:$0x10200] =	vst v63  }
0x5b: {  	_ =	swait.ge [sflag:s3], $0x80  }
0x5c: {  	[sflag:s3] =	ssyncset.done $0x0  }
0x5d: {  	[sflag:s3] =	ssyncadd.s32 $0xFFFFFF80  }
0x5e: {  	[tilespmem:s9], [sflag:$0x1] =	stream.indirect.gather [hbm4b:s5+s6], $0x80, s6, s6, $0xb8;
	[tilespmem:$0x10200] =	vst v63  }
0x5f: {  	_ = 	snop  }
0x60: {  	[tilespmem:s11], [sflag:$0x2] =	stream.linear.gather [hbm4b:s10+s2], $0x80, $0x38;
	[tilespmem:$0x10200] =	vst v63  }
0x61: {  	_ =	swait.ge [sflag:s3], $0x80  }
0x62: {  	[sflag:s3] =	ssyncset.done $0x0  }
0x63: {  	[sflag:s3] =	ssyncadd.s32 $0xFFFFFF80  }
0x64: {  	[tilespmem:s12], [sflag:$0x1] =	stream.indirect.gather [hbm4b:s5+s6], $0x80, s11, s6, $0xb8;
	[tilespmem:$0x10200] =	vst v63  }
0x65: {  	_ = 	snop  }
0x66: {  	[tilespmem:s14], [sflag:$0x2] =	stream.linear.gather [hbm4b:s13+s2], $0x80, $0x38;
	[tilespmem:$0x10200] =	vst v63  }
0x67: {  	_ =	swait.ge [sflag:s3], $0x80  }
0x68: {  	[sflag:s3] =	ssyncset.done $0x0  }
0x69: {  	[sflag:s3] =	ssyncadd.s32 $0xFFFFFF80  }
0x6a: {  	[tilespmem:s15], [sflag:$0x1] =	stream.indirect.gather [hbm4b:s5+s6], $0x80, s14, s6, $0xb8;
	[tilespmem:$0x10200] =	vst v63  }
0x6b: {  	_ =	swait.ge [sflag:s16], $0x4000  }
0x6c: {  	[sflag:s16] =	ssyncset.done $0x0  }
0x6d: {  	[sflag:s16] =	ssyncadd.s32 $0xFFFFC000  }
0x6e: {  	[hbm4b:s17+s2] =	stream.linear.scatter [tilespmem:s7], [sflag:$0x2], $0x4000, $0x38;
	[tilespmem:$0x10200] =	vst v63  }
0x6f: {  	_ =	swait.ge [sflag:s3], $0x4000  }
0x70: {  	[sflag:s3] =	ssyncset.done $0x0  }
0x71: {  	[sflag:s3] =	ssyncadd.s32 $0xFFFFC000  }
0x72: {  	[tilespmem:s2], [sflag:$0x2] =	stream.linear.gather [hbm4b:s18+s2], $0x80, $0x38;
	[tilespmem:$0x10200] =	vst v63  }
0x73: {  	_ =	swait.ge [sflag:s3], $0x80  }
0x74: {  	[sflag:s3] =	ssyncset.done $0x0  }
0x75: {  	[sflag:s3] =	ssyncadd.s32 $0xFFFFFF80  }
0x76: {  	[tilespmem:s7], [sflag:$0x1] =	stream.indirect.gather [hbm4b:s5+s6], $0x80, s2, s6, $0xb8;
	[tilespmem:$0x10200] =	vst v63  }
0x77: {  	_ =	swait.ge [sflag:s16], $0x4000  }
0x78: {  	[sflag:s16] =	ssyncset.done $0x0  }
0x79: {  	[sflag:s16] =	ssyncadd.s32 $0xFFFFC000  }
0x7a: {  	[hbm4b:s19+s2] =	stream.linear.scatter [tilespmem:s9], [sflag:$0x2], $0x4000, $0x38;
	[tilespmem:$0x10200] =	vst v63  }
0x7b: {  	_ =	swait.ge [sflag:s3], $0x4000  }
0x7c: {  	[sflag:s3] =	ssyncset.done $0x0  }
0x7d: {  	[sflag:s3] =	ssyncadd.s32 $0xFFFFC000  }
0x7e: {  	[tilespmem:s6], [sflag:$0x2] =	stream.linear.gather [hbm4b:s20+s2], $0x80, $0x38;
	[tilespmem:$0x10200] =	vst v63  }
0x7f: {  	_ =	swait.ge [sflag:s3], $0x80  }
0x80: {  	[sflag:s3] =	ssyncset.done $0x0  }
0x81: {  	[sflag:s3] =	ssyncadd.s32 $0xFFFFFF80  }
0x82: {  	[tilespmem:s9], [sflag:$0x1] =	stream.indirect.gather [hbm4b:s5+s6], $0x80, s6, s6, $0xb8;
	[tilespmem:$0x10200] =	vst v63  }
0x83: {  	_ =	swait.ge [sflag:s16], $0x4000  }
0x84: {  	[sflag:s16] =	ssyncset.done $0x0  }
0x85: {  	[sflag:s16] =	ssyncadd.s32 $0xFFFFC000  }
0x86: {  	[hbm4b:s21+s2] =	stream.linear.scatter [tilespmem:s12], [sflag:$0x2], $0x4000, $0x38;
	[tilespmem:$0x10200] =	vst v63  }
0x87: {  	_ =	swait.ge [sflag:s3], $0x4000  }
0x88: {  	[sflag:s3] =	ssyncset.done $0x0  }
0x89: {  	[sflag:s3] =	ssyncadd.s32 $0xFFFFC000  }
0x8a: {  	_ =	swait.ge [sflag:s16], $0x4000  }
0x8b: {  	[sflag:s16] =	ssyncset.done $0x0  }
0x8c: {  	[sflag:s16] =	ssyncadd.s32 $0xFFFFC000  }
0x8d: {  	[hbm4b:s22+s2] =	stream.linear.scatter [tilespmem:s15], [sflag:$0x2], $0x4000, $0x38;
	[tilespmem:$0x10200] =	vst v63  }
0x8e: {  	_ =	swait.ge [sflag:s3], $0x4000  }
0x8f: {  	[sflag:s3] =	ssyncset.done $0x0  }
0x90: {  	[sflag:s3] =	ssyncadd.s32 $0xFFFFC000  }
0x91: {  	_ =	swait.ge [sflag:s16], $0x4000  }
0x92: {  	[sflag:s16] =	ssyncset.done $0x0  }
0x93: {  	[sflag:s16] =	ssyncadd.s32 $0xFFFFC000  }
0x94: {  	[hbm4b:s23+s2] =	stream.linear.scatter [tilespmem:s7], [sflag:$0x2], $0x4000, $0x38;
	[tilespmem:$0x10200] =	vst v63  }
0x95: {  	_ =	swait.ge [sflag:s3], $0x4000  }
0x96: {  	[sflag:s3] =	ssyncset.done $0x0  }
0x97: {  	[sflag:s3] =	ssyncadd.s32 $0xFFFFC000  }
0x98: {  	_ =	swait.ge [sflag:s16], $0x4000  }
.Ltmp1:
0x99: {  	[sflag:s16] =	ssyncset.done $0x0;
	(pc) =	sbr.rel @p0 .LBB2_1-.Ltmp1, $4  }
0x9a: {  	[sflag:s16] =	ssyncadd.s32 $0xFFFFC000  }
0x9b: {  	[hbm4b:s24+s2] =	stream.linear.scatter [tilespmem:s9], [sflag:$0x2], $0x4000, $0x38;
	[tilespmem:$0x10200] =	vst v63  }
0x9c: {  	_ =	swait.ge [sflag:s3], $0x4000  }
0x9d: {  	[sflag:s3] =	ssyncset.done $0x0  }
.LBB2_2:
0x9e: {  	[sflag:s3] =	ssyncadd.s32 $0xFFFFC000  }
0x9f: {  	_ =	sfence.sel $0x180000  }
0xa0: {  	[bflag:$0x0] =	sbarrier.arrive $0xFFFF  }
0xa1: {  	p0 =	sne.s32 s0, $0x0;
	_ =	strace $0x9000004A  }
0xa2: {  	s0 =	sadd.s32 @!p0 $0x100000, s1;
	[bflag:$0x2] =	sbarrier.arrive $0xFFFF  }
0xa3: {  	[sflag:s0] =	ssyncadd.tile.s32 @!p0 $0x1;
	_ =	shalt  }
.Lfunc_end2:
_tile_overlayer_lowered:
.L_overlay_start_2:
0xa4: {  	(tag) =	ssettag $0x2  }
0xa5: {  	s0 =	rddreg [dreg:$0x0];
	s2 =	stileid.u32  }
0xa6: {  	s1 =	rddreg [dreg:$0x1];
	p0 =	sne.s32 s2, $0x0  }
0xa7: {  	s3 =	rddreg [dreg:$0x2];
	[bflag:$0x3] =	sbarrier.arrive $0xFFFF;
	s2 =	simm.s32 @!p0 $0x1C02  }
0xa8: {  	[timem:s3], [sflag:s2] =	dma.local @!p0 [hbm:s0], s1  }
0xa9: {  	s0 =	simm.s32 @!p0 $0x2  }
0xaa: {  	_ =	swait.ge @!p0 [sflag:s0], s1  }
0xab: {  	s1 =	ssub.s32 @!p0 $0x0, s1;
	[sflag:s0] =	ssyncset.done @!p0 $0x0  }
0xac: {  	[sflag:s0] =	ssyncadd.s32 @!p0 s1  }
0xad: {  	[bflag:$0x3] =	sbarrier.arrive $0xFFFF  }
0xae: {  	_ =	shalt  }

// kernel: kernel.16.cloned.1.call-start
scs
__scs_entry_jumppad:
0x0: {  	(pc) =	sbr.rel $0x88, $3  }
0x1: {  	(tag) =	ssettag $0x0;
	lr =	simm.s32 $0x1  }
0x2: {  	[smem:$0x3F8F] =	sst lr;
	_ =	strace $0xD0000000  }
0x3: {  	_ = 	snop  }
0x4: {  	_ = 	snop  }
0x5: {  	_ = 	snop  }
0x6: {  	_ = 	snop  }
0x7: {  	_ = 	snop  }
__scs_overlays_trampoline_lowered:
0x8: {  	[smem:$0x3F9E] =	sst s0  }
0x9: {  	[smem:$0x3F9F] =	sst s1  }
0xa: {  	[smem:$0x3FA0] =	sst s2  }
0xb: {  	[smem:$0x3FA1] =	sst s3  }
0xc: {  	[smem:$0x3FA2] =	sst s4  }
0xd: {  	[smem:$0x3FA3] =	sst s5  }
0xe: {  	[smem:$0x3FA4] =	sst s6  }
0xf: {  	[smem:$0x3FA5] =	sst s7  }
0x10: {  	[smem:$0x3FA6] =	sst s8  }
0x11: {  	[smem:$0x3FA7] =	sst s9;
	s0 =	simm.s32 @!p0 $0x0  }
0x12: {  	s1 =	sld [smem:$0x3F8D];
	s0 =	simm.s32 @p0 $0x1  }
0x13: {  	[smem:$0x3FA8] =	sst s0;
	s0 =	simm.s32 @!p1 $0x0  }
0x14: {  	s2 =	sld [smem:$0x3F8C];
	s0 =	simm.s32 @p1 $0x1  }
0x15: {  	[smem:$0x3FA9] =	sst s0;
	s0 =	simm.s32 @!p2 $0x0  }
0x16: {  	s3 =	sld [smem:$0x3FDB];
	s0 =	simm.s32 @p2 $0x1  }
0x17: {  	s4 =	simm.s32 $0x1BF5;
	[smem:$0x3FAB] =	sst s0  }
0x18: {  	s0 =	sld [smem:$0x3F8E];
	_ =	swait.ge [sflag:s4], $0x0  }
0x19: {  	s7 =	sld [smem:$0x3F8F]  }
0x1a: {  	s8 =	sadd.s32 $0xFFFFE003, lr  }
0x1b: {  	s9 =	sadd.s32 $0xFFFFFEF7, lr;
	s5 =	simm.s32 $0xFFFFFFFF;
	p2 =	slt.u32 s8, $0xFFFFF086  }
0x1c: {  	p1 =	slt.u32 s9, $0xF7A;
	s5 =	simm.s32 @!p2 $0x0  }
0x1d: {  	s5 =	simm.s32 @p1 $0x1;
	p0 =	seq.s32 s7, s2  }
0x1e: {  	s7 =	smul.u32 @!p0 $0xF7A, s2;
	p2 =	seq.s32 @!p0 s5, $0x0  }
0x1f: {  	s9 =	smul.u32 $0xF7A, s1;
	s8 =	simm.s32 @!p0 $0x1BF5;
	p2 =	por !p2, p0  }
0x20: {  	[sflag:s8] =	ssyncset.s32 @!p0 $0xFFFFF086;
	s6 =	sadd.s32 @!p0 s3, s7;
	s7 =	simm.s32 @!p0 $0x108  }
0x21: {  	s3 =	sadd.s32 s3, s9;
	s6 =	sadd.s32 @!p0 $0x88, s6;
	s7 =	simm.s32 @p2 $0x1082  }
0x22: {  	[simem:s7], [sflag:s8] =	dma.local @!p0 [hbm:s6], $0xF7A  }
0x23: {  	s9 =	sor.u32 $0xD0000000, s2;
	s6 =	simm.s32 $0x108;
	_ =	swait.ge @!p0 [sflag:s8], $0x0  }
0x24: {  	s3 =	sadd.s32 $0x88, s3;
	s6 =	simm.s32 @!p1 $0x1082;
	[sflag:s4] =	ssyncset.s32 $0xFFFFF086  }
0x25: {  	[simem:s6], [sflag:s4] =	dma.local [hbm:s3], $0xF7A  }
0x26: {  	[smem:$0x3F8F] =	sst s1;
	(tag) =	ssettag s2;
	_ =	strace s9  }
0x27: {  	s1 =	sld [smem:$0x3F9F]  }
0x28: {  	s2 =	sld [smem:$0x3FA0]  }
0x29: {  	s4 =	sld [smem:$0x3FA2]  }
0x2a: {  	p0 =	seq.s32 s5, $0x0;
	s5 =	sld [smem:$0x3FA3]  }
0x2b: {  	s6 =	sld [smem:$0x3FA4]  }
0x2c: {  	s7 =	sld [smem:$0x3FA5]  }
0x2d: {  	s3 =	simm.s32 $0x108;
	s8 =	sld [smem:$0x3FA6]  }
0x2e: {  	s3 =	simm.s32 @!p0 $0x1082;
	s9 =	sld [smem:$0x3FA7]  }
0x2f: {  	lr =	sadd.s32 s0, s3;
	s0 =	sld [smem:$0x3F9E]  }
0x30: {  	s3 =	sld [smem:$0x3FA1]  }
0x31: {  	[smem:$0x3FAA] =	sst s10  }
0x32: {  	s10 =	sld [smem:$0x3FA8];
	_ =	sdelay $0x3  }
0x33: {  	p0 =	seq.s32 s10, $0x1;
	s10 =	sld [smem:$0x3FAA];
	_ =	sdelay $0x3  }
0x34: {  	[smem:$0x3FAA] =	sst s10  }
0x35: {  	s10 =	sld [smem:$0x3FA9];
	_ =	sdelay $0x3  }
0x36: {  	p1 =	seq.s32 s10, $0x1;
	s10 =	sld [smem:$0x3FAA];
	_ =	sdelay $0x3  }
0x37: {  	[smem:$0x3FAA] =	sst s10  }
0x38: {  	s10 =	sld [smem:$0x3FAB]  }
0x39: {  	_ = 	snop;
	(pc) =	sbr.ind lr, $3  }
0x3a: {  	_ = 	snop  }
0x3b: {  	_ = 	snop  }
0x3c: {  	p2 =	seq.s32 s10, $0x1;
	s10 =	sld [smem:$0x3FAA]  }
0x3d: {  	_ =	shalt  }
0x3e: {  	_ =	shalt  }
0x3f: {  	_ =	shalt  }
0x40: {  	_ =	shalt  }
0x41: {  	_ =	shalt  }
0x42: {  	_ =	shalt  }
0x43: {  	_ =	shalt  }
0x44: {  	_ =	shalt  }
0x45: {  	_ =	shalt  }
0x46: {  	_ =	shalt  }
0x47: {  	_ =	shalt  }
0x48: {  	_ =	shalt  }
0x49: {  	_ =	shalt  }
0x4a: {  	_ =	shalt  }
0x4b: {  	_ =	shalt  }
0x4c: {  	_ =	shalt  }
0x4d: {  	_ =	shalt  }
0x4e: {  	_ =	shalt  }
0x4f: {  	_ =	shalt  }
0x50: {  	_ =	shalt  }
0x51: {  	_ =	shalt  }
0x52: {  	_ =	shalt  }
0x53: {  	_ =	shalt  }
0x54: {  	_ =	shalt  }
0x55: {  	_ =	shalt  }
0x56: {  	_ =	shalt  }
0x57: {  	_ =	shalt  }
0x58: {  	_ =	shalt  }
0x59: {  	_ =	shalt  }
0x5a: {  	_ =	shalt  }
0x5b: {  	_ =	shalt  }
0x5c: {  	_ =	shalt  }
0x5d: {  	_ =	shalt  }
0x5e: {  	_ =	shalt  }
0x5f: {  	_ =	shalt  }
0x60: {  	_ =	shalt  }
0x61: {  	_ =	shalt  }
0x62: {  	_ =	shalt  }
0x63: {  	_ =	shalt  }
0x64: {  	_ =	shalt  }
0x65: {  	_ =	shalt  }
0x66: {  	_ =	shalt  }
0x67: {  	_ =	shalt  }
0x68: {  	_ =	shalt  }
0x69: {  	_ =	shalt  }
0x6a: {  	_ =	shalt  }
0x6b: {  	_ =	shalt  }
0x6c: {  	_ =	shalt  }
0x6d: {  	_ =	shalt  }
0x6e: {  	_ =	shalt  }
0x6f: {  	_ =	shalt  }
0x70: {  	_ =	shalt  }
0x71: {  	_ =	shalt  }
0x72: {  	_ =	shalt  }
0x73: {  	_ =	shalt  }
0x74: {  	_ =	shalt  }
0x75: {  	_ =	shalt  }
0x76: {  	_ =	shalt  }
0x77: {  	_ =	shalt  }
0x78: {  	_ =	shalt  }
0x79: {  	_ =	shalt  }
0x7a: {  	_ =	shalt  }
0x7b: {  	_ =	shalt  }
0x7c: {  	_ =	shalt  }
0x7d: {  	_ =	shalt  }
0x7e: {  	_ =	shalt  }
0x7f: {  	_ =	shalt  }
0x80: {  	_ =	shalt  }
0x81: {  	_ =	shalt  }
0x82: {  	_ =	shalt  }
0x83: {  	_ =	shalt  }
0x84: {  	_ =	shalt  }
0x85: {  	_ =	shalt  }
0x86: {  	_ =	shalt  }
0x87: {  	_ =	shalt  }
.Lfunc_end0:
.L_simem_size_0:
called_computation.2_lowered:
.L_overlay_start_0:
0x88: {  	s2 =	sld [smem:$0x3FD9]  }
0x89: {  	s3 =	sld [smem:$0x3FFE];
	_ =	sdelay $0x1  }
0x8a: {  	s1 =	srdreg.scid  }
0x8b: {  	s0 =	sand.u32 $0x1, s1  }
0x8c: {  	s17 =	sshll.u32 s0, $0xA;
	s2 =	sadd.s32 s3, s2  }
0x8d: {  	s2 =	sadd.s32 s2, s17  }
0x8e: {  	[smem:$0x3FB6] =	sst s2  }
0x8f: {  	_ = 	snop  }
0x90: {  	(tm) =	ssettm $0x1  }
0x91: {  	s18 =	sld [smem:$0x3FFB];
	_ =	sdelay $0x3  }
0x92: {  	_ =	strace s18  }
0x93: {  	s2 =	sld [smem:$0x3FFC];
	_ =	sdelay $0x3  }
0x94: {  	_ =	strace s2  }
0x95: {  	s2 =	sld [smem:$0x3FFD];
	_ =	sdelay $0x3  }
0x96: {  	_ =	strace s2  }
0x97: {  	_ =	strace $0x8FFFFFFF  }
0x98: {  	s19 =	sld [smem:$0x3FDB];
	_ =	sdelay $0x1  }
0x99: {  	s20 =	simm.s32 $_scs_section_size  }
0x9a: {  	s4 =	simm.s32 $_size__tile_overlayer_lowered;
	s5 =	simm.s32 $_tile_overlayer_lowered  }
0x9b: {  	s6 =	simm.s32 $0x1BFF;
	s21 =	sshll.u32 s5, $0x1;
	s3 =	sadd.s32 s20, s19  }
0x9c: {  	s22 =	simm.s32 $0x0;
	s4 =	sshll.u32 s4, $0x1;
	s5 =	sadd.s32 s21, s3  }
0x9d: {  	[timem:s22], [sflag:s6] =	dma.local [hbm:s5], s4  }
0x9e: {  	_ =	swait.ge [sflag:s6], s4  }
0x9f: {  	s4 =	ssub.s32 $0x0, s4;
	[sflag:s6] =	ssyncset.done $0x0  }
0xa0: {  	[sflag:s6] =	ssyncadd.s32 s4;
	_ =	sdelay $0x1  }
0xa1: {  	s23 =	simm.s32 $0x1B8B  }
0xa2: {  	_ =	swait.ge [sflag:s23], $0x1  }
0xa3: {  	[sflag:s23] =	ssyncset.done $0x0  }
0xa4: {  	[sflag:s23] =	ssyncadd.s32 $0xFFFFFFFF  }
0xa5: {  	s4 =	sld [smem:$0x0]  }
0xa6: {  	s5 =	sand.u32 $0xFFFFFFFE, s1  }
0xa7: {  	p0 =	sne.s32 s1, s5  }
0xa8: {  	s5 =	sshll.u32 @p0 s5, $0xE  }
0xa9: {  	s5 =	sadd.s32 @p0 $0x11B8D, s5;
	s6 =	sshll.u32 @p0 s4, $0x11  }
0xaa: {  	s5 =	sor.u32 @p0 s6, s5  }
0xab: {  	[sflag:s5] =	ssyncadd.remote.s32 @p0 $0x1;
	_ =	sdelay $0x1  }
0xac: {  	s5 =	simm.s32 @p0 $0x1B8D  }
0xad: {  	_ =	swait.eq @p0 [sflag:s5], $0x1  }
0xae: {  	[sflag:s5] =	ssyncadd.s32 @p0 $0xFFFFFFFF  }
0xaf: {  	s6 =	sshll.u32 @!p0 s1, $0xE  }
0xb0: {  	s6 =	sor.u32 @!p0 $0x4000, s6;
	s5 =	simm.s32 @!p0 $0x1B8D  }
0xb1: {  	s4 =	sshll.u32 @!p0 s4, $0x11;
	s6 =	sadd.s32 @!p0 $0x11B8D, s6;
	_ =	swait.eq @!p0 [sflag:s5], $0x1  }
0xb2: {  	s4 =	sor.u32 @!p0 s4, s6;
	[sflag:s5] =	ssyncadd.s32 @!p0 $0xFFFFFFFF  }
0xb3: {  	s25 =	simm.s32 $0x1B8E;
	s24 =	sld [smem:$0x3FFE];
	[sflag:s4] =	ssyncadd.remote.s32 @!p0 $0x1  }
0xb4: {  	s26 =	simm.s32 $execute0_lowered;
	[smem:$0x3FD2] =	sst s25  }
0xb5: {  	s5 =	sshll.u32 s26, $0x1;
	_ =	strace $0x8000004C;
	[dreg:$0x1] =	wrdreg $0xFFFFFFFF  }
0xb6: {  	s28 =	simm.s32 $_size_execute0_lowered;
	s3 =	sadd.s32 s3, s5;
	[dreg:$0x0] =	wrdreg $0x0  }
0xb7: {  	s5 =	sshll.u32 s28, $0x1;
	[dreg:$0x2] =	wrdreg s3  }
0xb8: {  	[dreg:$0x3] =	wrdreg s5  }
0xb9: {  	[dreg:$0x4] =	wrdreg $0xC0  }
0xba: {  	_ =	task [dreg:s22], $0x5FFFF  }
0xbb: {  	[dreg:$0x1] =	wrdreg $0xFFFFFFFF  }
0xbc: {  	[dreg:$0x0] =	wrdreg $0x60  }
0xbd: {  	[dreg:$0x2] =	wrdreg s24  }
0xbe: {  	[dreg:$0x3] =	wrdreg $0xB  }
0xbf: {  	_ =	task.clear_ibuf [dreg:s22], $0x4FFFF;
	_ =	strace $0x9000004C  }
0xc0: {  	s29 =	simm.s32 $0xB;
	_ =	strace $0x8000004E  }
0xc1: {  	_ =	swait.ge [sflag:s29], $0x1  }
0xc2: {  	[sflag:s29] =	ssyncadd.s32 $0xFFFFFFFF  }
0xc3: {  	_ =	strace $0x9000004E  }
0xc4: {  	_ =	sfence  }
0xc5: {  	s30 =	sld [smem:$0x0];
	_ =	sdelay $0x2  }
0xc6: {  	s31 =	sshll.u32 s1, $0xD;
	s1 =	sshrl.u32 s1, $0x2  }
0xc7: {  	s4 =	sand.u32 $0x4000, s31;
	s1 =	sadd.s32 s1, s30  }
0xc8: {  	s0 =	sor.u32 s4, s0;
	s1 =	sshll.u32 s1, $0x11  }
0xc9: {  	s0 =	sor.u32 s1, s0  }
0xca: {  	s0 =	sadd.s32 $0x8F2B, s0  }
0xcb: {  	[sflag:s0] =	ssyncadd.remote.s32 $0x1  }
0xcc: {  	_ =	sfence.sel $0xFFFF  }
0xcd: {  	[dreg:$0x0] =	wrdreg $0xFFFFFFFF;
	(pc) =	sbr.abs _section_cstart, $3  }
0xce: {  	[dreg:$0x1] =	wrdreg $0xFFFFFFFF  }
0xcf: {  	_ =	task.clear_ibuf [dreg:s22], $0x2FFFF;
	_ =	strace $0x9FFFFFFF  }
0xd0: {  	(tm) =	ssettm $0x7FFFFFFF  }
0xd1: {  	_ =	shalt  }
tec
execute0_lowered:
.L_overlay_start_1:
0x0: {  	(tag) =	ssettag $0x1  }
0x1: {  	s1 =	srdreg.scid;
	s0 =	stileid.u32  }
0x2: {  	s24 =	sand.u32 $0x1, s1;
	s30 =	sshll.u32 s0, $0x1  }
0x3: {  	s21 =	sor.u32 s24, s30  }
0x4: {  	s3 =	smul.u32 $0x300, s21  }
0x5: {  	s17 =	rddreg [dreg:$0x0]  }
0x6: {  	s2 =	simm.s32 $0x0;
	s1 =	rddreg [dreg:$0x1];
	s3 =	sshrl.u32 s3, $0x3  }
0x7: {  	[smem:$0x7FF] =	sst s2;
	s20 =	sadd.s32 s3, s17  }
0x8: {  	_ =	strace $0x8000004D;
	s3 =	simm.s32 $0x2;
	s4 =	sadd.s32 $0x5800, s20  }
0x9: {  	[tilespmem:s2], [sflag:$0x2] =	stream.linear.gather [hbm4b:s4+s2], $0x80, $0x38;
	[tilespmem:$0x10200] =	vst v63  }
0xa: {  	_ =	swait.ge [sflag:s3], $0x80  }
0xb: {  	s6 =	simm.s32 $0x80;
	[sflag:s3] =	ssyncset.done $0x0  }
0xc: {  	s7 =	simm.s32 $0x200;
	s5 =	sadd.s32 $0x621800, s17;
	[sflag:s3] =	ssyncadd.s32 $0xFFFFFF80  }
0xd: {  	[tilespmem:s7], [sflag:$0x1] =	stream.indirect.gather [hbm4b:s5+s6], $0x80, s2, s6, $0xb8;
	[tilespmem:$0x10200] =	vst v63  }
0xe: {  	s8 =	sadd.s32 $0x5810, s20  }
0xf: {  	[tilespmem:s6], [sflag:$0x2] =	stream.linear.gather [hbm4b:s8+s2], $0x80, $0x38;
	[tilespmem:$0x10200] =	vst v63  }
0x10: {  	_ =	swait.ge [sflag:s3], $0x80  }
0x11: {  	[sflag:s3] =	ssyncset.done $0x0  }
0x12: {  	s9 =	simm.s32 $0x4200;
	[sflag:s3] =	ssyncadd.s32 $0xFFFFFF80  }
0x13: {  	[tilespmem:s9], [sflag:$0x1] =	stream.indirect.gather [hbm4b:s5+s6], $0x80, s6, s6, $0xb8;
	[tilespmem:$0x10200] =	vst v63  }
0x14: {  	s11 =	simm.s32 $0x100;
	s10 =	sadd.s32 $0x5820, s20  }
0x15: {  	[tilespmem:s11], [sflag:$0x2] =	stream.linear.gather [hbm4b:s10+s2], $0x80, $0x38;
	[tilespmem:$0x10200] =	vst v63  }
0x16: {  	_ =	swait.ge [sflag:s3], $0x80  }
0x17: {  	[sflag:s3] =	ssyncset.done $0x0  }
0x18: {  	s12 =	simm.s32 $0x8200;
	[sflag:s3] =	ssyncadd.s32 $0xFFFFFF80  }
0x19: {  	[tilespmem:s12], [sflag:$0x1] =	stream.indirect.gather [hbm4b:s5+s6], $0x80, s11, s6, $0xb8;
	[tilespmem:$0x10200] =	vst v63  }
0x1a: {  	s14 =	simm.s32 $0x180;
	s13 =	sadd.s32 $0x5830, s20  }
0x1b: {  	[tilespmem:s14], [sflag:$0x2] =	stream.linear.gather [hbm4b:s13+s2], $0x80, $0x38;
	[tilespmem:$0x10200] =	vst v63  }
0x1c: {  	_ =	swait.ge [sflag:s3], $0x80  }
0x1d: {  	[sflag:s3] =	ssyncset.done $0x0  }
0x1e: {  	s15 =	simm.s32 $0xC200;
	s16 =	simm.s32 $0x1;
	[sflag:s3] =	ssyncadd.s32 $0xFFFFFF80  }
0x1f: {  	[tilespmem:s15], [sflag:$0x1] =	stream.indirect.gather [hbm4b:s5+s6], $0x80, s14, s6, $0xb8;
	[tilespmem:$0x10200] =	vst v63  }
0x20: {  	s18 =	smul.u32 $0x3000, s21;
	_ =	swait.ge [sflag:s16], $0x4000  }
0x21: {  	s22 =	sadd.s32 $0xC7000, s17;
	[sflag:s16] =	ssyncset.done $0x0  }
0x22: {  	s17 =	sadd.s32 s22, s18;
	[sflag:s16] =	ssyncadd.s32 $0xFFFFC000  }
0x23: {  	[hbm4b:s17+s2] =	stream.linear.scatter [tilespmem:s7], [sflag:$0x2], $0x4000, $0x38;
	[tilespmem:$0x10200] =	vst v63  }
0x24: {  	_ =	swait.ge [sflag:s3], $0x4000  }
0x25: {  	[sflag:s3] =	ssyncset.done $0x0  }
0x26: {  	s18 =	sadd.s32 $0x5840, s20;
	[sflag:s3] =	ssyncadd.s32 $0xFFFFC000  }
0x27: {  	[tilespmem:s2], [sflag:$0x2] =	stream.linear.gather [hbm4b:s18+s2], $0x80, $0x38;
	[tilespmem:$0x10200] =	vst v63  }
0x28: {  	_ =	swait.ge [sflag:s3], $0x80  }
0x29: {  	[sflag:s3] =	ssyncset.done $0x0  }
0x2a: {  	[sflag:s3] =	ssyncadd.s32 $0xFFFFFF80  }
0x2b: {  	[tilespmem:s7], [sflag:$0x1] =	stream.indirect.gather [hbm4b:s5+s6], $0x80, s2, s6, $0xb8;
	[tilespmem:$0x10200] =	vst v63  }
0x2c: {  	_ =	swait.ge [sflag:s16], $0x4000  }
0x2d: {  	[sflag:s16] =	ssyncset.done $0x0  }
0x2e: {  	s19 =	sadd.s32 $0x800, s17;
	[sflag:s16] =	ssyncadd.s32 $0xFFFFC000  }
0x2f: {  	[hbm4b:s19+s2] =	stream.linear.scatter [tilespmem:s9], [sflag:$0x2], $0x4000, $0x38;
	[tilespmem:$0x10200] =	vst v63  }
0x30: {  	_ =	swait.ge [sflag:s3], $0x4000  }
0x31: {  	[sflag:s3] =	ssyncset.done $0x0  }
0x32: {  	s20 =	sadd.s32 $0x5850, s20;
	[sflag:s3] =	ssyncadd.s32 $0xFFFFC000  }
0x33: {  	[tilespmem:s6], [sflag:$0x2] =	stream.linear.gather [hbm4b:s20+s2], $0x80, $0x38;
	[tilespmem:$0x10200] =	vst v63  }
0x34: {  	_ =	swait.ge [sflag:s3], $0x80  }
0x35: {  	[sflag:s3] =	ssyncset.done $0x0  }
0x36: {  	s21 =	smul.u32 $0x18000, s21;
	[sflag:s3] =	ssyncadd.s32 $0xFFFFFF80  }
0x37: {  	[tilespmem:s9], [sflag:$0x1] =	stream.indirect.gather [hbm4b:s5+s6], $0x80, s6, s6, $0xb8;
	[tilespmem:$0x10200] =	vst v63  }
0x38: {  	s21 =	sshrl.u32 s21, $0x3;
	_ =	swait.ge [sflag:s16], $0x4000  }
0x39: {  	s25 =	sadd.s32 s22, s21;
	[sflag:s16] =	ssyncset.done $0x0  }
0x3a: {  	s21 =	sadd.s32 $0x1000, s25;
	[sflag:s16] =	ssyncadd.s32 $0xFFFFC000  }
0x3b: {  	[hbm4b:s21+s2] =	stream.linear.scatter [tilespmem:s12], [sflag:$0x2], $0x4000, $0x38;
	[tilespmem:$0x10200] =	vst v63  }
0x3c: {  	_ =	swait.ge [sflag:s3], $0x4000  }
0x3d: {  	[sflag:s3] =	ssyncset.done $0x0  }
0x3e: {  	[sflag:s3] =	ssyncadd.s32 $0xFFFFC000  }
0x3f: {  	_ =	swait.ge [sflag:s16], $0x4000  }
0x40: {  	[sflag:s16] =	ssyncset.done $0x0  }
0x41: {  	s22 =	sadd.s32 $0x1800, s25;
	[sflag:s16] =	ssyncadd.s32 $0xFFFFC000  }
0x42: {  	[hbm4b:s22+s2] =	stream.linear.scatter [tilespmem:s15], [sflag:$0x2], $0x4000, $0x38;
	[tilespmem:$0x10200] =	vst v63  }
0x43: {  	_ =	swait.ge [sflag:s3], $0x4000  }
0x44: {  	[sflag:s3] =	ssyncset.done $0x0  }
0x45: {  	[sflag:s3] =	ssyncadd.s32 $0xFFFFC000  }
0x46: {  	_ =	swait.ge [sflag:s16], $0x4000  }
0x47: {  	[sflag:s16] =	ssyncset.done $0x0  }
0x48: {  	s24 =	ssub.s32 $0x2, s24;
	s23 =	sadd.s32 $0x2000, s25;
	[sflag:s16] =	ssyncadd.s32 $0xFFFFC000  }
0x49: {  	[hbm4b:s23+s2] =	stream.linear.scatter [tilespmem:s7], [sflag:$0x2], $0x4000, $0x38;
	[tilespmem:$0x10200] =	vst v63  }
0x4a: {  	s26 =	sshrl.u32 s24, $0x1;
	_ =	swait.ge [sflag:s3], $0x4000  }
0x4b: {  	s26 =	ssub.s32 s24, s26;
	[sflag:s3] =	ssyncset.done $0x0  }
0x4c: {  	s31 =	smax.u32 s26, $0x1;
	[sflag:s3] =	ssyncadd.s32 $0xFFFFC000  }
0x4d: {  	p0 =	sne.s32 s31, $0x1;
	_ =	swait.ge [sflag:s16], $0x4000  }
.Ltmp0:
0x4e: {  	[sflag:s16] =	ssyncset.done $0x0;
	(pc) =	sbr.rel @!p0 .LBB2_2-.Ltmp0, $4  }
0x4f: {  	s24 =	sadd.s32 $0x2800, s25;
	[sflag:s16] =	ssyncadd.s32 $0xFFFFC000  }
0x50: {  	[hbm4b:s24+s2] =	stream.linear.scatter [tilespmem:s9], [sflag:$0x2], $0x4000, $0x38;
	[tilespmem:$0x10200] =	vst v63  }
0x51: {  	_ =	swait.ge [sflag:s3], $0x4000  }
0x52: {  	s25 =	sadd.s32 $0xFFFFFFFF, s31;
	[sflag:s3] =	ssyncset.done $0x0  }
.LBB2_1:
0x53: {  	p0 =	sne.s32 s25, $0x1;
	s25 =	sadd.s32 $0xFFFFFFFF, s25;
	[sflag:s3] =	ssyncadd.s32 $0xFFFFC000  }
0x54: {  	[tilespmem:s2], [sflag:$0x2] =	stream.linear.gather [hbm4b:s4+s2], $0x80, $0x38;
	[tilespmem:$0x10200] =	vst v63  }
0x55: {  	_ =	swait.ge [sflag:s3], $0x80  }
0x56: {  	[sflag:s3] =	ssyncset.done $0x0  }
0x57: {  	[sflag:s3] =	ssyncadd.s32 $0xFFFFFF80  }
0x58: {  	[tilespmem:s7], [sflag:$0x1] =	stream.indirect.gather [hbm4b:s5+s6], $0x80, s2, s6, $0xb8;
	[tilespmem:$0x10200] =	vst v63  }
0x59: {  	_ = 	snop  }
0x5a: {  	[tilespmem:s6], [sflag:$0x2] =	stream.linear.gather [hbm4b:s8+s2], $0x80, $0x38;
	[tilespmem:$0x10200] =	vst v63  }
0x5b: {  	_ =	swait.ge [sflag:s3], $0x80  }
0x5c: {  	[sflag:s3] =	ssyncset.done $0x0  }
0x5d: {  	[sflag:s3] =	ssyncadd.s32 $0xFFFFFF80  }
0x5e: {  	[tilespmem:s9], [sflag:$0x1] =	stream.indirect.gather [hbm4b:s5+s6], $0x80, s6, s6, $0xb8;
	[tilespmem:$0x10200] =	vst v63  }
0x5f: {  	_ = 	snop  }
0x60: {  	[tilespmem:s11], [sflag:$0x2] =	stream.linear.gather [hbm4b:s10+s2], $0x80, $0x38;
	[tilespmem:$0x10200] =	vst v63  }
0x61: {  	_ =	swait.ge [sflag:s3], $0x80  }
0x62: {  	[sflag:s3] =	ssyncset.done $0x0  }
0x63: {  	[sflag:s3] =	ssyncadd.s32 $0xFFFFFF80  }
0x64: {  	[tilespmem:s12], [sflag:$0x1] =	stream.indirect.gather [hbm4b:s5+s6], $0x80, s11, s6, $0xb8;
	[tilespmem:$0x10200] =	vst v63  }
0x65: {  	_ = 	snop  }
0x66: {  	[tilespmem:s14], [sflag:$0x2] =	stream.linear.gather [hbm4b:s13+s2], $0x80, $0x38;
	[tilespmem:$0x10200] =	vst v63  }
0x67: {  	_ =	swait.ge [sflag:s3], $0x80  }
0x68: {  	[sflag:s3] =	ssyncset.done $0x0  }
0x69: {  	[sflag:s3] =	ssyncadd.s32 $0xFFFFFF80  }
0x6a: {  	[tilespmem:s15], [sflag:$0x1] =	stream.indirect.gather [hbm4b:s5+s6], $0x80, s14, s6, $0xb8;
	[tilespmem:$0x10200] =	vst v63  }
0x6b: {  	_ =	swait.ge [sflag:s16], $0x4000  }
0x6c: {  	[sflag:s16] =	ssyncset.done $0x0  }
0x6d: {  	[sflag:s16] =	ssyncadd.s32 $0xFFFFC000  }
0x6e: {  	[hbm4b:s17+s2] =	stream.linear.scatter [tilespmem:s7], [sflag:$0x2], $0x4000, $0x38;
	[tilespmem:$0x10200] =	vst v63  }
0x6f: {  	_ =	swait.ge [sflag:s3], $0x4000  }
0x70: {  	[sflag:s3] =	ssyncset.done $0x0  }
0x71: {  	[sflag:s3] =	ssyncadd.s32 $0xFFFFC000  }
0x72: {  	[tilespmem:s2], [sflag:$0x2] =	stream.linear.gather [hbm4b:s18+s2], $0x80, $0x38;
	[tilespmem:$0x10200] =	vst v63  }
0x73: {  	_ =	swait.ge [sflag:s3], $0x80  }
0x74: {  	[sflag:s3] =	ssyncset.done $0x0  }
0x75: {  	[sflag:s3] =	ssyncadd.s32 $0xFFFFFF80  }
0x76: {  	[tilespmem:s7], [sflag:$0x1] =	stream.indirect.gather [hbm4b:s5+s6], $0x80, s2, s6, $0xb8;
	[tilespmem:$0x10200] =	vst v63  }
0x77: {  	_ =	swait.ge [sflag:s16], $0x4000  }
0x78: {  	[sflag:s16] =	ssyncset.done $0x0  }
0x79: {  	[sflag:s16] =	ssyncadd.s32 $0xFFFFC000  }
0x7a: {  	[hbm4b:s19+s2] =	stream.linear.scatter [tilespmem:s9], [sflag:$0x2], $0x4000, $0x38;
	[tilespmem:$0x10200] =	vst v63  }
0x7b: {  	_ =	swait.ge [sflag:s3], $0x4000  }
0x7c: {  	[sflag:s3] =	ssyncset.done $0x0  }
0x7d: {  	[sflag:s3] =	ssyncadd.s32 $0xFFFFC000  }
0x7e: {  	[tilespmem:s6], [sflag:$0x2] =	stream.linear.gather [hbm4b:s20+s2], $0x80, $0x38;
	[tilespmem:$0x10200] =	vst v63  }
0x7f: {  	_ =	swait.ge [sflag:s3], $0x80  }
0x80: {  	[sflag:s3] =	ssyncset.done $0x0  }
0x81: {  	[sflag:s3] =	ssyncadd.s32 $0xFFFFFF80  }
0x82: {  	[tilespmem:s9], [sflag:$0x1] =	stream.indirect.gather [hbm4b:s5+s6], $0x80, s6, s6, $0xb8;
	[tilespmem:$0x10200] =	vst v63  }
0x83: {  	_ =	swait.ge [sflag:s16], $0x4000  }
0x84: {  	[sflag:s16] =	ssyncset.done $0x0  }
0x85: {  	[sflag:s16] =	ssyncadd.s32 $0xFFFFC000  }
0x86: {  	[hbm4b:s21+s2] =	stream.linear.scatter [tilespmem:s12], [sflag:$0x2], $0x4000, $0x38;
	[tilespmem:$0x10200] =	vst v63  }
0x87: {  	_ =	swait.ge [sflag:s3], $0x4000  }
0x88: {  	[sflag:s3] =	ssyncset.done $0x0  }
0x89: {  	[sflag:s3] =	ssyncadd.s32 $0xFFFFC000  }
0x8a: {  	_ =	swait.ge [sflag:s16], $0x4000  }
0x8b: {  	[sflag:s16] =	ssyncset.done $0x0  }
0x8c: {  	[sflag:s16] =	ssyncadd.s32 $0xFFFFC000  }
0x8d: {  	[hbm4b:s22+s2] =	stream.linear.scatter [tilespmem:s15], [sflag:$0x2], $0x4000, $0x38;
	[tilespmem:$0x10200] =	vst v63  }
0x8e: {  	_ =	swait.ge [sflag:s3], $0x4000  }
0x8f: {  	[sflag:s3] =	ssyncset.done $0x0  }
0x90: {  	[sflag:s3] =	ssyncadd.s32 $0xFFFFC000  }
0x91: {  	_ =	swait.ge [sflag:s16], $0x4000  }
0x92: {  	[sflag:s16] =	ssyncset.done $0x0  }
0x93: {  	[sflag:s16] =	ssyncadd.s32 $0xFFFFC000  }
0x94: {  	[hbm4b:s23+s2] =	stream.linear.scatter [tilespmem:s7], [sflag:$0x2], $0x4000, $0x38;
	[tilespmem:$0x10200] =	vst v63  }
0x95: {  	_ =	swait.ge [sflag:s3], $0x4000  }
0x96: {  	[sflag:s3] =	ssyncset.done $0x0  }
0x97: {  	[sflag:s3] =	ssyncadd.s32 $0xFFFFC000  }
0x98: {  	_ =	swait.ge [sflag:s16], $0x4000  }
.Ltmp1:
0x99: {  	[sflag:s16] =	ssyncset.done $0x0;
	(pc) =	sbr.rel @p0 .LBB2_1-.Ltmp1, $4  }
0x9a: {  	[sflag:s16] =	ssyncadd.s32 $0xFFFFC000  }
0x9b: {  	[hbm4b:s24+s2] =	stream.linear.scatter [tilespmem:s9], [sflag:$0x2], $0x4000, $0x38;
	[tilespmem:$0x10200] =	vst v63  }
0x9c: {  	_ =	swait.ge [sflag:s3], $0x4000  }
0x9d: {  	[sflag:s3] =	ssyncset.done $0x0  }
.LBB2_2:
0x9e: {  	[sflag:s3] =	ssyncadd.s32 $0xFFFFC000  }
0x9f: {  	_ =	sfence.sel $0x180000  }
0xa0: {  	[bflag:$0x0] =	sbarrier.arrive $0xFFFF  }
0xa1: {  	p0 =	sne.s32 s0, $0x0;
	_ =	strace $0x9000004D  }
0xa2: {  	s0 =	sadd.s32 @!p0 $0x100000, s1;
	[bflag:$0x2] =	sbarrier.arrive $0xFFFF  }
0xa3: {  	[sflag:s0] =	ssyncadd.tile.s32 @!p0 $0x1;
	_ =	shalt  }
.Lfunc_end2:
_tile_overlayer_lowered:
.L_overlay_start_2:
0xa4: {  	(tag) =	ssettag $0x2  }
0xa5: {  	s0 =	rddreg [dreg:$0x0];
	s2 =	stileid.u32  }
0xa6: {  	s1 =	rddreg [dreg:$0x1];
	p0 =	sne.s32 s2, $0x0  }
0xa7: {  	s3 =	rddreg [dreg:$0x2];
	[bflag:$0x3] =	sbarrier.arrive $0xFFFF;
	s2 =	simm.s32 @!p0 $0x1C02  }
0xa8: {  	[timem:s3], [sflag:s2] =	dma.local @!p0 [hbm:s0], s1  }
0xa9: {  	s0 =	simm.s32 @!p0 $0x2  }
0xaa: {  	_ =	swait.ge @!p0 [sflag:s0], s1  }
0xab: {  	s1 =	ssub.s32 @!p0 $0x0, s1;
	[sflag:s0] =	ssyncset.done @!p0 $0x0  }
0xac: {  	[sflag:s0] =	ssyncadd.s32 @!p0 s1  }
0xad: {  	[bflag:$0x3] =	sbarrier.arrive $0xFFFF  }
0xae: {  	_ =	shalt  }

// kernel: kernel.19.cloned.1.call-start
scs
__scs_entry_jumppad:
0x0: {  	(pc) =	sbr.rel $0x88, $3  }
0x1: {  	(tag) =	ssettag $0x0;
	lr =	simm.s32 $0x1  }
0x2: {  	[smem:$0x3F8F] =	sst lr;
	_ =	strace $0xD0000000  }
0x3: {  	_ = 	snop  }
0x4: {  	_ = 	snop  }
0x5: {  	_ = 	snop  }
0x6: {  	_ = 	snop  }
0x7: {  	_ = 	snop  }
__scs_overlays_trampoline_lowered:
0x8: {  	[smem:$0x3F9E] =	sst s0  }
0x9: {  	[smem:$0x3F9F] =	sst s1  }
0xa: {  	[smem:$0x3FA0] =	sst s2  }
0xb: {  	[smem:$0x3FA1] =	sst s3  }
0xc: {  	[smem:$0x3FA2] =	sst s4  }
0xd: {  	[smem:$0x3FA3] =	sst s5  }
0xe: {  	[smem:$0x3FA4] =	sst s6  }
0xf: {  	[smem:$0x3FA5] =	sst s7  }
0x10: {  	[smem:$0x3FA6] =	sst s8  }
0x11: {  	[smem:$0x3FA7] =	sst s9;
	s0 =	simm.s32 @!p0 $0x0  }
0x12: {  	s1 =	sld [smem:$0x3F8D];
	s0 =	simm.s32 @p0 $0x1  }
0x13: {  	[smem:$0x3FA8] =	sst s0;
	s0 =	simm.s32 @!p1 $0x0  }
0x14: {  	s2 =	sld [smem:$0x3F8C];
	s0 =	simm.s32 @p1 $0x1  }
0x15: {  	[smem:$0x3FA9] =	sst s0;
	s0 =	simm.s32 @!p2 $0x0  }
0x16: {  	s3 =	sld [smem:$0x3FDB];
	s0 =	simm.s32 @p2 $0x1  }
0x17: {  	s4 =	simm.s32 $0x1BF5;
	[smem:$0x3FAB] =	sst s0  }
0x18: {  	s0 =	sld [smem:$0x3F8E];
	_ =	swait.ge [sflag:s4], $0x0  }
0x19: {  	s7 =	sld [smem:$0x3F8F]  }
0x1a: {  	s8 =	sadd.s32 $0xFFFFE003, lr  }
0x1b: {  	s9 =	sadd.s32 $0xFFFFFEF7, lr;
	s5 =	simm.s32 $0xFFFFFFFF;
	p2 =	slt.u32 s8, $0xFFFFF086  }
0x1c: {  	p1 =	slt.u32 s9, $0xF7A;
	s5 =	simm.s32 @!p2 $0x0  }
0x1d: {  	s5 =	simm.s32 @p1 $0x1;
	p0 =	seq.s32 s7, s2  }
0x1e: {  	s7 =	smul.u32 @!p0 $0xF7A, s2;
	p2 =	seq.s32 @!p0 s5, $0x0  }
0x1f: {  	s9 =	smul.u32 $0xF7A, s1;
	s8 =	simm.s32 @!p0 $0x1BF5;
	p2 =	por !p2, p0  }
0x20: {  	[sflag:s8] =	ssyncset.s32 @!p0 $0xFFFFF086;
	s6 =	sadd.s32 @!p0 s3, s7;
	s7 =	simm.s32 @!p0 $0x108  }
0x21: {  	s3 =	sadd.s32 s3, s9;
	s6 =	sadd.s32 @!p0 $0x88, s6;
	s7 =	simm.s32 @p2 $0x1082  }
0x22: {  	[simem:s7], [sflag:s8] =	dma.local @!p0 [hbm:s6], $0xF7A  }
0x23: {  	s9 =	sor.u32 $0xD0000000, s2;
	s6 =	simm.s32 $0x108;
	_ =	swait.ge @!p0 [sflag:s8], $0x0  }
0x24: {  	s3 =	sadd.s32 $0x88, s3;
	s6 =	simm.s32 @!p1 $0x1082;
	[sflag:s4] =	ssyncset.s32 $0xFFFFF086  }
0x25: {  	[simem:s6], [sflag:s4] =	dma.local [hbm:s3], $0xF7A  }
0x26: {  	[smem:$0x3F8F] =	sst s1;
	(tag) =	ssettag s2;
	_ =	strace s9  }
0x27: {  	s1 =	sld [smem:$0x3F9F]  }
0x28: {  	s2 =	sld [smem:$0x3FA0]  }
0x29: {  	s4 =	sld [smem:$0x3FA2]  }
0x2a: {  	p0 =	seq.s32 s5, $0x0;
	s5 =	sld [smem:$0x3FA3]  }
0x2b: {  	s6 =	sld [smem:$0x3FA4]  }
0x2c: {  	s7 =	sld [smem:$0x3FA5]  }
0x2d: {  	s3 =	simm.s32 $0x108;
	s8 =	sld [smem:$0x3FA6]  }
0x2e: {  	s3 =	simm.s32 @!p0 $0x1082;
	s9 =	sld [smem:$0x3FA7]  }
0x2f: {  	lr =	sadd.s32 s0, s3;
	s0 =	sld [smem:$0x3F9E]  }
0x30: {  	s3 =	sld [smem:$0x3FA1]  }
0x31: {  	[smem:$0x3FAA] =	sst s10  }
0x32: {  	s10 =	sld [smem:$0x3FA8];
	_ =	sdelay $0x3  }
0x33: {  	p0 =	seq.s32 s10, $0x1;
	s10 =	sld [smem:$0x3FAA];
	_ =	sdelay $0x3  }
0x34: {  	[smem:$0x3FAA] =	sst s10  }
0x35: {  	s10 =	sld [smem:$0x3FA9];
	_ =	sdelay $0x3  }
0x36: {  	p1 =	seq.s32 s10, $0x1;
	s10 =	sld [smem:$0x3FAA];
	_ =	sdelay $0x3  }
0x37: {  	[smem:$0x3FAA] =	sst s10  }
0x38: {  	s10 =	sld [smem:$0x3FAB]  }
0x39: {  	_ = 	snop;
	(pc) =	sbr.ind lr, $3  }
0x3a: {  	_ = 	snop  }
0x3b: {  	_ = 	snop  }
0x3c: {  	p2 =	seq.s32 s10, $0x1;
	s10 =	sld [smem:$0x3FAA]  }
0x3d: {  	_ =	shalt  }
0x3e: {  	_ =	shalt  }
0x3f: {  	_ =	shalt  }
0x40: {  	_ =	shalt  }
0x41: {  	_ =	shalt  }
0x42: {  	_ =	shalt  }
0x43: {  	_ =	shalt  }
0x44: {  	_ =	shalt  }
0x45: {  	_ =	shalt  }
0x46: {  	_ =	shalt  }
0x47: {  	_ =	shalt  }
0x48: {  	_ =	shalt  }
0x49: {  	_ =	shalt  }
0x4a: {  	_ =	shalt  }
0x4b: {  	_ =	shalt  }
0x4c: {  	_ =	shalt  }
0x4d: {  	_ =	shalt  }
0x4e: {  	_ =	shalt  }
0x4f: {  	_ =	shalt  }
0x50: {  	_ =	shalt  }
0x51: {  	_ =	shalt  }
0x52: {  	_ =	shalt  }
0x53: {  	_ =	shalt  }
0x54: {  	_ =	shalt  }
0x55: {  	_ =	shalt  }
0x56: {  	_ =	shalt  }
0x57: {  	_ =	shalt  }
0x58: {  	_ =	shalt  }
0x59: {  	_ =	shalt  }
0x5a: {  	_ =	shalt  }
0x5b: {  	_ =	shalt  }
0x5c: {  	_ =	shalt  }
0x5d: {  	_ =	shalt  }
0x5e: {  	_ =	shalt  }
0x5f: {  	_ =	shalt  }
0x60: {  	_ =	shalt  }
0x61: {  	_ =	shalt  }
0x62: {  	_ =	shalt  }
0x63: {  	_ =	shalt  }
0x64: {  	_ =	shalt  }
0x65: {  	_ =	shalt  }
0x66: {  	_ =	shalt  }
0x67: {  	_ =	shalt  }
0x68: {  	_ =	shalt  }
0x69: {  	_ =	shalt  }
0x6a: {  	_ =	shalt  }
0x6b: {  	_ =	shalt  }
0x6c: {  	_ =	shalt  }
0x6d: {  	_ =	shalt  }
0x6e: {  	_ =	shalt  }
0x6f: {  	_ =	shalt  }
0x70: {  	_ =	shalt  }
0x71: {  	_ =	shalt  }
0x72: {  	_ =	shalt  }
0x73: {  	_ =	shalt  }
0x74: {  	_ =	shalt  }
0x75: {  	_ =	shalt  }
0x76: {  	_ =	shalt  }
0x77: {  	_ =	shalt  }
0x78: {  	_ =	shalt  }
0x79: {  	_ =	shalt  }
0x7a: {  	_ =	shalt  }
0x7b: {  	_ =	shalt  }
0x7c: {  	_ =	shalt  }
0x7d: {  	_ =	shalt  }
0x7e: {  	_ =	shalt  }
0x7f: {  	_ =	shalt  }
0x80: {  	_ =	shalt  }
0x81: {  	_ =	shalt  }
0x82: {  	_ =	shalt  }
0x83: {  	_ =	shalt  }
0x84: {  	_ =	shalt  }
0x85: {  	_ =	shalt  }
0x86: {  	_ =	shalt  }
0x87: {  	_ =	shalt  }
.Lfunc_end0:
.L_simem_size_0:
called_computation.3_lowered:
.L_overlay_start_0:
0x88: {  	s2 =	sld [smem:$0x3FD9]  }
0x89: {  	s3 =	sld [smem:$0x3FFE];
	_ =	sdelay $0x1  }
0x8a: {  	s1 =	srdreg.scid  }
0x8b: {  	s0 =	sand.u32 $0x1, s1  }
0x8c: {  	s17 =	sshll.u32 s0, $0xA;
	s2 =	sadd.s32 s3, s2  }
0x8d: {  	s2 =	sadd.s32 s2, s17  }
0x8e: {  	[smem:$0x3FB6] =	sst s2  }
0x8f: {  	_ = 	snop  }
0x90: {  	(tm) =	ssettm $0x1  }
0x91: {  	s18 =	sld [smem:$0x3FFB];
	_ =	sdelay $0x3  }
0x92: {  	_ =	strace s18  }
0x93: {  	s2 =	sld [smem:$0x3FFC];
	_ =	sdelay $0x3  }
0x94: {  	_ =	strace s2  }
0x95: {  	s2 =	sld [smem:$0x3FFD];
	_ =	sdelay $0x3  }
0x96: {  	_ =	strace s2  }
0x97: {  	_ =	strace $0x8FFFFFFF  }
0x98: {  	s19 =	sld [smem:$0x3FDB];
	_ =	sdelay $0x1  }
0x99: {  	s20 =	simm.s32 $_scs_section_size  }
0x9a: {  	s4 =	simm.s32 $_size__tile_overlayer_lowered;
	s5 =	simm.s32 $_tile_overlayer_lowered  }
0x9b: {  	s6 =	simm.s32 $0x1BFF;
	s21 =	sshll.u32 s5, $0x1;
	s3 =	sadd.s32 s20, s19  }
0x9c: {  	s22 =	simm.s32 $0x0;
	s4 =	sshll.u32 s4, $0x1;
	s5 =	sadd.s32 s21, s3  }
0x9d: {  	[timem:s22], [sflag:s6] =	dma.local [hbm:s5], s4  }
0x9e: {  	_ =	swait.ge [sflag:s6], s4  }
0x9f: {  	s4 =	ssub.s32 $0x0, s4;
	[sflag:s6] =	ssyncset.done $0x0  }
0xa0: {  	[sflag:s6] =	ssyncadd.s32 s4;
	_ =	sdelay $0x1  }
0xa1: {  	s23 =	simm.s32 $0x1B8B  }
0xa2: {  	_ =	swait.ge [sflag:s23], $0x1  }
0xa3: {  	[sflag:s23] =	ssyncset.done $0x0  }
0xa4: {  	[sflag:s23] =	ssyncadd.s32 $0xFFFFFFFF  }
0xa5: {  	s4 =	sld [smem:$0x0]  }
0xa6: {  	s5 =	sand.u32 $0xFFFFFFFE, s1  }
0xa7: {  	p0 =	sne.s32 s1, s5  }
0xa8: {  	s5 =	sshll.u32 @p0 s5, $0xE  }
0xa9: {  	s5 =	sadd.s32 @p0 $0x11B8D, s5;
	s6 =	sshll.u32 @p0 s4, $0x11  }
0xaa: {  	s5 =	sor.u32 @p0 s6, s5  }
0xab: {  	[sflag:s5] =	ssyncadd.remote.s32 @p0 $0x1;
	_ =	sdelay $0x1  }
0xac: {  	s5 =	simm.s32 @p0 $0x1B8D  }
0xad: {  	_ =	swait.eq @p0 [sflag:s5], $0x1  }
0xae: {  	[sflag:s5] =	ssyncadd.s32 @p0 $0xFFFFFFFF  }
0xaf: {  	s6 =	sshll.u32 @!p0 s1, $0xE  }
0xb0: {  	s6 =	sor.u32 @!p0 $0x4000, s6;
	s5 =	simm.s32 @!p0 $0x1B8D  }
0xb1: {  	s4 =	sshll.u32 @!p0 s4, $0x11;
	s6 =	sadd.s32 @!p0 $0x11B8D, s6;
	_ =	swait.eq @!p0 [sflag:s5], $0x1  }
0xb2: {  	s4 =	sor.u32 @!p0 s4, s6;
	[sflag:s5] =	ssyncadd.s32 @!p0 $0xFFFFFFFF  }
0xb3: {  	s25 =	simm.s32 $0x1B8E;
	s24 =	sld [smem:$0x3FFE];
	[sflag:s4] =	ssyncadd.remote.s32 @!p0 $0x1  }
0xb4: {  	s26 =	simm.s32 $execute0_lowered;
	[smem:$0x3FD2] =	sst s25  }
0xb5: {  	s5 =	sshll.u32 s26, $0x1;
	_ =	strace $0x8000004F;
	[dreg:$0x1] =	wrdreg $0xFFFFFFFF  }
0xb6: {  	s28 =	simm.s32 $_size_execute0_lowered;
	s3 =	sadd.s32 s3, s5;
	[dreg:$0x0] =	wrdreg $0x0  }
0xb7: {  	s5 =	sshll.u32 s28, $0x1;
	[dreg:$0x2] =	wrdreg s3  }
0xb8: {  	[dreg:$0x3] =	wrdreg s5  }
0xb9: {  	[dreg:$0x4] =	wrdreg $0xC0  }
0xba: {  	_ =	task [dreg:s22], $0x5FFFF  }
0xbb: {  	[dreg:$0x1] =	wrdreg $0xFFFFFFFF  }
0xbc: {  	[dreg:$0x0] =	wrdreg $0x60  }
0xbd: {  	[dreg:$0x2] =	wrdreg s24  }
0xbe: {  	[dreg:$0x3] =	wrdreg $0xC  }
0xbf: {  	_ =	task.clear_ibuf [dreg:s22], $0x4FFFF;
	_ =	strace $0x9000004F  }
0xc0: {  	s29 =	simm.s32 $0xC;
	_ =	strace $0x80000051  }
0xc1: {  	_ =	swait.ge [sflag:s29], $0x1  }
0xc2: {  	[sflag:s29] =	ssyncadd.s32 $0xFFFFFFFF  }
0xc3: {  	_ =	strace $0x90000051  }
0xc4: {  	_ =	sfence  }
0xc5: {  	s30 =	sld [smem:$0x0];
	_ =	sdelay $0x2  }
0xc6: {  	s31 =	sshll.u32 s1, $0xD;
	s1 =	sshrl.u32 s1, $0x2  }
0xc7: {  	s4 =	sand.u32 $0x4000, s31;
	s1 =	sadd.s32 s1, s30  }
0xc8: {  	s0 =	sor.u32 s4, s0;
	s1 =	sshll.u32 s1, $0x11  }
0xc9: {  	s0 =	sor.u32 s1, s0  }
0xca: {  	s0 =	sadd.s32 $0x8F2B, s0  }
0xcb: {  	[sflag:s0] =	ssyncadd.remote.s32 $0x1  }
0xcc: {  	_ =	sfence.sel $0xFFFF  }
0xcd: {  	[dreg:$0x0] =	wrdreg $0xFFFFFFFF;
	(pc) =	sbr.abs _section_cstart, $3  }
0xce: {  	[dreg:$0x1] =	wrdreg $0xFFFFFFFF  }
0xcf: {  	_ =	task.clear_ibuf [dreg:s22], $0x2FFFF;
	_ =	strace $0x9FFFFFFF  }
0xd0: {  	(tm) =	ssettm $0x7FFFFFFF  }
0xd1: {  	_ =	shalt  }
tec
execute0_lowered:
.L_overlay_start_1:
0x0: {  	(tag) =	ssettag $0x1  }
0x1: {  	s1 =	srdreg.scid;
	s0 =	stileid.u32  }
0x2: {  	s24 =	sand.u32 $0x1, s1;
	s30 =	sshll.u32 s0, $0x1  }
0x3: {  	s21 =	sor.u32 s24, s30  }
0x4: {  	s3 =	smul.u32 $0x300, s21  }
0x5: {  	s17 =	rddreg [dreg:$0x0]  }
0x6: {  	s2 =	simm.s32 $0x0;
	s1 =	rddreg [dreg:$0x1];
	s3 =	sshrl.u32 s3, $0x3  }
0x7: {  	[smem:$0x7FF] =	sst s2;
	s20 =	sadd.s32 s3, s17  }
0x8: {  	_ =	strace $0x80000050;
	s3 =	simm.s32 $0x2;
	s4 =	sadd.s32 $0x6400, s20  }
0x9: {  	[tilespmem:s2], [sflag:$0x2] =	stream.linear.gather [hbm4b:s4+s2], $0x80, $0x38;
	[tilespmem:$0x10200] =	vst v63  }
0xa: {  	_ =	swait.ge [sflag:s3], $0x80  }
0xb: {  	s6 =	simm.s32 $0x80;
	[sflag:s3] =	ssyncset.done $0x0  }
0xc: {  	s7 =	simm.s32 $0x200;
	s5 =	sadd.s32 $0x621800, s17;
	[sflag:s3] =	ssyncadd.s32 $0xFFFFFF80  }
0xd: {  	[tilespmem:s7], [sflag:$0x1] =	stream.indirect.gather [hbm4b:s5+s6], $0x80, s2, s6, $0xb8;
	[tilespmem:$0x10200] =	vst v63  }
0xe: {  	s8 =	sadd.s32 $0x6410, s20  }
0xf: {  	[tilespmem:s6], [sflag:$0x2] =	stream.linear.gather [hbm4b:s8+s2], $0x80, $0x38;
	[tilespmem:$0x10200] =	vst v63  }
0x10: {  	_ =	swait.ge [sflag:s3], $0x80  }
0x11: {  	[sflag:s3] =	ssyncset.done $0x0  }
0x12: {  	s9 =	simm.s32 $0x4200;
	[sflag:s3] =	ssyncadd.s32 $0xFFFFFF80  }
0x13: {  	[tilespmem:s9], [sflag:$0x1] =	stream.indirect.gather [hbm4b:s5+s6], $0x80, s6, s6, $0xb8;
	[tilespmem:$0x10200] =	vst v63  }
0x14: {  	s11 =	simm.s32 $0x100;
	s10 =	sadd.s32 $0x6420, s20  }
0x15: {  	[tilespmem:s11], [sflag:$0x2] =	stream.linear.gather [hbm4b:s10+s2], $0x80, $0x38;
	[tilespmem:$0x10200] =	vst v63  }
0x16: {  	_ =	swait.ge [sflag:s3], $0x80  }
0x17: {  	[sflag:s3] =	ssyncset.done $0x0  }
0x18: {  	s12 =	simm.s32 $0x8200;
	[sflag:s3] =	ssyncadd.s32 $0xFFFFFF80  }
0x19: {  	[tilespmem:s12], [sflag:$0x1] =	stream.indirect.gather [hbm4b:s5+s6], $0x80, s11, s6, $0xb8;
	[tilespmem:$0x10200] =	vst v63  }
0x1a: {  	s14 =	simm.s32 $0x180;
	s13 =	sadd.s32 $0x6430, s20  }
0x1b: {  	[tilespmem:s14], [sflag:$0x2] =	stream.linear.gather [hbm4b:s13+s2], $0x80, $0x38;
	[tilespmem:$0x10200] =	vst v63  }
0x1c: {  	_ =	swait.ge [sflag:s3], $0x80  }
0x1d: {  	[sflag:s3] =	ssyncset.done $0x0  }
0x1e: {  	s15 =	simm.s32 $0xC200;
	s16 =	simm.s32 $0x1;
	[sflag:s3] =	ssyncadd.s32 $0xFFFFFF80  }
0x1f: {  	[tilespmem:s15], [sflag:$0x1] =	stream.indirect.gather [hbm4b:s5+s6], $0x80, s14, s6, $0xb8;
	[tilespmem:$0x10200] =	vst v63  }
0x20: {  	s18 =	smul.u32 $0x3000, s21;
	_ =	swait.ge [sflag:s16], $0x4000  }
0x21: {  	s22 =	sadd.s32 $0x127000, s17;
	[sflag:s16] =	ssyncset.done $0x0  }
0x22: {  	s17 =	sadd.s32 s22, s18;
	[sflag:s16] =	ssyncadd.s32 $0xFFFFC000  }
0x23: {  	[hbm4b:s17+s2] =	stream.linear.scatter [tilespmem:s7], [sflag:$0x2], $0x4000, $0x38;
	[tilespmem:$0x10200] =	vst v63  }
0x24: {  	_ =	swait.ge [sflag:s3], $0x4000  }
0x25: {  	[sflag:s3] =	ssyncset.done $0x0  }
0x26: {  	s18 =	sadd.s32 $0x6440, s20;
	[sflag:s3] =	ssyncadd.s32 $0xFFFFC000  }
0x27: {  	[tilespmem:s2], [sflag:$0x2] =	stream.linear.gather [hbm4b:s18+s2], $0x80, $0x38;
	[tilespmem:$0x10200] =	vst v63  }
0x28: {  	_ =	swait.ge [sflag:s3], $0x80  }
0x29: {  	[sflag:s3] =	ssyncset.done $0x0  }
0x2a: {  	[sflag:s3] =	ssyncadd.s32 $0xFFFFFF80  }
0x2b: {  	[tilespmem:s7], [sflag:$0x1] =	stream.indirect.gather [hbm4b:s5+s6], $0x80, s2, s6, $0xb8;
	[tilespmem:$0x10200] =	vst v63  }
0x2c: {  	_ =	swait.ge [sflag:s16], $0x4000  }
0x2d: {  	[sflag:s16] =	ssyncset.done $0x0  }
0x2e: {  	s19 =	sadd.s32 $0x800, s17;
	[sflag:s16] =	ssyncadd.s32 $0xFFFFC000  }
0x2f: {  	[hbm4b:s19+s2] =	stream.linear.scatter [tilespmem:s9], [sflag:$0x2], $0x4000, $0x38;
	[tilespmem:$0x10200] =	vst v63  }
0x30: {  	_ =	swait.ge [sflag:s3], $0x4000  }
0x31: {  	[sflag:s3] =	ssyncset.done $0x0  }
0x32: {  	s20 =	sadd.s32 $0x6450, s20;
	[sflag:s3] =	ssyncadd.s32 $0xFFFFC000  }
0x33: {  	[tilespmem:s6], [sflag:$0x2] =	stream.linear.gather [hbm4b:s20+s2], $0x80, $0x38;
	[tilespmem:$0x10200] =	vst v63  }
0x34: {  	_ =	swait.ge [sflag:s3], $0x80  }
0x35: {  	[sflag:s3] =	ssyncset.done $0x0  }
0x36: {  	s21 =	smul.u32 $0x18000, s21;
	[sflag:s3] =	ssyncadd.s32 $0xFFFFFF80  }
0x37: {  	[tilespmem:s9], [sflag:$0x1] =	stream.indirect.gather [hbm4b:s5+s6], $0x80, s6, s6, $0xb8;
	[tilespmem:$0x10200] =	vst v63  }
0x38: {  	s21 =	sshrl.u32 s21, $0x3;
	_ =	swait.ge [sflag:s16], $0x4000  }
0x39: {  	s25 =	sadd.s32 s22, s21;
	[sflag:s16] =	ssyncset.done $0x0  }
0x3a: {  	s21 =	sadd.s32 $0x1000, s25;
	[sflag:s16] =	ssyncadd.s32 $0xFFFFC000  }
0x3b: {  	[hbm4b:s21+s2] =	stream.linear.scatter [tilespmem:s12], [sflag:$0x2], $0x4000, $0x38;
	[tilespmem:$0x10200] =	vst v63  }
0x3c: {  	_ =	swait.ge [sflag:s3], $0x4000  }
0x3d: {  	[sflag:s3] =	ssyncset.done $0x0  }
0x3e: {  	[sflag:s3] =	ssyncadd.s32 $0xFFFFC000  }
0x3f: {  	_ =	swait.ge [sflag:s16], $0x4000  }
0x40: {  	[sflag:s16] =	ssyncset.done $0x0  }
0x41: {  	s22 =	sadd.s32 $0x1800, s25;
	[sflag:s16] =	ssyncadd.s32 $0xFFFFC000  }
0x42: {  	[hbm4b:s22+s2] =	stream.linear.scatter [tilespmem:s15], [sflag:$0x2], $0x4000, $0x38;
	[tilespmem:$0x10200] =	vst v63  }
0x43: {  	_ =	swait.ge [sflag:s3], $0x4000  }
0x44: {  	[sflag:s3] =	ssyncset.done $0x0  }
0x45: {  	[sflag:s3] =	ssyncadd.s32 $0xFFFFC000  }
0x46: {  	_ =	swait.ge [sflag:s16], $0x4000  }
0x47: {  	[sflag:s16] =	ssyncset.done $0x0  }
0x48: {  	s24 =	ssub.s32 $0x2, s24;
	s23 =	sadd.s32 $0x2000, s25;
	[sflag:s16] =	ssyncadd.s32 $0xFFFFC000  }
0x49: {  	[hbm4b:s23+s2] =	stream.linear.scatter [tilespmem:s7], [sflag:$0x2], $0x4000, $0x38;
	[tilespmem:$0x10200] =	vst v63  }
0x4a: {  	s26 =	sshrl.u32 s24, $0x1;
	_ =	swait.ge [sflag:s3], $0x4000  }
0x4b: {  	s26 =	ssub.s32 s24, s26;
	[sflag:s3] =	ssyncset.done $0x0  }
0x4c: {  	s31 =	smax.u32 s26, $0x1;
	[sflag:s3] =	ssyncadd.s32 $0xFFFFC000  }
0x4d: {  	p0 =	sne.s32 s31, $0x1;
	_ =	swait.ge [sflag:s16], $0x4000  }
.Ltmp0:
0x4e: {  	[sflag:s16] =	ssyncset.done $0x0;
	(pc) =	sbr.rel @!p0 .LBB2_2-.Ltmp0, $4  }
0x4f: {  	s24 =	sadd.s32 $0x2800, s25;
	[sflag:s16] =	ssyncadd.s32 $0xFFFFC000  }
0x50: {  	[hbm4b:s24+s2] =	stream.linear.scatter [tilespmem:s9], [sflag:$0x2], $0x4000, $0x38;
	[tilespmem:$0x10200] =	vst v63  }
0x51: {  	_ =	swait.ge [sflag:s3], $0x4000  }
0x52: {  	s25 =	sadd.s32 $0xFFFFFFFF, s31;
	[sflag:s3] =	ssyncset.done $0x0  }
.LBB2_1:
0x53: {  	p0 =	sne.s32 s25, $0x1;
	s25 =	sadd.s32 $0xFFFFFFFF, s25;
	[sflag:s3] =	ssyncadd.s32 $0xFFFFC000  }
0x54: {  	[tilespmem:s2], [sflag:$0x2] =	stream.linear.gather [hbm4b:s4+s2], $0x80, $0x38;
	[tilespmem:$0x10200] =	vst v63  }
0x55: {  	_ =	swait.ge [sflag:s3], $0x80  }
0x56: {  	[sflag:s3] =	ssyncset.done $0x0  }
0x57: {  	[sflag:s3] =	ssyncadd.s32 $0xFFFFFF80  }
0x58: {  	[tilespmem:s7], [sflag:$0x1] =	stream.indirect.gather [hbm4b:s5+s6], $0x80, s2, s6, $0xb8;
	[tilespmem:$0x10200] =	vst v63  }
0x59: {  	_ = 	snop  }
0x5a: {  	[tilespmem:s6], [sflag:$0x2] =	stream.linear.gather [hbm4b:s8+s2], $0x80, $0x38;
	[tilespmem:$0x10200] =	vst v63  }
0x5b: {  	_ =	swait.ge [sflag:s3], $0x80  }
0x5c: {  	[sflag:s3] =	ssyncset.done $0x0  }
0x5d: {  	[sflag:s3] =	ssyncadd.s32 $0xFFFFFF80  }
0x5e: {  	[tilespmem:s9], [sflag:$0x1] =	stream.indirect.gather [hbm4b:s5+s6], $0x80, s6, s6, $0xb8;
	[tilespmem:$0x10200] =	vst v63  }
0x5f: {  	_ = 	snop  }
0x60: {  	[tilespmem:s11], [sflag:$0x2] =	stream.linear.gather [hbm4b:s10+s2], $0x80, $0x38;
	[tilespmem:$0x10200] =	vst v63  }
0x61: {  	_ =	swait.ge [sflag:s3], $0x80  }
0x62: {  	[sflag:s3] =	ssyncset.done $0x0  }
0x63: {  	[sflag:s3] =	ssyncadd.s32 $0xFFFFFF80  }
0x64: {  	[tilespmem:s12], [sflag:$0x1] =	stream.indirect.gather [hbm4b:s5+s6], $0x80, s11, s6, $0xb8;
	[tilespmem:$0x10200] =	vst v63  }
0x65: {  	_ = 	snop  }
0x66: {  	[tilespmem:s14], [sflag:$0x2] =	stream.linear.gather [hbm4b:s13+s2], $0x80, $0x38;
	[tilespmem:$0x10200] =	vst v63  }
0x67: {  	_ =	swait.ge [sflag:s3], $0x80  }
0x68: {  	[sflag:s3] =	ssyncset.done $0x0  }
0x69: {  	[sflag:s3] =	ssyncadd.s32 $0xFFFFFF80  }
0x6a: {  	[tilespmem:s15], [sflag:$0x1] =	stream.indirect.gather [hbm4b:s5+s6], $0x80, s14, s6, $0xb8;
	[tilespmem:$0x10200] =	vst v63  }
0x6b: {  	_ =	swait.ge [sflag:s16], $0x4000  }
0x6c: {  	[sflag:s16] =	ssyncset.done $0x0  }
0x6d: {  	[sflag:s16] =	ssyncadd.s32 $0xFFFFC000  }
0x6e: {  	[hbm4b:s17+s2] =	stream.linear.scatter [tilespmem:s7], [sflag:$0x2], $0x4000, $0x38;
	[tilespmem:$0x10200] =	vst v63  }
0x6f: {  	_ =	swait.ge [sflag:s3], $0x4000  }
0x70: {  	[sflag:s3] =	ssyncset.done $0x0  }
0x71: {  	[sflag:s3] =	ssyncadd.s32 $0xFFFFC000  }
0x72: {  	[tilespmem:s2], [sflag:$0x2] =	stream.linear.gather [hbm4b:s18+s2], $0x80, $0x38;
	[tilespmem:$0x10200] =	vst v63  }
0x73: {  	_ =	swait.ge [sflag:s3], $0x80  }
0x74: {  	[sflag:s3] =	ssyncset.done $0x0  }
0x75: {  	[sflag:s3] =	ssyncadd.s32 $0xFFFFFF80  }
0x76: {  	[tilespmem:s7], [sflag:$0x1] =	stream.indirect.gather [hbm4b:s5+s6], $0x80, s2, s6, $0xb8;
	[tilespmem:$0x10200] =	vst v63  }
0x77: {  	_ =	swait.ge [sflag:s16], $0x4000  }
0x78: {  	[sflag:s16] =	ssyncset.done $0x0  }
0x79: {  	[sflag:s16] =	ssyncadd.s32 $0xFFFFC000  }
0x7a: {  	[hbm4b:s19+s2] =	stream.linear.scatter [tilespmem:s9], [sflag:$0x2], $0x4000, $0x38;
	[tilespmem:$0x10200] =	vst v63  }
0x7b: {  	_ =	swait.ge [sflag:s3], $0x4000  }
0x7c: {  	[sflag:s3] =	ssyncset.done $0x0  }
0x7d: {  	[sflag:s3] =	ssyncadd.s32 $0xFFFFC000  }
0x7e: {  	[tilespmem:s6], [sflag:$0x2] =	stream.linear.gather [hbm4b:s20+s2], $0x80, $0x38;
	[tilespmem:$0x10200] =	vst v63  }
0x7f: {  	_ =	swait.ge [sflag:s3], $0x80  }
0x80: {  	[sflag:s3] =	ssyncset.done $0x0  }
0x81: {  	[sflag:s3] =	ssyncadd.s32 $0xFFFFFF80  }
0x82: {  	[tilespmem:s9], [sflag:$0x1] =	stream.indirect.gather [hbm4b:s5+s6], $0x80, s6, s6, $0xb8;
	[tilespmem:$0x10200] =	vst v63  }
0x83: {  	_ =	swait.ge [sflag:s16], $0x4000  }
0x84: {  	[sflag:s16] =	ssyncset.done $0x0  }
0x85: {  	[sflag:s16] =	ssyncadd.s32 $0xFFFFC000  }
0x86: {  	[hbm4b:s21+s2] =	stream.linear.scatter [tilespmem:s12], [sflag:$0x2], $0x4000, $0x38;
	[tilespmem:$0x10200] =	vst v63  }
0x87: {  	_ =	swait.ge [sflag:s3], $0x4000  }
0x88: {  	[sflag:s3] =	ssyncset.done $0x0  }
0x89: {  	[sflag:s3] =	ssyncadd.s32 $0xFFFFC000  }
0x8a: {  	_ =	swait.ge [sflag:s16], $0x4000  }
0x8b: {  	[sflag:s16] =	ssyncset.done $0x0  }
0x8c: {  	[sflag:s16] =	ssyncadd.s32 $0xFFFFC000  }
0x8d: {  	[hbm4b:s22+s2] =	stream.linear.scatter [tilespmem:s15], [sflag:$0x2], $0x4000, $0x38;
	[tilespmem:$0x10200] =	vst v63  }
0x8e: {  	_ =	swait.ge [sflag:s3], $0x4000  }
0x8f: {  	[sflag:s3] =	ssyncset.done $0x0  }
0x90: {  	[sflag:s3] =	ssyncadd.s32 $0xFFFFC000  }
0x91: {  	_ =	swait.ge [sflag:s16], $0x4000  }
0x92: {  	[sflag:s16] =	ssyncset.done $0x0  }
0x93: {  	[sflag:s16] =	ssyncadd.s32 $0xFFFFC000  }
0x94: {  	[hbm4b:s23+s2] =	stream.linear.scatter [tilespmem:s7], [sflag:$0x2], $0x4000, $0x38;
	[tilespmem:$0x10200] =	vst v63  }
0x95: {  	_ =	swait.ge [sflag:s3], $0x4000  }
0x96: {  	[sflag:s3] =	ssyncset.done $0x0  }
0x97: {  	[sflag:s3] =	ssyncadd.s32 $0xFFFFC000  }
0x98: {  	_ =	swait.ge [sflag:s16], $0x4000  }
.Ltmp1:
0x99: {  	[sflag:s16] =	ssyncset.done $0x0;
	(pc) =	sbr.rel @p0 .LBB2_1-.Ltmp1, $4  }
0x9a: {  	[sflag:s16] =	ssyncadd.s32 $0xFFFFC000  }
0x9b: {  	[hbm4b:s24+s2] =	stream.linear.scatter [tilespmem:s9], [sflag:$0x2], $0x4000, $0x38;
	[tilespmem:$0x10200] =	vst v63  }
0x9c: {  	_ =	swait.ge [sflag:s3], $0x4000  }
0x9d: {  	[sflag:s3] =	ssyncset.done $0x0  }
.LBB2_2:
0x9e: {  	[sflag:s3] =	ssyncadd.s32 $0xFFFFC000  }
0x9f: {  	_ =	sfence.sel $0x180000  }
0xa0: {  	[bflag:$0x0] =	sbarrier.arrive $0xFFFF  }
0xa1: {  	p0 =	sne.s32 s0, $0x0;
	_ =	strace $0x90000050  }
0xa2: {  	s0 =	sadd.s32 @!p0 $0x100000, s1;
	[bflag:$0x2] =	sbarrier.arrive $0xFFFF  }
0xa3: {  	[sflag:s0] =	ssyncadd.tile.s32 @!p0 $0x1;
	_ =	shalt  }
.Lfunc_end2:
_tile_overlayer_lowered:
.L_overlay_start_2:
0xa4: {  	(tag) =	ssettag $0x2  }
0xa5: {  	s0 =	rddreg [dreg:$0x0];
	s2 =	stileid.u32  }
0xa6: {  	s1 =	rddreg [dreg:$0x1];
	p0 =	sne.s32 s2, $0x0  }
0xa7: {  	s3 =	rddreg [dreg:$0x2];
	[bflag:$0x3] =	sbarrier.arrive $0xFFFF;
	s2 =	simm.s32 @!p0 $0x1C02  }
0xa8: {  	[timem:s3], [sflag:s2] =	dma.local @!p0 [hbm:s0], s1  }
0xa9: {  	s0 =	simm.s32 @!p0 $0x2  }
0xaa: {  	_ =	swait.ge @!p0 [sflag:s0], s1  }
0xab: {  	s1 =	ssub.s32 @!p0 $0x0, s1;
	[sflag:s0] =	ssyncset.done @!p0 $0x0  }
0xac: {  	[sflag:s0] =	ssyncadd.s32 @!p0 s1  }
0xad: {  	[bflag:$0x3] =	sbarrier.arrive $0xFFFF  }
0xae: {  	_ =	shalt  }

</sc_bundles>
